<compile_context>
chip_gen: v7x
topology: tpu7x:2x2x1
jax: 0.10.2.dev20260603
libtpu: 0.0.44.dev20260713+nightly
codegen_flags: <defaults>
</compile_context>

<pallas_src>
import functools

import jax
import jax.numpy as jnp
from jax.experimental import pallas as pl
from jax.experimental.pallas import tpu as pltpu
from jax.experimental.pallas import tpu_sc as plsc

T = 2048
HIDDEN = 1024
N_EXPERTS = 8
TOP_K = 2
D_FF = 768
D_FF_SHARED = 1536

TB = 512
L = T * TOP_K + N_EXPERTS * TB
NB = L // TB
NC = 2
NS = 16
NW = NC * NS
TPW = T // NW


def _dot_t(a, b):
    return jax.lax.dot_general(a.astype(jnp.bfloat16), b.astype(jnp.bfloat16),
                               (((1,), (1,)), ((), ())),
                               preferred_element_type=jnp.float32)


def _shift_down(a, s):
    return jnp.concatenate([jnp.zeros((s, a.shape[1]), a.dtype), a[:-s]],
                           axis=0)


def _dispatch_kernel(x_ref, gw_ref, bias_ref,
                     dest_ref, w1_ref, w2_ref, be_ref, used_ref):
    x = x_ref[...]
    logits = jax.lax.dot_general(x, gw_ref[...], (((1,), (1,)), ((), ())),
                                 preferred_element_type=jnp.float32)
    scores = jax.nn.sigmoid(logits)
    biased = scores + bias_ref[...]
    eiota = jax.lax.broadcasted_iota(jnp.int32, (T, N_EXPERTS), 1)
    m1 = jnp.max(biased, axis=1, keepdims=True)
    idx1 = jnp.min(jnp.where(biased == m1, eiota, N_EXPERTS),
                   axis=1, keepdims=True)
    oh1 = eiota == idx1
    b2 = jnp.where(oh1, -jnp.inf, biased)
    m2 = jnp.max(b2, axis=1, keepdims=True)
    idx2 = jnp.min(jnp.where(b2 == m2, eiota, N_EXPERTS),
                   axis=1, keepdims=True)
    oh2 = eiota == idx2
    w1 = jnp.sum(jnp.where(oh1, scores, 0.0), axis=1, keepdims=True)
    w2 = jnp.sum(jnp.where(oh2, scores, 0.0), axis=1, keepdims=True)
    den = w1 + w2 + 1e-20
    w1_ref[...] = jnp.broadcast_to(w1 / den, (T, 16))
    w2_ref[...] = jnp.broadcast_to(w2 / den, (T, 16))

    count = (oh1 | oh2).astype(jnp.float32)
    c = count
    s = 1
    while s < T:
        c = c + _shift_down(c, s)
        s *= 2
    c_exc = c - count
    cnt_row = c[T - 1:T, :]
    nblk_row = jnp.floor((cnt_row + (TB - 1)) / TB)
    used_ref[...] = jnp.sum(nblk_row, axis=1, keepdims=True).astype(jnp.int32)

    ii = jax.lax.broadcasted_iota(jnp.int32, (N_EXPERTS, N_EXPERTS), 0)
    jj = jax.lax.broadcasted_iota(jnp.int32, (N_EXPERTS, N_EXPERTS), 1)
    tri = (ii < jj).astype(jnp.float32)
    start_row = jax.lax.dot_general(nblk_row, tri, (((1,), (0,)), ((), ())),
                                    preferred_element_type=jnp.float32)
    off_row = start_row * TB

    d1 = jnp.sum(jnp.where(oh1, off_row + c_exc, 0.0), axis=1, keepdims=True)
    d2 = jnp.sum(jnp.where(oh2, off_row + c_exc, 0.0), axis=1, keepdims=True)
    dest_ref[...] = jnp.concatenate([d1, d2], axis=1).astype(jnp.int32)

    ones_col = jnp.ones((T, 1), jnp.float32)
    cnt_col = jax.lax.dot_general(count, ones_col, (((0,), (0,)), ((), ())),
                                  preferred_element_type=jnp.float32)
    nblk_col = jnp.floor((cnt_col + (TB - 1)) / TB)
    low = (jj < ii).astype(jnp.float32)
    start_col = jax.lax.dot_general(low, nblk_col, (((1,), (0,)), ((), ())),
                                    preferred_element_type=jnp.float32)
    ib = jax.lax.broadcasted_iota(jnp.int32, (N_EXPERTS, NB), 1)
    be = jnp.sum((start_col.astype(jnp.int32) <= ib).astype(jnp.int32),
                 axis=0, keepdims=True) - 1
    be_ref[...] = be


def _gmm_kernel(be_ref, used_ref, xs_ref, wg_ref, wu_ref, wd_ref, sh_ref,
                y_ref):
    b = pl.program_id(0)

    @pl.when(b < used_ref[0])
    def _():
        xb = xs_ref[...]
        g = _dot_t(xb, wg_ref[0])
        u = _dot_t(xb, wu_ref[0])
        h = (g * jax.nn.sigmoid(g)) * u
        y_ref[...] = _dot_t(h, wd_ref[0]) + 0.0 * sh_ref[0, 0]


def _shared_kernel(x_ref, sg_ref, su_ref, sd_ref, o_ref):
    x = x_ref[...]
    g = _dot_t(x, sg_ref[...])
    u = _dot_t(x, su_ref[...])
    h = (g * jax.nn.sigmoid(g)) * u
    o_ref[...] = _dot_t(h, sd_ref[...])



def _sc_wid():
    return jax.lax.axis_index("s") * NC + jax.lax.axis_index("c")


def _sc_scatter_body(x_hbm, d0_hbm, d1_hbm, out_hbm, i0_v, i1_v, rows_v,
                     sem, sem2):
    wid = _sc_wid()
    base = wid * TPW
    pltpu.sync_copy(d0_hbm.at[wid], i0_v)
    pltpu.sync_copy(d1_hbm.at[wid], i1_v)
    pltpu.sync_copy(x_hbm.at[pl.ds(base, TPW)], rows_v)
    c0 = pltpu.async_copy(rows_v, out_hbm.at[i0_v], sem)
    c1 = pltpu.async_copy(rows_v, out_hbm.at[i1_v], sem2)
    c0.wait()
    c1.wait()


def _sc_scatter(x, d0, d1):
    mesh = plsc.VectorSubcoreMesh(core_axis_name="c", subcore_axis_name="s")
    k = functools.partial(
        pl.kernel, mesh=mesh,
        out_type=jax.ShapeDtypeStruct((L, HIDDEN), jnp.float32),
        scratch_types=[
            pltpu.VMEM((TPW,), jnp.int32),
            pltpu.VMEM((TPW,), jnp.int32),
            pltpu.VMEM((TPW, HIDDEN), jnp.float32),
            pltpu.SemaphoreType.DMA,
            pltpu.SemaphoreType.DMA,
        ],
    )(_sc_scatter_body)
    return k(x, d0, d1)


def _sc_combine_body(y_hbm, sh_hbm, d0_hbm, d1_hbm, w1_hbm, w2_hbm, out_hbm,
                     i0_v, i1_v, g0_v, g1_v, acc_v, w1_v, w2_v, sem, sem2):
    wid = _sc_wid()
    base = wid * TPW
    half_t = TPW // 2
    pltpu.sync_copy(d0_hbm.at[wid], i0_v)
    pltpu.sync_copy(d1_hbm.at[wid], i1_v)
    pltpu.sync_copy(w1_hbm.at[wid], w1_v)
    pltpu.sync_copy(w2_hbm.at[wid], w2_v)
    for half in range(2):
        c0 = pltpu.async_copy(y_hbm.at[i0_v.at[pl.ds(half * half_t, half_t)]],
                              g0_v, sem)
        c1 = pltpu.async_copy(y_hbm.at[i1_v.at[pl.ds(half * half_t, half_t)]],
                              g1_v, sem2)
        pltpu.sync_copy(sh_hbm.at[pl.ds(base + half * half_t, half_t)], acc_v)
        c0.wait()
        c1.wait()

        def tok_body(j, _, half=half):
            w1vec = w1_v[half * half_t + j, :]
            w2vec = w2_v[half * half_t + j, :]
            for k2 in range(HIDDEN // 16):
                sl = pl.ds(k2 * 16, 16)
                acc_v[j, sl] = (acc_v[j, sl] + w1vec * g0_v[j, sl]
                                + w2vec * g1_v[j, sl])
            return 0

        jax.lax.fori_loop(0, half_t, tok_body, 0, unroll=False)
        pltpu.sync_copy(acc_v, out_hbm.at[pl.ds(base + half * half_t, half_t)])


def _sc_combine(y_sorted, shared, d0, d1, w1r, w2r):
    mesh = plsc.VectorSubcoreMesh(core_axis_name="c", subcore_axis_name="s")
    half_t = TPW // 2
    k = functools.partial(
        pl.kernel, mesh=mesh,
        out_type=jax.ShapeDtypeStruct((T, HIDDEN), jnp.float32),
        scratch_types=[
            pltpu.VMEM((TPW,), jnp.int32),
            pltpu.VMEM((TPW,), jnp.int32),
            pltpu.VMEM((half_t, HIDDEN), jnp.float32),
            pltpu.VMEM((half_t, HIDDEN), jnp.float32),
            pltpu.VMEM((half_t, HIDDEN), jnp.float32),
            pltpu.VMEM((TPW, 16), jnp.float32),
            pltpu.VMEM((TPW, 16), jnp.float32),
            pltpu.SemaphoreType.DMA,
            pltpu.SemaphoreType.DMA,
        ],
    )(_sc_combine_body)
    return k(y_sorted, shared, d0, d1, w1r, w2r)



def kernel(hidden_states, gate_weight, e_score_correction_bias,
           w_gate, w_up, w_down, shared_gate, shared_up, shared_down):
    x = hidden_states
    bias2d = e_score_correction_bias.reshape(1, N_EXPERTS)

    dest, w1r, w2r, be, used = pl.pallas_call(
        _dispatch_kernel,
        grid=(1,),
        in_specs=[
            pl.BlockSpec((T, HIDDEN), lambda i: (0, 0)),
            pl.BlockSpec((N_EXPERTS, HIDDEN), lambda i: (0, 0)),
            pl.BlockSpec((1, N_EXPERTS), lambda i: (0, 0)),
        ],
        out_specs=(
            pl.BlockSpec((T, TOP_K), lambda i: (0, 0)),
            pl.BlockSpec((T, 16), lambda i: (0, 0)),
            pl.BlockSpec((T, 16), lambda i: (0, 0)),
            pl.BlockSpec((1, NB), lambda i: (0, 0)),
            pl.BlockSpec((1, 1), lambda i: (0, 0)),
        ),
        out_shape=(
            jax.ShapeDtypeStruct((T, TOP_K), jnp.int32),
            jax.ShapeDtypeStruct((T, 16), jnp.float32),
            jax.ShapeDtypeStruct((T, 16), jnp.float32),
            jax.ShapeDtypeStruct((1, NB), jnp.int32),
            jax.ShapeDtypeStruct((1, 1), jnp.int32),
        ),
    )(x, gate_weight, bias2d)

    d0 = dest[:, 0].reshape(NW, TPW)
    d1 = dest[:, 1].reshape(NW, TPW)
    w1r3 = w1r.reshape(NW, TPW, 16)
    w2r3 = w2r.reshape(NW, TPW, 16)

    x_sorted = _sc_scatter(x, d0, d1)

    STB = 512
    shared = pl.pallas_call(
        _shared_kernel,
        grid=(T // STB,),
        in_specs=[
            pl.BlockSpec((STB, HIDDEN), lambda i: (i, 0)),
            pl.BlockSpec((D_FF_SHARED, HIDDEN), lambda i: (0, 0)),
            pl.BlockSpec((D_FF_SHARED, HIDDEN), lambda i: (0, 0)),
            pl.BlockSpec((HIDDEN, D_FF_SHARED), lambda i: (0, 0)),
        ],
        out_specs=pl.BlockSpec((STB, HIDDEN), lambda i: (i, 0)),
        out_shape=jax.ShapeDtypeStruct((T, HIDDEN), jnp.float32),
        compiler_params=pltpu.CompilerParams(
            dimension_semantics=("parallel",)),
    )(x, shared_gate, shared_up, shared_down)

    y_sorted = pl.pallas_call(
        _gmm_kernel,
        grid_spec=pltpu.PrefetchScalarGridSpec(
            num_scalar_prefetch=2,
            grid=(NB,),
            in_specs=[
                pl.BlockSpec((TB, HIDDEN), lambda b, be, used: (b, 0)),
                pl.BlockSpec((1, D_FF, HIDDEN),
                             lambda b, be, used: (be[b], 0, 0)),
                pl.BlockSpec((1, D_FF, HIDDEN),
                             lambda b, be, used: (be[b], 0, 0)),
                pl.BlockSpec((1, HIDDEN, D_FF),
                             lambda b, be, used: (be[b], 0, 0)),
                pl.BlockSpec((8, 128), lambda b, be, used: (0, 0)),
            ],
            out_specs=pl.BlockSpec((TB, HIDDEN), lambda b, be, used: (b, 0)),
        ),
        out_shape=jax.ShapeDtypeStruct((L, HIDDEN), jnp.float32),
        compiler_params=pltpu.CompilerParams(
            dimension_semantics=("arbitrary",)),
    )(be.reshape(NB), used.reshape(1), x_sorted, w_gate, w_up, w_down, shared)

    return _sc_combine(y_sorted, shared, d0, d1, w1r3, w2r3)

# --- scband reference (transcript-rebuilt; emitter-appended) ---
"""Pipeline reference for scband-flash-glm4moe-layer-47356309405778 (READ-ONLY COPY).

The authoritative reference and input builder live on the scoring server;
editing this copy changes nothing except your own understanding.
"""

import jax, jax.numpy as jnp
import numpy as np

T = 2048
HIDDEN = 1024
N_EXPERTS = 8
TOP_K = 2
D_FF = 768
D_FF_SHARED = 1536
ROUTED_SCALING_FACTOR = 1.0
NORM_TOPK_PROB = True


def setup_inputs(seed: int = 0) -> dict:
    key = jax.random.key(seed)
    ks = jax.random.split(key, 9)

    def w(k, shape, fan_in):
        return (jax.random.normal(k, shape, jnp.float32) * (1.0 / np.sqrt(fan_in))).astype(jnp.float32)

    return {
        "hidden_states": jax.random.normal(ks[0], (T, HIDDEN), jnp.float32),
        "gate_weight": w(ks[1], (N_EXPERTS, HIDDEN), HIDDEN),
        "e_score_correction_bias": jax.random.normal(ks[2], (N_EXPERTS,), jnp.float32) * 0.1,
        "w_gate": w(ks[3], (N_EXPERTS, D_FF, HIDDEN), HIDDEN),
        "w_up": w(ks[4], (N_EXPERTS, D_FF, HIDDEN), HIDDEN),
        "w_down": w(ks[5], (N_EXPERTS, HIDDEN, D_FF), D_FF),
        "shared_gate": w(ks[6], (D_FF_SHARED, HIDDEN), HIDDEN),
        "shared_up": w(ks[7], (D_FF_SHARED, HIDDEN), HIDDEN),
        "shared_down": w(ks[8], (HIDDEN, D_FF_SHARED), D_FF_SHARED),
    }


def reference(hidden_states, gate_weight, e_score_correction_bias,
              w_gate, w_up, w_down, shared_gate, shared_up, shared_down):
    x = hidden_states
    n_tok = x.shape[0]
    # --- GLM4-MoE noaux_tc router (fp32 gate, sigmoid scores, correction bias for selection) ---
    router_logits = x.astype(jnp.float32) @ gate_weight.astype(jnp.float32).T  # [T, E]
    scores = jax.nn.sigmoid(router_logits)
    scores_for_choice = scores + e_score_correction_bias[None, :]
    _, topk_idx = jax.lax.top_k(scores_for_choice, TOP_K)            # [T, K] selected by biased scores
    topk_w = jnp.take_along_axis(scores, topk_idx, axis=1)           # weights from unbiased scores
    if NORM_TOPK_PROB:
        topk_w = topk_w / (jnp.sum(topk_w, axis=1, keepdims=True) + 1e-20)
    topk_w = topk_w * ROUTED_SCALING_FACTOR
    # --- scatter top-k weights into dense [T, E] combine matrix ---
    combine = jnp.zeros((n_tok, N_EXPERTS), jnp.float32)
    combine = combine.at[jnp.arange(n_tok)[:, None], topk_idx].add(topk_w)
    # --- routed experts: SwiGLU MLP per expert, weighted-combined (zero weight = not dispatched) ---
    g = jnp.einsum('td,efd->tef', x, w_gate)
    u = jnp.einsum('td,efd->tef', x, w_up)
    h = jax.nn.silu(g) * u
    y = jnp.einsum('tef,edf->ted', h, w_down)
    routed = jnp.einsum('te,ted->td', combine.astype(x.dtype), y)
    # --- shared expert (always active) ---
    shared = (jax.nn.silu(x @ shared_gate.T) * (x @ shared_up.T)) @ shared_down.T
    return routed + shared

if __name__ == "__main__":
    import jax
    _d = setup_inputs()
    print(jax.jit(kernel)(*tuple(_d.values())))

</pallas_src>

<mosaic_0001>
#map = affine_map<(d0, d1) -> (0, 0)>
#map1 = affine_map<(d0, d1) -> (0, 0, 0)>
module attributes {stable_mosaic.version = 14 : i64} {
  func.func @_sc_combine_body(%arg0: i32, %arg1: i32, %arg2: memref<8192x1024xf32, #tpu.memory_space<hbm>>, %arg3: memref<2048x1024xf32, #tpu.memory_space<hbm>>, %arg4: memref<32x64xi32, #tpu.memory_space<hbm>>, %arg5: memref<32x64xi32, #tpu.memory_space<hbm>>, %arg6: memref<32x64x16xf32, #tpu.memory_space<hbm>>, %arg7: memref<32x64x16xf32, #tpu.memory_space<hbm>>, %arg8: memref<2048x1024xf32, #tpu.memory_space<hbm>>, %arg9: memref<64xi32, #tpu.memory_space<vmem>>, %arg10: memref<64xi32, #tpu.memory_space<vmem>>, %arg11: memref<32x1024xf32, #tpu.memory_space<vmem>>, %arg12: memref<32x1024xf32, #tpu.memory_space<vmem>>, %arg13: memref<32x1024xf32, #tpu.memory_space<vmem>>, %arg14: memref<64x16xf32, #tpu.memory_space<vmem>>, %arg15: memref<64x16xf32, #tpu.memory_space<vmem>>, %arg16: memref<!tpu.dma_semaphore, #tpu.memory_space<semaphore_mem>>, %arg17: memref<!tpu.dma_semaphore, #tpu.memory_space<semaphore_mem>>) attributes {dimension_semantics = [#tpu.dimension_semantics<core_parallel>, #tpu.dimension_semantics<subcore_parallel>], iteration_bounds = array<i64: 2, 16>, scalar_prefetch = 0 : i64, scratch_operands = 9 : i64, tpu.core_type = #tpu.core_type<sc_vector_subcore>, window_params = [{transform_indices = #map}, {transform_indices = #map}, {transform_indices = #map}, {transform_indices = #map}, {transform_indices = #map1}, {transform_indices = #map1}, {transform_indices = #map}]} {
    %mul3A = arith.constant 2 : i32
    %mul3A_0 = arith.muli %arg1, %mul3A : i32
    %add3A = arith.addi %mul3A_0, %arg0 : i32
    %mul3A_1 = arith.constant 64 : i32
    %mul3A_2 = arith.muli %add3A, %mul3A_1 : i32
    "tpu.region"() ({
      %run_scoped3A = tpu.sem_alloc : memref<!tpu.dma_semaphore, #tpu.memory_space<semaphore_mem>>
      %dma_start3A_62 = arith.constant 0 : i32
      %dma_start3A_63 = tpu.memref_slice %arg4[%add3A, %dma_start3A_62] : memref<32x64xi32, #tpu.memory_space<hbm>> -> memref<1x64xi32, #tpu.memory_space<hbm>>
      %dma_start3A_64 = tpu.memref_squeeze %dma_start3A_63 : memref<1x64xi32, #tpu.memory_space<hbm>> -> memref<64xi32, #tpu.memory_space<hbm>>
      %dma_start3A_65 = arith.constant 0 : i32
      %dma_start3A_66 = tpu.memref_slice %arg4[%add3A, %dma_start3A_65] : memref<32x64xi32, #tpu.memory_space<hbm>> -> memref<1x64xi32, #tpu.memory_space<hbm>>
      %dma_start3A_67 = tpu.memref_squeeze %dma_start3A_66 : memref<1x64xi32, #tpu.memory_space<hbm>> -> memref<64xi32, #tpu.memory_space<hbm>>
      tpu.enqueue_dma source(%dma_start3A_67 : memref<64xi32, #tpu.memory_space<hbm>>) target(%arg9 : memref<64xi32, #tpu.memory_space<vmem>>) target_semaphore(%run_scoped3A : memref<!tpu.dma_semaphore, #tpu.memory_space<semaphore_mem>>)
      %dma_wait3A_68 = arith.constant 0 : i32
      %dma_wait3A_69 = tpu.memref_slice %arg4[%add3A, %dma_wait3A_68] : memref<32x64xi32, #tpu.memory_space<hbm>> -> memref<1x64xi32, #tpu.memory_space<hbm>>
      %dma_wait3A_70 = tpu.memref_squeeze %dma_wait3A_69 : memref<1x64xi32, #tpu.memory_space<hbm>> -> memref<64xi32, #tpu.memory_space<hbm>>
      %dma_wait3A_71 = arith.constant 0 : i32
      %dma_wait3A_72 = tpu.memref_slice %arg4[%add3A, %dma_wait3A_71] : memref<32x64xi32, #tpu.memory_space<hbm>> -> memref<1x64xi32, #tpu.memory_space<hbm>>
      %dma_wait3A_73 = tpu.memref_squeeze %dma_wait3A_72 : memref<1x64xi32, #tpu.memory_space<hbm>> -> memref<64xi32, #tpu.memory_space<hbm>>
      tpu.wait_dma2 semaphore(%run_scoped3A : memref<!tpu.dma_semaphore, #tpu.memory_space<semaphore_mem>>) src(%dma_wait3A_73 : memref<64xi32, #tpu.memory_space<hbm>>) dst(%arg9 : memref<64xi32, #tpu.memory_space<vmem>>)
      tpu.yield
    }) : () -> ()
    "tpu.region"() ({
      %run_scoped3A = tpu.sem_alloc : memref<!tpu.dma_semaphore, #tpu.memory_space<semaphore_mem>>
      %dma_start3A_62 = arith.constant 0 : i32
      %dma_start3A_63 = tpu.memref_slice %arg5[%add3A, %dma_start3A_62] : memref<32x64xi32, #tpu.memory_space<hbm>> -> memref<1x64xi32, #tpu.memory_space<hbm>>
      %dma_start3A_64 = tpu.memref_squeeze %dma_start3A_63 : memref<1x64xi32, #tpu.memory_space<hbm>> -> memref<64xi32, #tpu.memory_space<hbm>>
      %dma_start3A_65 = arith.constant 0 : i32
      %dma_start3A_66 = tpu.memref_slice %arg5[%add3A, %dma_start3A_65] : memref<32x64xi32, #tpu.memory_space<hbm>> -> memref<1x64xi32, #tpu.memory_space<hbm>>
      %dma_start3A_67 = tpu.memref_squeeze %dma_start3A_66 : memref<1x64xi32, #tpu.memory_space<hbm>> -> memref<64xi32, #tpu.memory_space<hbm>>
      tpu.enqueue_dma source(%dma_start3A_67 : memref<64xi32, #tpu.memory_space<hbm>>) target(%arg10 : memref<64xi32, #tpu.memory_space<vmem>>) target_semaphore(%run_scoped3A : memref<!tpu.dma_semaphore, #tpu.memory_space<semaphore_mem>>)
      %dma_wait3A_68 = arith.constant 0 : i32
      %dma_wait3A_69 = tpu.memref_slice %arg5[%add3A, %dma_wait3A_68] : memref<32x64xi32, #tpu.memory_space<hbm>> -> memref<1x64xi32, #tpu.memory_space<hbm>>
      %dma_wait3A_70 = tpu.memref_squeeze %dma_wait3A_69 : memref<1x64xi32, #tpu.memory_space<hbm>> -> memref<64xi32, #tpu.memory_space<hbm>>
      %dma_wait3A_71 = arith.constant 0 : i32
      %dma_wait3A_72 = tpu.memref_slice %arg5[%add3A, %dma_wait3A_71] : memref<32x64xi32, #tpu.memory_space<hbm>> -> memref<1x64xi32, #tpu.memory_space<hbm>>
      %dma_wait3A_73 = tpu.memref_squeeze %dma_wait3A_72 : memref<1x64xi32, #tpu.memory_space<hbm>> -> memref<64xi32, #tpu.memory_space<hbm>>
      tpu.wait_dma2 semaphore(%run_scoped3A : memref<!tpu.dma_semaphore, #tpu.memory_space<semaphore_mem>>) src(%dma_wait3A_73 : memref<64xi32, #tpu.memory_space<hbm>>) dst(%arg10 : memref<64xi32, #tpu.memory_space<vmem>>)
      tpu.yield
    }) : () -> ()
    "tpu.region"() ({
      %run_scoped3A = tpu.sem_alloc : memref<!tpu.dma_semaphore, #tpu.memory_space<semaphore_mem>>
      %dma_start3A_62 = arith.constant 0 : i32
      %dma_start3A_63 = arith.constant 0 : i32
      %dma_start3A_64 = tpu.memref_slice %arg6[%add3A, %dma_start3A_62, %dma_start3A_63] : memref<32x64x16xf32, #tpu.memory_space<hbm>> -> memref<1x64x16xf32, #tpu.memory_space<hbm>>
      %dma_start3A_65 = tpu.memref_squeeze %dma_start3A_64 : memref<1x64x16xf32, #tpu.memory_space<hbm>> -> memref<64x16xf32, #tpu.memory_space<hbm>>
      %dma_start3A_66 = arith.constant 0 : i32
      %dma_start3A_67 = arith.constant 0 : i32
      %dma_start3A_68 = tpu.memref_slice %arg6[%add3A, %dma_start3A_66, %dma_start3A_67] : memref<32x64x16xf32, #tpu.memory_space<hbm>> -> memref<1x64x16xf32, #tpu.memory_space<hbm>>
      %dma_start3A_69 = tpu.memref_squeeze %dma_start3A_68 : memref<1x64x16xf32, #tpu.memory_space<hbm>> -> memref<64x16xf32, #tpu.memory_space<hbm>>
      tpu.enqueue_dma source(%dma_start3A_69 : memref<64x16xf32, #tpu.memory_space<hbm>>) target(%arg14 : memref<64x16xf32, #tpu.memory_space<vmem>>) target_semaphore(%run_scoped3A : memref<!tpu.dma_semaphore, #tpu.memory_space<semaphore_mem>>)
      %dma_wait3A_70 = arith.constant 0 : i32
      %dma_wait3A_71 = arith.constant 0 : i32
      %dma_wait3A_72 = tpu.memref_slice %arg6[%add3A, %dma_wait3A_70, %dma_wait3A_71] : memref<32x64x16xf32, #tpu.memory_space<hbm>> -> memref<1x64x16xf32, #tpu.memory_space<hbm>>
      %dma_wait3A_73 = tpu.memref_squeeze %dma_wait3A_72 : memref<1x64x16xf32, #tpu.memory_space<hbm>> -> memref<64x16xf32, #tpu.memory_space<hbm>>
      %dma_wait3A_74 = arith.constant 0 : i32
      %dma_wait3A_75 = arith.constant 0 : i32
      %dma_wait3A_76 = tpu.memref_slice %arg6[%add3A, %dma_wait3A_74, %dma_wait3A_75] : memref<32x64x16xf32, #tpu.memory_space<hbm>> -> memref<1x64x16xf32, #tpu.memory_space<hbm>>
      %dma_wait3A_77 = tpu.memref_squeeze %dma_wait3A_76 : memref<1x64x16xf32, #tpu.memory_space<hbm>> -> memref<64x16xf32, #tpu.memory_space<hbm>>
      tpu.wait_dma2 semaphore(%run_scoped3A : memref<!tpu.dma_semaphore, #tpu.memory_space<semaphore_mem>>) src(%dma_wait3A_77 : memref<64x16xf32, #tpu.memory_space<hbm>>) dst(%arg14 : memref<64x16xf32, #tpu.memory_space<vmem>>)
      tpu.yield
    }) : () -> ()
    "tpu.region"() ({
      %run_scoped3A = tpu.sem_alloc : memref<!tpu.dma_semaphore, #tpu.memory_space<semaphore_mem>>
      %dma_start3A_62 = arith.constant 0 : i32
      %dma_start3A_63 = arith.constant 0 : i32
      %dma_start3A_64 = tpu.memref_slice %arg7[%add3A, %dma_start3A_62, %dma_start3A_63] : memref<32x64x16xf32, #tpu.memory_space<hbm>> -> memref<1x64x16xf32, #tpu.memory_space<hbm>>
      %dma_start3A_65 = tpu.memref_squeeze %dma_start3A_64 : memref<1x64x16xf32, #tpu.memory_space<hbm>> -> memref<64x16xf32, #tpu.memory_space<hbm>>
      %dma_start3A_66 = arith.constant 0 : i32
      %dma_start3A_67 = arith.constant 0 : i32
      %dma_start3A_68 = tpu.memref_slice %arg7[%add3A, %dma_start3A_66, %dma_start3A_67] : memref<32x64x16xf32, #tpu.memory_space<hbm>> -> memref<1x64x16xf32, #tpu.memory_space<hbm>>
      %dma_start3A_69 = tpu.memref_squeeze %dma_start3A_68 : memref<1x64x16xf32, #tpu.memory_space<hbm>> -> memref<64x16xf32, #tpu.memory_space<hbm>>
      tpu.enqueue_dma source(%dma_start3A_69 : memref<64x16xf32, #tpu.memory_space<hbm>>) target(%arg15 : memref<64x16xf32, #tpu.memory_space<vmem>>) target_semaphore(%run_scoped3A : memref<!tpu.dma_semaphore, #tpu.memory_space<semaphore_mem>>)
      %dma_wait3A_70 = arith.constant 0 : i32
      %dma_wait3A_71 = arith.constant 0 : i32
      %dma_wait3A_72 = tpu.memref_slice %arg7[%add3A, %dma_wait3A_70, %dma_wait3A_71] : memref<32x64x16xf32, #tpu.memory_space<hbm>> -> memref<1x64x16xf32, #tpu.memory_space<hbm>>
      %dma_wait3A_73 = tpu.memref_squeeze %dma_wait3A_72 : memref<1x64x16xf32, #tpu.memory_space<hbm>> -> memref<64x16xf32, #tpu.memory_space<hbm>>
      %dma_wait3A_74 = arith.constant 0 : i32
      %dma_wait3A_75 = arith.constant 0 : i32
      %dma_wait3A_76 = tpu.memref_slice %arg7[%add3A, %dma_wait3A_74, %dma_wait3A_75] : memref<32x64x16xf32, #tpu.memory_space<hbm>> -> memref<1x64x16xf32, #tpu.memory_space<hbm>>
      %dma_wait3A_77 = tpu.memref_squeeze %dma_wait3A_76 : memref<1x64x16xf32, #tpu.memory_space<hbm>> -> memref<64x16xf32, #tpu.memory_space<hbm>>
      tpu.wait_dma2 semaphore(%run_scoped3A : memref<!tpu.dma_semaphore, #tpu.memory_space<semaphore_mem>>) src(%dma_wait3A_77 : memref<64x16xf32, #tpu.memory_space<hbm>>) dst(%arg15 : memref<64x16xf32, #tpu.memory_space<vmem>>)
      tpu.yield
    }) : () -> ()
    %dma_start3A = arith.constant 0 : i32
    %dma_start3A_3 = tpu.memref_slice %arg9[%dma_start3A] : memref<64xi32, #tpu.memory_space<vmem>> -> memref<32xi32, #tpu.memory_space<vmem>>
    %dma_start3A_4 = arith.constant 0 : i32
    %dma_start3A_5 = arith.constant 0 : i32
    %dma_start3A_6 = tpu.memref_slice %arg2[%dma_start3A_4, %dma_start3A_5] : memref<8192x1024xf32, #tpu.memory_space<hbm>> -> memref<8192x1024xf32, #tpu.memory_space<hbm>>
    tpu.enqueue_indirect_dma source(%dma_start3A_6 : memref<8192x1024xf32, #tpu.memory_space<hbm>>) target(%arg11 : memref<32x1024xf32, #tpu.memory_space<vmem>>) offsets(%dma_start3A_3 : memref<32xi32, #tpu.memory_space<vmem>>) semaphore(%arg16 : memref<!tpu.dma_semaphore, #tpu.memory_space<semaphore_mem>>)
    %dma_start3A_7 = arith.constant 0 : i32
    %dma_start3A_8 = tpu.memref_slice %arg10[%dma_start3A_7] : memref<64xi32, #tpu.memory_space<vmem>> -> memref<32xi32, #tpu.memory_space<vmem>>
    %dma_start3A_9 = arith.constant 0 : i32
    %dma_start3A_10 = arith.constant 0 : i32
    %dma_start3A_11 = tpu.memref_slice %arg2[%dma_start3A_9, %dma_start3A_10] : memref<8192x1024xf32, #tpu.memory_space<hbm>> -> memref<8192x1024xf32, #tpu.memory_space<hbm>>
    tpu.enqueue_indirect_dma source(%dma_start3A_11 : memref<8192x1024xf32, #tpu.memory_space<hbm>>) target(%arg12 : memref<32x1024xf32, #tpu.memory_space<vmem>>) offsets(%dma_start3A_8 : memref<32xi32, #tpu.memory_space<vmem>>) semaphore(%arg17 : memref<!tpu.dma_semaphore, #tpu.memory_space<semaphore_mem>>)
    %add3A_12 = arith.constant 0 : i32
    %add3A_13 = arith.addi %mul3A_2, %add3A_12 : i32
    "tpu.region"() ({
      %run_scoped3A = tpu.sem_alloc : memref<!tpu.dma_semaphore, #tpu.memory_space<semaphore_mem>>
      %dma_start3A_62 = arith.constant 0 : i32
      %dma_start3A_63 = tpu.memref_slice %arg3[%add3A_13, %dma_start3A_62] : memref<2048x1024xf32, #tpu.memory_space<hbm>> -> memref<32x1024xf32, #tpu.memory_space<hbm>>
      %dma_start3A_64 = arith.constant 0 : i32
      %dma_start3A_65 = tpu.memref_slice %arg3[%add3A_13, %dma_start3A_64] : memref<2048x1024xf32, #tpu.memory_space<hbm>> -> memref<32x1024xf32, #tpu.memory_space<hbm>>
      tpu.enqueue_dma source(%dma_start3A_65 : memref<32x1024xf32, #tpu.memory_space<hbm>>) target(%arg13 : memref<32x1024xf32, #tpu.memory_space<vmem>>) target_semaphore(%run_scoped3A : memref<!tpu.dma_semaphore, #tpu.memory_space<semaphore_mem>>)
      %dma_wait3A_66 = arith.constant 0 : i32
      %dma_wait3A_67 = tpu.memref_slice %arg3[%add3A_13, %dma_wait3A_66] : memref<2048x1024xf32, #tpu.memory_space<hbm>> -> memref<32x1024xf32, #tpu.memory_space<hbm>>
      %dma_wait3A_68 = arith.constant 0 : i32
      %dma_wait3A_69 = tpu.memref_slice %arg3[%add3A_13, %dma_wait3A_68] : memref<2048x1024xf32, #tpu.memory_space<hbm>> -> memref<32x1024xf32, #tpu.memory_space<hbm>>
      tpu.wait_dma2 semaphore(%run_scoped3A : memref<!tpu.dma_semaphore, #tpu.memory_space<semaphore_mem>>) src(%dma_wait3A_69 : memref<32x1024xf32, #tpu.memory_space<hbm>>) dst(%arg13 : memref<32x1024xf32, #tpu.memory_space<vmem>>)
      tpu.yield
    }) : () -> ()
    %dma_wait3A = arith.constant 0 : i32
    %dma_wait3A_14 = tpu.memref_slice %arg9[%dma_wait3A] : memref<64xi32, #tpu.memory_space<vmem>> -> memref<32xi32, #tpu.memory_space<vmem>>
    %dma_wait3A_15 = arith.constant 0 : i32
    %dma_wait3A_16 = arith.constant 0 : i32
    %dma_wait3A_17 = tpu.memref_slice %arg2[%dma_wait3A_15, %dma_wait3A_16] : memref<8192x1024xf32, #tpu.memory_space<hbm>> -> memref<8192x1024xf32, #tpu.memory_space<hbm>>
    tpu.wait_indirect_dma semaphore(%arg16 : memref<!tpu.dma_semaphore, #tpu.memory_space<semaphore_mem>>) src(%dma_wait3A_17 : memref<8192x1024xf32, #tpu.memory_space<hbm>>) dst(%arg11 : memref<32x1024xf32, #tpu.memory_space<vmem>>)
    %dma_wait3A_18 = arith.constant 0 : i32
    %dma_wait3A_19 = tpu.memref_slice %arg10[%dma_wait3A_18] : memref<64xi32, #tpu.memory_space<vmem>> -> memref<32xi32, #tpu.memory_space<vmem>>
    %dma_wait3A_20 = arith.constant 0 : i32
    %dma_wait3A_21 = arith.constant 0 : i32
    %dma_wait3A_22 = tpu.memref_slice %arg2[%dma_wait3A_20, %dma_wait3A_21] : memref<8192x1024xf32, #tpu.memory_space<hbm>> -> memref<8192x1024xf32, #tpu.memory_space<hbm>>
    tpu.wait_indirect_dma semaphore(%arg17 : memref<!tpu.dma_semaphore, #tpu.memory_space<semaphore_mem>>) src(%dma_wait3A_22 : memref<8192x1024xf32, #tpu.memory_space<hbm>>) dst(%arg12 : memref<32x1024xf32, #tpu.memory_space<vmem>>)
    %scan3A = arith.constant 0 : i32
    %scan3A_23 = arith.constant 0 : i32
    %scan3A_24 = arith.constant 32 : i32
    %scan3A_25 = arith.addi %scan3A_23, %scan3A_24 : i32
    %scan3A_26 = arith.constant 1 : i32
    %scan3A_27 = scf.for %scan3A_62 = %scan3A_23 to %scan3A_25 step %scan3A_26 iter_args(%scan3A_63 = %scan3A) -> (i32)  : i32 {
      %add3A_64 = arith.constant 0 : i32
      %add3A_65 = arith.addi %add3A_64, %scan3A_62 : i32
      %get3A = arith.index_cast %add3A_65 : i32 to index
      %get3A_66 = arith.constant 0 : index
      %get3A_67 = tpu.vector_load %arg14[%get3A, %get3A_66] {strides = array<i32>} : memref<64x16xf32, #tpu.memory_space<vmem>>, vector<1x16xf32>,
      %get3A_68 = vector.shape_cast %get3A_67 : vector<1x16xf32> to vector<16xf32>
      %add3A_69 = arith.constant 0 : i32
      %add3A_70 = arith.addi %add3A_69, %scan3A_62 : i32
      %get3A_71 = arith.index_cast %add3A_70 : i32 to index
      %get3A_72 = arith.constant 0 : index
      %get3A_73 = tpu.vector_load %arg15[%get3A_71, %get3A_72] {strides = array<i32>} : memref<64x16xf32, #tpu.memory_space<vmem>>, vector<1x16xf32>,
      %get3A_74 = vector.shape_cast %get3A_73 : vector<1x16xf32> to vector<16xf32>
      %get3A_75 = arith.index_cast %scan3A_62 : i32 to index
      %get3A_76 = arith.constant 0 : index
      %get3A_77 = tpu.vector_load %arg13[%get3A_75, %get3A_76] {strides = array<i32>} : memref<32x1024xf32, #tpu.memory_space<vmem>>, vector<1x16xf32>,
      %get3A_78 = vector.shape_cast %get3A_77 : vector<1x16xf32> to vector<16xf32>
      %get3A_79 = arith.index_cast %scan3A_62 : i32 to index
      %get3A_80 = arith.constant 0 : index
      %get3A_81 = tpu.vector_load %arg11[%get3A_79, %get3A_80] {strides = array<i32>} : memref<32x1024xf32, #tpu.memory_space<vmem>>, vector<1x16xf32>,
      %get3A_82 = vector.shape_cast %get3A_81 : vector<1x16xf32> to vector<16xf32>
      %mul3A_83 = arith.mulf %get3A_68, %get3A_82 : vector<16xf32>
      %add3A_84 = arith.addf %get3A_78, %mul3A_83 : vector<16xf32>
      %get3A_85 = arith.index_cast %scan3A_62 : i32 to index
      %get3A_86 = arith.constant 0 : index
      %get3A_87 = tpu.vector_load %arg12[%get3A_85, %get3A_86] {strides = array<i32>} : memref<32x1024xf32, #tpu.memory_space<vmem>>, vector<1x16xf32>,
      %get3A_88 = vector.shape_cast %get3A_87 : vector<1x16xf32> to vector<16xf32>
      %mul3A_89 = arith.mulf %get3A_74, %get3A_88 : vector<16xf32>
      %add3A_90 = arith.addf %add3A_84, %mul3A_89 : vector<16xf32>
      %swap3A = arith.index_cast %scan3A_62 : i32 to index
      %swap3A_91 = arith.constant 0 : index
      %swap3A_92 = tpu.vector_load %arg13[%swap3A, %swap3A_91] {strides = array<i32>} : memref<32x1024xf32, #tpu.memory_space<vmem>>, vector<1x16xf32>,
      %swap3A_93 = vector.shape_cast %swap3A_92 : vector<1x16xf32> to vector<16xf32>
      %swap3A_94 = vector.shape_cast %add3A_90 : vector<16xf32> to vector<1x16xf32>
      tpu.vector_store %arg13[%swap3A, %swap3A_91], %swap3A_94 {strides = array<i32>} : memref<32x1024xf32, #tpu.memory_space<vmem>>, vector<1x16xf32>,
      %get3A_95 = arith.index_cast %scan3A_62 : i32 to index
      %get3A_96 = arith.constant 16 : index
      %get3A_97 = tpu.vector_load %arg13[%get3A_95, %get3A_96] {strides = array<i32>} : memref<32x1024xf32, #tpu.memory_space<vmem>>, vector<1x16xf32>,
      %get3A_98 = vector.shape_cast %get3A_97 : vector<1x16xf32> to vector<16xf32>
      %get3A_99 = arith.index_cast %scan3A_62 : i32 to index
      %get3A_100 = arith.constant 16 : index
      %get3A_101 = tpu.vector_load %arg11[%get3A_99, %get3A_100] {strides = array<i32>} : memref<32x1024xf32, #tpu.memory_space<vmem>>, vector<1x16xf32>,
      %get3A_102 = vector.shape_cast %get3A_101 : vector<1x16xf32> to vector<16xf32>
      %mul3A_103 = arith.mulf %get3A_68, %get3A_102 : vector<16xf32>
      %add3A_104 = arith.addf %get3A_98, %mul3A_103 : vector<16xf32>
      %get3A_105 = arith.index_cast %scan3A_62 : i32 to index
      %get3A_106 = arith.constant 16 : index
      %get3A_107 = tpu.vector_load %arg12[%get3A_105, %get3A_106] {strides = array<i32>} : memref<32x1024xf32, #tpu.memory_space<vmem>>, vector<1x16xf32>,
      %get3A_108 = vector.shape_cast %get3A_107 : vector<1x16xf32> to vector<16xf32>
      %mul3A_109 = arith.mulf %get3A_74, %get3A_108 : vector<16xf32>
      %add3A_110 = arith.addf %add3A_104, %mul3A_109 : vector<16xf32>
      %swap3A_111 = arith.index_cast %scan3A_62 : i32 to index
      %swap3A_112 = arith.constant 16 : index
      %swap3A_113 = tpu.vector_load %arg13[%swap3A_111, %swap3A_112] {strides = array<i32>} : memref<32x1024xf32, #tpu.memory_space<vmem>>, vector<1x16xf32>,
      %swap3A_114 = vector.shape_cast %swap3A_113 : vector<1x16xf32> to vector<16xf32>
      %swap3A_115 = vector.shape_cast %add3A_110 : vector<16xf32> to vector<1x16xf32>
      tpu.vector_store %arg13[%swap3A_111, %swap3A_112], %swap3A_115 {strides = array<i32>} : memref<32x1024xf32, #tpu.memory_space<vmem>>, vector<1x16xf32>,
      %get3A_116 = arith.index_cast %scan3A_62 : i32 to index
      %get3A_117 = arith.constant 32 : index
      %get3A_118 = tpu.vector_load %arg13[%get3A_116, %get3A_117] {strides = array<i32>} : memref<32x1024xf32, #tpu.memory_space<vmem>>, vector<1x16xf32>,
      %get3A_119 = vector.shape_cast %get3A_118 : vector<1x16xf32> to vector<16xf32>
      %get3A_120 = arith.index_cast %scan3A_62 : i32 to index
      %get3A_121 = arith.constant 32 : index
      %get3A_122 = tpu.vector_load %arg11[%get3A_120, %get3A_121] {strides = array<i32>} : memref<32x1024xf32, #tpu.memory_space<vmem>>, vector<1x16xf32>,
      %get3A_123 = vector.shape_cast %get3A_122 : vector<1x16xf32> to vector<16xf32>
      %mul3A_124 = arith.mulf %get3A_68, %get3A_123 : vector<16xf32>
      %add3A_125 = arith.addf %get3A_119, %mul3A_124 : vector<16xf32>
      %get3A_126 = arith.index_cast %scan3A_62 : i32 to index
      %get3A_127 = arith.constant 32 : index
      %get3A_128 = tpu.vector_load %arg12[%get3A_126, %get3A_127] {strides = array<i32>} : memref<32x1024xf32, #tpu.memory_space<vmem>>, vector<1x16xf32>,
      %get3A_129 = vector.shape_cast %get3A_128 : vector<1x16xf32> to vector<16xf32>
      %mul3A_130 = arith.mulf %get3A_74, %get3A_129 : vector<16xf32>
      %add3A_131 = arith.addf %add3A_125, %mul3A_130 : vector<16xf32>
      %swap3A_132 = arith.index_cast %scan3A_62 : i32 to index
      %swap3A_133 = arith.constant 32 : index
      %swap3A_134 = tpu.vector_load %arg13[%swap3A_132, %swap3A_133] {strides = array<i32>} : memref<32x1024xf32, #tpu.memory_space<vmem>>, vector<1x16xf32>,
      %swap3A_135 = vector.shape_cast %swap3A_134 : vector<1x16xf32> to vector<16xf32>
      %swap3A_136 = vector.shape_cast %add3A_131 : vector<16xf32> to vector<1x16xf32>
      tpu.vector_store %arg13[%swap3A_132, %swap3A_133], %swap3A_136 {strides = array<i32>} : memref<32x1024xf32, #tpu.memory_space<vmem>>, vector<1x16xf32>,
      %get3A_137 = arith.index_cast %scan3A_62 : i32 to index
      %get3A_138 = arith.constant 48 : index
      %get3A_139 = tpu.vector_load %arg13[%get3A_137, %get3A_138] {strides = array<i32>} : memref<32x1024xf32, #tpu.memory_space<vmem>>, vector<1x16xf32>,
      %get3A_140 = vector.shape_cast %get3A_139 : vector<1x16xf32> to vector<16xf32>
      %get3A_141 = arith.index_cast %scan3A_62 : i32 to index
      %get3A_142 = arith.constant 48 : index
      %get3A_143 = tpu.vector_load %arg11[%get3A_141, %get3A_142] {strides = array<i32>} : memref<32x1024xf32, #tpu.memory_space<vmem>>, vector<1x16xf32>,
      %get3A_144 = vector.shape_cast %get3A_143 : vector<1x16xf32> to vector<16xf32>
      %mul3A_145 = arith.mulf %get3A_68, %get3A_144 : vector<16xf32>
      %add3A_146 = arith.addf %get3A_140, %mul3A_145 : vector<16xf32>
      %get3A_147 = arith.index_cast %scan3A_62 : i32 to index
      %get3A_148 = arith.constant 48 : index
      %get3A_149 = tpu.vector_load %arg12[%get3A_147, %get3A_148] {strides = array<i32>} : memref<32x1024xf32, #tpu.memory_space<vmem>>, vector<1x16xf32>,
      %get3A_150 = vector.shape_cast %get3A_149 : vector<1x16xf32> to vector<16xf32>
      %mul3A_151 = arith.mulf %get3A_74, %get3A_150 : vector<16xf32>
      %add3A_152 = arith.addf %add3A_146, %mul3A_151 : vector<16xf32>
      %swap3A_153 = arith.index_cast %scan3A_62 : i32 to index
      %swap3A_154 = arith.constant 48 : index
      %swap3A_155 = tpu.vector_load %arg13[%swap3A_153, %swap3A_154] {strides = array<i32>} : memref<32x1024xf32, #tpu.memory_space<vmem>>, vector<1x16xf32>,
      %swap3A_156 = vector.shape_cast %swap3A_155 : vector<1x16xf32> to vector<16xf32>
      %swap3A_157 = vector.shape_cast %add3A_152 : vector<16xf32> to vector<1x16xf32>
      tpu.vector_store %arg13[%swap3A_153, %swap3A_154], %swap3A_157 {strides = array<i32>} : memref<32x1024xf32, #tpu.memory_space<vmem>>, vector<1x16xf32>,
      %get3A_158 = arith.index_cast %scan3A_62 : i32 to index
      %get3A_159 = arith.constant 64 : index
      %get3A_160 = tpu.vector_load %arg13[%get3A_158, %get3A_159] {strides = array<i32>} : memref<32x1024xf32, #tpu.memory_space<vmem>>, vector<1x16xf32>,
      %get3A_161 = vector.shape_cast %get3A_160 : vector<1x16xf32> to vector<16xf32>
      %get3A_162 = arith.index_cast %scan3A_62 : i32 to index
      %get3A_163 = arith.constant 64 : index
      %get3A_164 = tpu.vector_load %arg11[%get3A_162, %get3A_163] {strides = array<i32>} : memref<32x1024xf32, #tpu.memory_space<vmem>>, vector<1x16xf32>,
      %get3A_165 = vector.shape_cast %get3A_164 : vector<1x16xf32> to vector<16xf32>
      %mul3A_166 = arith.mulf %get3A_68, %get3A_165 : vector<16xf32>
      %add3A_167 = arith.addf %get3A_161, %mul3A_166 : vector<16xf32>
      %get3A_168 = arith.index_cast %scan3A_62 : i32 to index
      %get3A_169 = arith.constant 64 : index
      %get3A_170 = tpu.vector_load %arg12[%get3A_168, %get3A_169] {strides = array<i32>} : memref<32x1024xf32, #tpu.memory_space<vmem>>, vector<1x16xf32>,
      %get3A_171 = vector.shape_cast %get3A_170 : vector<1x16xf32> to vector<16xf32>
      %mul3A_172 = arith.mulf %get3A_74, %get3A_171 : vector<16xf32>
      %add3A_173 = arith.addf %add3A_167, %mul3A_172 : vector<16xf32>
      %swap3A_174 = arith.index_cast %scan3A_62 : i32 to index
      %swap3A_175 = arith.constant 64 : index
      %swap3A_176 = tpu.vector_load %arg13[%swap3A_174, %swap3A_175] {strides = array<i32>} : memref<32x1024xf32, #tpu.memory_space<vmem>>, vector<1x16xf32>,
      %swap3A_177 = vector.shape_cast %swap3A_176 : vector<1x16xf32> to vector<16xf32>
      %swap3A_178 = vector.shape_cast %add3A_173 : vector<16xf32> to vector<1x16xf32>
      tpu.vector_store %arg13[%swap3A_174, %swap3A_175], %swap3A_178 {strides = array<i32>} : memref<32x1024xf32, #tpu.memory_space<vmem>>, vector<1x16xf32>,
      %get3A_179 = arith.index_cast %scan3A_62 : i32 to index
      %get3A_180 = arith.constant 80 : index
      %get3A_181 = tpu.vector_load %arg13[%get3A_179, %get3A_180] {strides = array<i32>} : memref<32x1024xf32, #tpu.memory_space<vmem>>, vector<1x16xf32>,
      %get3A_182 = vector.shape_cast %get3A_181 : vector<1x16xf32> to vector<16xf32>
      %get3A_183 = arith.index_cast %scan3A_62 : i32 to index
      %get3A_184 = arith.constant 80 : index
      %get3A_185 = tpu.vector_load %arg11[%get3A_183, %get3A_184] {strides = array<i32>} : memref<32x1024xf32, #tpu.memory_space<vmem>>, vector<1x16xf32>,
      %get3A_186 = vector.shape_cast %get3A_185 : vector<1x16xf32> to vector<16xf32>
      %mul3A_187 = arith.mulf %get3A_68, %get3A_186 : vector<16xf32>
      %add3A_188 = arith.addf %get3A_182, %mul3A_187 : vector<16xf32>
      %get3A_189 = arith.index_cast %scan3A_62 : i32 to index
      %get3A_190 = arith.constant 80 : index
      %get3A_191 = tpu.vector_load %arg12[%get3A_189, %get3A_190] {strides = array<i32>} : memref<32x1024xf32, #tpu.memory_space<vmem>>, vector<1x16xf32>,
      %get3A_192 = vector.shape_cast %get3A_191 : vector<1x16xf32> to vector<16xf32>
      %mul3A_193 = arith.mulf %get3A_74, %get3A_192 : vector<16xf32>
      %add3A_194 = arith.addf %add3A_188, %mul3A_193 : vector<16xf32>
      %swap3A_195 = arith.index_cast %scan3A_62 : i32 to index
      %swap3A_196 = arith.constant 80 : index
      %swap3A_197 = tpu.vector_load %arg13[%swap3A_195, %swap3A_196] {strides = array<i32>} : memref<32x1024xf32, #tpu.memory_space<vmem>>, vector<1x16xf32>,
      %swap3A_198 = vector.shape_cast %swap3A_197 : vector<1x16xf32> to vector<16xf32>
      %swap3A_199 = vector.shape_cast %add3A_194 : vector<16xf32> to vector<1x16xf32>
      tpu.vector_store %arg13[%swap3A_195, %swap3A_196], %swap3A_199 {strides = array<i32>} : memref<32x1024xf32, #tpu.memory_space<vmem>>, vector<1x16xf32>,
      %get3A_200 = arith.index_cast %scan3A_62 : i32 to index
      %get3A_201 = arith.constant 96 : index
      %get3A_202 = tpu.vector_load %arg13[%get3A_200, %get3A_201] {strides = array<i32>} : memref<32x1024xf32, #tpu.memory_space<vmem>>, vector<1x16xf32>,
      %get3A_203 = vector.shape_cast %get3A_202 : vector<1x16xf32> to vector<16xf32>
      %get3A_204 = arith.index_cast %scan3A_62 : i32 to index
      %get3A_205 = arith.constant 96 : index
      %get3A_206 = tpu.vector_load %arg11[%get3A_204, %get3A_205] {strides = array<i32>} : memref<32x1024xf32, #tpu.memory_space<vmem>>, vector<1x16xf32>,
      %get3A_207 = vector.shape_cast %get3A_206 : vector<1x16xf32> to vector<16xf32>
      %mul3A_208 = arith.mulf %get3A_68, %get3A_207 : vector<16xf32>
      %add3A_209 = arith.addf %get3A_203, %mul3A_208 : vector<16xf32>
      %get3A_210 = arith.index_cast %scan3A_62 : i32 to index
      %get3A_211 = arith.constant 96 : index
      %get3A_212 = tpu.vector_load %arg12[%get3A_210, %get3A_211] {strides = array<i32>} : memref<32x1024xf32, #tpu.memory_space<vmem>>, vector<1x16xf32>,
      %get3A_213 = vector.shape_cast %get3A_212 : vector<1x16xf32> to vector<16xf32>
      %mul3A_214 = arith.mulf %get3A_74, %get3A_213 : vector<16xf32>
      %add3A_215 = arith.addf %add3A_209, %mul3A_214 : vector<16xf32>
      %swap3A_216 = arith.index_cast %scan3A_62 : i32 to index
      %swap3A_217 = arith.constant 96 : index
      %swap3A_218 = tpu.vector_load %arg13[%swap3A_216, %swap3A_217] {strides = array<i32>} : memref<32x1024xf32, #tpu.memory_space<vmem>>, vector<1x16xf32>,
      %swap3A_219 = vector.shape_cast %swap3A_218 : vector<1x16xf32> to vector<16xf32>
      %swap3A_220 = vector.shape_cast %add3A_215 : vector<16xf32> to vector<1x16xf32>
      tpu.vector_store %arg13[%swap3A_216, %swap3A_217], %swap3A_220 {strides = array<i32>} : memref<32x1024xf32, #tpu.memory_space<vmem>>, vector<1x16xf32>,
      %get3A_221 = arith.index_cast %scan3A_62 : i32 to index
      %get3A_222 = arith.constant 112 : index
      %get3A_223 = tpu.vector_load %arg13[%get3A_221, %get3A_222] {strides = array<i32>} : memref<32x1024xf32, #tpu.memory_space<vmem>>, vector<1x16xf32>,
      %get3A_224 = vector.shape_cast %get3A_223 : vector<1x16xf32> to vector<16xf32>
      %get3A_225 = arith.index_cast %scan3A_62 : i32 to index
      %get3A_226 = arith.constant 112 : index
      %get3A_227 = tpu.vector_load %arg11[%get3A_225, %get3A_226] {strides = array<i32>} : memref<32x1024xf32, #tpu.memory_space<vmem>>, vector<1x16xf32>,
      %get3A_228 = vector.shape_cast %get3A_227 : vector<1x16xf32> to vector<16xf32>
      %mul3A_229 = arith.mulf %get3A_68, %get3A_228 : vector<16xf32>
      %add3A_230 = arith.addf %get3A_224, %mul3A_229 : vector<16xf32>
      %get3A_231 = arith.index_cast %scan3A_62 : i32 to index
      %get3A_232 = arith.constant 112 : index
      %get3A_233 = tpu.vector_load %arg12[%get3A_231, %get3A_232] {strides = array<i32>} : memref<32x1024xf32, #tpu.memory_space<vmem>>, vector<1x16xf32>,
      %get3A_234 = vector.shape_cast %get3A_233 : vector<1x16xf32> to vector<16xf32>
      %mul3A_235 = arith.mulf %get3A_74, %get3A_234 : vector<16xf32>
      %add3A_236 = arith.addf %add3A_230, %mul3A_235 : vector<16xf32>
      %swap3A_237 = arith.index_cast %scan3A_62 : i32 to index
      %swap3A_238 = arith.constant 112 : index
      %swap3A_239 = tpu.vector_load %arg13[%swap3A_237, %swap3A_238] {strides = array<i32>} : memref<32x1024xf32, #tpu.memory_space<vmem>>, vector<1x16xf32>,
      %swap3A_240 = vector.shape_cast %swap3A_239 : vector<1x16xf32> to vector<16xf32>
      %swap3A_241 = vector.shape_cast %add3A_236 : vector<16xf32> to vector<1x16xf32>
      tpu.vector_store %arg13[%swap3A_237, %swap3A_238], %swap3A_241 {strides = array<i32>} : memref<32x1024xf32, #tpu.memory_space<vmem>>, vector<1x16xf32>,
      %get3A_242 = arith.index_cast %scan3A_62 : i32 to index
      %get3A_243 = arith.constant 128 : index
      %get3A_244 = tpu.vector_load %arg13[%get3A_242, %get3A_243] {strides = array<i32>} : memref<32x1024xf32, #tpu.memory_space<vmem>>, vector<1x16xf32>,
      %get3A_245 = vector.shape_cast %get3A_244 : vector<1x16xf32> to vector<16xf32>
      %get3A_246 = arith.index_cast %scan3A_62 : i32 to index
      %get3A_247 = arith.constant 128 : index
      %get3A_248 = tpu.vector_load %arg11[%get3A_246, %get3A_247] {strides = array<i32>} : memref<32x1024xf32, #tpu.memory_space<vmem>>, vector<1x16xf32>,
      %get3A_249 = vector.shape_cast %get3A_248 : vector<1x16xf32> to vector<16xf32>
      %mul3A_250 = arith.mulf %get3A_68, %get3A_249 : vector<16xf32>
      %add3A_251 = arith.addf %get3A_245, %mul3A_250 : vector<16xf32>
      %get3A_252 = arith.index_cast %scan3A_62 : i32 to index
      %get3A_253 = arith.constant 128 : index
      %get3A_254 = tpu.vector_load %arg12[%get3A_252, %get3A_253] {strides = array<i32>} : memref<32x1024xf32, #tpu.memory_space<vmem>>, vector<1x16xf32>,
      %get3A_255 = vector.shape_cast %get3A_254 : vector<1x16xf32> to vector<16xf32>
      %mul3A_256 = arith.mulf %get3A_74, %get3A_255 : vector<16xf32>
      %add3A_257 = arith.addf %add3A_251, %mul3A_256 : vector<16xf32>
      %swap3A_258 = arith.index_cast %scan3A_62 : i32 to index
      %swap3A_259 = arith.constant 128 : index
      %swap3A_260 = tpu.vector_load %arg13[%swap3A_258, %swap3A_259] {strides = array<i32>} : memref<32x1024xf32, #tpu.memory_space<vmem>>, vector<1x16xf32>,
      %swap3A_261 = vector.shape_cast %swap3A_260 : vector<1x16xf32> to vector<16xf32>
      %swap3A_262 = vector.shape_cast %add3A_257 : vector<16xf32> to vector<1x16xf32>
      tpu.vector_store %arg13[%swap3A_258, %swap3A_259], %swap3A_262 {strides = array<i32>} : memref<32x1024xf32, #tpu.memory_space<vmem>>, vector<1x16xf32>,
      %get3A_263 = arith.index_cast %scan3A_62 : i32 to index
      %get3A_264 = arith.constant 144 : index
      %get3A_265 = tpu.vector_load %arg13[%get3A_263, %get3A_264] {strides = array<i32>} : memref<32x1024xf32, #tpu.memory_space<vmem>>, vector<1x16xf32>,
      %get3A_266 = vector.shape_cast %get3A_265 : vector<1x16xf32> to vector<16xf32>
      %get3A_267 = arith.index_cast %scan3A_62 : i32 to index
      %get3A_268 = arith.constant 144 : index
      %get3A_269 = tpu.vector_load %arg11[%get3A_267, %get3A_268] {strides = array<i32>} : memref<32x1024xf32, #tpu.memory_space<vmem>>, vector<1x16xf32>,
      %get3A_270 = vector.shape_cast %get3A_269 : vector<1x16xf32> to vector<16xf32>
      %mul3A_271 = arith.mulf %get3A_68, %get3A_270 : vector<16xf32>
      %add3A_272 = arith.addf %get3A_266, %mul3A_271 : vector<16xf32>
      %get3A_273 = arith.index_cast %scan3A_62 : i32 to index
      %get3A_274 = arith.constant 144 : index
      %get3A_275 = tpu.vector_load %arg12[%get3A_273, %get3A_274] {strides = array<i32>} : memref<32x1024xf32, #tpu.memory_space<vmem>>, vector<1x16xf32>,
      %get3A_276 = vector.shape_cast %get3A_275 : vector<1x16xf32> to vector<16xf32>
      %mul3A_277 = arith.mulf %get3A_74, %get3A_276 : vector<16xf32>
      %add3A_278 = arith.addf %add3A_272, %mul3A_277 : vector<16xf32>
      %swap3A_279 = arith.index_cast %scan3A_62 : i32 to index
      %swap3A_280 = arith.constant 144 : index
      %swap3A_281 = tpu.vector_load %arg13[%swap3A_279, %swap3A_280] {strides = array<i32>} : memref<32x1024xf32, #tpu.memory_space<vmem>>, vector<1x16xf32>,
      %swap3A_282 = vector.shape_cast %swap3A_281 : vector<1x16xf32> to vector<16xf32>
      %swap3A_283 = vector.shape_cast %add3A_278 : vector<16xf32> to vector<1x16xf32>
      tpu.vector_store %arg13[%swap3A_279, %swap3A_280], %swap3A_283 {strides = array<i32>} : memref<32x1024xf32, #tpu.memory_space<vmem>>, vector<1x16xf32>,
      %get3A_284 = arith.index_cast %scan3A_62 : i32 to index
      %get3A_285 = arith.constant 160 : index
      %get3A_286 = tpu.vector_load %arg13[%get3A_284, %get3A_285] {strides = array<i32>} : memref<32x1024xf32, #tpu.memory_space<vmem>>, vector<1x16xf32>,
      %get3A_287 = vector.shape_cast %get3A_286 : vector<1x16xf32> to vector<16xf32>
      %get3A_288 = arith.index_cast %scan3A_62 : i32 to index
      %get3A_289 = arith.constant 160 : index
      %get3A_290 = tpu.vector_load %arg11[%get3A_288, %get3A_289] {strides = array<i32>} : memref<32x1024xf32, #tpu.memory_space<vmem>>, vector<1x16xf32>,
      %get3A_291 = vector.shape_cast %get3A_290 : vector<1x16xf32> to vector<16xf32>
      %mul3A_292 = arith.mulf %get3A_68, %get3A_291 : vector<16xf32>
      %add3A_293 = arith.addf %get3A_287, %mul3A_292 : vector<16xf32>
      %get3A_294 = arith.index_cast %scan3A_62 : i32 to index
      %get3A_295 = arith.constant 160 : index
      %get3A_296 = tpu.vector_load %arg12[%get3A_294, %get3A_295] {strides = array<i32>} : memref<32x1024xf32, #tpu.memory_space<vmem>>, vector<1x16xf32>,
      %get3A_297 = vector.shape_cast %get3A_296 : vector<1x16xf32> to vector<16xf32>
      %mul3A_298 = arith.mulf %get3A_74, %get3A_297 : vector<16xf32>
      %add3A_299 = arith.addf %add3A_293, %mul3A_298 : vector<16xf32>
      %swap3A_300 = arith.index_cast %scan3A_62 : i32 to index
      %swap3A_301 = arith.constant 160 : index
      %swap3A_302 = tpu.vector_load %arg13[%swap3A_300, %swap3A_301] {strides = array<i32>} : memref<32x1024xf32, #tpu.memory_space<vmem>>, vector<1x16xf32>,
      %swap3A_303 = vector.shape_cast %swap3A_302 : vector<1x16xf32> to vector<16xf32>
      %swap3A_304 = vector.shape_cast %add3A_299 : vector<16xf32> to vector<1x16xf32>
      tpu.vector_store %arg13[%swap3A_300, %swap3A_301], %swap3A_304 {strides = array<i32>} : memref<32x1024xf32, #tpu.memory_space<vmem>>, vector<1x16xf32>,
      %get3A_305 = arith.index_cast %scan3A_62 : i32 to index
      %get3A_306 = arith.constant 176 : index
      %get3A_307 = tpu.vector_load %arg13[%get3A_305, %get3A_306] {strides = array<i32>} : memref<32x1024xf32, #tpu.memory_space<vmem>>, vector<1x16xf32>,
      %get3A_308 = vector.shape_cast %get3A_307 : vector<1x16xf32> to vector<16xf32>
      %get3A_309 = arith.index_cast %scan3A_62 : i32 to index
      %get3A_310 = arith.constant 176 : index
      %get3A_311 = tpu.vector_load %arg11[%get3A_309, %get3A_310] {strides = array<i32>} : memref<32x1024xf32, #tpu.memory_space<vmem>>, vector<1x16xf32>,
      %get3A_312 = vector.shape_cast %get3A_311 : vector<1x16xf32> to vector<16xf32>
      %mul3A_313 = arith.mulf %get3A_68, %get3A_312 : vector<16xf32>
      %add3A_314 = arith.addf %get3A_308, %mul3A_313 : vector<16xf32>
      %get3A_315 = arith.index_cast %scan3A_62 : i32 to index
      %get3A_316 = arith.constant 176 : index
      %get3A_317 = tpu.vector_load %arg12[%get3A_315, %get3A_316] {strides = array<i32>} : memref<32x1024xf32, #tpu.memory_space<vmem>>, vector<1x16xf32>,
      %get3A_318 = vector.shape_cast %get3A_317 : vector<1x16xf32> to vector<16xf32>
      %mul3A_319 = arith.mulf %get3A_74, %get3A_318 : vector<16xf32>
      %add3A_320 = arith.addf %add3A_314, %mul3A_319 : vector<16xf32>
      %swap3A_321 = arith.index_cast %scan3A_62 : i32 to index
      %swap3A_322 = arith.constant 176 : index
      %swap3A_323 = tpu.vector_load %arg13[%swap3A_321, %swap3A_322] {strides = array<i32>} : memref<32x1024xf32, #tpu.memory_space<vmem>>, vector<1x16xf32>,
      %swap3A_324 = vector.shape_cast %swap3A_323 : vector<1x16xf32> to vector<16xf32>
      %swap3A_325 = vector.shape_cast %add3A_320 : vector<16xf32> to vector<1x16xf32>
      tpu.vector_store %arg13[%swap3A_321, %swap3A_322], %swap3A_325 {strides = array<i32>} : memref<32x1024xf32, #tpu.memory_space<vmem>>, vector<1x16xf32>,
      %get3A_326 = arith.index_cast %scan3A_62 : i32 to index
      %get3A_327 = arith.constant 192 : index
      %get3A_328 = tpu.vector_load %arg13[%get3A_326, %get3A_327] {strides = array<i32>} : memref<32x1024xf32, #tpu.memory_space<vmem>>, vector<1x16xf32>,
      %get3A_329 = vector.shape_cast %get3A_328 : vector<1x16xf32> to vector<16xf32>
      %get3A_330 = arith.index_cast %scan3A_62 : i32 to index
      %get3A_331 = arith.constant 192 : index
      %get3A_332 = tpu.vector_load %arg11[%get3A_330, %get3A_331] {strides = array<i32>} : memref<32x1024xf32, #tpu.memory_space<vmem>>, vector<1x16xf32>,
      %get3A_333 = vector.shape_cast %get3A_332 : vector<1x16xf32> to vector<16xf32>
      %mul3A_334 = arith.mulf %get3A_68, %get3A_333 : vector<16xf32>
      %add3A_335 = arith.addf %get3A_329, %mul3A_334 : vector<16xf32>
      %get3A_336 = arith.index_cast %scan3A_62 : i32 to index
      %get3A_337 = arith.constant 192 : index
      %get3A_338 = tpu.vector_load %arg12[%get3A_336, %get3A_337] {strides = array<i32>} : memref<32x1024xf32, #tpu.memory_space<vmem>>, vector<1x16xf32>,
      %get3A_339 = vector.shape_cast %get3A_338 : vector<1x16xf32> to vector<16xf32>
      %mul3A_340 = arith.mulf %get3A_74, %get3A_339 : vector<16xf32>
      %add3A_341 = arith.addf %add3A_335, %mul3A_340 : vector<16xf32>
      %swap3A_342 = arith.index_cast %scan3A_62 : i32 to index
      %swap3A_343 = arith.constant 192 : index
      %swap3A_344 = tpu.vector_load %arg13[%swap3A_342, %swap3A_343] {strides = array<i32>} : memref<32x1024xf32, #tpu.memory_space<vmem>>, vector<1x16xf32>,
      %swap3A_345 = vector.shape_cast %swap3A_344 : vector<1x16xf32> to vector<16xf32>
      %swap3A_346 = vector.shape_cast %add3A_341 : vector<16xf32> to vector<1x16xf32>
      tpu.vector_store %arg13[%swap3A_342, %swap3A_343], %swap3A_346 {strides = array<i32>} : memref<32x1024xf32, #tpu.memory_space<vmem>>, vector<1x16xf32>,
      %get3A_347 = arith.index_cast %scan3A_62 : i32 to index
      %get3A_348 = arith.constant 208 : index
      %get3A_349 = tpu.vector_load %arg13[%get3A_347, %get3A_348] {strides = array<i32>} : memref<32x1024xf32, #tpu.memory_space<vmem>>, vector<1x16xf32>,
      %get3A_350 = vector.shape_cast %get3A_349 : vector<1x16xf32> to vector<16xf32>
      %get3A_351 = arith.index_cast %scan3A_62 : i32 to index
      %get3A_352 = arith.constant 208 : index
      %get3A_353 = tpu.vector_load %arg11[%get3A_351, %get3A_352] {strides = array<i32>} : memref<32x1024xf32, #tpu.memory_space<vmem>>, vector<1x16xf32>,
      %get3A_354 = vector.shape_cast %get3A_353 : vector<1x16xf32> to vector<16xf32>
      %mul3A_355 = arith.mulf %get3A_68, %get3A_354 : vector<16xf32>
      %add3A_356 = arith.addf %get3A_350, %mul3A_355 : vector<16xf32>
      %get3A_357 = arith.index_cast %scan3A_62 : i32 to index
      %get3A_358 = arith.constant 208 : index
      %get3A_359 = tpu.vector_load %arg12[%get3A_357, %get3A_358] {strides = array<i32>} : memref<32x1024xf32, #tpu.memory_space<vmem>>, vector<1x16xf32>,
      %get3A_360 = vector.shape_cast %get3A_359 : vector<1x16xf32> to vector<16xf32>
      %mul3A_361 = arith.mulf %get3A_74, %get3A_360 : vector<16xf32>
      %add3A_362 = arith.addf %add3A_356, %mul3A_361 : vector<16xf32>
      %swap3A_363 = arith.index_cast %scan3A_62 : i32 to index
      %swap3A_364 = arith.constant 208 : index
      %swap3A_365 = tpu.vector_load %arg13[%swap3A_363, %swap3A_364] {strides = array<i32>} : memref<32x1024xf32, #tpu.memory_space<vmem>>, vector<1x16xf32>,
      %swap3A_366 = vector.shape_cast %swap3A_365 : vector<1x16xf32> to vector<16xf32>
      %swap3A_367 = vector.shape_cast %add3A_362 : vector<16xf32> to vector<1x16xf32>
      tpu.vector_store %arg13[%swap3A_363, %swap3A_364], %swap3A_367 {strides = array<i32>} : memref<32x1024xf32, #tpu.memory_space<vmem>>, vector<1x16xf32>,
      %get3A_368 = arith.index_cast %scan3A_62 : i32 to index
      %get3A_369 = arith.constant 224 : index
      %get3A_370 = tpu.vector_load %arg13[%get3A_368, %get3A_369] {strides = array<i32>} : memref<32x1024xf32, #tpu.memory_space<vmem>>, vector<1x16xf32>,
      %get3A_371 = vector.shape_cast %get3A_370 : vector<1x16xf32> to vector<16xf32>
      %get3A_372 = arith.index_cast %scan3A_62 : i32 to index
      %get3A_373 = arith.constant 224 : index
      %get3A_374 = tpu.vector_load %arg11[%get3A_372, %get3A_373] {strides = array<i32>} : memref<32x1024xf32, #tpu.memory_space<vmem>>, vector<1x16xf32>,
      %get3A_375 = vector.shape_cast %get3A_374 : vector<1x16xf32> to vector<16xf32>
      %mul3A_376 = arith.mulf %get3A_68, %get3A_375 : vector<16xf32>
      %add3A_377 = arith.addf %get3A_371, %mul3A_376 : vector<16xf32>
      %get3A_378 = arith.index_cast %scan3A_62 : i32 to index
      %get3A_379 = arith.constant 224 : index
      %get3A_380 = tpu.vector_load %arg12[%get3A_378, %get3A_379] {strides = array<i32>} : memref<32x1024xf32, #tpu.memory_space<vmem>>, vector<1x16xf32>,
      %get3A_381 = vector.shape_cast %get3A_380 : vector<1x16xf32> to vector<16xf32>
      %mul3A_382 = arith.mulf %get3A_74, %get3A_381 : vector<16xf32>
      %add3A_383 = arith.addf %add3A_377, %mul3A_382 : vector<16xf32>
      %swap3A_384 = arith.index_cast %scan3A_62 : i32 to index
      %swap3A_385 = arith.constant 224 : index
      %swap3A_386 = tpu.vector_load %arg13[%swap3A_384, %swap3A_385] {strides = array<i32>} : memref<32x1024xf32, #tpu.memory_space<vmem>>, vector<1x16xf32>,
      %swap3A_387 = vector.shape_cast %swap3A_386 : vector<1x16xf32> to vector<16xf32>
      %swap3A_388 = vector.shape_cast %add3A_383 : vector<16xf32> to vector<1x16xf32>
      tpu.vector_store %arg13[%swap3A_384, %swap3A_385], %swap3A_388 {strides = array<i32>} : memref<32x1024xf32, #tpu.memory_space<vmem>>, vector<1x16xf32>,
      %get3A_389 = arith.index_cast %scan3A_62 : i32 to index
      %get3A_390 = arith.constant 240 : index
      %get3A_391 = tpu.vector_load %arg13[%get3A_389, %get3A_390] {strides = array<i32>} : memref<32x1024xf32, #tpu.memory_space<vmem>>, vector<1x16xf32>,
      %get3A_392 = vector.shape_cast %get3A_391 : vector<1x16xf32> to vector<16xf32>
      %get3A_393 = arith.index_cast %scan3A_62 : i32 to index
      %get3A_394 = arith.constant 240 : index
      %get3A_395 = tpu.vector_load %arg11[%get3A_393, %get3A_394] {strides = array<i32>} : memref<32x1024xf32, #tpu.memory_space<vmem>>, vector<1x16xf32>,
      %get3A_396 = vector.shape_cast %get3A_395 : vector<1x16xf32> to vector<16xf32>
      %mul3A_397 = arith.mulf %get3A_68, %get3A_396 : vector<16xf32>
      %add3A_398 = arith.addf %get3A_392, %mul3A_397 : vector<16xf32>
      %get3A_399 = arith.index_cast %scan3A_62 : i32 to index
      %get3A_400 = arith.constant 240 : index
      %get3A_401 = tpu.vector_load %arg12[%get3A_399, %get3A_400] {strides = array<i32>} : memref<32x1024xf32, #tpu.memory_space<vmem>>, vector<1x16xf32>,
      %get3A_402 = vector.shape_cast %get3A_401 : vector<1x16xf32> to vector<16xf32>
      %mul3A_403 = arith.mulf %get3A_74, %get3A_402 : vector<16xf32>
      %add3A_404 = arith.addf %add3A_398, %mul3A_403 : vector<16xf32>
      %swap3A_405 = arith.index_cast %scan3A_62 : i32 to index
      %swap3A_406 = arith.constant 240 : index
      %swap3A_407 = tpu.vector_load %arg13[%swap3A_405, %swap3A_406] {strides = array<i32>} : memref<32x1024xf32, #tpu.memory_space<vmem>>, vector<1x16xf32>,
      %swap3A_408 = vector.shape_cast %swap3A_407 : vector<1x16xf32> to vector<16xf32>
      %swap3A_409 = vector.shape_cast %add3A_404 : vector<16xf32> to vector<1x16xf32>
      tpu.vector_store %arg13[%swap3A_405, %swap3A_406], %swap3A_409 {strides = array<i32>} : memref<32x1024xf32, #tpu.memory_space<vmem>>, vector<1x16xf32>,
      %get3A_410 = arith.index_cast %scan3A_62 : i32 to index
      %get3A_411 = arith.constant 256 : index
      %get3A_412 = tpu.vector_load %arg13[%get3A_410, %get3A_411] {strides = array<i32>} : memref<32x1024xf32, #tpu.memory_space<vmem>>, vector<1x16xf32>,
      %get3A_413 = vector.shape_cast %get3A_412 : vector<1x16xf32> to vector<16xf32>
      %get3A_414 = arith.index_cast %scan3A_62 : i32 to index
      %get3A_415 = arith.constant 256 : index
      %get3A_416 = tpu.vector_load %arg11[%get3A_414, %get3A_415] {strides = array<i32>} : memref<32x1024xf32, #tpu.memory_space<vmem>>, vector<1x16xf32>,
      %get3A_417 = vector.shape_cast %get3A_416 : vector<1x16xf32> to vector<16xf32>
      %mul3A_418 = arith.mulf %get3A_68, %get3A_417 : vector<16xf32>
      %add3A_419 = arith.addf %get3A_413, %mul3A_418 : vector<16xf32>
      %get3A_420 = arith.index_cast %scan3A_62 : i32 to index
      %get3A_421 = arith.constant 256 : index
      %get3A_422 = tpu.vector_load %arg12[%get3A_420, %get3A_421] {strides = array<i32>} : memref<32x1024xf32, #tpu.memory_space<vmem>>, vector<1x16xf32>,
      %get3A_423 = vector.shape_cast %get3A_422 : vector<1x16xf32> to vector<16xf32>
      %mul3A_424 = arith.mulf %get3A_74, %get3A_423 : vector<16xf32>
      %add3A_425 = arith.addf %add3A_419, %mul3A_424 : vector<16xf32>
      %swap3A_426 = arith.index_cast %scan3A_62 : i32 to index
      %swap3A_427 = arith.constant 256 : index
      %swap3A_428 = tpu.vector_load %arg13[%swap3A_426, %swap3A_427] {strides = array<i32>} : memref<32x1024xf32, #tpu.memory_space<vmem>>, vector<1x16xf32>,
      %swap3A_429 = vector.shape_cast %swap3A_428 : vector<1x16xf32> to vector<16xf32>
      %swap3A_430 = vector.shape_cast %add3A_425 : vector<16xf32> to vector<1x16xf32>
      tpu.vector_store %arg13[%swap3A_426, %swap3A_427], %swap3A_430 {strides = array<i32>} : memref<32x1024xf32, #tpu.memory_space<vmem>>, vector<1x16xf32>,
      %get3A_431 = arith.index_cast %scan3A_62 : i32 to index
      %get3A_432 = arith.constant 272 : index
      %get3A_433 = tpu.vector_load %arg13[%get3A_431, %get3A_432] {strides = array<i32>} : memref<32x1024xf32, #tpu.memory_space<vmem>>, vector<1x16xf32>,
      %get3A_434 = vector.shape_cast %get3A_433 : vector<1x16xf32> to vector<16xf32>
      %get3A_435 = arith.index_cast %scan3A_62 : i32 to index
      %get3A_436 = arith.constant 272 : index
      %get3A_437 = tpu.vector_load %arg11[%get3A_435, %get3A_436] {strides = array<i32>} : memref<32x1024xf32, #tpu.memory_space<vmem>>, vector<1x16xf32>,
      %get3A_438 = vector.shape_cast %get3A_437 : vector<1x16xf32> to vector<16xf32>
      %mul3A_439 = arith.mulf %get3A_68, %get3A_438 : vector<16xf32>
      %add3A_440 = arith.addf %get3A_434, %mul3A_439 : vector<16xf32>
      %get3A_441 = arith.index_cast %scan3A_62 : i32 to index
      %get3A_442 = arith.constant 272 : index
      %get3A_443 = tpu.vector_load %arg12[%get3A_441, %get3A_442] {strides = array<i32>} : memref<32x1024xf32, #tpu.memory_space<vmem>>, vector<1x16xf32>,
      %get3A_444 = vector.shape_cast %get3A_443 : vector<1x16xf32> to vector<16xf32>
      %mul3A_445 = arith.mulf %get3A_74, %get3A_444 : vector<16xf32>
      %add3A_446 = arith.addf %add3A_440, %mul3A_445 : vector<16xf32>
      %swap3A_447 = arith.index_cast %scan3A_62 : i32 to index
      %swap3A_448 = arith.constant 272 : index
      %swap3A_449 = tpu.vector_load %arg13[%swap3A_447, %swap3A_448] {strides = array<i32>} : memref<32x1024xf32, #tpu.memory_space<vmem>>, vector<1x16xf32>,
      %swap3A_450 = vector.shape_cast %swap3A_449 : vector<1x16xf32> to vector<16xf32>
      %swap3A_451 = vector.shape_cast %add3A_446 : vector<16xf32> to vector<1x16xf32>
      tpu.vector_store %arg13[%swap3A_447, %swap3A_448], %swap3A_451 {strides = array<i32>} : memref<32x1024xf32, #tpu.memory_space<vmem>>, vector<1x16xf32>,
      %get3A_452 = arith.index_cast %scan3A_62 : i32 to index
      %get3A_453 = arith.constant 288 : index
      %get3A_454 = tpu.vector_load %arg13[%get3A_452, %get3A_453] {strides = array<i32>} : memref<32x1024xf32, #tpu.memory_space<vmem>>, vector<1x16xf32>,
      %get3A_455 = vector.shape_cast %get3A_454 : vector<1x16xf32> to vector<16xf32>
      %get3A_456 = arith.index_cast %scan3A_62 : i32 to index
      %get3A_457 = arith.constant 288 : index
      %get3A_458 = tpu.vector_load %arg11[%get3A_456, %get3A_457] {strides = array<i32>} : memref<32x1024xf32, #tpu.memory_space<vmem>>, vector<1x16xf32>,
      %get3A_459 = vector.shape_cast %get3A_458 : vector<1x16xf32> to vector<16xf32>
      %mul3A_460 = arith.mulf %get3A_68, %get3A_459 : vector<16xf32>
      %add3A_461 = arith.addf %get3A_455, %mul3A_460 : vector<16xf32>
      %get3A_462 = arith.index_cast %scan3A_62 : i32 to index
      %get3A_463 = arith.constant 288 : index
      %get3A_464 = tpu.vector_load %arg12[%get3A_462, %get3A_463] {strides = array<i32>} : memref<32x1024xf32, #tpu.memory_space<vmem>>, vector<1x16xf32>,
      %get3A_465 = vector.shape_cast %get3A_464 : vector<1x16xf32> to vector<16xf32>
      %mul3A_466 = arith.mulf %get3A_74, %get3A_465 : vector<16xf32>
      %add3A_467 = arith.addf %add3A_461, %mul3A_466 : vector<16xf32>
      %swap3A_468 = arith.index_cast %scan3A_62 : i32 to index
      %swap3A_469 = arith.constant 288 : index
      %swap3A_470 = tpu.vector_load %arg13[%swap3A_468, %swap3A_469] {strides = array<i32>} : memref<32x1024xf32, #tpu.memory_space<vmem>>, vector<1x16xf32>,
      %swap3A_471 = vector.shape_cast %swap3A_470 : vector<1x16xf32> to vector<16xf32>
      %swap3A_472 = vector.shape_cast %add3A_467 : vector<16xf32> to vector<1x16xf32>
      tpu.vector_store %arg13[%swap3A_468, %swap3A_469], %swap3A_472 {strides = array<i32>} : memref<32x1024xf32, #tpu.memory_space<vmem>>, vector<1x16xf32>,
      %get3A_473 = arith.index_cast %scan3A_62 : i32 to index
      %get3A_474 = arith.constant 304 : index
      %get3A_475 = tpu.vector_load %arg13[%get3A_473, %get3A_474] {strides = array<i32>} : memref<32x1024xf32, #tpu.memory_space<vmem>>, vector<1x16xf32>,
      %get3A_476 = vector.shape_cast %get3A_475 : vector<1x16xf32> to vector<16xf32>
      %get3A_477 = arith.index_cast %scan3A_62 : i32 to index
      %get3A_478 = arith.constant 304 : index
      %get3A_479 = tpu.vector_load %arg11[%get3A_477, %get3A_478] {strides = array<i32>} : memref<32x1024xf32, #tpu.memory_space<vmem>>, vector<1x16xf32>,
      %get3A_480 = vector.shape_cast %get3A_479 : vector<1x16xf32> to vector<16xf32>
      %mul3A_481 = arith.mulf %get3A_68, %get3A_480 : vector<16xf32>
      %add3A_482 = arith.addf %get3A_476, %mul3A_481 : vector<16xf32>
      %get3A_483 = arith.index_cast %scan3A_62 : i32 to index
      %get3A_484 = arith.constant 304 : index
      %get3A_485 = tpu.vector_load %arg12[%get3A_483, %get3A_484] {strides = array<i32>} : memref<32x1024xf32, #tpu.memory_space<vmem>>, vector<1x16xf32>,
      %get3A_486 = vector.shape_cast %get3A_485 : vector<1x16xf32> to vector<16xf32>
      %mul3A_487 = arith.mulf %get3A_74, %get3A_486 : vector<16xf32>
      %add3A_488 = arith.addf %add3A_482, %mul3A_487 : vector<16xf32>
      %swap3A_489 = arith.index_cast %scan3A_62 : i32 to index
      %swap3A_490 = arith.constant 304 : index
      %swap3A_491 = tpu.vector_load %arg13[%swap3A_489, %swap3A_490] {strides = array<i32>} : memref<32x1024xf32, #tpu.memory_space<vmem>>, vector<1x16xf32>,
      %swap3A_492 = vector.shape_cast %swap3A_491 : vector<1x16xf32> to vector<16xf32>
      %swap3A_493 = vector.shape_cast %add3A_488 : vector<16xf32> to vector<1x16xf32>
      tpu.vector_store %arg13[%swap3A_489, %swap3A_490], %swap3A_493 {strides = array<i32>} : memref<32x1024xf32, #tpu.memory_space<vmem>>, vector<1x16xf32>,
      %get3A_494 = arith.index_cast %scan3A_62 : i32 to index
      %get3A_495 = arith.constant 320 : index
      %get3A_496 = tpu.vector_load %arg13[%get3A_494, %get3A_495] {strides = array<i32>} : memref<32x1024xf32, #tpu.memory_space<vmem>>, vector<1x16xf32>,
      %get3A_497 = vector.shape_cast %get3A_496 : vector<1x16xf32> to vector<16xf32>
      %get3A_498 = arith.index_cast %scan3A_62 : i32 to index
      %get3A_499 = arith.constant 320 : index
      %get3A_500 = tpu.vector_load %arg11[%get3A_498, %get3A_499] {strides = array<i32>} : memref<32x1024xf32, #tpu.memory_space<vmem>>, vector<1x16xf32>,
      %get3A_501 = vector.shape_cast %get3A_500 : vector<1x16xf32> to vector<16xf32>
      %mul3A_502 = arith.mulf %get3A_68, %get3A_501 : vector<16xf32>
      %add3A_503 = arith.addf %get3A_497, %mul3A_502 : vector<16xf32>
      %get3A_504 = arith.index_cast %scan3A_62 : i32 to index
      %get3A_505 = arith.constant 320 : index
      %get3A_506 = tpu.vector_load %arg12[%get3A_504, %get3A_505] {strides = array<i32>} : memref<32x1024xf32, #tpu.memory_space<vmem>>, vector<1x16xf32>,
      %get3A_507 = vector.shape_cast %get3A_506 : vector<1x16xf32> to vector<16xf32>
      %mul3A_508 = arith.mulf %get3A_74, %get3A_507 : vector<16xf32>
      %add3A_509 = arith.addf %add3A_503, %mul3A_508 : vector<16xf32>
      %swap3A_510 = arith.index_cast %scan3A_62 : i32 to index
      %swap3A_511 = arith.constant 320 : index
      %swap3A_512 = tpu.vector_load %arg13[%swap3A_510, %swap3A_511] {strides = array<i32>} : memref<32x1024xf32, #tpu.memory_space<vmem>>, vector<1x16xf32>,
      %swap3A_513 = vector.shape_cast %swap3A_512 : vector<1x16xf32> to vector<16xf32>
      %swap3A_514 = vector.shape_cast %add3A_509 : vector<16xf32> to vector<1x16xf32>
      tpu.vector_store %arg13[%swap3A_510, %swap3A_511], %swap3A_514 {strides = array<i32>} : memref<32x1024xf32, #tpu.memory_space<vmem>>, vector<1x16xf32>,
      %get3A_515 = arith.index_cast %scan3A_62 : i32 to index
      %get3A_516 = arith.constant 336 : index
      %get3A_517 = tpu.vector_load %arg13[%get3A_515, %get3A_516] {strides = array<i32>} : memref<32x1024xf32, #tpu.memory_space<vmem>>, vector<1x16xf32>,
      %get3A_518 = vector.shape_cast %get3A_517 : vector<1x16xf32> to vector<16xf32>
      %get3A_519 = arith.index_cast %scan3A_62 : i32 to index
      %get3A_520 = arith.constant 336 : index
      %get3A_521 = tpu.vector_load %arg11[%get3A_519, %get3A_520] {strides = array<i32>} : memref<32x1024xf32, #tpu.memory_space<vmem>>, vector<1x16xf32>,
      %get3A_522 = vector.shape_cast %get3A_521 : vector<1x16xf32> to vector<16xf32>
      %mul3A_523 = arith.mulf %get3A_68, %get3A_522 : vector<16xf32>
      %add3A_524 = arith.addf %get3A_518, %mul3A_523 : vector<16xf32>
      %get3A_525 = arith.index_cast %scan3A_62 : i32 to index
      %get3A_526 = arith.constant 336 : index
      %get3A_527 = tpu.vector_load %arg12[%get3A_525, %get3A_526] {strides = array<i32>} : memref<32x1024xf32, #tpu.memory_space<vmem>>, vector<1x16xf32>,
      %get3A_528 = vector.shape_cast %get3A_527 : vector<1x16xf32> to vector<16xf32>
      %mul3A_529 = arith.mulf %get3A_74, %get3A_528 : vector<16xf32>
      %add3A_530 = arith.addf %add3A_524, %mul3A_529 : vector<16xf32>
      %swap3A_531 = arith.index_cast %scan3A_62 : i32 to index
      %swap3A_532 = arith.constant 336 : index
      %swap3A_533 = tpu.vector_load %arg13[%swap3A_531, %swap3A_532] {strides = array<i32>} : memref<32x1024xf32, #tpu.memory_space<vmem>>, vector<1x16xf32>,
      %swap3A_534 = vector.shape_cast %swap3A_533 : vector<1x16xf32> to vector<16xf32>
      %swap3A_535 = vector.shape_cast %add3A_530 : vector<16xf32> to vector<1x16xf32>
      tpu.vector_store %arg13[%swap3A_531, %swap3A_532], %swap3A_535 {strides = array<i32>} : memref<32x1024xf32, #tpu.memory_space<vmem>>, vector<1x16xf32>,
      %get3A_536 = arith.index_cast %scan3A_62 : i32 to index
      %get3A_537 = arith.constant 352 : index
      %get3A_538 = tpu.vector_load %arg13[%get3A_536, %get3A_537] {strides = array<i32>} : memref<32x1024xf32, #tpu.memory_space<vmem>>, vector<1x16xf32>,
      %get3A_539 = vector.shape_cast %get3A_538 : vector<1x16xf32> to vector<16xf32>
      %get3A_540 = arith.index_cast %scan3A_62 : i32 to index
      %get3A_541 = arith.constant 352 : index
      %get3A_542 = tpu.vector_load %arg11[%get3A_540, %get3A_541] {strides = array<i32>} : memref<32x1024xf32, #tpu.memory_space<vmem>>, vector<1x16xf32>,
      %get3A_543 = vector.shape_cast %get3A_542 : vector<1x16xf32> to vector<16xf32>
      %mul3A_544 = arith.mulf %get3A_68, %get3A_543 : vector<16xf32>
      %add3A_545 = arith.addf %get3A_539, %mul3A_544 : vector<16xf32>
      %get3A_546 = arith.index_cast %scan3A_62 : i32 to index
      %get3A_547 = arith.constant 352 : index
      %get3A_548 = tpu.vector_load %arg12[%get3A_546, %get3A_547] {strides = array<i32>} : memref<32x1024xf32, #tpu.memory_space<vmem>>, vector<1x16xf32>,
      %get3A_549 = vector.shape_cast %get3A_548 : vector<1x16xf32> to vector<16xf32>
      %mul3A_550 = arith.mulf %get3A_74, %get3A_549 : vector<16xf32>
      %add3A_551 = arith.addf %add3A_545, %mul3A_550 : vector<16xf32>
      %swap3A_552 = arith.index_cast %scan3A_62 : i32 to index
      %swap3A_553 = arith.constant 352 : index
      %swap3A_554 = tpu.vector_load %arg13[%swap3A_552, %swap3A_553] {strides = array<i32>} : memref<32x1024xf32, #tpu.memory_space<vmem>>, vector<1x16xf32>,
      %swap3A_555 = vector.shape_cast %swap3A_554 : vector<1x16xf32> to vector<16xf32>
      %swap3A_556 = vector.shape_cast %add3A_551 : vector<16xf32> to vector<1x16xf32>
      tpu.vector_store %arg13[%swap3A_552, %swap3A_553], %swap3A_556 {strides = array<i32>} : memref<32x1024xf32, #tpu.memory_space<vmem>>, vector<1x16xf32>,
      %get3A_557 = arith.index_cast %scan3A_62 : i32 to index
      %get3A_558 = arith.constant 368 : index
      %get3A_559 = tpu.vector_load %arg13[%get3A_557, %get3A_558] {strides = array<i32>} : memref<32x1024xf32, #tpu.memory_space<vmem>>, vector<1x16xf32>,
      %get3A_560 = vector.shape_cast %get3A_559 : vector<1x16xf32> to vector<16xf32>
      %get3A_561 = arith.index_cast %scan3A_62 : i32 to index
      %get3A_562 = arith.constant 368 : index
      %get3A_563 = tpu.vector_load %arg11[%get3A_561, %get3A_562] {strides = array<i32>} : memref<32x1024xf32, #tpu.memory_space<vmem>>, vector<1x16xf32>,
      %get3A_564 = vector.shape_cast %get3A_563 : vector<1x16xf32> to vector<16xf32>
      %mul3A_565 = arith.mulf %get3A_68, %get3A_564 : vector<16xf32>
      %add3A_566 = arith.addf %get3A_560, %mul3A_565 : vector<16xf32>
      %get3A_567 = arith.index_cast %scan3A_62 : i32 to index
      %get3A_568 = arith.constant 368 : index
      %get3A_569 = tpu.vector_load %arg12[%get3A_567, %get3A_568] {strides = array<i32>} : memref<32x1024xf32, #tpu.memory_space<vmem>>, vector<1x16xf32>,
      %get3A_570 = vector.shape_cast %get3A_569 : vector<1x16xf32> to vector<16xf32>
      %mul3A_571 = arith.mulf %get3A_74, %get3A_570 : vector<16xf32>
      %add3A_572 = arith.addf %add3A_566, %mul3A_571 : vector<16xf32>
      %swap3A_573 = arith.index_cast %scan3A_62 : i32 to index
      %swap3A_574 = arith.constant 368 : index
      %swap3A_575 = tpu.vector_load %arg13[%swap3A_573, %swap3A_574] {strides = array<i32>} : memref<32x1024xf32, #tpu.memory_space<vmem>>, vector<1x16xf32>,
      %swap3A_576 = vector.shape_cast %swap3A_575 : vector<1x16xf32> to vector<16xf32>
      %swap3A_577 = vector.shape_cast %add3A_572 : vector<16xf32> to vector<1x16xf32>
      tpu.vector_store %arg13[%swap3A_573, %swap3A_574], %swap3A_577 {strides = array<i32>} : memref<32x1024xf32, #tpu.memory_space<vmem>>, vector<1x16xf32>,
      %get3A_578 = arith.index_cast %scan3A_62 : i32 to index
      %get3A_579 = arith.constant 384 : index
      %get3A_580 = tpu.vector_load %arg13[%get3A_578, %get3A_579] {strides = array<i32>} : memref<32x1024xf32, #tpu.memory_space<vmem>>, vector<1x16xf32>,
      %get3A_581 = vector.shape_cast %get3A_580 : vector<1x16xf32> to vector<16xf32>
      %get3A_582 = arith.index_cast %scan3A_62 : i32 to index
      %get3A_583 = arith.constant 384 : index
      %get3A_584 = tpu.vector_load %arg11[%get3A_582, %get3A_583] {strides = array<i32>} : memref<32x1024xf32, #tpu.memory_space<vmem>>, vector<1x16xf32>,
      %get3A_585 = vector.shape_cast %get3A_584 : vector<1x16xf32> to vector<16xf32>
      %mul3A_586 = arith.mulf %get3A_68, %get3A_585 : vector<16xf32>
      %add3A_587 = arith.addf %get3A_581, %mul3A_586 : vector<16xf32>
      %get3A_588 = arith.index_cast %scan3A_62 : i32 to index
      %get3A_589 = arith.constant 384 : index
      %get3A_590 = tpu.vector_load %arg12[%get3A_588, %get3A_589] {strides = array<i32>} : memref<32x1024xf32, #tpu.memory_space<vmem>>, vector<1x16xf32>,
      %get3A_591 = vector.shape_cast %get3A_590 : vector<1x16xf32> to vector<16xf32>
      %mul3A_592 = arith.mulf %get3A_74, %get3A_591 : vector<16xf32>
      %add3A_593 = arith.addf %add3A_587, %mul3A_592 : vector<16xf32>
      %swap3A_594 = arith.index_cast %scan3A_62 : i32 to index
      %swap3A_595 = arith.constant 384 : index
      %swap3A_596 = tpu.vector_load %arg13[%swap3A_594, %swap3A_595] {strides = array<i32>} : memref<32x1024xf32, #tpu.memory_space<vmem>>, vector<1x16xf32>,
      %swap3A_597 = vector.shape_cast %swap3A_596 : vector<1x16xf32> to vector<16xf32>
      %swap3A_598 = vector.shape_cast %add3A_593 : vector<16xf32> to vector<1x16xf32>
      tpu.vector_store %arg13[%swap3A_594, %swap3A_595], %swap3A_598 {strides = array<i32>} : memref<32x1024xf32, #tpu.memory_space<vmem>>, vector<1x16xf32>,
      %get3A_599 = arith.index_cast %scan3A_62 : i32 to index
      %get3A_600 = arith.constant 400 : index
      %get3A_601 = tpu.vector_load %arg13[%get3A_599, %get3A_600] {strides = array<i32>} : memref<32x1024xf32, #tpu.memory_space<vmem>>, vector<1x16xf32>,
      %get3A_602 = vector.shape_cast %get3A_601 : vector<1x16xf32> to vector<16xf32>
      %get3A_603 = arith.index_cast %scan3A_62 : i32 to index
      %get3A_604 = arith.constant 400 : index
      %get3A_605 = tpu.vector_load %arg11[%get3A_603, %get3A_604] {strides = array<i32>} : memref<32x1024xf32, #tpu.memory_space<vmem>>, vector<1x16xf32>,
      %get3A_606 = vector.shape_cast %get3A_605 : vector<1x16xf32> to vector<16xf32>
      %mul3A_607 = arith.mulf %get3A_68, %get3A_606 : vector<16xf32>
      %add3A_608 = arith.addf %get3A_602, %mul3A_607 : vector<16xf32>
      %get3A_609 = arith.index_cast %scan3A_62 : i32 to index
      %get3A_610 = arith.constant 400 : index
      %get3A_611 = tpu.vector_load %arg12[%get3A_609, %get3A_610] {strides = array<i32>} : memref<32x1024xf32, #tpu.memory_space<vmem>>, vector<1x16xf32>,
      %get3A_612 = vector.shape_cast %get3A_611 : vector<1x16xf32> to vector<16xf32>
      %mul3A_613 = arith.mulf %get3A_74, %get3A_612 : vector<16xf32>
      %add3A_614 = arith.addf %add3A_608, %mul3A_613 : vector<16xf32>
      %swap3A_615 = arith.index_cast %scan3A_62 : i32 to index
      %swap3A_616 = arith.constant 400 : index
      %swap3A_617 = tpu.vector_load %arg13[%swap3A_615, %swap3A_616] {strides = array<i32>} : memref<32x1024xf32, #tpu.memory_space<vmem>>, vector<1x16xf32>,
      %swap3A_618 = vector.shape_cast %swap3A_617 : vector<1x16xf32> to vector<16xf32>
      %swap3A_619 = vector.shape_cast %add3A_614 : vector<16xf32> to vector<1x16xf32>
      tpu.vector_store %arg13[%swap3A_615, %swap3A_616], %swap3A_619 {strides = array<i32>} : memref<32x1024xf32, #tpu.memory_space<vmem>>, vector<1x16xf32>,
      %get3A_620 = arith.index_cast %scan3A_62 : i32 to index
      %get3A_621 = arith.constant 416 : index
      %get3A_622 = tpu.vector_load %arg13[%get3A_620, %get3A_621] {strides = array<i32>} : memref<32x1024xf32, #tpu.memory_space<vmem>>, vector<1x16xf32>,
      %get3A_623 = vector.shape_cast %get3A_622 : vector<1x16xf32> to vector<16xf32>
      %get3A_624 = arith.index_cast %scan3A_62 : i32 to index
      %get3A_625 = arith.constant 416 : index
      %get3A_626 = tpu.vector_load %arg11[%get3A_624, %get3A_625] {strides = array<i32>} : memref<32x1024xf32, #tpu.memory_space<vmem>>, vector<1x16xf32>,
      %get3A_627 = vector.shape_cast %get3A_626 : vector<1x16xf32> to vector<16xf32>
      %mul3A_628 = arith.mulf %get3A_68, %get3A_627 : vector<16xf32>
      %add3A_629 = arith.addf %get3A_623, %mul3A_628 : vector<16xf32>
      %get3A_630 = arith.index_cast %scan3A_62 : i32 to index
      %get3A_631 = arith.constant 416 : index
      %get3A_632 = tpu.vector_load %arg12[%get3A_630, %get3A_631] {strides = array<i32>} : memref<32x1024xf32, #tpu.memory_space<vmem>>, vector<1x16xf32>,
      %get3A_633 = vector.shape_cast %get3A_632 : vector<1x16xf32> to vector<16xf32>
      %mul3A_634 = arith.mulf %get3A_74, %get3A_633 : vector<16xf32>
      %add3A_635 = arith.addf %add3A_629, %mul3A_634 : vector<16xf32>
      %swap3A_636 = arith.index_cast %scan3A_62 : i32 to index
      %swap3A_637 = arith.constant 416 : index
      %swap3A_638 = tpu.vector_load %arg13[%swap3A_636, %swap3A_637] {strides = array<i32>} : memref<32x1024xf32, #tpu.memory_space<vmem>>, vector<1x16xf32>,
      %swap3A_639 = vector.shape_cast %swap3A_638 : vector<1x16xf32> to vector<16xf32>
      %swap3A_640 = vector.shape_cast %add3A_635 : vector<16xf32> to vector<1x16xf32>
      tpu.vector_store %arg13[%swap3A_636, %swap3A_637], %swap3A_640 {strides = array<i32>} : memref<32x1024xf32, #tpu.memory_space<vmem>>, vector<1x16xf32>,
      %get3A_641 = arith.index_cast %scan3A_62 : i32 to index
      %get3A_642 = arith.constant 432 : index
      %get3A_643 = tpu.vector_load %arg13[%get3A_641, %get3A_642] {strides = array<i32>} : memref<32x1024xf32, #tpu.memory_space<vmem>>, vector<1x16xf32>,
      %get3A_644 = vector.shape_cast %get3A_643 : vector<1x16xf32> to vector<16xf32>
      %get3A_645 = arith.index_cast %scan3A_62 : i32 to index
      %get3A_646 = arith.constant 432 : index
      %get3A_647 = tpu.vector_load %arg11[%get3A_645, %get3A_646] {strides = array<i32>} : memref<32x1024xf32, #tpu.memory_space<vmem>>, vector<1x16xf32>,
      %get3A_648 = vector.shape_cast %get3A_647 : vector<1x16xf32> to vector<16xf32>
      %mul3A_649 = arith.mulf %get3A_68, %get3A_648 : vector<16xf32>
      %add3A_650 = arith.addf %get3A_644, %mul3A_649 : vector<16xf32>
      %get3A_651 = arith.index_cast %scan3A_62 : i32 to index
      %get3A_652 = arith.constant 432 : index
      %get3A_653 = tpu.vector_load %arg12[%get3A_651, %get3A_652] {strides = array<i32>} : memref<32x1024xf32, #tpu.memory_space<vmem>>, vector<1x16xf32>,
      %get3A_654 = vector.shape_cast %get3A_653 : vector<1x16xf32> to vector<16xf32>
      %mul3A_655 = arith.mulf %get3A_74, %get3A_654 : vector<16xf32>
      %add3A_656 = arith.addf %add3A_650, %mul3A_655 : vector<16xf32>
      %swap3A_657 = arith.index_cast %scan3A_62 : i32 to index
      %swap3A_658 = arith.constant 432 : index
      %swap3A_659 = tpu.vector_load %arg13[%swap3A_657, %swap3A_658] {strides = array<i32>} : memref<32x1024xf32, #tpu.memory_space<vmem>>, vector<1x16xf32>,
      %swap3A_660 = vector.shape_cast %swap3A_659 : vector<1x16xf32> to vector<16xf32>
      %swap3A_661 = vector.shape_cast %add3A_656 : vector<16xf32> to vector<1x16xf32>
      tpu.vector_store %arg13[%swap3A_657, %swap3A_658], %swap3A_661 {strides = array<i32>} : memref<32x1024xf32, #tpu.memory_space<vmem>>, vector<1x16xf32>,
      %get3A_662 = arith.index_cast %scan3A_62 : i32 to index
      %get3A_663 = arith.constant 448 : index
      %get3A_664 = tpu.vector_load %arg13[%get3A_662, %get3A_663] {strides = array<i32>} : memref<32x1024xf32, #tpu.memory_space<vmem>>, vector<1x16xf32>,
      %get3A_665 = vector.shape_cast %get3A_664 : vector<1x16xf32> to vector<16xf32>
      %get3A_666 = arith.index_cast %scan3A_62 : i32 to index
      %get3A_667 = arith.constant 448 : index
      %get3A_668 = tpu.vector_load %arg11[%get3A_666, %get3A_667] {strides = array<i32>} : memref<32x1024xf32, #tpu.memory_space<vmem>>, vector<1x16xf32>,
      %get3A_669 = vector.shape_cast %get3A_668 : vector<1x16xf32> to vector<16xf32>
      %mul3A_670 = arith.mulf %get3A_68, %get3A_669 : vector<16xf32>
      %add3A_671 = arith.addf %get3A_665, %mul3A_670 : vector<16xf32>
      %get3A_672 = arith.index_cast %scan3A_62 : i32 to index
      %get3A_673 = arith.constant 448 : index
      %get3A_674 = tpu.vector_load %arg12[%get3A_672, %get3A_673] {strides = array<i32>} : memref<32x1024xf32, #tpu.memory_space<vmem>>, vector<1x16xf32>,
      %get3A_675 = vector.shape_cast %get3A_674 : vector<1x16xf32> to vector<16xf32>
      %mul3A_676 = arith.mulf %get3A_74, %get3A_675 : vector<16xf32>
      %add3A_677 = arith.addf %add3A_671, %mul3A_676 : vector<16xf32>
      %swap3A_678 = arith.index_cast %scan3A_62 : i32 to index
      %swap3A_679 = arith.constant 448 : index
      %swap3A_680 = tpu.vector_load %arg13[%swap3A_678, %swap3A_679] {strides = array<i32>} : memref<32x1024xf32, #tpu.memory_space<vmem>>, vector<1x16xf32>,
      %swap3A_681 = vector.shape_cast %swap3A_680 : vector<1x16xf32> to vector<16xf32>
      %swap3A_682 = vector.shape_cast %add3A_677 : vector<16xf32> to vector<1x16xf32>
      tpu.vector_store %arg13[%swap3A_678, %swap3A_679], %swap3A_682 {strides = array<i32>} : memref<32x1024xf32, #tpu.memory_space<vmem>>, vector<1x16xf32>,
      %get3A_683 = arith.index_cast %scan3A_62 : i32 to index
      %get3A_684 = arith.constant 464 : index
      %get3A_685 = tpu.vector_load %arg13[%get3A_683, %get3A_684] {strides = array<i32>} : memref<32x1024xf32, #tpu.memory_space<vmem>>, vector<1x16xf32>,
      %get3A_686 = vector.shape_cast %get3A_685 : vector<1x16xf32> to vector<16xf32>
      %get3A_687 = arith.index_cast %scan3A_62 : i32 to index
      %get3A_688 = arith.constant 464 : index
      %get3A_689 = tpu.vector_load %arg11[%get3A_687, %get3A_688] {strides = array<i32>} : memref<32x1024xf32, #tpu.memory_space<vmem>>, vector<1x16xf32>,
      %get3A_690 = vector.shape_cast %get3A_689 : vector<1x16xf32> to vector<16xf32>
      %mul3A_691 = arith.mulf %get3A_68, %get3A_690 : vector<16xf32>
      %add3A_692 = arith.addf %get3A_686, %mul3A_691 : vector<16xf32>
      %get3A_693 = arith.index_cast %scan3A_62 : i32 to index
      %get3A_694 = arith.constant 464 : index
      %get3A_695 = tpu.vector_load %arg12[%get3A_693, %get3A_694] {strides = array<i32>} : memref<32x1024xf32, #tpu.memory_space<vmem>>, vector<1x16xf32>,
      %get3A_696 = vector.shape_cast %get3A_695 : vector<1x16xf32> to vector<16xf32>
      %mul3A_697 = arith.mulf %get3A_74, %get3A_696 : vector<16xf32>
      %add3A_698 = arith.addf %add3A_692, %mul3A_697 : vector<16xf32>
      %swap3A_699 = arith.index_cast %scan3A_62 : i32 to index
      %swap3A_700 = arith.constant 464 : index
      %swap3A_701 = tpu.vector_load %arg13[%swap3A_699, %swap3A_700] {strides = array<i32>} : memref<32x1024xf32, #tpu.memory_space<vmem>>, vector<1x16xf32>,
      %swap3A_702 = vector.shape_cast %swap3A_701 : vector<1x16xf32> to vector<16xf32>
      %swap3A_703 = vector.shape_cast %add3A_698 : vector<16xf32> to vector<1x16xf32>
      tpu.vector_store %arg13[%swap3A_699, %swap3A_700], %swap3A_703 {strides = array<i32>} : memref<32x1024xf32, #tpu.memory_space<vmem>>, vector<1x16xf32>,
      %get3A_704 = arith.index_cast %scan3A_62 : i32 to index
      %get3A_705 = arith.constant 480 : index
      %get3A_706 = tpu.vector_load %arg13[%get3A_704, %get3A_705] {strides = array<i32>} : memref<32x1024xf32, #tpu.memory_space<vmem>>, vector<1x16xf32>,
      %get3A_707 = vector.shape_cast %get3A_706 : vector<1x16xf32> to vector<16xf32>
      %get3A_708 = arith.index_cast %scan3A_62 : i32 to index
      %get3A_709 = arith.constant 480 : index
      %get3A_710 = tpu.vector_load %arg11[%get3A_708, %get3A_709] {strides = array<i32>} : memref<32x1024xf32, #tpu.memory_space<vmem>>, vector<1x16xf32>,
      %get3A_711 = vector.shape_cast %get3A_710 : vector<1x16xf32> to vector<16xf32>
      %mul3A_712 = arith.mulf %get3A_68, %get3A_711 : vector<16xf32>
      %add3A_713 = arith.addf %get3A_707, %mul3A_712 : vector<16xf32>
      %get3A_714 = arith.index_cast %scan3A_62 : i32 to index
      %get3A_715 = arith.constant 480 : index
      %get3A_716 = tpu.vector_load %arg12[%get3A_714, %get3A_715] {strides = array<i32>} : memref<32x1024xf32, #tpu.memory_space<vmem>>, vector<1x16xf32>,
      %get3A_717 = vector.shape_cast %get3A_716 : vector<1x16xf32> to vector<16xf32>
      %mul3A_718 = arith.mulf %get3A_74, %get3A_717 : vector<16xf32>
      %add3A_719 = arith.addf %add3A_713, %mul3A_718 : vector<16xf32>
      %swap3A_720 = arith.index_cast %scan3A_62 : i32 to index
      %swap3A_721 = arith.constant 480 : index
      %swap3A_722 = tpu.vector_load %arg13[%swap3A_720, %swap3A_721] {strides = array<i32>} : memref<32x1024xf32, #tpu.memory_space<vmem>>, vector<1x16xf32>,
      %swap3A_723 = vector.shape_cast %swap3A_722 : vector<1x16xf32> to vector<16xf32>
      %swap3A_724 = vector.shape_cast %add3A_719 : vector<16xf32> to vector<1x16xf32>
      tpu.vector_store %arg13[%swap3A_720, %swap3A_721], %swap3A_724 {strides = array<i32>} : memref<32x1024xf32, #tpu.memory_space<vmem>>, vector<1x16xf32>,
      %get3A_725 = arith.index_cast %scan3A_62 : i32 to index
      %get3A_726 = arith.constant 496 : index
      %get3A_727 = tpu.vector_load %arg13[%get3A_725, %get3A_726] {strides = array<i32>} : memref<32x1024xf32, #tpu.memory_space<vmem>>, vector<1x16xf32>,
      %get3A_728 = vector.shape_cast %get3A_727 : vector<1x16xf32> to vector<16xf32>
      %get3A_729 = arith.index_cast %scan3A_62 : i32 to index
      %get3A_730 = arith.constant 496 : index
      %get3A_731 = tpu.vector_load %arg11[%get3A_729, %get3A_730] {strides = array<i32>} : memref<32x1024xf32, #tpu.memory_space<vmem>>, vector<1x16xf32>,
      %get3A_732 = vector.shape_cast %get3A_731 : vector<1x16xf32> to vector<16xf32>
      %mul3A_733 = arith.mulf %get3A_68, %get3A_732 : vector<16xf32>
      %add3A_734 = arith.addf %get3A_728, %mul3A_733 : vector<16xf32>
      %get3A_735 = arith.index_cast %scan3A_62 : i32 to index
      %get3A_736 = arith.constant 496 : index
      %get3A_737 = tpu.vector_load %arg12[%get3A_735, %get3A_736] {strides = array<i32>} : memref<32x1024xf32, #tpu.memory_space<vmem>>, vector<1x16xf32>,
      %get3A_738 = vector.shape_cast %get3A_737 : vector<1x16xf32> to vector<16xf32>
      %mul3A_739 = arith.mulf %get3A_74, %get3A_738 : vector<16xf32>
      %add3A_740 = arith.addf %add3A_734, %mul3A_739 : vector<16xf32>
      %swap3A_741 = arith.index_cast %scan3A_62 : i32 to index
      %swap3A_742 = arith.constant 496 : index
      %swap3A_743 = tpu.vector_load %arg13[%swap3A_741, %swap3A_742] {strides = array<i32>} : memref<32x1024xf32, #tpu.memory_space<vmem>>, vector<1x16xf32>,
      %swap3A_744 = vector.shape_cast %swap3A_743 : vector<1x16xf32> to vector<16xf32>
      %swap3A_745 = vector.shape_cast %add3A_740 : vector<16xf32> to vector<1x16xf32>
      tpu.vector_store %arg13[%swap3A_741, %swap3A_742], %swap3A_745 {strides = array<i32>} : memref<32x1024xf32, #tpu.memory_space<vmem>>, vector<1x16xf32>,
      %get3A_746 = arith.index_cast %scan3A_62 : i32 to index
      %get3A_747 = arith.constant 512 : index
      %get3A_748 = tpu.vector_load %arg13[%get3A_746, %get3A_747] {strides = array<i32>} : memref<32x1024xf32, #tpu.memory_space<vmem>>, vector<1x16xf32>,
      %get3A_749 = vector.shape_cast %get3A_748 : vector<1x16xf32> to vector<16xf32>
      %get3A_750 = arith.index_cast %scan3A_62 : i32 to index
      %get3A_751 = arith.constant 512 : index
      %get3A_752 = tpu.vector_load %arg11[%get3A_750, %get3A_751] {strides = array<i32>} : memref<32x1024xf32, #tpu.memory_space<vmem>>, vector<1x16xf32>,
      %get3A_753 = vector.shape_cast %get3A_752 : vector<1x16xf32> to vector<16xf32>
      %mul3A_754 = arith.mulf %get3A_68, %get3A_753 : vector<16xf32>
      %add3A_755 = arith.addf %get3A_749, %mul3A_754 : vector<16xf32>
      %get3A_756 = arith.index_cast %scan3A_62 : i32 to index
      %get3A_757 = arith.constant 512 : index
      %get3A_758 = tpu.vector_load %arg12[%get3A_756, %get3A_757] {strides = array<i32>} : memref<32x1024xf32, #tpu.memory_space<vmem>>, vector<1x16xf32>,
      %get3A_759 = vector.shape_cast %get3A_758 : vector<1x16xf32> to vector<16xf32>
      %mul3A_760 = arith.mulf %get3A_74, %get3A_759 : vector<16xf32>
      %add3A_761 = arith.addf %add3A_755, %mul3A_760 : vector<16xf32>
      %swap3A_762 = arith.index_cast %scan3A_62 : i32 to index
      %swap3A_763 = arith.constant 512 : index
      %swap3A_764 = tpu.vector_load %arg13[%swap3A_762, %swap3A_763] {strides = array<i32>} : memref<32x1024xf32, #tpu.memory_space<vmem>>, vector<1x16xf32>,
      %swap3A_765 = vector.shape_cast %swap3A_764 : vector<1x16xf32> to vector<16xf32>
      %swap3A_766 = vector.shape_cast %add3A_761 : vector<16xf32> to vector<1x16xf32>
      tpu.vector_store %arg13[%swap3A_762, %swap3A_763], %swap3A_766 {strides = array<i32>} : memref<32x1024xf32, #tpu.memory_space<vmem>>, vector<1x16xf32>,
      %get3A_767 = arith.index_cast %scan3A_62 : i32 to index
      %get3A_768 = arith.constant 528 : index
      %get3A_769 = tpu.vector_load %arg13[%get3A_767, %get3A_768] {strides = array<i32>} : memref<32x1024xf32, #tpu.memory_space<vmem>>, vector<1x16xf32>,
      %get3A_770 = vector.shape_cast %get3A_769 : vector<1x16xf32> to vector<16xf32>
      %get3A_771 = arith.index_cast %scan3A_62 : i32 to index
      %get3A_772 = arith.constant 528 : index
      %get3A_773 = tpu.vector_load %arg11[%get3A_771, %get3A_772] {strides = array<i32>} : memref<32x1024xf32, #tpu.memory_space<vmem>>, vector<1x16xf32>,
      %get3A_774 = vector.shape_cast %get3A_773 : vector<1x16xf32> to vector<16xf32>
      %mul3A_775 = arith.mulf %get3A_68, %get3A_774 : vector<16xf32>
      %add3A_776 = arith.addf %get3A_770, %mul3A_775 : vector<16xf32>
      %get3A_777 = arith.index_cast %scan3A_62 : i32 to index
      %get3A_778 = arith.constant 528 : index
      %get3A_779 = tpu.vector_load %arg12[%get3A_777, %get3A_778] {strides = array<i32>} : memref<32x1024xf32, #tpu.memory_space<vmem>>, vector<1x16xf32>,
      %get3A_780 = vector.shape_cast %get3A_779 : vector<1x16xf32> to vector<16xf32>
      %mul3A_781 = arith.mulf %get3A_74, %get3A_780 : vector<16xf32>
      %add3A_782 = arith.addf %add3A_776, %mul3A_781 : vector<16xf32>
      %swap3A_783 = arith.index_cast %scan3A_62 : i32 to index
      %swap3A_784 = arith.constant 528 : index
      %swap3A_785 = tpu.vector_load %arg13[%swap3A_783, %swap3A_784] {strides = array<i32>} : memref<32x1024xf32, #tpu.memory_space<vmem>>, vector<1x16xf32>,
      %swap3A_786 = vector.shape_cast %swap3A_785 : vector<1x16xf32> to vector<16xf32>
      %swap3A_787 = vector.shape_cast %add3A_782 : vector<16xf32> to vector<1x16xf32>
      tpu.vector_store %arg13[%swap3A_783, %swap3A_784], %swap3A_787 {strides = array<i32>} : memref<32x1024xf32, #tpu.memory_space<vmem>>, vector<1x16xf32>,
      %get3A_788 = arith.index_cast %scan3A_62 : i32 to index
      %get3A_789 = arith.constant 544 : index
      %get3A_790 = tpu.vector_load %arg13[%get3A_788, %get3A_789] {strides = array<i32>} : memref<32x1024xf32, #tpu.memory_space<vmem>>, vector<1x16xf32>,
      %get3A_791 = vector.shape_cast %get3A_790 : vector<1x16xf32> to vector<16xf32>
      %get3A_792 = arith.index_cast %scan3A_62 : i32 to index
      %get3A_793 = arith.constant 544 : index
      %get3A_794 = tpu.vector_load %arg11[%get3A_792, %get3A_793] {strides = array<i32>} : memref<32x1024xf32, #tpu.memory_space<vmem>>, vector<1x16xf32>,
      %get3A_795 = vector.shape_cast %get3A_794 : vector<1x16xf32> to vector<16xf32>
      %mul3A_796 = arith.mulf %get3A_68, %get3A_795 : vector<16xf32>
      %add3A_797 = arith.addf %get3A_791, %mul3A_796 : vector<16xf32>
      %get3A_798 = arith.index_cast %scan3A_62 : i32 to index
      %get3A_799 = arith.constant 544 : index
      %get3A_800 = tpu.vector_load %arg12[%get3A_798, %get3A_799] {strides = array<i32>} : memref<32x1024xf32, #tpu.memory_space<vmem>>, vector<1x16xf32>,
      %get3A_801 = vector.shape_cast %get3A_800 : vector<1x16xf32> to vector<16xf32>
      %mul3A_802 = arith.mulf %get3A_74, %get3A_801 : vector<16xf32>
      %add3A_803 = arith.addf %add3A_797, %mul3A_802 : vector<16xf32>
      %swap3A_804 = arith.index_cast %scan3A_62 : i32 to index
      %swap3A_805 = arith.constant 544 : index
      %swap3A_806 = tpu.vector_load %arg13[%swap3A_804, %swap3A_805] {strides = array<i32>} : memref<32x1024xf32, #tpu.memory_space<vmem>>, vector<1x16xf32>,
      %swap3A_807 = vector.shape_cast %swap3A_806 : vector<1x16xf32> to vector<16xf32>
      %swap3A_808 = vector.shape_cast %add3A_803 : vector<16xf32> to vector<1x16xf32>
      tpu.vector_store %arg13[%swap3A_804, %swap3A_805], %swap3A_808 {strides = array<i32>} : memref<32x1024xf32, #tpu.memory_space<vmem>>, vector<1x16xf32>,
      %get3A_809 = arith.index_cast %scan3A_62 : i32 to index
      %get3A_810 = arith.constant 560 : index
      %get3A_811 = tpu.vector_load %arg13[%get3A_809, %get3A_810] {strides = array<i32>} : memref<32x1024xf32, #tpu.memory_space<vmem>>, vector<1x16xf32>,
      %get3A_812 = vector.shape_cast %get3A_811 : vector<1x16xf32> to vector<16xf32>
      %get3A_813 = arith.index_cast %scan3A_62 : i32 to index
      %get3A_814 = arith.constant 560 : index
      %get3A_815 = tpu.vector_load %arg11[%get3A_813, %get3A_814] {strides = array<i32>} : memref<32x1024xf32, #tpu.memory_space<vmem>>, vector<1x16xf32>,
      %get3A_816 = vector.shape_cast %get3A_815 : vector<1x16xf32> to vector<16xf32>
      %mul3A_817 = arith.mulf %get3A_68, %get3A_816 : vector<16xf32>
      %add3A_818 = arith.addf %get3A_812, %mul3A_817 : vector<16xf32>
      %get3A_819 = arith.index_cast %scan3A_62 : i32 to index
      %get3A_820 = arith.constant 560 : index
      %get3A_821 = tpu.vector_load %arg12[%get3A_819, %get3A_820] {strides = array<i32>} : memref<32x1024xf32, #tpu.memory_space<vmem>>, vector<1x16xf32>,
      %get3A_822 = vector.shape_cast %get3A_821 : vector<1x16xf32> to vector<16xf32>
      %mul3A_823 = arith.mulf %get3A_74, %get3A_822 : vector<16xf32>
      %add3A_824 = arith.addf %add3A_818, %mul3A_823 : vector<16xf32>
      %swap3A_825 = arith.index_cast %scan3A_62 : i32 to index
      %swap3A_826 = arith.constant 560 : index
      %swap3A_827 = tpu.vector_load %arg13[%swap3A_825, %swap3A_826] {strides = array<i32>} : memref<32x1024xf32, #tpu.memory_space<vmem>>, vector<1x16xf32>,
      %swap3A_828 = vector.shape_cast %swap3A_827 : vector<1x16xf32> to vector<16xf32>
      %swap3A_829 = vector.shape_cast %add3A_824 : vector<16xf32> to vector<1x16xf32>
      tpu.vector_store %arg13[%swap3A_825, %swap3A_826], %swap3A_829 {strides = array<i32>} : memref<32x1024xf32, #tpu.memory_space<vmem>>, vector<1x16xf32>,
      %get3A_830 = arith.index_cast %scan3A_62 : i32 to index
      %get3A_831 = arith.constant 576 : index
      %get3A_832 = tpu.vector_load %arg13[%get3A_830, %get3A_831] {strides = array<i32>} : memref<32x1024xf32, #tpu.memory_space<vmem>>, vector<1x16xf32>,
      %get3A_833 = vector.shape_cast %get3A_832 : vector<1x16xf32> to vector<16xf32>
      %get3A_834 = arith.index_cast %scan3A_62 : i32 to index
      %get3A_835 = arith.constant 576 : index
      %get3A_836 = tpu.vector_load %arg11[%get3A_834, %get3A_835] {strides = array<i32>} : memref<32x1024xf32, #tpu.memory_space<vmem>>, vector<1x16xf32>,
      %get3A_837 = vector.shape_cast %get3A_836 : vector<1x16xf32> to vector<16xf32>
      %mul3A_838 = arith.mulf %get3A_68, %get3A_837 : vector<16xf32>
      %add3A_839 = arith.addf %get3A_833, %mul3A_838 : vector<16xf32>
      %get3A_840 = arith.index_cast %scan3A_62 : i32 to index
      %get3A_841 = arith.constant 576 : index
      %get3A_842 = tpu.vector_load %arg12[%get3A_840, %get3A_841] {strides = array<i32>} : memref<32x1024xf32, #tpu.memory_space<vmem>>, vector<1x16xf32>,
      %get3A_843 = vector.shape_cast %get3A_842 : vector<1x16xf32> to vector<16xf32>
      %mul3A_844 = arith.mulf %get3A_74, %get3A_843 : vector<16xf32>
      %add3A_845 = arith.addf %add3A_839, %mul3A_844 : vector<16xf32>
      %swap3A_846 = arith.index_cast %scan3A_62 : i32 to index
      %swap3A_847 = arith.constant 576 : index
      %swap3A_848 = tpu.vector_load %arg13[%swap3A_846, %swap3A_847] {strides = array<i32>} : memref<32x1024xf32, #tpu.memory_space<vmem>>, vector<1x16xf32>,
      %swap3A_849 = vector.shape_cast %swap3A_848 : vector<1x16xf32> to vector<16xf32>
      %swap3A_850 = vector.shape_cast %add3A_845 : vector<16xf32> to vector<1x16xf32>
      tpu.vector_store %arg13[%swap3A_846, %swap3A_847], %swap3A_850 {strides = array<i32>} : memref<32x1024xf32, #tpu.memory_space<vmem>>, vector<1x16xf32>,
      %get3A_851 = arith.index_cast %scan3A_62 : i32 to index
      %get3A_852 = arith.constant 592 : index
      %get3A_853 = tpu.vector_load %arg13[%get3A_851, %get3A_852] {strides = array<i32>} : memref<32x1024xf32, #tpu.memory_space<vmem>>, vector<1x16xf32>,
      %get3A_854 = vector.shape_cast %get3A_853 : vector<1x16xf32> to vector<16xf32>
      %get3A_855 = arith.index_cast %scan3A_62 : i32 to index
      %get3A_856 = arith.constant 592 : index
      %get3A_857 = tpu.vector_load %arg11[%get3A_855, %get3A_856] {strides = array<i32>} : memref<32x1024xf32, #tpu.memory_space<vmem>>, vector<1x16xf32>,
      %get3A_858 = vector.shape_cast %get3A_857 : vector<1x16xf32> to vector<16xf32>
      %mul3A_859 = arith.mulf %get3A_68, %get3A_858 : vector<16xf32>
      %add3A_860 = arith.addf %get3A_854, %mul3A_859 : vector<16xf32>
      %get3A_861 = arith.index_cast %scan3A_62 : i32 to index
      %get3A_862 = arith.constant 592 : index
      %get3A_863 = tpu.vector_load %arg12[%get3A_861, %get3A_862] {strides = array<i32>} : memref<32x1024xf32, #tpu.memory_space<vmem>>, vector<1x16xf32>,
      %get3A_864 = vector.shape_cast %get3A_863 : vector<1x16xf32> to vector<16xf32>
      %mul3A_865 = arith.mulf %get3A_74, %get3A_864 : vector<16xf32>
      %add3A_866 = arith.addf %add3A_860, %mul3A_865 : vector<16xf32>
      %swap3A_867 = arith.index_cast %scan3A_62 : i32 to index
      %swap3A_868 = arith.constant 592 : index
      %swap3A_869 = tpu.vector_load %arg13[%swap3A_867, %swap3A_868] {strides = array<i32>} : memref<32x1024xf32, #tpu.memory_space<vmem>>, vector<1x16xf32>,
      %swap3A_870 = vector.shape_cast %swap3A_869 : vector<1x16xf32> to vector<16xf32>
      %swap3A_871 = vector.shape_cast %add3A_866 : vector<16xf32> to vector<1x16xf32>
      tpu.vector_store %arg13[%swap3A_867, %swap3A_868], %swap3A_871 {strides = array<i32>} : memref<32x1024xf32, #tpu.memory_space<vmem>>, vector<1x16xf32>,
      %get3A_872 = arith.index_cast %scan3A_62 : i32 to index
      %get3A_873 = arith.constant 608 : index
      %get3A_874 = tpu.vector_load %arg13[%get3A_872, %get3A_873] {strides = array<i32>} : memref<32x1024xf32, #tpu.memory_space<vmem>>, vector<1x16xf32>,
      %get3A_875 = vector.shape_cast %get3A_874 : vector<1x16xf32> to vector<16xf32>
      %get3A_876 = arith.index_cast %scan3A_62 : i32 to index
      %get3A_877 = arith.constant 608 : index
      %get3A_878 = tpu.vector_load %arg11[%get3A_876, %get3A_877] {strides = array<i32>} : memref<32x1024xf32, #tpu.memory_space<vmem>>, vector<1x16xf32>,
      %get3A_879 = vector.shape_cast %get3A_878 : vector<1x16xf32> to vector<16xf32>
      %mul3A_880 = arith.mulf %get3A_68, %get3A_879 : vector<16xf32>
      %add3A_881 = arith.addf %get3A_875, %mul3A_880 : vector<16xf32>
      %get3A_882 = arith.index_cast %scan3A_62 : i32 to index
      %get3A_883 = arith.constant 608 : index
      %get3A_884 = tpu.vector_load %arg12[%get3A_882, %get3A_883] {strides = array<i32>} : memref<32x1024xf32, #tpu.memory_space<vmem>>, vector<1x16xf32>,
      %get3A_885 = vector.shape_cast %get3A_884 : vector<1x16xf32> to vector<16xf32>
      %mul3A_886 = arith.mulf %get3A_74, %get3A_885 : vector<16xf32>
      %add3A_887 = arith.addf %add3A_881, %mul3A_886 : vector<16xf32>
      %swap3A_888 = arith.index_cast %scan3A_62 : i32 to index
      %swap3A_889 = arith.constant 608 : index
      %swap3A_890 = tpu.vector_load %arg13[%swap3A_888, %swap3A_889] {strides = array<i32>} : memref<32x1024xf32, #tpu.memory_space<vmem>>, vector<1x16xf32>,
      %swap3A_891 = vector.shape_cast %swap3A_890 : vector<1x16xf32> to vector<16xf32>
      %swap3A_892 = vector.shape_cast %add3A_887 : vector<16xf32> to vector<1x16xf32>
      tpu.vector_store %arg13[%swap3A_888, %swap3A_889], %swap3A_892 {strides = array<i32>} : memref<32x1024xf32, #tpu.memory_space<vmem>>, vector<1x16xf32>,
      %get3A_893 = arith.index_cast %scan3A_62 : i32 to index
      %get3A_894 = arith.constant 624 : index
      %get3A_895 = tpu.vector_load %arg13[%get3A_893, %get3A_894] {strides = array<i32>} : memref<32x1024xf32, #tpu.memory_space<vmem>>, vector<1x16xf32>,
      %get3A_896 = vector.shape_cast %get3A_895 : vector<1x16xf32> to vector<16xf32>
      %get3A_897 = arith.index_cast %scan3A_62 : i32 to index
      %get3A_898 = arith.constant 624 : index
      %get3A_899 = tpu.vector_load %arg11[%get3A_897, %get3A_898] {strides = array<i32>} : memref<32x1024xf32, #tpu.memory_space<vmem>>, vector<1x16xf32>,
      %get3A_900 = vector.shape_cast %get3A_899 : vector<1x16xf32> to vector<16xf32>
      %mul3A_901 = arith.mulf %get3A_68, %get3A_900 : vector<16xf32>
      %add3A_902 = arith.addf %get3A_896, %mul3A_901 : vector<16xf32>
      %get3A_903 = arith.index_cast %scan3A_62 : i32 to index
      %get3A_904 = arith.constant 624 : index
      %get3A_905 = tpu.vector_load %arg12[%get3A_903, %get3A_904] {strides = array<i32>} : memref<32x1024xf32, #tpu.memory_space<vmem>>, vector<1x16xf32>,
      %get3A_906 = vector.shape_cast %get3A_905 : vector<1x16xf32> to vector<16xf32>
      %mul3A_907 = arith.mulf %get3A_74, %get3A_906 : vector<16xf32>
      %add3A_908 = arith.addf %add3A_902, %mul3A_907 : vector<16xf32>
      %swap3A_909 = arith.index_cast %scan3A_62 : i32 to index
      %swap3A_910 = arith.constant 624 : index
      %swap3A_911 = tpu.vector_load %arg13[%swap3A_909, %swap3A_910] {strides = array<i32>} : memref<32x1024xf32, #tpu.memory_space<vmem>>, vector<1x16xf32>,
      %swap3A_912 = vector.shape_cast %swap3A_911 : vector<1x16xf32> to vector<16xf32>
      %swap3A_913 = vector.shape_cast %add3A_908 : vector<16xf32> to vector<1x16xf32>
      tpu.vector_store %arg13[%swap3A_909, %swap3A_910], %swap3A_913 {strides = array<i32>} : memref<32x1024xf32, #tpu.memory_space<vmem>>, vector<1x16xf32>,
      %get3A_914 = arith.index_cast %scan3A_62 : i32 to index
      %get3A_915 = arith.constant 640 : index
      %get3A_916 = tpu.vector_load %arg13[%get3A_914, %get3A_915] {strides = array<i32>} : memref<32x1024xf32, #tpu.memory_space<vmem>>, vector<1x16xf32>,
      %get3A_917 = vector.shape_cast %get3A_916 : vector<1x16xf32> to vector<16xf32>
      %get3A_918 = arith.index_cast %scan3A_62 : i32 to index
      %get3A_919 = arith.constant 640 : index
      %get3A_920 = tpu.vector_load %arg11[%get3A_918, %get3A_919] {strides = array<i32>} : memref<32x1024xf32, #tpu.memory_space<vmem>>, vector<1x16xf32>,
      %get3A_921 = vector.shape_cast %get3A_920 : vector<1x16xf32> to vector<16xf32>
      %mul3A_922 = arith.mulf %get3A_68, %get3A_921 : vector<16xf32>
      %add3A_923 = arith.addf %get3A_917, %mul3A_922 : vector<16xf32>
      %get3A_924 = arith.index_cast %scan3A_62 : i32 to index
      %get3A_925 = arith.constant 640 : index
      %get3A_926 = tpu.vector_load %arg12[%get3A_924, %get3A_925] {strides = array<i32>} : memref<32x1024xf32, #tpu.memory_space<vmem>>, vector<1x16xf32>,
      %get3A_927 = vector.shape_cast %get3A_926 : vector<1x16xf32> to vector<16xf32>
      %mul3A_928 = arith.mulf %get3A_74, %get3A_927 : vector<16xf32>
      %add3A_929 = arith.addf %add3A_923, %mul3A_928 : vector<16xf32>
      %swap3A_930 = arith.index_cast %scan3A_62 : i32 to index
      %swap3A_931 = arith.constant 640 : index
      %swap3A_932 = tpu.vector_load %arg13[%swap3A_930, %swap3A_931] {strides = array<i32>} : memref<32x1024xf32, #tpu.memory_space<vmem>>, vector<1x16xf32>,
      %swap3A_933 = vector.shape_cast %swap3A_932 : vector<1x16xf32> to vector<16xf32>
      %swap3A_934 = vector.shape_cast %add3A_929 : vector<16xf32> to vector<1x16xf32>
      tpu.vector_store %arg13[%swap3A_930, %swap3A_931], %swap3A_934 {strides = array<i32>} : memref<32x1024xf32, #tpu.memory_space<vmem>>, vector<1x16xf32>,
      %get3A_935 = arith.index_cast %scan3A_62 : i32 to index
      %get3A_936 = arith.constant 656 : index
      %get3A_937 = tpu.vector_load %arg13[%get3A_935, %get3A_936] {strides = array<i32>} : memref<32x1024xf32, #tpu.memory_space<vmem>>, vector<1x16xf32>,
      %get3A_938 = vector.shape_cast %get3A_937 : vector<1x16xf32> to vector<16xf32>
      %get3A_939 = arith.index_cast %scan3A_62 : i32 to index
      %get3A_940 = arith.constant 656 : index
      %get3A_941 = tpu.vector_load %arg11[%get3A_939, %get3A_940] {strides = array<i32>} : memref<32x1024xf32, #tpu.memory_space<vmem>>, vector<1x16xf32>,
      %get3A_942 = vector.shape_cast %get3A_941 : vector<1x16xf32> to vector<16xf32>
      %mul3A_943 = arith.mulf %get3A_68, %get3A_942 : vector<16xf32>
      %add3A_944 = arith.addf %get3A_938, %mul3A_943 : vector<16xf32>
      %get3A_945 = arith.index_cast %scan3A_62 : i32 to index
      %get3A_946 = arith.constant 656 : index
      %get3A_947 = tpu.vector_load %arg12[%get3A_945, %get3A_946] {strides = array<i32>} : memref<32x1024xf32, #tpu.memory_space<vmem>>, vector<1x16xf32>,
      %get3A_948 = vector.shape_cast %get3A_947 : vector<1x16xf32> to vector<16xf32>
      %mul3A_949 = arith.mulf %get3A_74, %get3A_948 : vector<16xf32>
      %add3A_950 = arith.addf %add3A_944, %mul3A_949 : vector<16xf32>
      %swap3A_951 = arith.index_cast %scan3A_62 : i32 to index
      %swap3A_952 = arith.constant 656 : index
      %swap3A_953 = tpu.vector_load %arg13[%swap3A_951, %swap3A_952] {strides = array<i32>} : memref<32x1024xf32, #tpu.memory_space<vmem>>, vector<1x16xf32>,
      %swap3A_954 = vector.shape_cast %swap3A_953 : vector<1x16xf32> to vector<16xf32>
      %swap3A_955 = vector.shape_cast %add3A_950 : vector<16xf32> to vector<1x16xf32>
      tpu.vector_store %arg13[%swap3A_951, %swap3A_952], %swap3A_955 {strides = array<i32>} : memref<32x1024xf32, #tpu.memory_space<vmem>>, vector<1x16xf32>,
      %get3A_956 = arith.index_cast %scan3A_62 : i32 to index
      %get3A_957 = arith.constant 672 : index
      %get3A_958 = tpu.vector_load %arg13[%get3A_956, %get3A_957] {strides = array<i32>} : memref<32x1024xf32, #tpu.memory_space<vmem>>, vector<1x16xf32>,
      %get3A_959 = vector.shape_cast %get3A_958 : vector<1x16xf32> to vector<16xf32>
      %get3A_960 = arith.index_cast %scan3A_62 : i32 to index
      %get3A_961 = arith.constant 672 : index
      %get3A_962 = tpu.vector_load %arg11[%get3A_960, %get3A_961] {strides = array<i32>} : memref<32x1024xf32, #tpu.memory_space<vmem>>, vector<1x16xf32>,
      %get3A_963 = vector.shape_cast %get3A_962 : vector<1x16xf32> to vector<16xf32>
      %mul3A_964 = arith.mulf %get3A_68, %get3A_963 : vector<16xf32>
      %add3A_965 = arith.addf %get3A_959, %mul3A_964 : vector<16xf32>
      %get3A_966 = arith.index_cast %scan3A_62 : i32 to index
      %get3A_967 = arith.constant 672 : index
      %get3A_968 = tpu.vector_load %arg12[%get3A_966, %get3A_967] {strides = array<i32>} : memref<32x1024xf32, #tpu.memory_space<vmem>>, vector<1x16xf32>,
      %get3A_969 = vector.shape_cast %get3A_968 : vector<1x16xf32> to vector<16xf32>
      %mul3A_970 = arith.mulf %get3A_74, %get3A_969 : vector<16xf32>
      %add3A_971 = arith.addf %add3A_965, %mul3A_970 : vector<16xf32>
      %swap3A_972 = arith.index_cast %scan3A_62 : i32 to index
      %swap3A_973 = arith.constant 672 : index
      %swap3A_974 = tpu.vector_load %arg13[%swap3A_972, %swap3A_973] {strides = array<i32>} : memref<32x1024xf32, #tpu.memory_space<vmem>>, vector<1x16xf32>,
      %swap3A_975 = vector.shape_cast %swap3A_974 : vector<1x16xf32> to vector<16xf32>
      %swap3A_976 = vector.shape_cast %add3A_971 : vector<16xf32> to vector<1x16xf32>
      tpu.vector_store %arg13[%swap3A_972, %swap3A_973], %swap3A_976 {strides = array<i32>} : memref<32x1024xf32, #tpu.memory_space<vmem>>, vector<1x16xf32>,
      %get3A_977 = arith.index_cast %scan3A_62 : i32 to index
      %get3A_978 = arith.constant 688 : index
      %get3A_979 = tpu.vector_load %arg13[%get3A_977, %get3A_978] {strides = array<i32>} : memref<32x1024xf32, #tpu.memory_space<vmem>>, vector<1x16xf32>,
      %get3A_980 = vector.shape_cast %get3A_979 : vector<1x16xf32> to vector<16xf32>
      %get3A_981 = arith.index_cast %scan3A_62 : i32 to index
      %get3A_982 = arith.constant 688 : index
      %get3A_983 = tpu.vector_load %arg11[%get3A_981, %get3A_982] {strides = array<i32>} : memref<32x1024xf32, #tpu.memory_space<vmem>>, vector<1x16xf32>,
      %get3A_984 = vector.shape_cast %get3A_983 : vector<1x16xf32> to vector<16xf32>
      %mul3A_985 = arith.mulf %get3A_68, %get3A_984 : vector<16xf32>
      %add3A_986 = arith.addf %get3A_980, %mul3A_985 : vector<16xf32>
      %get3A_987 = arith.index_cast %scan3A_62 : i32 to index
      %get3A_988 = arith.constant 688 : index
      %get3A_989 = tpu.vector_load %arg12[%get3A_987, %get3A_988] {strides = array<i32>} : memref<32x1024xf32, #tpu.memory_space<vmem>>, vector<1x16xf32>,
      %get3A_990 = vector.shape_cast %get3A_989 : vector<1x16xf32> to vector<16xf32>
      %mul3A_991 = arith.mulf %get3A_74, %get3A_990 : vector<16xf32>
      %add3A_992 = arith.addf %add3A_986, %mul3A_991 : vector<16xf32>
      %swap3A_993 = arith.index_cast %scan3A_62 : i32 to index
      %swap3A_994 = arith.constant 688 : index
      %swap3A_995 = tpu.vector_load %arg13[%swap3A_993, %swap3A_994] {strides = array<i32>} : memref<32x1024xf32, #tpu.memory_space<vmem>>, vector<1x16xf32>,
      %swap3A_996 = vector.shape_cast %swap3A_995 : vector<1x16xf32> to vector<16xf32>
      %swap3A_997 = vector.shape_cast %add3A_992 : vector<16xf32> to vector<1x16xf32>
      tpu.vector_store %arg13[%swap3A_993, %swap3A_994], %swap3A_997 {strides = array<i32>} : memref<32x1024xf32, #tpu.memory_space<vmem>>, vector<1x16xf32>,
      %get3A_998 = arith.index_cast %scan3A_62 : i32 to index
      %get3A_999 = arith.constant 704 : index
      %get3A_1000 = tpu.vector_load %arg13[%get3A_998, %get3A_999] {strides = array<i32>} : memref<32x1024xf32, #tpu.memory_space<vmem>>, vector<1x16xf32>,
      %get3A_1001 = vector.shape_cast %get3A_1000 : vector<1x16xf32> to vector<16xf32>
      %get3A_1002 = arith.index_cast %scan3A_62 : i32 to index
      %get3A_1003 = arith.constant 704 : index
      %get3A_1004 = tpu.vector_load %arg11[%get3A_1002, %get3A_1003] {strides = array<i32>} : memref<32x1024xf32, #tpu.memory_space<vmem>>, vector<1x16xf32>,
      %get3A_1005 = vector.shape_cast %get3A_1004 : vector<1x16xf32> to vector<16xf32>
      %mul3A_1006 = arith.mulf %get3A_68, %get3A_1005 : vector<16xf32>
      %add3A_1007 = arith.addf %get3A_1001, %mul3A_1006 : vector<16xf32>
      %get3A_1008 = arith.index_cast %scan3A_62 : i32 to index
      %get3A_1009 = arith.constant 704 : index
      %get3A_1010 = tpu.vector_load %arg12[%get3A_1008, %get3A_1009] {strides = array<i32>} : memref<32x1024xf32, #tpu.memory_space<vmem>>, vector<1x16xf32>,
      %get3A_1011 = vector.shape_cast %get3A_1010 : vector<1x16xf32> to vector<16xf32>
      %mul3A_1012 = arith.mulf %get3A_74, %get3A_1011 : vector<16xf32>
      %add3A_1013 = arith.addf %add3A_1007, %mul3A_1012 : vector<16xf32>
      %swap3A_1014 = arith.index_cast %scan3A_62 : i32 to index
      %swap3A_1015 = arith.constant 704 : index
      %swap3A_1016 = tpu.vector_load %arg13[%swap3A_1014, %swap3A_1015] {strides = array<i32>} : memref<32x1024xf32, #tpu.memory_space<vmem>>, vector<1x16xf32>,
      %swap3A_1017 = vector.shape_cast %swap3A_1016 : vector<1x16xf32> to vector<16xf32>
      %swap3A_1018 = vector.shape_cast %add3A_1013 : vector<16xf32> to vector<1x16xf32>
      tpu.vector_store %arg13[%swap3A_1014, %swap3A_1015], %swap3A_1018 {strides = array<i32>} : memref<32x1024xf32, #tpu.memory_space<vmem>>, vector<1x16xf32>,
      %get3A_1019 = arith.index_cast %scan3A_62 : i32 to index
      %get3A_1020 = arith.constant 720 : index
      %get3A_1021 = tpu.vector_load %arg13[%get3A_1019, %get3A_1020] {strides = array<i32>} : memref<32x1024xf32, #tpu.memory_space<vmem>>, vector<1x16xf32>,
      %get3A_1022 = vector.shape_cast %get3A_1021 : vector<1x16xf32> to vector<16xf32>
      %get3A_1023 = arith.index_cast %scan3A_62 : i32 to index
      %get3A_1024 = arith.constant 720 : index
      %get3A_1025 = tpu.vector_load %arg11[%get3A_1023, %get3A_1024] {strides = array<i32>} : memref<32x1024xf32, #tpu.memory_space<vmem>>, vector<1x16xf32>,
      %get3A_1026 = vector.shape_cast %get3A_1025 : vector<1x16xf32> to vector<16xf32>
      %mul3A_1027 = arith.mulf %get3A_68, %get3A_1026 : vector<16xf32>
      %add3A_1028 = arith.addf %get3A_1022, %mul3A_1027 : vector<16xf32>
      %get3A_1029 = arith.index_cast %scan3A_62 : i32 to index
      %get3A_1030 = arith.constant 720 : index
      %get3A_1031 = tpu.vector_load %arg12[%get3A_1029, %get3A_1030] {strides = array<i32>} : memref<32x1024xf32, #tpu.memory_space<vmem>>, vector<1x16xf32>,
      %get3A_1032 = vector.shape_cast %get3A_1031 : vector<1x16xf32> to vector<16xf32>
      %mul3A_1033 = arith.mulf %get3A_74, %get3A_1032 : vector<16xf32>
      %add3A_1034 = arith.addf %add3A_1028, %mul3A_1033 : vector<16xf32>
      %swap3A_1035 = arith.index_cast %scan3A_62 : i32 to index
      %swap3A_1036 = arith.constant 720 : index
      %swap3A_1037 = tpu.vector_load %arg13[%swap3A_1035, %swap3A_1036] {strides = array<i32>} : memref<32x1024xf32, #tpu.memory_space<vmem>>, vector<1x16xf32>,
      %swap3A_1038 = vector.shape_cast %swap3A_1037 : vector<1x16xf32> to vector<16xf32>
      %swap3A_1039 = vector.shape_cast %add3A_1034 : vector<16xf32> to vector<1x16xf32>
      tpu.vector_store %arg13[%swap3A_1035, %swap3A_1036], %swap3A_1039 {strides = array<i32>} : memref<32x1024xf32, #tpu.memory_space<vmem>>, vector<1x16xf32>,
      %get3A_1040 = arith.index_cast %scan3A_62 : i32 to index
      %get3A_1041 = arith.constant 736 : index
      %get3A_1042 = tpu.vector_load %arg13[%get3A_1040, %get3A_1041] {strides = array<i32>} : memref<32x1024xf32, #tpu.memory_space<vmem>>, vector<1x16xf32>,
      %get3A_1043 = vector.shape_cast %get3A_1042 : vector<1x16xf32> to vector<16xf32>
      %get3A_1044 = arith.index_cast %scan3A_62 : i32 to index
      %get3A_1045 = arith.constant 736 : index
      %get3A_1046 = tpu.vector_load %arg11[%get3A_1044, %get3A_1045] {strides = array<i32>} : memref<32x1024xf32, #tpu.memory_space<vmem>>, vector<1x16xf32>,
      %get3A_1047 = vector.shape_cast %get3A_1046 : vector<1x16xf32> to vector<16xf32>
      %mul3A_1048 = arith.mulf %get3A_68, %get3A_1047 : vector<16xf32>
      %add3A_1049 = arith.addf %get3A_1043, %mul3A_1048 : vector<16xf32>
      %get3A_1050 = arith.index_cast %scan3A_62 : i32 to index
      %get3A_1051 = arith.constant 736 : index
      %get3A_1052 = tpu.vector_load %arg12[%get3A_1050, %get3A_1051] {strides = array<i32>} : memref<32x1024xf32, #tpu.memory_space<vmem>>, vector<1x16xf32>,
      %get3A_1053 = vector.shape_cast %get3A_1052 : vector<1x16xf32> to vector<16xf32>
      %mul3A_1054 = arith.mulf %get3A_74, %get3A_1053 : vector<16xf32>
      %add3A_1055 = arith.addf %add3A_1049, %mul3A_1054 : vector<16xf32>
      %swap3A_1056 = arith.index_cast %scan3A_62 : i32 to index
      %swap3A_1057 = arith.constant 736 : index
      %swap3A_1058 = tpu.vector_load %arg13[%swap3A_1056, %swap3A_1057] {strides = array<i32>} : memref<32x1024xf32, #tpu.memory_space<vmem>>, vector<1x16xf32>,
      %swap3A_1059 = vector.shape_cast %swap3A_1058 : vector<1x16xf32> to vector<16xf32>
      %swap3A_1060 = vector.shape_cast %add3A_1055 : vector<16xf32> to vector<1x16xf32>
      tpu.vector_store %arg13[%swap3A_1056, %swap3A_1057], %swap3A_1060 {strides = array<i32>} : memref<32x1024xf32, #tpu.memory_space<vmem>>, vector<1x16xf32>,
      %get3A_1061 = arith.index_cast %scan3A_62 : i32 to index
      %get3A_1062 = arith.constant 752 : index
      %get3A_1063 = tpu.vector_load %arg13[%get3A_1061, %get3A_1062] {strides = array<i32>} : memref<32x1024xf32, #tpu.memory_space<vmem>>, vector<1x16xf32>,
      %get3A_1064 = vector.shape_cast %get3A_1063 : vector<1x16xf32> to vector<16xf32>
      %get3A_1065 = arith.index_cast %scan3A_62 : i32 to index
      %get3A_1066 = arith.constant 752 : index
      %get3A_1067 = tpu.vector_load %arg11[%get3A_1065, %get3A_1066] {strides = array<i32>} : memref<32x1024xf32, #tpu.memory_space<vmem>>, vector<1x16xf32>,
      %get3A_1068 = vector.shape_cast %get3A_1067 : vector<1x16xf32> to vector<16xf32>
      %mul3A_1069 = arith.mulf %get3A_68, %get3A_1068 : vector<16xf32>
      %add3A_1070 = arith.addf %get3A_1064, %mul3A_1069 : vector<16xf32>
      %get3A_1071 = arith.index_cast %scan3A_62 : i32 to index
      %get3A_1072 = arith.constant 752 : index
      %get3A_1073 = tpu.vector_load %arg12[%get3A_1071, %get3A_1072] {strides = array<i32>} : memref<32x1024xf32, #tpu.memory_space<vmem>>, vector<1x16xf32>,
      %get3A_1074 = vector.shape_cast %get3A_1073 : vector<1x16xf32> to vector<16xf32>
      %mul3A_1075 = arith.mulf %get3A_74, %get3A_1074 : vector<16xf32>
      %add3A_1076 = arith.addf %add3A_1070, %mul3A_1075 : vector<16xf32>
      %swap3A_1077 = arith.index_cast %scan3A_62 : i32 to index
      %swap3A_1078 = arith.constant 752 : index
      %swap3A_1079 = tpu.vector_load %arg13[%swap3A_1077, %swap3A_1078] {strides = array<i32>} : memref<32x1024xf32, #tpu.memory_space<vmem>>, vector<1x16xf32>,
      %swap3A_1080 = vector.shape_cast %swap3A_1079 : vector<1x16xf32> to vector<16xf32>
      %swap3A_1081 = vector.shape_cast %add3A_1076 : vector<16xf32> to vector<1x16xf32>
      tpu.vector_store %arg13[%swap3A_1077, %swap3A_1078], %swap3A_1081 {strides = array<i32>} : memref<32x1024xf32, #tpu.memory_space<vmem>>, vector<1x16xf32>,
      %get3A_1082 = arith.index_cast %scan3A_62 : i32 to index
      %get3A_1083 = arith.constant 768 : index
      %get3A_1084 = tpu.vector_load %arg13[%get3A_1082, %get3A_1083] {strides = array<i32>} : memref<32x1024xf32, #tpu.memory_space<vmem>>, vector<1x16xf32>,
      %get3A_1085 = vector.shape_cast %get3A_1084 : vector<1x16xf32> to vector<16xf32>
      %get3A_1086 = arith.index_cast %scan3A_62 : i32 to index
      %get3A_1087 = arith.constant 768 : index
      %get3A_1088 = tpu.vector_load %arg11[%get3A_1086, %get3A_1087] {strides = array<i32>} : memref<32x1024xf32, #tpu.memory_space<vmem>>, vector<1x16xf32>,
      %get3A_1089 = vector.shape_cast %get3A_1088 : vector<1x16xf32> to vector<16xf32>
      %mul3A_1090 = arith.mulf %get3A_68, %get3A_1089 : vector<16xf32>
      %add3A_1091 = arith.addf %get3A_1085, %mul3A_1090 : vector<16xf32>
      %get3A_1092 = arith.index_cast %scan3A_62 : i32 to index
      %get3A_1093 = arith.constant 768 : index
      %get3A_1094 = tpu.vector_load %arg12[%get3A_1092, %get3A_1093] {strides = array<i32>} : memref<32x1024xf32, #tpu.memory_space<vmem>>, vector<1x16xf32>,
      %get3A_1095 = vector.shape_cast %get3A_1094 : vector<1x16xf32> to vector<16xf32>
      %mul3A_1096 = arith.mulf %get3A_74, %get3A_1095 : vector<16xf32>
      %add3A_1097 = arith.addf %add3A_1091, %mul3A_1096 : vector<16xf32>
      %swap3A_1098 = arith.index_cast %scan3A_62 : i32 to index
      %swap3A_1099 = arith.constant 768 : index
      %swap3A_1100 = tpu.vector_load %arg13[%swap3A_1098, %swap3A_1099] {strides = array<i32>} : memref<32x1024xf32, #tpu.memory_space<vmem>>, vector<1x16xf32>,
      %swap3A_1101 = vector.shape_cast %swap3A_1100 : vector<1x16xf32> to vector<16xf32>
      %swap3A_1102 = vector.shape_cast %add3A_1097 : vector<16xf32> to vector<1x16xf32>
      tpu.vector_store %arg13[%swap3A_1098, %swap3A_1099], %swap3A_1102 {strides = array<i32>} : memref<32x1024xf32, #tpu.memory_space<vmem>>, vector<1x16xf32>,
      %get3A_1103 = arith.index_cast %scan3A_62 : i32 to index
      %get3A_1104 = arith.constant 784 : index
      %get3A_1105 = tpu.vector_load %arg13[%get3A_1103, %get3A_1104] {strides = array<i32>} : memref<32x1024xf32, #tpu.memory_space<vmem>>, vector<1x16xf32>,
      %get3A_1106 = vector.shape_cast %get3A_1105 : vector<1x16xf32> to vector<16xf32>
      %get3A_1107 = arith.index_cast %scan3A_62 : i32 to index
      %get3A_1108 = arith.constant 784 : index
      %get3A_1109 = tpu.vector_load %arg11[%get3A_1107, %get3A_1108] {strides = array<i32>} : memref<32x1024xf32, #tpu.memory_space<vmem>>, vector<1x16xf32>,
      %get3A_1110 = vector.shape_cast %get3A_1109 : vector<1x16xf32> to vector<16xf32>
      %mul3A_1111 = arith.mulf %get3A_68, %get3A_1110 : vector<16xf32>
      %add3A_1112 = arith.addf %get3A_1106, %mul3A_1111 : vector<16xf32>
      %get3A_1113 = arith.index_cast %scan3A_62 : i32 to index
      %get3A_1114 = arith.constant 784 : index
      %get3A_1115 = tpu.vector_load %arg12[%get3A_1113, %get3A_1114] {strides = array<i32>} : memref<32x1024xf32, #tpu.memory_space<vmem>>, vector<1x16xf32>,
      %get3A_1116 = vector.shape_cast %get3A_1115 : vector<1x16xf32> to vector<16xf32>
      %mul3A_1117 = arith.mulf %get3A_74, %get3A_1116 : vector<16xf32>
      %add3A_1118 = arith.addf %add3A_1112, %mul3A_1117 : vector<16xf32>
      %swap3A_1119 = arith.index_cast %scan3A_62 : i32 to index
      %swap3A_1120 = arith.constant 784 : index
      %swap3A_1121 = tpu.vector_load %arg13[%swap3A_1119, %swap3A_1120] {strides = array<i32>} : memref<32x1024xf32, #tpu.memory_space<vmem>>, vector<1x16xf32>,
      %swap3A_1122 = vector.shape_cast %swap3A_1121 : vector<1x16xf32> to vector<16xf32>
      %swap3A_1123 = vector.shape_cast %add3A_1118 : vector<16xf32> to vector<1x16xf32>
      tpu.vector_store %arg13[%swap3A_1119, %swap3A_1120], %swap3A_1123 {strides = array<i32>} : memref<32x1024xf32, #tpu.memory_space<vmem>>, vector<1x16xf32>,
      %get3A_1124 = arith.index_cast %scan3A_62 : i32 to index
      %get3A_1125 = arith.constant 800 : index
      %get3A_1126 = tpu.vector_load %arg13[%get3A_1124, %get3A_1125] {strides = array<i32>} : memref<32x1024xf32, #tpu.memory_space<vmem>>, vector<1x16xf32>,
      %get3A_1127 = vector.shape_cast %get3A_1126 : vector<1x16xf32> to vector<16xf32>
      %get3A_1128 = arith.index_cast %scan3A_62 : i32 to index
      %get3A_1129 = arith.constant 800 : index
      %get3A_1130 = tpu.vector_load %arg11[%get3A_1128, %get3A_1129] {strides = array<i32>} : memref<32x1024xf32, #tpu.memory_space<vmem>>, vector<1x16xf32>,
      %get3A_1131 = vector.shape_cast %get3A_1130 : vector<1x16xf32> to vector<16xf32>
      %mul3A_1132 = arith.mulf %get3A_68, %get3A_1131 : vector<16xf32>
      %add3A_1133 = arith.addf %get3A_1127, %mul3A_1132 : vector<16xf32>
      %get3A_1134 = arith.index_cast %scan3A_62 : i32 to index
      %get3A_1135 = arith.constant 800 : index
      %get3A_1136 = tpu.vector_load %arg12[%get3A_1134, %get3A_1135] {strides = array<i32>} : memref<32x1024xf32, #tpu.memory_space<vmem>>, vector<1x16xf32>,
      %get3A_1137 = vector.shape_cast %get3A_1136 : vector<1x16xf32> to vector<16xf32>
      %mul3A_1138 = arith.mulf %get3A_74, %get3A_1137 : vector<16xf32>
      %add3A_1139 = arith.addf %add3A_1133, %mul3A_1138 : vector<16xf32>
      %swap3A_1140 = arith.index_cast %scan3A_62 : i32 to index
      %swap3A_1141 = arith.constant 800 : index
      %swap3A_1142 = tpu.vector_load %arg13[%swap3A_1140, %swap3A_1141] {strides = array<i32>} : memref<32x1024xf32, #tpu.memory_space<vmem>>, vector<1x16xf32>,
      %swap3A_1143 = vector.shape_cast %swap3A_1142 : vector<1x16xf32> to vector<16xf32>
      %swap3A_1144 = vector.shape_cast %add3A_1139 : vector<16xf32> to vector<1x16xf32>
      tpu.vector_store %arg13[%swap3A_1140, %swap3A_1141], %swap3A_1144 {strides = array<i32>} : memref<32x1024xf32, #tpu.memory_space<vmem>>, vector<1x16xf32>,
      %get3A_1145 = arith.index_cast %scan3A_62 : i32 to index
      %get3A_1146 = arith.constant 816 : index
      %get3A_1147 = tpu.vector_load %arg13[%get3A_1145, %get3A_1146] {strides = array<i32>} : memref<32x1024xf32, #tpu.memory_space<vmem>>, vector<1x16xf32>,
      %get3A_1148 = vector.shape_cast %get3A_1147 : vector<1x16xf32> to vector<16xf32>
      %get3A_1149 = arith.index_cast %scan3A_62 : i32 to index
      %get3A_1150 = arith.constant 816 : index
      %get3A_1151 = tpu.vector_load %arg11[%get3A_1149, %get3A_1150] {strides = array<i32>} : memref<32x1024xf32, #tpu.memory_space<vmem>>, vector<1x16xf32>,
      %get3A_1152 = vector.shape_cast %get3A_1151 : vector<1x16xf32> to vector<16xf32>
      %mul3A_1153 = arith.mulf %get3A_68, %get3A_1152 : vector<16xf32>
      %add3A_1154 = arith.addf %get3A_1148, %mul3A_1153 : vector<16xf32>
      %get3A_1155 = arith.index_cast %scan3A_62 : i32 to index
      %get3A_1156 = arith.constant 816 : index
      %get3A_1157 = tpu.vector_load %arg12[%get3A_1155, %get3A_1156] {strides = array<i32>} : memref<32x1024xf32, #tpu.memory_space<vmem>>, vector<1x16xf32>,
      %get3A_1158 = vector.shape_cast %get3A_1157 : vector<1x16xf32> to vector<16xf32>
      %mul3A_1159 = arith.mulf %get3A_74, %get3A_1158 : vector<16xf32>
      %add3A_1160 = arith.addf %add3A_1154, %mul3A_1159 : vector<16xf32>
      %swap3A_1161 = arith.index_cast %scan3A_62 : i32 to index
      %swap3A_1162 = arith.constant 816 : index
      %swap3A_1163 = tpu.vector_load %arg13[%swap3A_1161, %swap3A_1162] {strides = array<i32>} : memref<32x1024xf32, #tpu.memory_space<vmem>>, vector<1x16xf32>,
      %swap3A_1164 = vector.shape_cast %swap3A_1163 : vector<1x16xf32> to vector<16xf32>
      %swap3A_1165 = vector.shape_cast %add3A_1160 : vector<16xf32> to vector<1x16xf32>
      tpu.vector_store %arg13[%swap3A_1161, %swap3A_1162], %swap3A_1165 {strides = array<i32>} : memref<32x1024xf32, #tpu.memory_space<vmem>>, vector<1x16xf32>,
      %get3A_1166 = arith.index_cast %scan3A_62 : i32 to index
      %get3A_1167 = arith.constant 832 : index
      %get3A_1168 = tpu.vector_load %arg13[%get3A_1166, %get3A_1167] {strides = array<i32>} : memref<32x1024xf32, #tpu.memory_space<vmem>>, vector<1x16xf32>,
      %get3A_1169 = vector.shape_cast %get3A_1168 : vector<1x16xf32> to vector<16xf32>
      %get3A_1170 = arith.index_cast %scan3A_62 : i32 to index
      %get3A_1171 = arith.constant 832 : index
      %get3A_1172 = tpu.vector_load %arg11[%get3A_1170, %get3A_1171] {strides = array<i32>} : memref<32x1024xf32, #tpu.memory_space<vmem>>, vector<1x16xf32>,
      %get3A_1173 = vector.shape_cast %get3A_1172 : vector<1x16xf32> to vector<16xf32>
      %mul3A_1174 = arith.mulf %get3A_68, %get3A_1173 : vector<16xf32>
      %add3A_1175 = arith.addf %get3A_1169, %mul3A_1174 : vector<16xf32>
      %get3A_1176 = arith.index_cast %scan3A_62 : i32 to index
      %get3A_1177 = arith.constant 832 : index
      %get3A_1178 = tpu.vector_load %arg12[%get3A_1176, %get3A_1177] {strides = array<i32>} : memref<32x1024xf32, #tpu.memory_space<vmem>>, vector<1x16xf32>,
      %get3A_1179 = vector.shape_cast %get3A_1178 : vector<1x16xf32> to vector<16xf32>
      %mul3A_1180 = arith.mulf %get3A_74, %get3A_1179 : vector<16xf32>
      %add3A_1181 = arith.addf %add3A_1175, %mul3A_1180 : vector<16xf32>
      %swap3A_1182 = arith.index_cast %scan3A_62 : i32 to index
      %swap3A_1183 = arith.constant 832 : index
      %swap3A_1184 = tpu.vector_load %arg13[%swap3A_1182, %swap3A_1183] {strides = array<i32>} : memref<32x1024xf32, #tpu.memory_space<vmem>>, vector<1x16xf32>,
      %swap3A_1185 = vector.shape_cast %swap3A_1184 : vector<1x16xf32> to vector<16xf32>
      %swap3A_1186 = vector.shape_cast %add3A_1181 : vector<16xf32> to vector<1x16xf32>
      tpu.vector_store %arg13[%swap3A_1182, %swap3A_1183], %swap3A_1186 {strides = array<i32>} : memref<32x1024xf32, #tpu.memory_space<vmem>>, vector<1x16xf32>,
      %get3A_1187 = arith.index_cast %scan3A_62 : i32 to index
      %get3A_1188 = arith.constant 848 : index
      %get3A_1189 = tpu.vector_load %arg13[%get3A_1187, %get3A_1188] {strides = array<i32>} : memref<32x1024xf32, #tpu.memory_space<vmem>>, vector<1x16xf32>,
      %get3A_1190 = vector.shape_cast %get3A_1189 : vector<1x16xf32> to vector<16xf32>
      %get3A_1191 = arith.index_cast %scan3A_62 : i32 to index
      %get3A_1192 = arith.constant 848 : index
      %get3A_1193 = tpu.vector_load %arg11[%get3A_1191, %get3A_1192] {strides = array<i32>} : memref<32x1024xf32, #tpu.memory_space<vmem>>, vector<1x16xf32>,
      %get3A_1194 = vector.shape_cast %get3A_1193 : vector<1x16xf32> to vector<16xf32>
      %mul3A_1195 = arith.mulf %get3A_68, %get3A_1194 : vector<16xf32>
      %add3A_1196 = arith.addf %get3A_1190, %mul3A_1195 : vector<16xf32>
      %get3A_1197 = arith.index_cast %scan3A_62 : i32 to index
      %get3A_1198 = arith.constant 848 : index
      %get3A_1199 = tpu.vector_load %arg12[%get3A_1197, %get3A_1198] {strides = array<i32>} : memref<32x1024xf32, #tpu.memory_space<vmem>>, vector<1x16xf32>,
      %get3A_1200 = vector.shape_cast %get3A_1199 : vector<1x16xf32> to vector<16xf32>
      %mul3A_1201 = arith.mulf %get3A_74, %get3A_1200 : vector<16xf32>
      %add3A_1202 = arith.addf %add3A_1196, %mul3A_1201 : vector<16xf32>
      %swap3A_1203 = arith.index_cast %scan3A_62 : i32 to index
      %swap3A_1204 = arith.constant 848 : index
      %swap3A_1205 = tpu.vector_load %arg13[%swap3A_1203, %swap3A_1204] {strides = array<i32>} : memref<32x1024xf32, #tpu.memory_space<vmem>>, vector<1x16xf32>,
      %swap3A_1206 = vector.shape_cast %swap3A_1205 : vector<1x16xf32> to vector<16xf32>
      %swap3A_1207 = vector.shape_cast %add3A_1202 : vector<16xf32> to vector<1x16xf32>
      tpu.vector_store %arg13[%swap3A_1203, %swap3A_1204], %swap3A_1207 {strides = array<i32>} : memref<32x1024xf32, #tpu.memory_space<vmem>>, vector<1x16xf32>,
      %get3A_1208 = arith.index_cast %scan3A_62 : i32 to index
      %get3A_1209 = arith.constant 864 : index
      %get3A_1210 = tpu.vector_load %arg13[%get3A_1208, %get3A_1209] {strides = array<i32>} : memref<32x1024xf32, #tpu.memory_space<vmem>>, vector<1x16xf32>,
      %get3A_1211 = vector.shape_cast %get3A_1210 : vector<1x16xf32> to vector<16xf32>
      %get3A_1212 = arith.index_cast %scan3A_62 : i32 to index
      %get3A_1213 = arith.constant 864 : index
      %get3A_1214 = tpu.vector_load %arg11[%get3A_1212, %get3A_1213] {strides = array<i32>} : memref<32x1024xf32, #tpu.memory_space<vmem>>, vector<1x16xf32>,
      %get3A_1215 = vector.shape_cast %get3A_1214 : vector<1x16xf32> to vector<16xf32>
      %mul3A_1216 = arith.mulf %get3A_68, %get3A_1215 : vector<16xf32>
      %add3A_1217 = arith.addf %get3A_1211, %mul3A_1216 : vector<16xf32>
      %get3A_1218 = arith.index_cast %scan3A_62 : i32 to index
      %get3A_1219 = arith.constant 864 : index
      %get3A_1220 = tpu.vector_load %arg12[%get3A_1218, %get3A_1219] {strides = array<i32>} : memref<32x1024xf32, #tpu.memory_space<vmem>>, vector<1x16xf32>,
      %get3A_1221 = vector.shape_cast %get3A_1220 : vector<1x16xf32> to vector<16xf32>
      %mul3A_1222 = arith.mulf %get3A_74, %get3A_1221 : vector<16xf32>
      %add3A_1223 = arith.addf %add3A_1217, %mul3A_1222 : vector<16xf32>
      %swap3A_1224 = arith.index_cast %scan3A_62 : i32 to index
      %swap3A_1225 = arith.constant 864 : index
      %swap3A_1226 = tpu.vector_load %arg13[%swap3A_1224, %swap3A_1225] {strides = array<i32>} : memref<32x1024xf32, #tpu.memory_space<vmem>>, vector<1x16xf32>,
      %swap3A_1227 = vector.shape_cast %swap3A_1226 : vector<1x16xf32> to vector<16xf32>
      %swap3A_1228 = vector.shape_cast %add3A_1223 : vector<16xf32> to vector<1x16xf32>
      tpu.vector_store %arg13[%swap3A_1224, %swap3A_1225], %swap3A_1228 {strides = array<i32>} : memref<32x1024xf32, #tpu.memory_space<vmem>>, vector<1x16xf32>,
      %get3A_1229 = arith.index_cast %scan3A_62 : i32 to index
      %get3A_1230 = arith.constant 880 : index
      %get3A_1231 = tpu.vector_load %arg13[%get3A_1229, %get3A_1230] {strides = array<i32>} : memref<32x1024xf32, #tpu.memory_space<vmem>>, vector<1x16xf32>,
      %get3A_1232 = vector.shape_cast %get3A_1231 : vector<1x16xf32> to vector<16xf32>
      %get3A_1233 = arith.index_cast %scan3A_62 : i32 to index
      %get3A_1234 = arith.constant 880 : index
      %get3A_1235 = tpu.vector_load %arg11[%get3A_1233, %get3A_1234] {strides = array<i32>} : memref<32x1024xf32, #tpu.memory_space<vmem>>, vector<1x16xf32>,
      %get3A_1236 = vector.shape_cast %get3A_1235 : vector<1x16xf32> to vector<16xf32>
      %mul3A_1237 = arith.mulf %get3A_68, %get3A_1236 : vector<16xf32>
      %add3A_1238 = arith.addf %get3A_1232, %mul3A_1237 : vector<16xf32>
      %get3A_1239 = arith.index_cast %scan3A_62 : i32 to index
      %get3A_1240 = arith.constant 880 : index
      %get3A_1241 = tpu.vector_load %arg12[%get3A_1239, %get3A_1240] {strides = array<i32>} : memref<32x1024xf32, #tpu.memory_space<vmem>>, vector<1x16xf32>,
      %get3A_1242 = vector.shape_cast %get3A_1241 : vector<1x16xf32> to vector<16xf32>
      %mul3A_1243 = arith.mulf %get3A_74, %get3A_1242 : vector<16xf32>
      %add3A_1244 = arith.addf %add3A_1238, %mul3A_1243 : vector<16xf32>
      %swap3A_1245 = arith.index_cast %scan3A_62 : i32 to index
      %swap3A_1246 = arith.constant 880 : index
      %swap3A_1247 = tpu.vector_load %arg13[%swap3A_1245, %swap3A_1246] {strides = array<i32>} : memref<32x1024xf32, #tpu.memory_space<vmem>>, vector<1x16xf32>,
      %swap3A_1248 = vector.shape_cast %swap3A_1247 : vector<1x16xf32> to vector<16xf32>
      %swap3A_1249 = vector.shape_cast %add3A_1244 : vector<16xf32> to vector<1x16xf32>
      tpu.vector_store %arg13[%swap3A_1245, %swap3A_1246], %swap3A_1249 {strides = array<i32>} : memref<32x1024xf32, #tpu.memory_space<vmem>>, vector<1x16xf32>,
      %get3A_1250 = arith.index_cast %scan3A_62 : i32 to index
      %get3A_1251 = arith.constant 896 : index
      %get3A_1252 = tpu.vector_load %arg13[%get3A_1250, %get3A_1251] {strides = array<i32>} : memref<32x1024xf32, #tpu.memory_space<vmem>>, vector<1x16xf32>,
      %get3A_1253 = vector.shape_cast %get3A_1252 : vector<1x16xf32> to vector<16xf32>
      %get3A_1254 = arith.index_cast %scan3A_62 : i32 to index
      %get3A_1255 = arith.constant 896 : index
      %get3A_1256 = tpu.vector_load %arg11[%get3A_1254, %get3A_1255] {strides = array<i32>} : memref<32x1024xf32, #tpu.memory_space<vmem>>, vector<1x16xf32>,
      %get3A_1257 = vector.shape_cast %get3A_1256 : vector<1x16xf32> to vector<16xf32>
      %mul3A_1258 = arith.mulf %get3A_68, %get3A_1257 : vector<16xf32>
      %add3A_1259 = arith.addf %get3A_1253, %mul3A_1258 : vector<16xf32>
      %get3A_1260 = arith.index_cast %scan3A_62 : i32 to index
      %get3A_1261 = arith.constant 896 : index
      %get3A_1262 = tpu.vector_load %arg12[%get3A_1260, %get3A_1261] {strides = array<i32>} : memref<32x1024xf32, #tpu.memory_space<vmem>>, vector<1x16xf32>,
      %get3A_1263 = vector.shape_cast %get3A_1262 : vector<1x16xf32> to vector<16xf32>
      %mul3A_1264 = arith.mulf %get3A_74, %get3A_1263 : vector<16xf32>
      %add3A_1265 = arith.addf %add3A_1259, %mul3A_1264 : vector<16xf32>
      %swap3A_1266 = arith.index_cast %scan3A_62 : i32 to index
      %swap3A_1267 = arith.constant 896 : index
      %swap3A_1268 = tpu.vector_load %arg13[%swap3A_1266, %swap3A_1267] {strides = array<i32>} : memref<32x1024xf32, #tpu.memory_space<vmem>>, vector<1x16xf32>,
      %swap3A_1269 = vector.shape_cast %swap3A_1268 : vector<1x16xf32> to vector<16xf32>
      %swap3A_1270 = vector.shape_cast %add3A_1265 : vector<16xf32> to vector<1x16xf32>
      tpu.vector_store %arg13[%swap3A_1266, %swap3A_1267], %swap3A_1270 {strides = array<i32>} : memref<32x1024xf32, #tpu.memory_space<vmem>>, vector<1x16xf32>,
      %get3A_1271 = arith.index_cast %scan3A_62 : i32 to index
      %get3A_1272 = arith.constant 912 : index
      %get3A_1273 = tpu.vector_load %arg13[%get3A_1271, %get3A_1272] {strides = array<i32>} : memref<32x1024xf32, #tpu.memory_space<vmem>>, vector<1x16xf32>,
      %get3A_1274 = vector.shape_cast %get3A_1273 : vector<1x16xf32> to vector<16xf32>
      %get3A_1275 = arith.index_cast %scan3A_62 : i32 to index
      %get3A_1276 = arith.constant 912 : index
      %get3A_1277 = tpu.vector_load %arg11[%get3A_1275, %get3A_1276] {strides = array<i32>} : memref<32x1024xf32, #tpu.memory_space<vmem>>, vector<1x16xf32>,
      %get3A_1278 = vector.shape_cast %get3A_1277 : vector<1x16xf32> to vector<16xf32>
      %mul3A_1279 = arith.mulf %get3A_68, %get3A_1278 : vector<16xf32>
      %add3A_1280 = arith.addf %get3A_1274, %mul3A_1279 : vector<16xf32>
      %get3A_1281 = arith.index_cast %scan3A_62 : i32 to index
      %get3A_1282 = arith.constant 912 : index
      %get3A_1283 = tpu.vector_load %arg12[%get3A_1281, %get3A_1282] {strides = array<i32>} : memref<32x1024xf32, #tpu.memory_space<vmem>>, vector<1x16xf32>,
      %get3A_1284 = vector.shape_cast %get3A_1283 : vector<1x16xf32> to vector<16xf32>
      %mul3A_1285 = arith.mulf %get3A_74, %get3A_1284 : vector<16xf32>
      %add3A_1286 = arith.addf %add3A_1280, %mul3A_1285 : vector<16xf32>
      %swap3A_1287 = arith.index_cast %scan3A_62 : i32 to index
      %swap3A_1288 = arith.constant 912 : index
      %swap3A_1289 = tpu.vector_load %arg13[%swap3A_1287, %swap3A_1288] {strides = array<i32>} : memref<32x1024xf32, #tpu.memory_space<vmem>>, vector<1x16xf32>,
      %swap3A_1290 = vector.shape_cast %swap3A_1289 : vector<1x16xf32> to vector<16xf32>
      %swap3A_1291 = vector.shape_cast %add3A_1286 : vector<16xf32> to vector<1x16xf32>
      tpu.vector_store %arg13[%swap3A_1287, %swap3A_1288], %swap3A_1291 {strides = array<i32>} : memref<32x1024xf32, #tpu.memory_space<vmem>>, vector<1x16xf32>,
      %get3A_1292 = arith.index_cast %scan3A_62 : i32 to index
      %get3A_1293 = arith.constant 928 : index
      %get3A_1294 = tpu.vector_load %arg13[%get3A_1292, %get3A_1293] {strides = array<i32>} : memref<32x1024xf32, #tpu.memory_space<vmem>>, vector<1x16xf32>,
      %get3A_1295 = vector.shape_cast %get3A_1294 : vector<1x16xf32> to vector<16xf32>
      %get3A_1296 = arith.index_cast %scan3A_62 : i32 to index
      %get3A_1297 = arith.constant 928 : index
      %get3A_1298 = tpu.vector_load %arg11[%get3A_1296, %get3A_1297] {strides = array<i32>} : memref<32x1024xf32, #tpu.memory_space<vmem>>, vector<1x16xf32>,
      %get3A_1299 = vector.shape_cast %get3A_1298 : vector<1x16xf32> to vector<16xf32>
      %mul3A_1300 = arith.mulf %get3A_68, %get3A_1299 : vector<16xf32>
      %add3A_1301 = arith.addf %get3A_1295, %mul3A_1300 : vector<16xf32>
      %get3A_1302 = arith.index_cast %scan3A_62 : i32 to index
      %get3A_1303 = arith.constant 928 : index
      %get3A_1304 = tpu.vector_load %arg12[%get3A_1302, %get3A_1303] {strides = array<i32>} : memref<32x1024xf32, #tpu.memory_space<vmem>>, vector<1x16xf32>,
      %get3A_1305 = vector.shape_cast %get3A_1304 : vector<1x16xf32> to vector<16xf32>
      %mul3A_1306 = arith.mulf %get3A_74, %get3A_1305 : vector<16xf32>
      %add3A_1307 = arith.addf %add3A_1301, %mul3A_1306 : vector<16xf32>
      %swap3A_1308 = arith.index_cast %scan3A_62 : i32 to index
      %swap3A_1309 = arith.constant 928 : index
      %swap3A_1310 = tpu.vector_load %arg13[%swap3A_1308, %swap3A_1309] {strides = array<i32>} : memref<32x1024xf32, #tpu.memory_space<vmem>>, vector<1x16xf32>,
      %swap3A_1311 = vector.shape_cast %swap3A_1310 : vector<1x16xf32> to vector<16xf32>
      %swap3A_1312 = vector.shape_cast %add3A_1307 : vector<16xf32> to vector<1x16xf32>
      tpu.vector_store %arg13[%swap3A_1308, %swap3A_1309], %swap3A_1312 {strides = array<i32>} : memref<32x1024xf32, #tpu.memory_space<vmem>>, vector<1x16xf32>,
      %get3A_1313 = arith.index_cast %scan3A_62 : i32 to index
      %get3A_1314 = arith.constant 944 : index
      %get3A_1315 = tpu.vector_load %arg13[%get3A_1313, %get3A_1314] {strides = array<i32>} : memref<32x1024xf32, #tpu.memory_space<vmem>>, vector<1x16xf32>,
      %get3A_1316 = vector.shape_cast %get3A_1315 : vector<1x16xf32> to vector<16xf32>
      %get3A_1317 = arith.index_cast %scan3A_62 : i32 to index
      %get3A_1318 = arith.constant 944 : index
      %get3A_1319 = tpu.vector_load %arg11[%get3A_1317, %get3A_1318] {strides = array<i32>} : memref<32x1024xf32, #tpu.memory_space<vmem>>, vector<1x16xf32>,
      %get3A_1320 = vector.shape_cast %get3A_1319 : vector<1x16xf32> to vector<16xf32>
      %mul3A_1321 = arith.mulf %get3A_68, %get3A_1320 : vector<16xf32>
      %add3A_1322 = arith.addf %get3A_1316, %mul3A_1321 : vector<16xf32>
      %get3A_1323 = arith.index_cast %scan3A_62 : i32 to index
      %get3A_1324 = arith.constant 944 : index
      %get3A_1325 = tpu.vector_load %arg12[%get3A_1323, %get3A_1324] {strides = array<i32>} : memref<32x1024xf32, #tpu.memory_space<vmem>>, vector<1x16xf32>,
      %get3A_1326 = vector.shape_cast %get3A_1325 : vector<1x16xf32> to vector<16xf32>
      %mul3A_1327 = arith.mulf %get3A_74, %get3A_1326 : vector<16xf32>
      %add3A_1328 = arith.addf %add3A_1322, %mul3A_1327 : vector<16xf32>
      %swap3A_1329 = arith.index_cast %scan3A_62 : i32 to index
      %swap3A_1330 = arith.constant 944 : index
      %swap3A_1331 = tpu.vector_load %arg13[%swap3A_1329, %swap3A_1330] {strides = array<i32>} : memref<32x1024xf32, #tpu.memory_space<vmem>>, vector<1x16xf32>,
      %swap3A_1332 = vector.shape_cast %swap3A_1331 : vector<1x16xf32> to vector<16xf32>
      %swap3A_1333 = vector.shape_cast %add3A_1328 : vector<16xf32> to vector<1x16xf32>
      tpu.vector_store %arg13[%swap3A_1329, %swap3A_1330], %swap3A_1333 {strides = array<i32>} : memref<32x1024xf32, #tpu.memory_space<vmem>>, vector<1x16xf32>,
      %get3A_1334 = arith.index_cast %scan3A_62 : i32 to index
      %get3A_1335 = arith.constant 960 : index
      %get3A_1336 = tpu.vector_load %arg13[%get3A_1334, %get3A_1335] {strides = array<i32>} : memref<32x1024xf32, #tpu.memory_space<vmem>>, vector<1x16xf32>,
      %get3A_1337 = vector.shape_cast %get3A_1336 : vector<1x16xf32> to vector<16xf32>
      %get3A_1338 = arith.index_cast %scan3A_62 : i32 to index
      %get3A_1339 = arith.constant 960 : index
      %get3A_1340 = tpu.vector_load %arg11[%get3A_1338, %get3A_1339] {strides = array<i32>} : memref<32x1024xf32, #tpu.memory_space<vmem>>, vector<1x16xf32>,
      %get3A_1341 = vector.shape_cast %get3A_1340 : vector<1x16xf32> to vector<16xf32>
      %mul3A_1342 = arith.mulf %get3A_68, %get3A_1341 : vector<16xf32>
      %add3A_1343 = arith.addf %get3A_1337, %mul3A_1342 : vector<16xf32>
      %get3A_1344 = arith.index_cast %scan3A_62 : i32 to index
      %get3A_1345 = arith.constant 960 : index
      %get3A_1346 = tpu.vector_load %arg12[%get3A_1344, %get3A_1345] {strides = array<i32>} : memref<32x1024xf32, #tpu.memory_space<vmem>>, vector<1x16xf32>,
      %get3A_1347 = vector.shape_cast %get3A_1346 : vector<1x16xf32> to vector<16xf32>
      %mul3A_1348 = arith.mulf %get3A_74, %get3A_1347 : vector<16xf32>
      %add3A_1349 = arith.addf %add3A_1343, %mul3A_1348 : vector<16xf32>
      %swap3A_1350 = arith.index_cast %scan3A_62 : i32 to index
      %swap3A_1351 = arith.constant 960 : index
      %swap3A_1352 = tpu.vector_load %arg13[%swap3A_1350, %swap3A_1351] {strides = array<i32>} : memref<32x1024xf32, #tpu.memory_space<vmem>>, vector<1x16xf32>,
      %swap3A_1353 = vector.shape_cast %swap3A_1352 : vector<1x16xf32> to vector<16xf32>
      %swap3A_1354 = vector.shape_cast %add3A_1349 : vector<16xf32> to vector<1x16xf32>
      tpu.vector_store %arg13[%swap3A_1350, %swap3A_1351], %swap3A_1354 {strides = array<i32>} : memref<32x1024xf32, #tpu.memory_space<vmem>>, vector<1x16xf32>,
      %get3A_1355 = arith.index_cast %scan3A_62 : i32 to index
      %get3A_1356 = arith.constant 976 : index
      %get3A_1357 = tpu.vector_load %arg13[%get3A_1355, %get3A_1356] {strides = array<i32>} : memref<32x1024xf32, #tpu.memory_space<vmem>>, vector<1x16xf32>,
      %get3A_1358 = vector.shape_cast %get3A_1357 : vector<1x16xf32> to vector<16xf32>
      %get3A_1359 = arith.index_cast %scan3A_62 : i32 to index
      %get3A_1360 = arith.constant 976 : index
      %get3A_1361 = tpu.vector_load %arg11[%get3A_1359, %get3A_1360] {strides = array<i32>} : memref<32x1024xf32, #tpu.memory_space<vmem>>, vector<1x16xf32>,
      %get3A_1362 = vector.shape_cast %get3A_1361 : vector<1x16xf32> to vector<16xf32>
      %mul3A_1363 = arith.mulf %get3A_68, %get3A_1362 : vector<16xf32>
      %add3A_1364 = arith.addf %get3A_1358, %mul3A_1363 : vector<16xf32>
      %get3A_1365 = arith.index_cast %scan3A_62 : i32 to index
      %get3A_1366 = arith.constant 976 : index
      %get3A_1367 = tpu.vector_load %arg12[%get3A_1365, %get3A_1366] {strides = array<i32>} : memref<32x1024xf32, #tpu.memory_space<vmem>>, vector<1x16xf32>,
      %get3A_1368 = vector.shape_cast %get3A_1367 : vector<1x16xf32> to vector<16xf32>
      %mul3A_1369 = arith.mulf %get3A_74, %get3A_1368 : vector<16xf32>
      %add3A_1370 = arith.addf %add3A_1364, %mul3A_1369 : vector<16xf32>
      %swap3A_1371 = arith.index_cast %scan3A_62 : i32 to index
      %swap3A_1372 = arith.constant 976 : index
      %swap3A_1373 = tpu.vector_load %arg13[%swap3A_1371, %swap3A_1372] {strides = array<i32>} : memref<32x1024xf32, #tpu.memory_space<vmem>>, vector<1x16xf32>,
      %swap3A_1374 = vector.shape_cast %swap3A_1373 : vector<1x16xf32> to vector<16xf32>
      %swap3A_1375 = vector.shape_cast %add3A_1370 : vector<16xf32> to vector<1x16xf32>
      tpu.vector_store %arg13[%swap3A_1371, %swap3A_1372], %swap3A_1375 {strides = array<i32>} : memref<32x1024xf32, #tpu.memory_space<vmem>>, vector<1x16xf32>,
      %get3A_1376 = arith.index_cast %scan3A_62 : i32 to index
      %get3A_1377 = arith.constant 992 : index
      %get3A_1378 = tpu.vector_load %arg13[%get3A_1376, %get3A_1377] {strides = array<i32>} : memref<32x1024xf32, #tpu.memory_space<vmem>>, vector<1x16xf32>,
      %get3A_1379 = vector.shape_cast %get3A_1378 : vector<1x16xf32> to vector<16xf32>
      %get3A_1380 = arith.index_cast %scan3A_62 : i32 to index
      %get3A_1381 = arith.constant 992 : index
      %get3A_1382 = tpu.vector_load %arg11[%get3A_1380, %get3A_1381] {strides = array<i32>} : memref<32x1024xf32, #tpu.memory_space<vmem>>, vector<1x16xf32>,
      %get3A_1383 = vector.shape_cast %get3A_1382 : vector<1x16xf32> to vector<16xf32>
      %mul3A_1384 = arith.mulf %get3A_68, %get3A_1383 : vector<16xf32>
      %add3A_1385 = arith.addf %get3A_1379, %mul3A_1384 : vector<16xf32>
      %get3A_1386 = arith.index_cast %scan3A_62 : i32 to index
      %get3A_1387 = arith.constant 992 : index
      %get3A_1388 = tpu.vector_load %arg12[%get3A_1386, %get3A_1387] {strides = array<i32>} : memref<32x1024xf32, #tpu.memory_space<vmem>>, vector<1x16xf32>,
      %get3A_1389 = vector.shape_cast %get3A_1388 : vector<1x16xf32> to vector<16xf32>
      %mul3A_1390 = arith.mulf %get3A_74, %get3A_1389 : vector<16xf32>
      %add3A_1391 = arith.addf %add3A_1385, %mul3A_1390 : vector<16xf32>
      %swap3A_1392 = arith.index_cast %scan3A_62 : i32 to index
      %swap3A_1393 = arith.constant 992 : index
      %swap3A_1394 = tpu.vector_load %arg13[%swap3A_1392, %swap3A_1393] {strides = array<i32>} : memref<32x1024xf32, #tpu.memory_space<vmem>>, vector<1x16xf32>,
      %swap3A_1395 = vector.shape_cast %swap3A_1394 : vector<1x16xf32> to vector<16xf32>
      %swap3A_1396 = vector.shape_cast %add3A_1391 : vector<16xf32> to vector<1x16xf32>
      tpu.vector_store %arg13[%swap3A_1392, %swap3A_1393], %swap3A_1396 {strides = array<i32>} : memref<32x1024xf32, #tpu.memory_space<vmem>>, vector<1x16xf32>,
      %get3A_1397 = arith.index_cast %scan3A_62 : i32 to index
      %get3A_1398 = arith.constant 1008 : index
      %get3A_1399 = tpu.vector_load %arg13[%get3A_1397, %get3A_1398] {strides = array<i32>} : memref<32x1024xf32, #tpu.memory_space<vmem>>, vector<1x16xf32>,
      %get3A_1400 = vector.shape_cast %get3A_1399 : vector<1x16xf32> to vector<16xf32>
      %get3A_1401 = arith.index_cast %scan3A_62 : i32 to index
      %get3A_1402 = arith.constant 1008 : index
      %get3A_1403 = tpu.vector_load %arg11[%get3A_1401, %get3A_1402] {strides = array<i32>} : memref<32x1024xf32, #tpu.memory_space<vmem>>, vector<1x16xf32>,
      %get3A_1404 = vector.shape_cast %get3A_1403 : vector<1x16xf32> to vector<16xf32>
      %mul3A_1405 = arith.mulf %get3A_68, %get3A_1404 : vector<16xf32>
      %add3A_1406 = arith.addf %get3A_1400, %mul3A_1405 : vector<16xf32>
      %get3A_1407 = arith.index_cast %scan3A_62 : i32 to index
      %get3A_1408 = arith.constant 1008 : index
      %get3A_1409 = tpu.vector_load %arg12[%get3A_1407, %get3A_1408] {strides = array<i32>} : memref<32x1024xf32, #tpu.memory_space<vmem>>, vector<1x16xf32>,
      %get3A_1410 = vector.shape_cast %get3A_1409 : vector<1x16xf32> to vector<16xf32>
      %mul3A_1411 = arith.mulf %get3A_74, %get3A_1410 : vector<16xf32>
      %add3A_1412 = arith.addf %add3A_1406, %mul3A_1411 : vector<16xf32>
      %swap3A_1413 = arith.index_cast %scan3A_62 : i32 to index
      %swap3A_1414 = arith.constant 1008 : index
      %swap3A_1415 = tpu.vector_load %arg13[%swap3A_1413, %swap3A_1414] {strides = array<i32>} : memref<32x1024xf32, #tpu.memory_space<vmem>>, vector<1x16xf32>,
      %swap3A_1416 = vector.shape_cast %swap3A_1415 : vector<1x16xf32> to vector<16xf32>
      %swap3A_1417 = vector.shape_cast %add3A_1412 : vector<16xf32> to vector<1x16xf32>
      tpu.vector_store %arg13[%swap3A_1413, %swap3A_1414], %swap3A_1417 {strides = array<i32>} : memref<32x1024xf32, #tpu.memory_space<vmem>>, vector<1x16xf32>,
      %scan3A_1418 = arith.constant 0 : i32
      scf.yield %scan3A_1418 : i32
    }
    %scan3A_28 = arith.constant 32 : i32
    %add3A_29 = arith.constant 0 : i32
    %add3A_30 = arith.addi %mul3A_2, %add3A_29 : i32
    "tpu.region"() ({
      %run_scoped3A = tpu.sem_alloc : memref<!tpu.dma_semaphore, #tpu.memory_space<semaphore_mem>>
      %dma_start3A_62 = arith.constant 0 : i32
      %dma_start3A_63 = tpu.memref_slice %arg8[%add3A_30, %dma_start3A_62] : memref<2048x1024xf32, #tpu.memory_space<hbm>> -> memref<32x1024xf32, #tpu.memory_space<hbm>>
      %dma_start3A_64 = arith.constant 0 : i32
      %dma_start3A_65 = tpu.memref_slice %arg8[%add3A_30, %dma_start3A_64] : memref<2048x1024xf32, #tpu.memory_space<hbm>> -> memref<32x1024xf32, #tpu.memory_space<hbm>>
      tpu.enqueue_dma source(%arg13 : memref<32x1024xf32, #tpu.memory_space<vmem>>) target(%dma_start3A_65 : memref<32x1024xf32, #tpu.memory_space<hbm>>) target_semaphore(%run_scoped3A : memref<!tpu.dma_semaphore, #tpu.memory_space<semaphore_mem>>)
      %dma_wait3A_66 = arith.constant 0 : i32
      %dma_wait3A_67 = tpu.memref_slice %arg8[%add3A_30, %dma_wait3A_66] : memref<2048x1024xf32, #tpu.memory_space<hbm>> -> memref<32x1024xf32, #tpu.memory_space<hbm>>
      %dma_wait3A_68 = arith.constant 0 : i32
      %dma_wait3A_69 = tpu.memref_slice %arg8[%add3A_30, %dma_wait3A_68] : memref<2048x1024xf32, #tpu.memory_space<hbm>> -> memref<32x1024xf32, #tpu.memory_space<hbm>>
      tpu.wait_dma2 semaphore(%run_scoped3A : memref<!tpu.dma_semaphore, #tpu.memory_space<semaphore_mem>>) src(%arg13 : memref<32x1024xf32, #tpu.memory_space<vmem>>) dst(%dma_wait3A_69 : memref<32x1024xf32, #tpu.memory_space<hbm>>)
      tpu.yield
    }) : () -> ()
    %dma_start3A_31 = arith.constant 32 : i32
    %dma_start3A_32 = tpu.memref_slice %arg9[%dma_start3A_31] : memref<64xi32, #tpu.memory_space<vmem>> -> memref<32xi32, #tpu.memory_space<vmem>>
    %dma_start3A_33 = arith.constant 0 : i32
    %dma_start3A_34 = arith.constant 0 : i32
    %dma_start3A_35 = tpu.memref_slice %arg2[%dma_start3A_33, %dma_start3A_34] : memref<8192x1024xf32, #tpu.memory_space<hbm>> -> memref<8192x1024xf32, #tpu.memory_space<hbm>>
    tpu.enqueue_indirect_dma source(%dma_start3A_35 : memref<8192x1024xf32, #tpu.memory_space<hbm>>) target(%arg11 : memref<32x1024xf32, #tpu.memory_space<vmem>>) offsets(%dma_start3A_32 : memref<32xi32, #tpu.memory_space<vmem>>) semaphore(%arg16 : memref<!tpu.dma_semaphore, #tpu.memory_space<semaphore_mem>>)
    %dma_start3A_36 = arith.constant 32 : i32
    %dma_start3A_37 = tpu.memref_slice %arg10[%dma_start3A_36] : memref<64xi32, #tpu.memory_space<vmem>> -> memref<32xi32, #tpu.memory_space<vmem>>
    %dma_start3A_38 = arith.constant 0 : i32
    %dma_start3A_39 = arith.constant 0 : i32
    %dma_start3A_40 = tpu.memref_slice %arg2[%dma_start3A_38, %dma_start3A_39] : memref<8192x1024xf32, #tpu.memory_space<hbm>> -> memref<8192x1024xf32, #tpu.memory_space<hbm>>
    tpu.enqueue_indirect_dma source(%dma_start3A_40 : memref<8192x1024xf32, #tpu.memory_space<hbm>>) target(%arg12 : memref<32x1024xf32, #tpu.memory_space<vmem>>) offsets(%dma_start3A_37 : memref<32xi32, #tpu.memory_space<vmem>>) semaphore(%arg17 : memref<!tpu.dma_semaphore, #tpu.memory_space<semaphore_mem>>)
    %add3A_41 = arith.constant 32 : i32
    %add3A_42 = arith.addi %mul3A_2, %add3A_41 : i32
    "tpu.region"() ({
      %run_scoped3A = tpu.sem_alloc : memref<!tpu.dma_semaphore, #tpu.memory_space<semaphore_mem>>
      %dma_start3A_62 = arith.constant 0 : i32
      %dma_start3A_63 = tpu.memref_slice %arg3[%add3A_42, %dma_start3A_62] : memref<2048x1024xf32, #tpu.memory_space<hbm>> -> memref<32x1024xf32, #tpu.memory_space<hbm>>
      %dma_start3A_64 = arith.constant 0 : i32
      %dma_start3A_65 = tpu.memref_slice %arg3[%add3A_42, %dma_start3A_64] : memref<2048x1024xf32, #tpu.memory_space<hbm>> -> memref<32x1024xf32, #tpu.memory_space<hbm>>
      tpu.enqueue_dma source(%dma_start3A_65 : memref<32x1024xf32, #tpu.memory_space<hbm>>) target(%arg13 : memref<32x1024xf32, #tpu.memory_space<vmem>>) target_semaphore(%run_scoped3A : memref<!tpu.dma_semaphore, #tpu.memory_space<semaphore_mem>>)
      %dma_wait3A_66 = arith.constant 0 : i32
      %dma_wait3A_67 = tpu.memref_slice %arg3[%add3A_42, %dma_wait3A_66] : memref<2048x1024xf32, #tpu.memory_space<hbm>> -> memref<32x1024xf32, #tpu.memory_space<hbm>>
      %dma_wait3A_68 = arith.constant 0 : i32
      %dma_wait3A_69 = tpu.memref_slice %arg3[%add3A_42, %dma_wait3A_68] : memref<2048x1024xf32, #tpu.memory_space<hbm>> -> memref<32x1024xf32, #tpu.memory_space<hbm>>
      tpu.wait_dma2 semaphore(%run_scoped3A : memref<!tpu.dma_semaphore, #tpu.memory_space<semaphore_mem>>) src(%dma_wait3A_69 : memref<32x1024xf32, #tpu.memory_space<hbm>>) dst(%arg13 : memref<32x1024xf32, #tpu.memory_space<vmem>>)
      tpu.yield
    }) : () -> ()
    %dma_wait3A_43 = arith.constant 32 : i32
    %dma_wait3A_44 = tpu.memref_slice %arg9[%dma_wait3A_43] : memref<64xi32, #tpu.memory_space<vmem>> -> memref<32xi32, #tpu.memory_space<vmem>>
    %dma_wait3A_45 = arith.constant 0 : i32
    %dma_wait3A_46 = arith.constant 0 : i32
    %dma_wait3A_47 = tpu.memref_slice %arg2[%dma_wait3A_45, %dma_wait3A_46] : memref<8192x1024xf32, #tpu.memory_space<hbm>> -> memref<8192x1024xf32, #tpu.memory_space<hbm>>
    tpu.wait_indirect_dma semaphore(%arg16 : memref<!tpu.dma_semaphore, #tpu.memory_space<semaphore_mem>>) src(%dma_wait3A_47 : memref<8192x1024xf32, #tpu.memory_space<hbm>>) dst(%arg11 : memref<32x1024xf32, #tpu.memory_space<vmem>>)
    %dma_wait3A_48 = arith.constant 32 : i32
    %dma_wait3A_49 = tpu.memref_slice %arg10[%dma_wait3A_48] : memref<64xi32, #tpu.memory_space<vmem>> -> memref<32xi32, #tpu.memory_space<vmem>>
    %dma_wait3A_50 = arith.constant 0 : i32
    %dma_wait3A_51 = arith.constant 0 : i32
    %dma_wait3A_52 = tpu.memref_slice %arg2[%dma_wait3A_50, %dma_wait3A_51] : memref<8192x1024xf32, #tpu.memory_space<hbm>> -> memref<8192x1024xf32, #tpu.memory_space<hbm>>
    tpu.wait_indirect_dma semaphore(%arg17 : memref<!tpu.dma_semaphore, #tpu.memory_space<semaphore_mem>>) src(%dma_wait3A_52 : memref<8192x1024xf32, #tpu.memory_space<hbm>>) dst(%arg12 : memref<32x1024xf32, #tpu.memory_space<vmem>>)
    %scan3A_53 = arith.constant 0 : i32
    %scan3A_54 = arith.constant 0 : i32
    %scan3A_55 = arith.constant 32 : i32
    %scan3A_56 = arith.addi %scan3A_54, %scan3A_55 : i32
    %scan3A_57 = arith.constant 1 : i32
    %scan3A_58 = scf.for %scan3A_62 = %scan3A_54 to %scan3A_56 step %scan3A_57 iter_args(%scan3A_63 = %scan3A_53) -> (i32)  : i32 {
      %add3A_64 = arith.constant 32 : i32
      %add3A_65 = arith.addi %add3A_64, %scan3A_62 : i32
      %get3A = arith.index_cast %add3A_65 : i32 to index
      %get3A_66 = arith.constant 0 : index
      %get3A_67 = tpu.vector_load %arg14[%get3A, %get3A_66] {strides = array<i32>} : memref<64x16xf32, #tpu.memory_space<vmem>>, vector<1x16xf32>,
      %get3A_68 = vector.shape_cast %get3A_67 : vector<1x16xf32> to vector<16xf32>
      %add3A_69 = arith.constant 32 : i32
      %add3A_70 = arith.addi %add3A_69, %scan3A_62 : i32
      %get3A_71 = arith.index_cast %add3A_70 : i32 to index
      %get3A_72 = arith.constant 0 : index
      %get3A_73 = tpu.vector_load %arg15[%get3A_71, %get3A_72] {strides = array<i32>} : memref<64x16xf32, #tpu.memory_space<vmem>>, vector<1x16xf32>,
      %get3A_74 = vector.shape_cast %get3A_73 : vector<1x16xf32> to vector<16xf32>
      %get3A_75 = arith.index_cast %scan3A_62 : i32 to index
      %get3A_76 = arith.constant 0 : index
      %get3A_77 = tpu.vector_load %arg13[%get3A_75, %get3A_76] {strides = array<i32>} : memref<32x1024xf32, #tpu.memory_space<vmem>>, vector<1x16xf32>,
      %get3A_78 = vector.shape_cast %get3A_77 : vector<1x16xf32> to vector<16xf32>
      %get3A_79 = arith.index_cast %scan3A_62 : i32 to index
      %get3A_80 = arith.constant 0 : index
      %get3A_81 = tpu.vector_load %arg11[%get3A_79, %get3A_80] {strides = array<i32>} : memref<32x1024xf32, #tpu.memory_space<vmem>>, vector<1x16xf32>,
      %get3A_82 = vector.shape_cast %get3A_81 : vector<1x16xf32> to vector<16xf32>
      %mul3A_83 = arith.mulf %get3A_68, %get3A_82 : vector<16xf32>
      %add3A_84 = arith.addf %get3A_78, %mul3A_83 : vector<16xf32>
      %get3A_85 = arith.index_cast %scan3A_62 : i32 to index
      %get3A_86 = arith.constant 0 : index
      %get3A_87 = tpu.vector_load %arg12[%get3A_85, %get3A_86] {strides = array<i32>} : memref<32x1024xf32, #tpu.memory_space<vmem>>, vector<1x16xf32>,
      %get3A_88 = vector.shape_cast %get3A_87 : vector<1x16xf32> to vector<16xf32>
      %mul3A_89 = arith.mulf %get3A_74, %get3A_88 : vector<16xf32>
      %add3A_90 = arith.addf %add3A_84, %mul3A_89 : vector<16xf32>
      %swap3A = arith.index_cast %scan3A_62 : i32 to index
      %swap3A_91 = arith.constant 0 : index
      %swap3A_92 = tpu.vector_load %arg13[%swap3A, %swap3A_91] {strides = array<i32>} : memref<32x1024xf32, #tpu.memory_space<vmem>>, vector<1x16xf32>,
      %swap3A_93 = vector.shape_cast %swap3A_92 : vector<1x16xf32> to vector<16xf32>
      %swap3A_94 = vector.shape_cast %add3A_90 : vector<16xf32> to vector<1x16xf32>
      tpu.vector_store %arg13[%swap3A, %swap3A_91], %swap3A_94 {strides = array<i32>} : memref<32x1024xf32, #tpu.memory_space<vmem>>, vector<1x16xf32>,
      %get3A_95 = arith.index_cast %scan3A_62 : i32 to index
      %get3A_96 = arith.constant 16 : index
      %get3A_97 = tpu.vector_load %arg13[%get3A_95, %get3A_96] {strides = array<i32>} : memref<32x1024xf32, #tpu.memory_space<vmem>>, vector<1x16xf32>,
      %get3A_98 = vector.shape_cast %get3A_97 : vector<1x16xf32> to vector<16xf32>
      %get3A_99 = arith.index_cast %scan3A_62 : i32 to index
      %get3A_100 = arith.constant 16 : index
      %get3A_101 = tpu.vector_load %arg11[%get3A_99, %get3A_100] {strides = array<i32>} : memref<32x1024xf32, #tpu.memory_space<vmem>>, vector<1x16xf32>,
      %get3A_102 = vector.shape_cast %get3A_101 : vector<1x16xf32> to vector<16xf32>
      %mul3A_103 = arith.mulf %get3A_68, %get3A_102 : vector<16xf32>
      %add3A_104 = arith.addf %get3A_98, %mul3A_103 : vector<16xf32>
      %get3A_105 = arith.index_cast %scan3A_62 : i32 to index
      %get3A_106 = arith.constant 16 : index
      %get3A_107 = tpu.vector_load %arg12[%get3A_105, %get3A_106] {strides = array<i32>} : memref<32x1024xf32, #tpu.memory_space<vmem>>, vector<1x16xf32>,
      %get3A_108 = vector.shape_cast %get3A_107 : vector<1x16xf32> to vector<16xf32>
      %mul3A_109 = arith.mulf %get3A_74, %get3A_108 : vector<16xf32>
      %add3A_110 = arith.addf %add3A_104, %mul3A_109 : vector<16xf32>
      %swap3A_111 = arith.index_cast %scan3A_62 : i32 to index
      %swap3A_112 = arith.constant 16 : index
      %swap3A_113 = tpu.vector_load %arg13[%swap3A_111, %swap3A_112] {strides = array<i32>} : memref<32x1024xf32, #tpu.memory_space<vmem>>, vector<1x16xf32>,
      %swap3A_114 = vector.shape_cast %swap3A_113 : vector<1x16xf32> to vector<16xf32>
      %swap3A_115 = vector.shape_cast %add3A_110 : vector<16xf32> to vector<1x16xf32>
      tpu.vector_store %arg13[%swap3A_111, %swap3A_112], %swap3A_115 {strides = array<i32>} : memref<32x1024xf32, #tpu.memory_space<vmem>>, vector<1x16xf32>,
      %get3A_116 = arith.index_cast %scan3A_62 : i32 to index
      %get3A_117 = arith.constant 32 : index
      %get3A_118 = tpu.vector_load %arg13[%get3A_116, %get3A_117] {strides = array<i32>} : memref<32x1024xf32, #tpu.memory_space<vmem>>, vector<1x16xf32>,
      %get3A_119 = vector.shape_cast %get3A_118 : vector<1x16xf32> to vector<16xf32>
      %get3A_120 = arith.index_cast %scan3A_62 : i32 to index
      %get3A_121 = arith.constant 32 : index
      %get3A_122 = tpu.vector_load %arg11[%get3A_120, %get3A_121] {strides = array<i32>} : memref<32x1024xf32, #tpu.memory_space<vmem>>, vector<1x16xf32>,
      %get3A_123 = vector.shape_cast %get3A_122 : vector<1x16xf32> to vector<16xf32>
      %mul3A_124 = arith.mulf %get3A_68, %get3A_123 : vector<16xf32>
      %add3A_125 = arith.addf %get3A_119, %mul3A_124 : vector<16xf32>
      %get3A_126 = arith.index_cast %scan3A_62 : i32 to index
      %get3A_127 = arith.constant 32 : index
      %get3A_128 = tpu.vector_load %arg12[%get3A_126, %get3A_127] {strides = array<i32>} : memref<32x1024xf32, #tpu.memory_space<vmem>>, vector<1x16xf32>,
      %get3A_129 = vector.shape_cast %get3A_128 : vector<1x16xf32> to vector<16xf32>
      %mul3A_130 = arith.mulf %get3A_74, %get3A_129 : vector<16xf32>
      %add3A_131 = arith.addf %add3A_125, %mul3A_130 : vector<16xf32>
      %swap3A_132 = arith.index_cast %scan3A_62 : i32 to index
      %swap3A_133 = arith.constant 32 : index
      %swap3A_134 = tpu.vector_load %arg13[%swap3A_132, %swap3A_133] {strides = array<i32>} : memref<32x1024xf32, #tpu.memory_space<vmem>>, vector<1x16xf32>,
      %swap3A_135 = vector.shape_cast %swap3A_134 : vector<1x16xf32> to vector<16xf32>
      %swap3A_136 = vector.shape_cast %add3A_131 : vector<16xf32> to vector<1x16xf32>
      tpu.vector_store %arg13[%swap3A_132, %swap3A_133], %swap3A_136 {strides = array<i32>} : memref<32x1024xf32, #tpu.memory_space<vmem>>, vector<1x16xf32>,
      %get3A_137 = arith.index_cast %scan3A_62 : i32 to index
      %get3A_138 = arith.constant 48 : index
      %get3A_139 = tpu.vector_load %arg13[%get3A_137, %get3A_138] {strides = array<i32>} : memref<32x1024xf32, #tpu.memory_space<vmem>>, vector<1x16xf32>,
      %get3A_140 = vector.shape_cast %get3A_139 : vector<1x16xf32> to vector<16xf32>
      %get3A_141 = arith.index_cast %scan3A_62 : i32 to index
      %get3A_142 = arith.constant 48 : index
      %get3A_143 = tpu.vector_load %arg11[%get3A_141, %get3A_142] {strides = array<i32>} : memref<32x1024xf32, #tpu.memory_space<vmem>>, vector<1x16xf32>,
      %get3A_144 = vector.shape_cast %get3A_143 : vector<1x16xf32> to vector<16xf32>
      %mul3A_145 = arith.mulf %get3A_68, %get3A_144 : vector<16xf32>
      %add3A_146 = arith.addf %get3A_140, %mul3A_145 : vector<16xf32>
      %get3A_147 = arith.index_cast %scan3A_62 : i32 to index
      %get3A_148 = arith.constant 48 : index
      %get3A_149 = tpu.vector_load %arg12[%get3A_147, %get3A_148] {strides = array<i32>} : memref<32x1024xf32, #tpu.memory_space<vmem>>, vector<1x16xf32>,
      %get3A_150 = vector.shape_cast %get3A_149 : vector<1x16xf32> to vector<16xf32>
      %mul3A_151 = arith.mulf %get3A_74, %get3A_150 : vector<16xf32>
      %add3A_152 = arith.addf %add3A_146, %mul3A_151 : vector<16xf32>
      %swap3A_153 = arith.index_cast %scan3A_62 : i32 to index
      %swap3A_154 = arith.constant 48 : index
      %swap3A_155 = tpu.vector_load %arg13[%swap3A_153, %swap3A_154] {strides = array<i32>} : memref<32x1024xf32, #tpu.memory_space<vmem>>, vector<1x16xf32>,
      %swap3A_156 = vector.shape_cast %swap3A_155 : vector<1x16xf32> to vector<16xf32>
      %swap3A_157 = vector.shape_cast %add3A_152 : vector<16xf32> to vector<1x16xf32>
      tpu.vector_store %arg13[%swap3A_153, %swap3A_154], %swap3A_157 {strides = array<i32>} : memref<32x1024xf32, #tpu.memory_space<vmem>>, vector<1x16xf32>,
      %get3A_158 = arith.index_cast %scan3A_62 : i32 to index
      %get3A_159 = arith.constant 64 : index
      %get3A_160 = tpu.vector_load %arg13[%get3A_158, %get3A_159] {strides = array<i32>} : memref<32x1024xf32, #tpu.memory_space<vmem>>, vector<1x16xf32>,
      %get3A_161 = vector.shape_cast %get3A_160 : vector<1x16xf32> to vector<16xf32>
      %get3A_162 = arith.index_cast %scan3A_62 : i32 to index
      %get3A_163 = arith.constant 64 : index
      %get3A_164 = tpu.vector_load %arg11[%get3A_162, %get3A_163] {strides = array<i32>} : memref<32x1024xf32, #tpu.memory_space<vmem>>, vector<1x16xf32>,
      %get3A_165 = vector.shape_cast %get3A_164 : vector<1x16xf32> to vector<16xf32>
      %mul3A_166 = arith.mulf %get3A_68, %get3A_165 : vector<16xf32>
      %add3A_167 = arith.addf %get3A_161, %mul3A_166 : vector<16xf32>
      %get3A_168 = arith.index_cast %scan3A_62 : i32 to index
      %get3A_169 = arith.constant 64 : index
      %get3A_170 = tpu.vector_load %arg12[%get3A_168, %get3A_169] {strides = array<i32>} : memref<32x1024xf32, #tpu.memory_space<vmem>>, vector<1x16xf32>,
      %get3A_171 = vector.shape_cast %get3A_170 : vector<1x16xf32> to vector<16xf32>
      %mul3A_172 = arith.mulf %get3A_74, %get3A_171 : vector<16xf32>
      %add3A_173 = arith.addf %add3A_167, %mul3A_172 : vector<16xf32>
      %swap3A_174 = arith.index_cast %scan3A_62 : i32 to index
      %swap3A_175 = arith.constant 64 : index
      %swap3A_176 = tpu.vector_load %arg13[%swap3A_174, %swap3A_175] {strides = array<i32>} : memref<32x1024xf32, #tpu.memory_space<vmem>>, vector<1x16xf32>,
      %swap3A_177 = vector.shape_cast %swap3A_176 : vector<1x16xf32> to vector<16xf32>
      %swap3A_178 = vector.shape_cast %add3A_173 : vector<16xf32> to vector<1x16xf32>
      tpu.vector_store %arg13[%swap3A_174, %swap3A_175], %swap3A_178 {strides = array<i32>} : memref<32x1024xf32, #tpu.memory_space<vmem>>, vector<1x16xf32>,
      %get3A_179 = arith.index_cast %scan3A_62 : i32 to index
      %get3A_180 = arith.constant 80 : index
      %get3A_181 = tpu.vector_load %arg13[%get3A_179, %get3A_180] {strides = array<i32>} : memref<32x1024xf32, #tpu.memory_space<vmem>>, vector<1x16xf32>,
      %get3A_182 = vector.shape_cast %get3A_181 : vector<1x16xf32> to vector<16xf32>
      %get3A_183 = arith.index_cast %scan3A_62 : i32 to index
      %get3A_184 = arith.constant 80 : index
      %get3A_185 = tpu.vector_load %arg11[%get3A_183, %get3A_184] {strides = array<i32>} : memref<32x1024xf32, #tpu.memory_space<vmem>>, vector<1x16xf32>,
      %get3A_186 = vector.shape_cast %get3A_185 : vector<1x16xf32> to vector<16xf32>
      %mul3A_187 = arith.mulf %get3A_68, %get3A_186 : vector<16xf32>
      %add3A_188 = arith.addf %get3A_182, %mul3A_187 : vector<16xf32>
      %get3A_189 = arith.index_cast %scan3A_62 : i32 to index
      %get3A_190 = arith.constant 80 : index
      %get3A_191 = tpu.vector_load %arg12[%get3A_189, %get3A_190] {strides = array<i32>} : memref<32x1024xf32, #tpu.memory_space<vmem>>, vector<1x16xf32>,
      %get3A_192 = vector.shape_cast %get3A_191 : vector<1x16xf32> to vector<16xf32>
      %mul3A_193 = arith.mulf %get3A_74, %get3A_192 : vector<16xf32>
      %add3A_194 = arith.addf %add3A_188, %mul3A_193 : vector<16xf32>
      %swap3A_195 = arith.index_cast %scan3A_62 : i32 to index
      %swap3A_196 = arith.constant 80 : index
      %swap3A_197 = tpu.vector_load %arg13[%swap3A_195, %swap3A_196] {strides = array<i32>} : memref<32x1024xf32, #tpu.memory_space<vmem>>, vector<1x16xf32>,
      %swap3A_198 = vector.shape_cast %swap3A_197 : vector<1x16xf32> to vector<16xf32>
      %swap3A_199 = vector.shape_cast %add3A_194 : vector<16xf32> to vector<1x16xf32>
      tpu.vector_store %arg13[%swap3A_195, %swap3A_196], %swap3A_199 {strides = array<i32>} : memref<32x1024xf32, #tpu.memory_space<vmem>>, vector<1x16xf32>,
      %get3A_200 = arith.index_cast %scan3A_62 : i32 to index
      %get3A_201 = arith.constant 96 : index
      %get3A_202 = tpu.vector_load %arg13[%get3A_200, %get3A_201] {strides = array<i32>} : memref<32x1024xf32, #tpu.memory_space<vmem>>, vector<1x16xf32>,
      %get3A_203 = vector.shape_cast %get3A_202 : vector<1x16xf32> to vector<16xf32>
      %get3A_204 = arith.index_cast %scan3A_62 : i32 to index
      %get3A_205 = arith.constant 96 : index
      %get3A_206 = tpu.vector_load %arg11[%get3A_204, %get3A_205] {strides = array<i32>} : memref<32x1024xf32, #tpu.memory_space<vmem>>, vector<1x16xf32>,
      %get3A_207 = vector.shape_cast %get3A_206 : vector<1x16xf32> to vector<16xf32>
      %mul3A_208 = arith.mulf %get3A_68, %get3A_207 : vector<16xf32>
      %add3A_209 = arith.addf %get3A_203, %mul3A_208 : vector<16xf32>
      %get3A_210 = arith.index_cast %scan3A_62 : i32 to index
      %get3A_211 = arith.constant 96 : index
      %get3A_212 = tpu.vector_load %arg12[%get3A_210, %get3A_211] {strides = array<i32>} : memref<32x1024xf32, #tpu.memory_space<vmem>>, vector<1x16xf32>,
      %get3A_213 = vector.shape_cast %get3A_212 : vector<1x16xf32> to vector<16xf32>
      %mul3A_214 = arith.mulf %get3A_74, %get3A_213 : vector<16xf32>
      %add3A_215 = arith.addf %add3A_209, %mul3A_214 : vector<16xf32>
      %swap3A_216 = arith.index_cast %scan3A_62 : i32 to index
      %swap3A_217 = arith.constant 96 : index
      %swap3A_218 = tpu.vector_load %arg13[%swap3A_216, %swap3A_217] {strides = array<i32>} : memref<32x1024xf32, #tpu.memory_space<vmem>>, vector<1x16xf32>,
      %swap3A_219 = vector.shape_cast %swap3A_218 : vector<1x16xf32> to vector<16xf32>
      %swap3A_220 = vector.shape_cast %add3A_215 : vector<16xf32> to vector<1x16xf32>
      tpu.vector_store %arg13[%swap3A_216, %swap3A_217], %swap3A_220 {strides = array<i32>} : memref<32x1024xf32, #tpu.memory_space<vmem>>, vector<1x16xf32>,
      %get3A_221 = arith.index_cast %scan3A_62 : i32 to index
      %get3A_222 = arith.constant 112 : index
      %get3A_223 = tpu.vector_load %arg13[%get3A_221, %get3A_222] {strides = array<i32>} : memref<32x1024xf32, #tpu.memory_space<vmem>>, vector<1x16xf32>,
      %get3A_224 = vector.shape_cast %get3A_223 : vector<1x16xf32> to vector<16xf32>
      %get3A_225 = arith.index_cast %scan3A_62 : i32 to index
      %get3A_226 = arith.constant 112 : index
      %get3A_227 = tpu.vector_load %arg11[%get3A_225, %get3A_226] {strides = array<i32>} : memref<32x1024xf32, #tpu.memory_space<vmem>>, vector<1x16xf32>,
      %get3A_228 = vector.shape_cast %get3A_227 : vector<1x16xf32> to vector<16xf32>
      %mul3A_229 = arith.mulf %get3A_68, %get3A_228 : vector<16xf32>
      %add3A_230 = arith.addf %get3A_224, %mul3A_229 : vector<16xf32>
      %get3A_231 = arith.index_cast %scan3A_62 : i32 to index
      %get3A_232 = arith.constant 112 : index
      %get3A_233 = tpu.vector_load %arg12[%get3A_231, %get3A_232] {strides = array<i32>} : memref<32x1024xf32, #tpu.memory_space<vmem>>, vector<1x16xf32>,
      %get3A_234 = vector.shape_cast %get3A_233 : vector<1x16xf32> to vector<16xf32>
      %mul3A_235 = arith.mulf %get3A_74, %get3A_234 : vector<16xf32>
      %add3A_236 = arith.addf %add3A_230, %mul3A_235 : vector<16xf32>
      %swap3A_237 = arith.index_cast %scan3A_62 : i32 to index
      %swap3A_238 = arith.constant 112 : index
      %swap3A_239 = tpu.vector_load %arg13[%swap3A_237, %swap3A_238] {strides = array<i32>} : memref<32x1024xf32, #tpu.memory_space<vmem>>, vector<1x16xf32>,
      %swap3A_240 = vector.shape_cast %swap3A_239 : vector<1x16xf32> to vector<16xf32>
      %swap3A_241 = vector.shape_cast %add3A_236 : vector<16xf32> to vector<1x16xf32>
      tpu.vector_store %arg13[%swap3A_237, %swap3A_238], %swap3A_241 {strides = array<i32>} : memref<32x1024xf32, #tpu.memory_space<vmem>>, vector<1x16xf32>,
      %get3A_242 = arith.index_cast %scan3A_62 : i32 to index
      %get3A_243 = arith.constant 128 : index
      %get3A_244 = tpu.vector_load %arg13[%get3A_242, %get3A_243] {strides = array<i32>} : memref<32x1024xf32, #tpu.memory_space<vmem>>, vector<1x16xf32>,
      %get3A_245 = vector.shape_cast %get3A_244 : vector<1x16xf32> to vector<16xf32>
      %get3A_246 = arith.index_cast %scan3A_62 : i32 to index
      %get3A_247 = arith.constant 128 : index
      %get3A_248 = tpu.vector_load %arg11[%get3A_246, %get3A_247] {strides = array<i32>} : memref<32x1024xf32, #tpu.memory_space<vmem>>, vector<1x16xf32>,
      %get3A_249 = vector.shape_cast %get3A_248 : vector<1x16xf32> to vector<16xf32>
      %mul3A_250 = arith.mulf %get3A_68, %get3A_249 : vector<16xf32>
      %add3A_251 = arith.addf %get3A_245, %mul3A_250 : vector<16xf32>
      %get3A_252 = arith.index_cast %scan3A_62 : i32 to index
      %get3A_253 = arith.constant 128 : index
      %get3A_254 = tpu.vector_load %arg12[%get3A_252, %get3A_253] {strides = array<i32>} : memref<32x1024xf32, #tpu.memory_space<vmem>>, vector<1x16xf32>,
      %get3A_255 = vector.shape_cast %get3A_254 : vector<1x16xf32> to vector<16xf32>
      %mul3A_256 = arith.mulf %get3A_74, %get3A_255 : vector<16xf32>
      %add3A_257 = arith.addf %add3A_251, %mul3A_256 : vector<16xf32>
      %swap3A_258 = arith.index_cast %scan3A_62 : i32 to index
      %swap3A_259 = arith.constant 128 : index
      %swap3A_260 = tpu.vector_load %arg13[%swap3A_258, %swap3A_259] {strides = array<i32>} : memref<32x1024xf32, #tpu.memory_space<vmem>>, vector<1x16xf32>,
      %swap3A_261 = vector.shape_cast %swap3A_260 : vector<1x16xf32> to vector<16xf32>
      %swap3A_262 = vector.shape_cast %add3A_257 : vector<16xf32> to vector<1x16xf32>
      tpu.vector_store %arg13[%swap3A_258, %swap3A_259], %swap3A_262 {strides = array<i32>} : memref<32x1024xf32, #tpu.memory_space<vmem>>, vector<1x16xf32>,
      %get3A_263 = arith.index_cast %scan3A_62 : i32 to index
      %get3A_264 = arith.constant 144 : index
      %get3A_265 = tpu.vector_load %arg13[%get3A_263, %get3A_264] {strides = array<i32>} : memref<32x1024xf32, #tpu.memory_space<vmem>>, vector<1x16xf32>,
      %get3A_266 = vector.shape_cast %get3A_265 : vector<1x16xf32> to vector<16xf32>
      %get3A_267 = arith.index_cast %scan3A_62 : i32 to index
      %get3A_268 = arith.constant 144 : index
      %get3A_269 = tpu.vector_load %arg11[%get3A_267, %get3A_268] {strides = array<i32>} : memref<32x1024xf32, #tpu.memory_space<vmem>>, vector<1x16xf32>,
      %get3A_270 = vector.shape_cast %get3A_269 : vector<1x16xf32> to vector<16xf32>
      %mul3A_271 = arith.mulf %get3A_68, %get3A_270 : vector<16xf32>
      %add3A_272 = arith.addf %get3A_266, %mul3A_271 : vector<16xf32>
      %get3A_273 = arith.index_cast %scan3A_62 : i32 to index
      %get3A_274 = arith.constant 144 : index
      %get3A_275 = tpu.vector_load %arg12[%get3A_273, %get3A_274] {strides = array<i32>} : memref<32x1024xf32, #tpu.memory_space<vmem>>, vector<1x16xf32>,
      %get3A_276 = vector.shape_cast %get3A_275 : vector<1x16xf32> to vector<16xf32>
      %mul3A_277 = arith.mulf %get3A_74, %get3A_276 : vector<16xf32>
      %add3A_278 = arith.addf %add3A_272, %mul3A_277 : vector<16xf32>
      %swap3A_279 = arith.index_cast %scan3A_62 : i32 to index
      %swap3A_280 = arith.constant 144 : index
      %swap3A_281 = tpu.vector_load %arg13[%swap3A_279, %swap3A_280] {strides = array<i32>} : memref<32x1024xf32, #tpu.memory_space<vmem>>, vector<1x16xf32>,
      %swap3A_282 = vector.shape_cast %swap3A_281 : vector<1x16xf32> to vector<16xf32>
      %swap3A_283 = vector.shape_cast %add3A_278 : vector<16xf32> to vector<1x16xf32>
      tpu.vector_store %arg13[%swap3A_279, %swap3A_280], %swap3A_283 {strides = array<i32>} : memref<32x1024xf32, #tpu.memory_space<vmem>>, vector<1x16xf32>,
      %get3A_284 = arith.index_cast %scan3A_62 : i32 to index
      %get3A_285 = arith.constant 160 : index
      %get3A_286 = tpu.vector_load %arg13[%get3A_284, %get3A_285] {strides = array<i32>} : memref<32x1024xf32, #tpu.memory_space<vmem>>, vector<1x16xf32>,
      %get3A_287 = vector.shape_cast %get3A_286 : vector<1x16xf32> to vector<16xf32>
      %get3A_288 = arith.index_cast %scan3A_62 : i32 to index
      %get3A_289 = arith.constant 160 : index
      %get3A_290 = tpu.vector_load %arg11[%get3A_288, %get3A_289] {strides = array<i32>} : memref<32x1024xf32, #tpu.memory_space<vmem>>, vector<1x16xf32>,
      %get3A_291 = vector.shape_cast %get3A_290 : vector<1x16xf32> to vector<16xf32>
      %mul3A_292 = arith.mulf %get3A_68, %get3A_291 : vector<16xf32>
      %add3A_293 = arith.addf %get3A_287, %mul3A_292 : vector<16xf32>
      %get3A_294 = arith.index_cast %scan3A_62 : i32 to index
      %get3A_295 = arith.constant 160 : index
      %get3A_296 = tpu.vector_load %arg12[%get3A_294, %get3A_295] {strides = array<i32>} : memref<32x1024xf32, #tpu.memory_space<vmem>>, vector<1x16xf32>,
      %get3A_297 = vector.shape_cast %get3A_296 : vector<1x16xf32> to vector<16xf32>
      %mul3A_298 = arith.mulf %get3A_74, %get3A_297 : vector<16xf32>
      %add3A_299 = arith.addf %add3A_293, %mul3A_298 : vector<16xf32>
      %swap3A_300 = arith.index_cast %scan3A_62 : i32 to index
      %swap3A_301 = arith.constant 160 : index
      %swap3A_302 = tpu.vector_load %arg13[%swap3A_300, %swap3A_301] {strides = array<i32>} : memref<32x1024xf32, #tpu.memory_space<vmem>>, vector<1x16xf32>,
      %swap3A_303 = vector.shape_cast %swap3A_302 : vector<1x16xf32> to vector<16xf32>
      %swap3A_304 = vector.shape_cast %add3A_299 : vector<16xf32> to vector<1x16xf32>
      tpu.vector_store %arg13[%swap3A_300, %swap3A_301], %swap3A_304 {strides = array<i32>} : memref<32x1024xf32, #tpu.memory_space<vmem>>, vector<1x16xf32>,
      %get3A_305 = arith.index_cast %scan3A_62 : i32 to index
      %get3A_306 = arith.constant 176 : index
      %get3A_307 = tpu.vector_load %arg13[%get3A_305, %get3A_306] {strides = array<i32>} : memref<32x1024xf32, #tpu.memory_space<vmem>>, vector<1x16xf32>,
      %get3A_308 = vector.shape_cast %get3A_307 : vector<1x16xf32> to vector<16xf32>
      %get3A_309 = arith.index_cast %scan3A_62 : i32 to index
      %get3A_310 = arith.constant 176 : index
      %get3A_311 = tpu.vector_load %arg11[%get3A_309, %get3A_310] {strides = array<i32>} : memref<32x1024xf32, #tpu.memory_space<vmem>>, vector<1x16xf32>,
      %get3A_312 = vector.shape_cast %get3A_311 : vector<1x16xf32> to vector<16xf32>
      %mul3A_313 = arith.mulf %get3A_68, %get3A_312 : vector<16xf32>
      %add3A_314 = arith.addf %get3A_308, %mul3A_313 : vector<16xf32>
      %get3A_315 = arith.index_cast %scan3A_62 : i32 to index
      %get3A_316 = arith.constant 176 : index
      %get3A_317 = tpu.vector_load %arg12[%get3A_315, %get3A_316] {strides = array<i32>} : memref<32x1024xf32, #tpu.memory_space<vmem>>, vector<1x16xf32>,
      %get3A_318 = vector.shape_cast %get3A_317 : vector<1x16xf32> to vector<16xf32>
      %mul3A_319 = arith.mulf %get3A_74, %get3A_318 : vector<16xf32>
      %add3A_320 = arith.addf %add3A_314, %mul3A_319 : vector<16xf32>
      %swap3A_321 = arith.index_cast %scan3A_62 : i32 to index
      %swap3A_322 = arith.constant 176 : index
      %swap3A_323 = tpu.vector_load %arg13[%swap3A_321, %swap3A_322] {strides = array<i32>} : memref<32x1024xf32, #tpu.memory_space<vmem>>, vector<1x16xf32>,
      %swap3A_324 = vector.shape_cast %swap3A_323 : vector<1x16xf32> to vector<16xf32>
      %swap3A_325 = vector.shape_cast %add3A_320 : vector<16xf32> to vector<1x16xf32>
      tpu.vector_store %arg13[%swap3A_321, %swap3A_322], %swap3A_325 {strides = array<i32>} : memref<32x1024xf32, #tpu.memory_space<vmem>>, vector<1x16xf32>,
      %get3A_326 = arith.index_cast %scan3A_62 : i32 to index
      %get3A_327 = arith.constant 192 : index
      %get3A_328 = tpu.vector_load %arg13[%get3A_326, %get3A_327] {strides = array<i32>} : memref<32x1024xf32, #tpu.memory_space<vmem>>, vector<1x16xf32>,
      %get3A_329 = vector.shape_cast %get3A_328 : vector<1x16xf32> to vector<16xf32>
      %get3A_330 = arith.index_cast %scan3A_62 : i32 to index
      %get3A_331 = arith.constant 192 : index
      %get3A_332 = tpu.vector_load %arg11[%get3A_330, %get3A_331] {strides = array<i32>} : memref<32x1024xf32, #tpu.memory_space<vmem>>, vector<1x16xf32>,
      %get3A_333 = vector.shape_cast %get3A_332 : vector<1x16xf32> to vector<16xf32>
      %mul3A_334 = arith.mulf %get3A_68, %get3A_333 : vector<16xf32>
      %add3A_335 = arith.addf %get3A_329, %mul3A_334 : vector<16xf32>
      %get3A_336 = arith.index_cast %scan3A_62 : i32 to index
      %get3A_337 = arith.constant 192 : index
      %get3A_338 = tpu.vector_load %arg12[%get3A_336, %get3A_337] {strides = array<i32>} : memref<32x1024xf32, #tpu.memory_space<vmem>>, vector<1x16xf32>,
      %get3A_339 = vector.shape_cast %get3A_338 : vector<1x16xf32> to vector<16xf32>
      %mul3A_340 = arith.mulf %get3A_74, %get3A_339 : vector<16xf32>
      %add3A_341 = arith.addf %add3A_335, %mul3A_340 : vector<16xf32>
      %swap3A_342 = arith.index_cast %scan3A_62 : i32 to index
      %swap3A_343 = arith.constant 192 : index
      %swap3A_344 = tpu.vector_load %arg13[%swap3A_342, %swap3A_343] {strides = array<i32>} : memref<32x1024xf32, #tpu.memory_space<vmem>>, vector<1x16xf32>,
      %swap3A_345 = vector.shape_cast %swap3A_344 : vector<1x16xf32> to vector<16xf32>
      %swap3A_346 = vector.shape_cast %add3A_341 : vector<16xf32> to vector<1x16xf32>
      tpu.vector_store %arg13[%swap3A_342, %swap3A_343], %swap3A_346 {strides = array<i32>} : memref<32x1024xf32, #tpu.memory_space<vmem>>, vector<1x16xf32>,
      %get3A_347 = arith.index_cast %scan3A_62 : i32 to index
      %get3A_348 = arith.constant 208 : index
      %get3A_349 = tpu.vector_load %arg13[%get3A_347, %get3A_348] {strides = array<i32>} : memref<32x1024xf32, #tpu.memory_space<vmem>>, vector<1x16xf32>,
      %get3A_350 = vector.shape_cast %get3A_349 : vector<1x16xf32> to vector<16xf32>
      %get3A_351 = arith.index_cast %scan3A_62 : i32 to index
      %get3A_352 = arith.constant 208 : index
      %get3A_353 = tpu.vector_load %arg11[%get3A_351, %get3A_352] {strides = array<i32>} : memref<32x1024xf32, #tpu.memory_space<vmem>>, vector<1x16xf32>,
      %get3A_354 = vector.shape_cast %get3A_353 : vector<1x16xf32> to vector<16xf32>
      %mul3A_355 = arith.mulf %get3A_68, %get3A_354 : vector<16xf32>
      %add3A_356 = arith.addf %get3A_350, %mul3A_355 : vector<16xf32>
      %get3A_357 = arith.index_cast %scan3A_62 : i32 to index
      %get3A_358 = arith.constant 208 : index
      %get3A_359 = tpu.vector_load %arg12[%get3A_357, %get3A_358] {strides = array<i32>} : memref<32x1024xf32, #tpu.memory_space<vmem>>, vector<1x16xf32>,
      %get3A_360 = vector.shape_cast %get3A_359 : vector<1x16xf32> to vector<16xf32>
      %mul3A_361 = arith.mulf %get3A_74, %get3A_360 : vector<16xf32>
      %add3A_362 = arith.addf %add3A_356, %mul3A_361 : vector<16xf32>
      %swap3A_363 = arith.index_cast %scan3A_62 : i32 to index
      %swap3A_364 = arith.constant 208 : index
      %swap3A_365 = tpu.vector_load %arg13[%swap3A_363, %swap3A_364] {strides = array<i32>} : memref<32x1024xf32, #tpu.memory_space<vmem>>, vector<1x16xf32>,
      %swap3A_366 = vector.shape_cast %swap3A_365 : vector<1x16xf32> to vector<16xf32>
      %swap3A_367 = vector.shape_cast %add3A_362 : vector<16xf32> to vector<1x16xf32>
      tpu.vector_store %arg13[%swap3A_363, %swap3A_364], %swap3A_367 {strides = array<i32>} : memref<32x1024xf32, #tpu.memory_space<vmem>>, vector<1x16xf32>,
      %get3A_368 = arith.index_cast %scan3A_62 : i32 to index
      %get3A_369 = arith.constant 224 : index
      %get3A_370 = tpu.vector_load %arg13[%get3A_368, %get3A_369] {strides = array<i32>} : memref<32x1024xf32, #tpu.memory_space<vmem>>, vector<1x16xf32>,
      %get3A_371 = vector.shape_cast %get3A_370 : vector<1x16xf32> to vector<16xf32>
      %get3A_372 = arith.index_cast %scan3A_62 : i32 to index
      %get3A_373 = arith.constant 224 : index
      %get3A_374 = tpu.vector_load %arg11[%get3A_372, %get3A_373] {strides = array<i32>} : memref<32x1024xf32, #tpu.memory_space<vmem>>, vector<1x16xf32>,
      %get3A_375 = vector.shape_cast %get3A_374 : vector<1x16xf32> to vector<16xf32>
      %mul3A_376 = arith.mulf %get3A_68, %get3A_375 : vector<16xf32>
      %add3A_377 = arith.addf %get3A_371, %mul3A_376 : vector<16xf32>
      %get3A_378 = arith.index_cast %scan3A_62 : i32 to index
      %get3A_379 = arith.constant 224 : index
      %get3A_380 = tpu.vector_load %arg12[%get3A_378, %get3A_379] {strides = array<i32>} : memref<32x1024xf32, #tpu.memory_space<vmem>>, vector<1x16xf32>,
      %get3A_381 = vector.shape_cast %get3A_380 : vector<1x16xf32> to vector<16xf32>
      %mul3A_382 = arith.mulf %get3A_74, %get3A_381 : vector<16xf32>
      %add3A_383 = arith.addf %add3A_377, %mul3A_382 : vector<16xf32>
      %swap3A_384 = arith.index_cast %scan3A_62 : i32 to index
      %swap3A_385 = arith.constant 224 : index
      %swap3A_386 = tpu.vector_load %arg13[%swap3A_384, %swap3A_385] {strides = array<i32>} : memref<32x1024xf32, #tpu.memory_space<vmem>>, vector<1x16xf32>,
      %swap3A_387 = vector.shape_cast %swap3A_386 : vector<1x16xf32> to vector<16xf32>
      %swap3A_388 = vector.shape_cast %add3A_383 : vector<16xf32> to vector<1x16xf32>
      tpu.vector_store %arg13[%swap3A_384, %swap3A_385], %swap3A_388 {strides = array<i32>} : memref<32x1024xf32, #tpu.memory_space<vmem>>, vector<1x16xf32>,
      %get3A_389 = arith.index_cast %scan3A_62 : i32 to index
      %get3A_390 = arith.constant 240 : index
      %get3A_391 = tpu.vector_load %arg13[%get3A_389, %get3A_390] {strides = array<i32>} : memref<32x1024xf32, #tpu.memory_space<vmem>>, vector<1x16xf32>,
      %get3A_392 = vector.shape_cast %get3A_391 : vector<1x16xf32> to vector<16xf32>
      %get3A_393 = arith.index_cast %scan3A_62 : i32 to index
      %get3A_394 = arith.constant 240 : index
      %get3A_395 = tpu.vector_load %arg11[%get3A_393, %get3A_394] {strides = array<i32>} : memref<32x1024xf32, #tpu.memory_space<vmem>>, vector<1x16xf32>,
      %get3A_396 = vector.shape_cast %get3A_395 : vector<1x16xf32> to vector<16xf32>
      %mul3A_397 = arith.mulf %get3A_68, %get3A_396 : vector<16xf32>
      %add3A_398 = arith.addf %get3A_392, %mul3A_397 : vector<16xf32>
      %get3A_399 = arith.index_cast %scan3A_62 : i32 to index
      %get3A_400 = arith.constant 240 : index
      %get3A_401 = tpu.vector_load %arg12[%get3A_399, %get3A_400] {strides = array<i32>} : memref<32x1024xf32, #tpu.memory_space<vmem>>, vector<1x16xf32>,
      %get3A_402 = vector.shape_cast %get3A_401 : vector<1x16xf32> to vector<16xf32>
      %mul3A_403 = arith.mulf %get3A_74, %get3A_402 : vector<16xf32>
      %add3A_404 = arith.addf %add3A_398, %mul3A_403 : vector<16xf32>
      %swap3A_405 = arith.index_cast %scan3A_62 : i32 to index
      %swap3A_406 = arith.constant 240 : index
      %swap3A_407 = tpu.vector_load %arg13[%swap3A_405, %swap3A_406] {strides = array<i32>} : memref<32x1024xf32, #tpu.memory_space<vmem>>, vector<1x16xf32>,
      %swap3A_408 = vector.shape_cast %swap3A_407 : vector<1x16xf32> to vector<16xf32>
      %swap3A_409 = vector.shape_cast %add3A_404 : vector<16xf32> to vector<1x16xf32>
      tpu.vector_store %arg13[%swap3A_405, %swap3A_406], %swap3A_409 {strides = array<i32>} : memref<32x1024xf32, #tpu.memory_space<vmem>>, vector<1x16xf32>,
      %get3A_410 = arith.index_cast %scan3A_62 : i32 to index
      %get3A_411 = arith.constant 256 : index
      %get3A_412 = tpu.vector_load %arg13[%get3A_410, %get3A_411] {strides = array<i32>} : memref<32x1024xf32, #tpu.memory_space<vmem>>, vector<1x16xf32>,
      %get3A_413 = vector.shape_cast %get3A_412 : vector<1x16xf32> to vector<16xf32>
      %get3A_414 = arith.index_cast %scan3A_62 : i32 to index
      %get3A_415 = arith.constant 256 : index
      %get3A_416 = tpu.vector_load %arg11[%get3A_414, %get3A_415] {strides = array<i32>} : memref<32x1024xf32, #tpu.memory_space<vmem>>, vector<1x16xf32>,
      %get3A_417 = vector.shape_cast %get3A_416 : vector<1x16xf32> to vector<16xf32>
      %mul3A_418 = arith.mulf %get3A_68, %get3A_417 : vector<16xf32>
      %add3A_419 = arith.addf %get3A_413, %mul3A_418 : vector<16xf32>
      %get3A_420 = arith.index_cast %scan3A_62 : i32 to index
      %get3A_421 = arith.constant 256 : index
      %get3A_422 = tpu.vector_load %arg12[%get3A_420, %get3A_421] {strides = array<i32>} : memref<32x1024xf32, #tpu.memory_space<vmem>>, vector<1x16xf32>,
      %get3A_423 = vector.shape_cast %get3A_422 : vector<1x16xf32> to vector<16xf32>
      %mul3A_424 = arith.mulf %get3A_74, %get3A_423 : vector<16xf32>
      %add3A_425 = arith.addf %add3A_419, %mul3A_424 : vector<16xf32>
      %swap3A_426 = arith.index_cast %scan3A_62 : i32 to index
      %swap3A_427 = arith.constant 256 : index
      %swap3A_428 = tpu.vector_load %arg13[%swap3A_426, %swap3A_427] {strides = array<i32>} : memref<32x1024xf32, #tpu.memory_space<vmem>>, vector<1x16xf32>,
      %swap3A_429 = vector.shape_cast %swap3A_428 : vector<1x16xf32> to vector<16xf32>
      %swap3A_430 = vector.shape_cast %add3A_425 : vector<16xf32> to vector<1x16xf32>
      tpu.vector_store %arg13[%swap3A_426, %swap3A_427], %swap3A_430 {strides = array<i32>} : memref<32x1024xf32, #tpu.memory_space<vmem>>, vector<1x16xf32>,
      %get3A_431 = arith.index_cast %scan3A_62 : i32 to index
      %get3A_432 = arith.constant 272 : index
      %get3A_433 = tpu.vector_load %arg13[%get3A_431, %get3A_432] {strides = array<i32>} : memref<32x1024xf32, #tpu.memory_space<vmem>>, vector<1x16xf32>,
      %get3A_434 = vector.shape_cast %get3A_433 : vector<1x16xf32> to vector<16xf32>
      %get3A_435 = arith.index_cast %scan3A_62 : i32 to index
      %get3A_436 = arith.constant 272 : index
      %get3A_437 = tpu.vector_load %arg11[%get3A_435, %get3A_436] {strides = array<i32>} : memref<32x1024xf32, #tpu.memory_space<vmem>>, vector<1x16xf32>,
      %get3A_438 = vector.shape_cast %get3A_437 : vector<1x16xf32> to vector<16xf32>
      %mul3A_439 = arith.mulf %get3A_68, %get3A_438 : vector<16xf32>
      %add3A_440 = arith.addf %get3A_434, %mul3A_439 : vector<16xf32>
      %get3A_441 = arith.index_cast %scan3A_62 : i32 to index
      %get3A_442 = arith.constant 272 : index
      %get3A_443 = tpu.vector_load %arg12[%get3A_441, %get3A_442] {strides = array<i32>} : memref<32x1024xf32, #tpu.memory_space<vmem>>, vector<1x16xf32>,
      %get3A_444 = vector.shape_cast %get3A_443 : vector<1x16xf32> to vector<16xf32>
      %mul3A_445 = arith.mulf %get3A_74, %get3A_444 : vector<16xf32>
      %add3A_446 = arith.addf %add3A_440, %mul3A_445 : vector<16xf32>
      %swap3A_447 = arith.index_cast %scan3A_62 : i32 to index
      %swap3A_448 = arith.constant 272 : index
      %swap3A_449 = tpu.vector_load %arg13[%swap3A_447, %swap3A_448] {strides = array<i32>} : memref<32x1024xf32, #tpu.memory_space<vmem>>, vector<1x16xf32>,
      %swap3A_450 = vector.shape_cast %swap3A_449 : vector<1x16xf32> to vector<16xf32>
      %swap3A_451 = vector.shape_cast %add3A_446 : vector<16xf32> to vector<1x16xf32>
      tpu.vector_store %arg13[%swap3A_447, %swap3A_448], %swap3A_451 {strides = array<i32>} : memref<32x1024xf32, #tpu.memory_space<vmem>>, vector<1x16xf32>,
      %get3A_452 = arith.index_cast %scan3A_62 : i32 to index
      %get3A_453 = arith.constant 288 : index
      %get3A_454 = tpu.vector_load %arg13[%get3A_452, %get3A_453] {strides = array<i32>} : memref<32x1024xf32, #tpu.memory_space<vmem>>, vector<1x16xf32>,
      %get3A_455 = vector.shape_cast %get3A_454 : vector<1x16xf32> to vector<16xf32>
      %get3A_456 = arith.index_cast %scan3A_62 : i32 to index
      %get3A_457 = arith.constant 288 : index
      %get3A_458 = tpu.vector_load %arg11[%get3A_456, %get3A_457] {strides = array<i32>} : memref<32x1024xf32, #tpu.memory_space<vmem>>, vector<1x16xf32>,
      %get3A_459 = vector.shape_cast %get3A_458 : vector<1x16xf32> to vector<16xf32>
      %mul3A_460 = arith.mulf %get3A_68, %get3A_459 : vector<16xf32>
      %add3A_461 = arith.addf %get3A_455, %mul3A_460 : vector<16xf32>
      %get3A_462 = arith.index_cast %scan3A_62 : i32 to index
      %get3A_463 = arith.constant 288 : index
      %get3A_464 = tpu.vector_load %arg12[%get3A_462, %get3A_463] {strides = array<i32>} : memref<32x1024xf32, #tpu.memory_space<vmem>>, vector<1x16xf32>,
      %get3A_465 = vector.shape_cast %get3A_464 : vector<1x16xf32> to vector<16xf32>
      %mul3A_466 = arith.mulf %get3A_74, %get3A_465 : vector<16xf32>
      %add3A_467 = arith.addf %add3A_461, %mul3A_466 : vector<16xf32>
      %swap3A_468 = arith.index_cast %scan3A_62 : i32 to index
      %swap3A_469 = arith.constant 288 : index
      %swap3A_470 = tpu.vector_load %arg13[%swap3A_468, %swap3A_469] {strides = array<i32>} : memref<32x1024xf32, #tpu.memory_space<vmem>>, vector<1x16xf32>,
      %swap3A_471 = vector.shape_cast %swap3A_470 : vector<1x16xf32> to vector<16xf32>
      %swap3A_472 = vector.shape_cast %add3A_467 : vector<16xf32> to vector<1x16xf32>
      tpu.vector_store %arg13[%swap3A_468, %swap3A_469], %swap3A_472 {strides = array<i32>} : memref<32x1024xf32, #tpu.memory_space<vmem>>, vector<1x16xf32>,
      %get3A_473 = arith.index_cast %scan3A_62 : i32 to index
      %get3A_474 = arith.constant 304 : index
      %get3A_475 = tpu.vector_load %arg13[%get3A_473, %get3A_474] {strides = array<i32>} : memref<32x1024xf32, #tpu.memory_space<vmem>>, vector<1x16xf32>,
      %get3A_476 = vector.shape_cast %get3A_475 : vector<1x16xf32> to vector<16xf32>
      %get3A_477 = arith.index_cast %scan3A_62 : i32 to index
      %get3A_478 = arith.constant 304 : index
      %get3A_479 = tpu.vector_load %arg11[%get3A_477, %get3A_478] {strides = array<i32>} : memref<32x1024xf32, #tpu.memory_space<vmem>>, vector<1x16xf32>,
      %get3A_480 = vector.shape_cast %get3A_479 : vector<1x16xf32> to vector<16xf32>
      %mul3A_481 = arith.mulf %get3A_68, %get3A_480 : vector<16xf32>
      %add3A_482 = arith.addf %get3A_476, %mul3A_481 : vector<16xf32>
      %get3A_483 = arith.index_cast %scan3A_62 : i32 to index
      %get3A_484 = arith.constant 304 : index
      %get3A_485 = tpu.vector_load %arg12[%get3A_483, %get3A_484] {strides = array<i32>} : memref<32x1024xf32, #tpu.memory_space<vmem>>, vector<1x16xf32>,
      %get3A_486 = vector.shape_cast %get3A_485 : vector<1x16xf32> to vector<16xf32>
      %mul3A_487 = arith.mulf %get3A_74, %get3A_486 : vector<16xf32>
      %add3A_488 = arith.addf %add3A_482, %mul3A_487 : vector<16xf32>
      %swap3A_489 = arith.index_cast %scan3A_62 : i32 to index
      %swap3A_490 = arith.constant 304 : index
      %swap3A_491 = tpu.vector_load %arg13[%swap3A_489, %swap3A_490] {strides = array<i32>} : memref<32x1024xf32, #tpu.memory_space<vmem>>, vector<1x16xf32>,
      %swap3A_492 = vector.shape_cast %swap3A_491 : vector<1x16xf32> to vector<16xf32>
      %swap3A_493 = vector.shape_cast %add3A_488 : vector<16xf32> to vector<1x16xf32>
      tpu.vector_store %arg13[%swap3A_489, %swap3A_490], %swap3A_493 {strides = array<i32>} : memref<32x1024xf32, #tpu.memory_space<vmem>>, vector<1x16xf32>,
      %get3A_494 = arith.index_cast %scan3A_62 : i32 to index
      %get3A_495 = arith.constant 320 : index
      %get3A_496 = tpu.vector_load %arg13[%get3A_494, %get3A_495] {strides = array<i32>} : memref<32x1024xf32, #tpu.memory_space<vmem>>, vector<1x16xf32>,
      %get3A_497 = vector.shape_cast %get3A_496 : vector<1x16xf32> to vector<16xf32>
      %get3A_498 = arith.index_cast %scan3A_62 : i32 to index
      %get3A_499 = arith.constant 320 : index
      %get3A_500 = tpu.vector_load %arg11[%get3A_498, %get3A_499] {strides = array<i32>} : memref<32x1024xf32, #tpu.memory_space<vmem>>, vector<1x16xf32>,
      %get3A_501 = vector.shape_cast %get3A_500 : vector<1x16xf32> to vector<16xf32>
      %mul3A_502 = arith.mulf %get3A_68, %get3A_501 : vector<16xf32>
      %add3A_503 = arith.addf %get3A_497, %mul3A_502 : vector<16xf32>
      %get3A_504 = arith.index_cast %scan3A_62 : i32 to index
      %get3A_505 = arith.constant 320 : index
      %get3A_506 = tpu.vector_load %arg12[%get3A_504, %get3A_505] {strides = array<i32>} : memref<32x1024xf32, #tpu.memory_space<vmem>>, vector<1x16xf32>,
      %get3A_507 = vector.shape_cast %get3A_506 : vector<1x16xf32> to vector<16xf32>
      %mul3A_508 = arith.mulf %get3A_74, %get3A_507 : vector<16xf32>
      %add3A_509 = arith.addf %add3A_503, %mul3A_508 : vector<16xf32>
      %swap3A_510 = arith.index_cast %scan3A_62 : i32 to index
      %swap3A_511 = arith.constant 320 : index
      %swap3A_512 = tpu.vector_load %arg13[%swap3A_510, %swap3A_511] {strides = array<i32>} : memref<32x1024xf32, #tpu.memory_space<vmem>>, vector<1x16xf32>,
      %swap3A_513 = vector.shape_cast %swap3A_512 : vector<1x16xf32> to vector<16xf32>
      %swap3A_514 = vector.shape_cast %add3A_509 : vector<16xf32> to vector<1x16xf32>
      tpu.vector_store %arg13[%swap3A_510, %swap3A_511], %swap3A_514 {strides = array<i32>} : memref<32x1024xf32, #tpu.memory_space<vmem>>, vector<1x16xf32>,
      %get3A_515 = arith.index_cast %scan3A_62 : i32 to index
      %get3A_516 = arith.constant 336 : index
      %get3A_517 = tpu.vector_load %arg13[%get3A_515, %get3A_516] {strides = array<i32>} : memref<32x1024xf32, #tpu.memory_space<vmem>>, vector<1x16xf32>,
      %get3A_518 = vector.shape_cast %get3A_517 : vector<1x16xf32> to vector<16xf32>
      %get3A_519 = arith.index_cast %scan3A_62 : i32 to index
      %get3A_520 = arith.constant 336 : index
      %get3A_521 = tpu.vector_load %arg11[%get3A_519, %get3A_520] {strides = array<i32>} : memref<32x1024xf32, #tpu.memory_space<vmem>>, vector<1x16xf32>,
      %get3A_522 = vector.shape_cast %get3A_521 : vector<1x16xf32> to vector<16xf32>
      %mul3A_523 = arith.mulf %get3A_68, %get3A_522 : vector<16xf32>
      %add3A_524 = arith.addf %get3A_518, %mul3A_523 : vector<16xf32>
      %get3A_525 = arith.index_cast %scan3A_62 : i32 to index
      %get3A_526 = arith.constant 336 : index
      %get3A_527 = tpu.vector_load %arg12[%get3A_525, %get3A_526] {strides = array<i32>} : memref<32x1024xf32, #tpu.memory_space<vmem>>, vector<1x16xf32>,
      %get3A_528 = vector.shape_cast %get3A_527 : vector<1x16xf32> to vector<16xf32>
      %mul3A_529 = arith.mulf %get3A_74, %get3A_528 : vector<16xf32>
      %add3A_530 = arith.addf %add3A_524, %mul3A_529 : vector<16xf32>
      %swap3A_531 = arith.index_cast %scan3A_62 : i32 to index
      %swap3A_532 = arith.constant 336 : index
      %swap3A_533 = tpu.vector_load %arg13[%swap3A_531, %swap3A_532] {strides = array<i32>} : memref<32x1024xf32, #tpu.memory_space<vmem>>, vector<1x16xf32>,
      %swap3A_534 = vector.shape_cast %swap3A_533 : vector<1x16xf32> to vector<16xf32>
      %swap3A_535 = vector.shape_cast %add3A_530 : vector<16xf32> to vector<1x16xf32>
      tpu.vector_store %arg13[%swap3A_531, %swap3A_532], %swap3A_535 {strides = array<i32>} : memref<32x1024xf32, #tpu.memory_space<vmem>>, vector<1x16xf32>,
      %get3A_536 = arith.index_cast %scan3A_62 : i32 to index
      %get3A_537 = arith.constant 352 : index
      %get3A_538 = tpu.vector_load %arg13[%get3A_536, %get3A_537] {strides = array<i32>} : memref<32x1024xf32, #tpu.memory_space<vmem>>, vector<1x16xf32>,
      %get3A_539 = vector.shape_cast %get3A_538 : vector<1x16xf32> to vector<16xf32>
      %get3A_540 = arith.index_cast %scan3A_62 : i32 to index
      %get3A_541 = arith.constant 352 : index
      %get3A_542 = tpu.vector_load %arg11[%get3A_540, %get3A_541] {strides = array<i32>} : memref<32x1024xf32, #tpu.memory_space<vmem>>, vector<1x16xf32>,
      %get3A_543 = vector.shape_cast %get3A_542 : vector<1x16xf32> to vector<16xf32>
      %mul3A_544 = arith.mulf %get3A_68, %get3A_543 : vector<16xf32>
      %add3A_545 = arith.addf %get3A_539, %mul3A_544 : vector<16xf32>
      %get3A_546 = arith.index_cast %scan3A_62 : i32 to index
      %get3A_547 = arith.constant 352 : index
      %get3A_548 = tpu.vector_load %arg12[%get3A_546, %get3A_547] {strides = array<i32>} : memref<32x1024xf32, #tpu.memory_space<vmem>>, vector<1x16xf32>,
      %get3A_549 = vector.shape_cast %get3A_548 : vector<1x16xf32> to vector<16xf32>
      %mul3A_550 = arith.mulf %get3A_74, %get3A_549 : vector<16xf32>
      %add3A_551 = arith.addf %add3A_545, %mul3A_550 : vector<16xf32>
      %swap3A_552 = arith.index_cast %scan3A_62 : i32 to index
      %swap3A_553 = arith.constant 352 : index
      %swap3A_554 = tpu.vector_load %arg13[%swap3A_552, %swap3A_553] {strides = array<i32>} : memref<32x1024xf32, #tpu.memory_space<vmem>>, vector<1x16xf32>,
      %swap3A_555 = vector.shape_cast %swap3A_554 : vector<1x16xf32> to vector<16xf32>
      %swap3A_556 = vector.shape_cast %add3A_551 : vector<16xf32> to vector<1x16xf32>
      tpu.vector_store %arg13[%swap3A_552, %swap3A_553], %swap3A_556 {strides = array<i32>} : memref<32x1024xf32, #tpu.memory_space<vmem>>, vector<1x16xf32>,
      %get3A_557 = arith.index_cast %scan3A_62 : i32 to index
      %get3A_558 = arith.constant 368 : index
      %get3A_559 = tpu.vector_load %arg13[%get3A_557, %get3A_558] {strides = array<i32>} : memref<32x1024xf32, #tpu.memory_space<vmem>>, vector<1x16xf32>,
      %get3A_560 = vector.shape_cast %get3A_559 : vector<1x16xf32> to vector<16xf32>
      %get3A_561 = arith.index_cast %scan3A_62 : i32 to index
      %get3A_562 = arith.constant 368 : index
      %get3A_563 = tpu.vector_load %arg11[%get3A_561, %get3A_562] {strides = array<i32>} : memref<32x1024xf32, #tpu.memory_space<vmem>>, vector<1x16xf32>,
      %get3A_564 = vector.shape_cast %get3A_563 : vector<1x16xf32> to vector<16xf32>
      %mul3A_565 = arith.mulf %get3A_68, %get3A_564 : vector<16xf32>
      %add3A_566 = arith.addf %get3A_560, %mul3A_565 : vector<16xf32>
      %get3A_567 = arith.index_cast %scan3A_62 : i32 to index
      %get3A_568 = arith.constant 368 : index
      %get3A_569 = tpu.vector_load %arg12[%get3A_567, %get3A_568] {strides = array<i32>} : memref<32x1024xf32, #tpu.memory_space<vmem>>, vector<1x16xf32>,
      %get3A_570 = vector.shape_cast %get3A_569 : vector<1x16xf32> to vector<16xf32>
      %mul3A_571 = arith.mulf %get3A_74, %get3A_570 : vector<16xf32>
      %add3A_572 = arith.addf %add3A_566, %mul3A_571 : vector<16xf32>
      %swap3A_573 = arith.index_cast %scan3A_62 : i32 to index
      %swap3A_574 = arith.constant 368 : index
      %swap3A_575 = tpu.vector_load %arg13[%swap3A_573, %swap3A_574] {strides = array<i32>} : memref<32x1024xf32, #tpu.memory_space<vmem>>, vector<1x16xf32>,
      %swap3A_576 = vector.shape_cast %swap3A_575 : vector<1x16xf32> to vector<16xf32>
      %swap3A_577 = vector.shape_cast %add3A_572 : vector<16xf32> to vector<1x16xf32>
      tpu.vector_store %arg13[%swap3A_573, %swap3A_574], %swap3A_577 {strides = array<i32>} : memref<32x1024xf32, #tpu.memory_space<vmem>>, vector<1x16xf32>,
      %get3A_578 = arith.index_cast %scan3A_62 : i32 to index
      %get3A_579 = arith.constant 384 : index
      %get3A_580 = tpu.vector_load %arg13[%get3A_578, %get3A_579] {strides = array<i32>} : memref<32x1024xf32, #tpu.memory_space<vmem>>, vector<1x16xf32>,
      %get3A_581 = vector.shape_cast %get3A_580 : vector<1x16xf32> to vector<16xf32>
      %get3A_582 = arith.index_cast %scan3A_62 : i32 to index
      %get3A_583 = arith.constant 384 : index
      %get3A_584 = tpu.vector_load %arg11[%get3A_582, %get3A_583] {strides = array<i32>} : memref<32x1024xf32, #tpu.memory_space<vmem>>, vector<1x16xf32>,
      %get3A_585 = vector.shape_cast %get3A_584 : vector<1x16xf32> to vector<16xf32>
      %mul3A_586 = arith.mulf %get3A_68, %get3A_585 : vector<16xf32>
      %add3A_587 = arith.addf %get3A_581, %mul3A_586 : vector<16xf32>
      %get3A_588 = arith.index_cast %scan3A_62 : i32 to index
      %get3A_589 = arith.constant 384 : index
      %get3A_590 = tpu.vector_load %arg12[%get3A_588, %get3A_589] {strides = array<i32>} : memref<32x1024xf32, #tpu.memory_space<vmem>>, vector<1x16xf32>,
      %get3A_591 = vector.shape_cast %get3A_590 : vector<1x16xf32> to vector<16xf32>
      %mul3A_592 = arith.mulf %get3A_74, %get3A_591 : vector<16xf32>
      %add3A_593 = arith.addf %add3A_587, %mul3A_592 : vector<16xf32>
      %swap3A_594 = arith.index_cast %scan3A_62 : i32 to index
      %swap3A_595 = arith.constant 384 : index
      %swap3A_596 = tpu.vector_load %arg13[%swap3A_594, %swap3A_595] {strides = array<i32>} : memref<32x1024xf32, #tpu.memory_space<vmem>>, vector<1x16xf32>,
      %swap3A_597 = vector.shape_cast %swap3A_596 : vector<1x16xf32> to vector<16xf32>
      %swap3A_598 = vector.shape_cast %add3A_593 : vector<16xf32> to vector<1x16xf32>
      tpu.vector_store %arg13[%swap3A_594, %swap3A_595], %swap3A_598 {strides = array<i32>} : memref<32x1024xf32, #tpu.memory_space<vmem>>, vector<1x16xf32>,
      %get3A_599 = arith.index_cast %scan3A_62 : i32 to index
      %get3A_600 = arith.constant 400 : index
      %get3A_601 = tpu.vector_load %arg13[%get3A_599, %get3A_600] {strides = array<i32>} : memref<32x1024xf32, #tpu.memory_space<vmem>>, vector<1x16xf32>,
      %get3A_602 = vector.shape_cast %get3A_601 : vector<1x16xf32> to vector<16xf32>
      %get3A_603 = arith.index_cast %scan3A_62 : i32 to index
      %get3A_604 = arith.constant 400 : index
      %get3A_605 = tpu.vector_load %arg11[%get3A_603, %get3A_604] {strides = array<i32>} : memref<32x1024xf32, #tpu.memory_space<vmem>>, vector<1x16xf32>,
      %get3A_606 = vector.shape_cast %get3A_605 : vector<1x16xf32> to vector<16xf32>
      %mul3A_607 = arith.mulf %get3A_68, %get3A_606 : vector<16xf32>
      %add3A_608 = arith.addf %get3A_602, %mul3A_607 : vector<16xf32>
      %get3A_609 = arith.index_cast %scan3A_62 : i32 to index
      %get3A_610 = arith.constant 400 : index
      %get3A_611 = tpu.vector_load %arg12[%get3A_609, %get3A_610] {strides = array<i32>} : memref<32x1024xf32, #tpu.memory_space<vmem>>, vector<1x16xf32>,
      %get3A_612 = vector.shape_cast %get3A_611 : vector<1x16xf32> to vector<16xf32>
      %mul3A_613 = arith.mulf %get3A_74, %get3A_612 : vector<16xf32>
      %add3A_614 = arith.addf %add3A_608, %mul3A_613 : vector<16xf32>
      %swap3A_615 = arith.index_cast %scan3A_62 : i32 to index
      %swap3A_616 = arith.constant 400 : index
      %swap3A_617 = tpu.vector_load %arg13[%swap3A_615, %swap3A_616] {strides = array<i32>} : memref<32x1024xf32, #tpu.memory_space<vmem>>, vector<1x16xf32>,
      %swap3A_618 = vector.shape_cast %swap3A_617 : vector<1x16xf32> to vector<16xf32>
      %swap3A_619 = vector.shape_cast %add3A_614 : vector<16xf32> to vector<1x16xf32>
      tpu.vector_store %arg13[%swap3A_615, %swap3A_616], %swap3A_619 {strides = array<i32>} : memref<32x1024xf32, #tpu.memory_space<vmem>>, vector<1x16xf32>,
      %get3A_620 = arith.index_cast %scan3A_62 : i32 to index
      %get3A_621 = arith.constant 416 : index
      %get3A_622 = tpu.vector_load %arg13[%get3A_620, %get3A_621] {strides = array<i32>} : memref<32x1024xf32, #tpu.memory_space<vmem>>, vector<1x16xf32>,
      %get3A_623 = vector.shape_cast %get3A_622 : vector<1x16xf32> to vector<16xf32>
      %get3A_624 = arith.index_cast %scan3A_62 : i32 to index
      %get3A_625 = arith.constant 416 : index
      %get3A_626 = tpu.vector_load %arg11[%get3A_624, %get3A_625] {strides = array<i32>} : memref<32x1024xf32, #tpu.memory_space<vmem>>, vector<1x16xf32>,
      %get3A_627 = vector.shape_cast %get3A_626 : vector<1x16xf32> to vector<16xf32>
      %mul3A_628 = arith.mulf %get3A_68, %get3A_627 : vector<16xf32>
      %add3A_629 = arith.addf %get3A_623, %mul3A_628 : vector<16xf32>
      %get3A_630 = arith.index_cast %scan3A_62 : i32 to index
      %get3A_631 = arith.constant 416 : index
      %get3A_632 = tpu.vector_load %arg12[%get3A_630, %get3A_631] {strides = array<i32>} : memref<32x1024xf32, #tpu.memory_space<vmem>>, vector<1x16xf32>,
      %get3A_633 = vector.shape_cast %get3A_632 : vector<1x16xf32> to vector<16xf32>
      %mul3A_634 = arith.mulf %get3A_74, %get3A_633 : vector<16xf32>
      %add3A_635 = arith.addf %add3A_629, %mul3A_634 : vector<16xf32>
      %swap3A_636 = arith.index_cast %scan3A_62 : i32 to index
      %swap3A_637 = arith.constant 416 : index
      %swap3A_638 = tpu.vector_load %arg13[%swap3A_636, %swap3A_637] {strides = array<i32>} : memref<32x1024xf32, #tpu.memory_space<vmem>>, vector<1x16xf32>,
      %swap3A_639 = vector.shape_cast %swap3A_638 : vector<1x16xf32> to vector<16xf32>
      %swap3A_640 = vector.shape_cast %add3A_635 : vector<16xf32> to vector<1x16xf32>
      tpu.vector_store %arg13[%swap3A_636, %swap3A_637], %swap3A_640 {strides = array<i32>} : memref<32x1024xf32, #tpu.memory_space<vmem>>, vector<1x16xf32>,
      %get3A_641 = arith.index_cast %scan3A_62 : i32 to index
      %get3A_642 = arith.constant 432 : index
      %get3A_643 = tpu.vector_load %arg13[%get3A_641, %get3A_642] {strides = array<i32>} : memref<32x1024xf32, #tpu.memory_space<vmem>>, vector<1x16xf32>,
      %get3A_644 = vector.shape_cast %get3A_643 : vector<1x16xf32> to vector<16xf32>
      %get3A_645 = arith.index_cast %scan3A_62 : i32 to index
      %get3A_646 = arith.constant 432 : index
      %get3A_647 = tpu.vector_load %arg11[%get3A_645, %get3A_646] {strides = array<i32>} : memref<32x1024xf32, #tpu.memory_space<vmem>>, vector<1x16xf32>,
      %get3A_648 = vector.shape_cast %get3A_647 : vector<1x16xf32> to vector<16xf32>
      %mul3A_649 = arith.mulf %get3A_68, %get3A_648 : vector<16xf32>
      %add3A_650 = arith.addf %get3A_644, %mul3A_649 : vector<16xf32>
      %get3A_651 = arith.index_cast %scan3A_62 : i32 to index
      %get3A_652 = arith.constant 432 : index
      %get3A_653 = tpu.vector_load %arg12[%get3A_651, %get3A_652] {strides = array<i32>} : memref<32x1024xf32, #tpu.memory_space<vmem>>, vector<1x16xf32>,
      %get3A_654 = vector.shape_cast %get3A_653 : vector<1x16xf32> to vector<16xf32>
      %mul3A_655 = arith.mulf %get3A_74, %get3A_654 : vector<16xf32>
      %add3A_656 = arith.addf %add3A_650, %mul3A_655 : vector<16xf32>
      %swap3A_657 = arith.index_cast %scan3A_62 : i32 to index
      %swap3A_658 = arith.constant 432 : index
      %swap3A_659 = tpu.vector_load %arg13[%swap3A_657, %swap3A_658] {strides = array<i32>} : memref<32x1024xf32, #tpu.memory_space<vmem>>, vector<1x16xf32>,
      %swap3A_660 = vector.shape_cast %swap3A_659 : vector<1x16xf32> to vector<16xf32>
      %swap3A_661 = vector.shape_cast %add3A_656 : vector<16xf32> to vector<1x16xf32>
      tpu.vector_store %arg13[%swap3A_657, %swap3A_658], %swap3A_661 {strides = array<i32>} : memref<32x1024xf32, #tpu.memory_space<vmem>>, vector<1x16xf32>,
      %get3A_662 = arith.index_cast %scan3A_62 : i32 to index
      %get3A_663 = arith.constant 448 : index
      %get3A_664 = tpu.vector_load %arg13[%get3A_662, %get3A_663] {strides = array<i32>} : memref<32x1024xf32, #tpu.memory_space<vmem>>, vector<1x16xf32>,
      %get3A_665 = vector.shape_cast %get3A_664 : vector<1x16xf32> to vector<16xf32>
      %get3A_666 = arith.index_cast %scan3A_62 : i32 to index
      %get3A_667 = arith.constant 448 : index
      %get3A_668 = tpu.vector_load %arg11[%get3A_666, %get3A_667] {strides = array<i32>} : memref<32x1024xf32, #tpu.memory_space<vmem>>, vector<1x16xf32>,
      %get3A_669 = vector.shape_cast %get3A_668 : vector<1x16xf32> to vector<16xf32>
      %mul3A_670 = arith.mulf %get3A_68, %get3A_669 : vector<16xf32>
      %add3A_671 = arith.addf %get3A_665, %mul3A_670 : vector<16xf32>
      %get3A_672 = arith.index_cast %scan3A_62 : i32 to index
      %get3A_673 = arith.constant 448 : index
      %get3A_674 = tpu.vector_load %arg12[%get3A_672, %get3A_673] {strides = array<i32>} : memref<32x1024xf32, #tpu.memory_space<vmem>>, vector<1x16xf32>,
      %get3A_675 = vector.shape_cast %get3A_674 : vector<1x16xf32> to vector<16xf32>
      %mul3A_676 = arith.mulf %get3A_74, %get3A_675 : vector<16xf32>
      %add3A_677 = arith.addf %add3A_671, %mul3A_676 : vector<16xf32>
      %swap3A_678 = arith.index_cast %scan3A_62 : i32 to index
      %swap3A_679 = arith.constant 448 : index
      %swap3A_680 = tpu.vector_load %arg13[%swap3A_678, %swap3A_679] {strides = array<i32>} : memref<32x1024xf32, #tpu.memory_space<vmem>>, vector<1x16xf32>,
      %swap3A_681 = vector.shape_cast %swap3A_680 : vector<1x16xf32> to vector<16xf32>
      %swap3A_682 = vector.shape_cast %add3A_677 : vector<16xf32> to vector<1x16xf32>
      tpu.vector_store %arg13[%swap3A_678, %swap3A_679], %swap3A_682 {strides = array<i32>} : memref<32x1024xf32, #tpu.memory_space<vmem>>, vector<1x16xf32>,
      %get3A_683 = arith.index_cast %scan3A_62 : i32 to index
      %get3A_684 = arith.constant 464 : index
      %get3A_685 = tpu.vector_load %arg13[%get3A_683, %get3A_684] {strides = array<i32>} : memref<32x1024xf32, #tpu.memory_space<vmem>>, vector<1x16xf32>,
      %get3A_686 = vector.shape_cast %get3A_685 : vector<1x16xf32> to vector<16xf32>
      %get3A_687 = arith.index_cast %scan3A_62 : i32 to index
      %get3A_688 = arith.constant 464 : index
      %get3A_689 = tpu.vector_load %arg11[%get3A_687, %get3A_688] {strides = array<i32>} : memref<32x1024xf32, #tpu.memory_space<vmem>>, vector<1x16xf32>,
      %get3A_690 = vector.shape_cast %get3A_689 : vector<1x16xf32> to vector<16xf32>
      %mul3A_691 = arith.mulf %get3A_68, %get3A_690 : vector<16xf32>
      %add3A_692 = arith.addf %get3A_686, %mul3A_691 : vector<16xf32>
      %get3A_693 = arith.index_cast %scan3A_62 : i32 to index
      %get3A_694 = arith.constant 464 : index
      %get3A_695 = tpu.vector_load %arg12[%get3A_693, %get3A_694] {strides = array<i32>} : memref<32x1024xf32, #tpu.memory_space<vmem>>, vector<1x16xf32>,
      %get3A_696 = vector.shape_cast %get3A_695 : vector<1x16xf32> to vector<16xf32>
      %mul3A_697 = arith.mulf %get3A_74, %get3A_696 : vector<16xf32>
      %add3A_698 = arith.addf %add3A_692, %mul3A_697 : vector<16xf32>
      %swap3A_699 = arith.index_cast %scan3A_62 : i32 to index
      %swap3A_700 = arith.constant 464 : index
      %swap3A_701 = tpu.vector_load %arg13[%swap3A_699, %swap3A_700] {strides = array<i32>} : memref<32x1024xf32, #tpu.memory_space<vmem>>, vector<1x16xf32>,
      %swap3A_702 = vector.shape_cast %swap3A_701 : vector<1x16xf32> to vector<16xf32>
      %swap3A_703 = vector.shape_cast %add3A_698 : vector<16xf32> to vector<1x16xf32>
      tpu.vector_store %arg13[%swap3A_699, %swap3A_700], %swap3A_703 {strides = array<i32>} : memref<32x1024xf32, #tpu.memory_space<vmem>>, vector<1x16xf32>,
      %get3A_704 = arith.index_cast %scan3A_62 : i32 to index
      %get3A_705 = arith.constant 480 : index
      %get3A_706 = tpu.vector_load %arg13[%get3A_704, %get3A_705] {strides = array<i32>} : memref<32x1024xf32, #tpu.memory_space<vmem>>, vector<1x16xf32>,
      %get3A_707 = vector.shape_cast %get3A_706 : vector<1x16xf32> to vector<16xf32>
      %get3A_708 = arith.index_cast %scan3A_62 : i32 to index
      %get3A_709 = arith.constant 480 : index
      %get3A_710 = tpu.vector_load %arg11[%get3A_708, %get3A_709] {strides = array<i32>} : memref<32x1024xf32, #tpu.memory_space<vmem>>, vector<1x16xf32>,
      %get3A_711 = vector.shape_cast %get3A_710 : vector<1x16xf32> to vector<16xf32>
      %mul3A_712 = arith.mulf %get3A_68, %get3A_711 : vector<16xf32>
      %add3A_713 = arith.addf %get3A_707, %mul3A_712 : vector<16xf32>
      %get3A_714 = arith.index_cast %scan3A_62 : i32 to index
      %get3A_715 = arith.constant 480 : index
      %get3A_716 = tpu.vector_load %arg12[%get3A_714, %get3A_715] {strides = array<i32>} : memref<32x1024xf32, #tpu.memory_space<vmem>>, vector<1x16xf32>,
      %get3A_717 = vector.shape_cast %get3A_716 : vector<1x16xf32> to vector<16xf32>
      %mul3A_718 = arith.mulf %get3A_74, %get3A_717 : vector<16xf32>
      %add3A_719 = arith.addf %add3A_713, %mul3A_718 : vector<16xf32>
      %swap3A_720 = arith.index_cast %scan3A_62 : i32 to index
      %swap3A_721 = arith.constant 480 : index
      %swap3A_722 = tpu.vector_load %arg13[%swap3A_720, %swap3A_721] {strides = array<i32>} : memref<32x1024xf32, #tpu.memory_space<vmem>>, vector<1x16xf32>,
      %swap3A_723 = vector.shape_cast %swap3A_722 : vector<1x16xf32> to vector<16xf32>
      %swap3A_724 = vector.shape_cast %add3A_719 : vector<16xf32> to vector<1x16xf32>
      tpu.vector_store %arg13[%swap3A_720, %swap3A_721], %swap3A_724 {strides = array<i32>} : memref<32x1024xf32, #tpu.memory_space<vmem>>, vector<1x16xf32>,
      %get3A_725 = arith.index_cast %scan3A_62 : i32 to index
      %get3A_726 = arith.constant 496 : index
      %get3A_727 = tpu.vector_load %arg13[%get3A_725, %get3A_726] {strides = array<i32>} : memref<32x1024xf32, #tpu.memory_space<vmem>>, vector<1x16xf32>,
      %get3A_728 = vector.shape_cast %get3A_727 : vector<1x16xf32> to vector<16xf32>
      %get3A_729 = arith.index_cast %scan3A_62 : i32 to index
      %get3A_730 = arith.constant 496 : index
      %get3A_731 = tpu.vector_load %arg11[%get3A_729, %get3A_730] {strides = array<i32>} : memref<32x1024xf32, #tpu.memory_space<vmem>>, vector<1x16xf32>,
      %get3A_732 = vector.shape_cast %get3A_731 : vector<1x16xf32> to vector<16xf32>
      %mul3A_733 = arith.mulf %get3A_68, %get3A_732 : vector<16xf32>
      %add3A_734 = arith.addf %get3A_728, %mul3A_733 : vector<16xf32>
      %get3A_735 = arith.index_cast %scan3A_62 : i32 to index
      %get3A_736 = arith.constant 496 : index
      %get3A_737 = tpu.vector_load %arg12[%get3A_735, %get3A_736] {strides = array<i32>} : memref<32x1024xf32, #tpu.memory_space<vmem>>, vector<1x16xf32>,
      %get3A_738 = vector.shape_cast %get3A_737 : vector<1x16xf32> to vector<16xf32>
      %mul3A_739 = arith.mulf %get3A_74, %get3A_738 : vector<16xf32>
      %add3A_740 = arith.addf %add3A_734, %mul3A_739 : vector<16xf32>
      %swap3A_741 = arith.index_cast %scan3A_62 : i32 to index
      %swap3A_742 = arith.constant 496 : index
      %swap3A_743 = tpu.vector_load %arg13[%swap3A_741, %swap3A_742] {strides = array<i32>} : memref<32x1024xf32, #tpu.memory_space<vmem>>, vector<1x16xf32>,
      %swap3A_744 = vector.shape_cast %swap3A_743 : vector<1x16xf32> to vector<16xf32>
      %swap3A_745 = vector.shape_cast %add3A_740 : vector<16xf32> to vector<1x16xf32>
      tpu.vector_store %arg13[%swap3A_741, %swap3A_742], %swap3A_745 {strides = array<i32>} : memref<32x1024xf32, #tpu.memory_space<vmem>>, vector<1x16xf32>,
      %get3A_746 = arith.index_cast %scan3A_62 : i32 to index
      %get3A_747 = arith.constant 512 : index
      %get3A_748 = tpu.vector_load %arg13[%get3A_746, %get3A_747] {strides = array<i32>} : memref<32x1024xf32, #tpu.memory_space<vmem>>, vector<1x16xf32>,
      %get3A_749 = vector.shape_cast %get3A_748 : vector<1x16xf32> to vector<16xf32>
      %get3A_750 = arith.index_cast %scan3A_62 : i32 to index
      %get3A_751 = arith.constant 512 : index
      %get3A_752 = tpu.vector_load %arg11[%get3A_750, %get3A_751] {strides = array<i32>} : memref<32x1024xf32, #tpu.memory_space<vmem>>, vector<1x16xf32>,
      %get3A_753 = vector.shape_cast %get3A_752 : vector<1x16xf32> to vector<16xf32>
      %mul3A_754 = arith.mulf %get3A_68, %get3A_753 : vector<16xf32>
      %add3A_755 = arith.addf %get3A_749, %mul3A_754 : vector<16xf32>
      %get3A_756 = arith.index_cast %scan3A_62 : i32 to index
      %get3A_757 = arith.constant 512 : index
      %get3A_758 = tpu.vector_load %arg12[%get3A_756, %get3A_757] {strides = array<i32>} : memref<32x1024xf32, #tpu.memory_space<vmem>>, vector<1x16xf32>,
      %get3A_759 = vector.shape_cast %get3A_758 : vector<1x16xf32> to vector<16xf32>
      %mul3A_760 = arith.mulf %get3A_74, %get3A_759 : vector<16xf32>
      %add3A_761 = arith.addf %add3A_755, %mul3A_760 : vector<16xf32>
      %swap3A_762 = arith.index_cast %scan3A_62 : i32 to index
      %swap3A_763 = arith.constant 512 : index
      %swap3A_764 = tpu.vector_load %arg13[%swap3A_762, %swap3A_763] {strides = array<i32>} : memref<32x1024xf32, #tpu.memory_space<vmem>>, vector<1x16xf32>,
      %swap3A_765 = vector.shape_cast %swap3A_764 : vector<1x16xf32> to vector<16xf32>
      %swap3A_766 = vector.shape_cast %add3A_761 : vector<16xf32> to vector<1x16xf32>
      tpu.vector_store %arg13[%swap3A_762, %swap3A_763], %swap3A_766 {strides = array<i32>} : memref<32x1024xf32, #tpu.memory_space<vmem>>, vector<1x16xf32>,
      %get3A_767 = arith.index_cast %scan3A_62 : i32 to index
      %get3A_768 = arith.constant 528 : index
      %get3A_769 = tpu.vector_load %arg13[%get3A_767, %get3A_768] {strides = array<i32>} : memref<32x1024xf32, #tpu.memory_space<vmem>>, vector<1x16xf32>,
      %get3A_770 = vector.shape_cast %get3A_769 : vector<1x16xf32> to vector<16xf32>
      %get3A_771 = arith.index_cast %scan3A_62 : i32 to index
      %get3A_772 = arith.constant 528 : index
      %get3A_773 = tpu.vector_load %arg11[%get3A_771, %get3A_772] {strides = array<i32>} : memref<32x1024xf32, #tpu.memory_space<vmem>>, vector<1x16xf32>,
      %get3A_774 = vector.shape_cast %get3A_773 : vector<1x16xf32> to vector<16xf32>
      %mul3A_775 = arith.mulf %get3A_68, %get3A_774 : vector<16xf32>
      %add3A_776 = arith.addf %get3A_770, %mul3A_775 : vector<16xf32>
      %get3A_777 = arith.index_cast %scan3A_62 : i32 to index
      %get3A_778 = arith.constant 528 : index
      %get3A_779 = tpu.vector_load %arg12[%get3A_777, %get3A_778] {strides = array<i32>} : memref<32x1024xf32, #tpu.memory_space<vmem>>, vector<1x16xf32>,
      %get3A_780 = vector.shape_cast %get3A_779 : vector<1x16xf32> to vector<16xf32>
      %mul3A_781 = arith.mulf %get3A_74, %get3A_780 : vector<16xf32>
      %add3A_782 = arith.addf %add3A_776, %mul3A_781 : vector<16xf32>
      %swap3A_783 = arith.index_cast %scan3A_62 : i32 to index
      %swap3A_784 = arith.constant 528 : index
      %swap3A_785 = tpu.vector_load %arg13[%swap3A_783, %swap3A_784] {strides = array<i32>} : memref<32x1024xf32, #tpu.memory_space<vmem>>, vector<1x16xf32>,
      %swap3A_786 = vector.shape_cast %swap3A_785 : vector<1x16xf32> to vector<16xf32>
      %swap3A_787 = vector.shape_cast %add3A_782 : vector<16xf32> to vector<1x16xf32>
      tpu.vector_store %arg13[%swap3A_783, %swap3A_784], %swap3A_787 {strides = array<i32>} : memref<32x1024xf32, #tpu.memory_space<vmem>>, vector<1x16xf32>,
      %get3A_788 = arith.index_cast %scan3A_62 : i32 to index
      %get3A_789 = arith.constant 544 : index
      %get3A_790 = tpu.vector_load %arg13[%get3A_788, %get3A_789] {strides = array<i32>} : memref<32x1024xf32, #tpu.memory_space<vmem>>, vector<1x16xf32>,
      %get3A_791 = vector.shape_cast %get3A_790 : vector<1x16xf32> to vector<16xf32>
      %get3A_792 = arith.index_cast %scan3A_62 : i32 to index
      %get3A_793 = arith.constant 544 : index
      %get3A_794 = tpu.vector_load %arg11[%get3A_792, %get3A_793] {strides = array<i32>} : memref<32x1024xf32, #tpu.memory_space<vmem>>, vector<1x16xf32>,
      %get3A_795 = vector.shape_cast %get3A_794 : vector<1x16xf32> to vector<16xf32>
      %mul3A_796 = arith.mulf %get3A_68, %get3A_795 : vector<16xf32>
      %add3A_797 = arith.addf %get3A_791, %mul3A_796 : vector<16xf32>
      %get3A_798 = arith.index_cast %scan3A_62 : i32 to index
      %get3A_799 = arith.constant 544 : index
      %get3A_800 = tpu.vector_load %arg12[%get3A_798, %get3A_799] {strides = array<i32>} : memref<32x1024xf32, #tpu.memory_space<vmem>>, vector<1x16xf32>,
      %get3A_801 = vector.shape_cast %get3A_800 : vector<1x16xf32> to vector<16xf32>
      %mul3A_802 = arith.mulf %get3A_74, %get3A_801 : vector<16xf32>
      %add3A_803 = arith.addf %add3A_797, %mul3A_802 : vector<16xf32>
      %swap3A_804 = arith.index_cast %scan3A_62 : i32 to index
      %swap3A_805 = arith.constant 544 : index
      %swap3A_806 = tpu.vector_load %arg13[%swap3A_804, %swap3A_805] {strides = array<i32>} : memref<32x1024xf32, #tpu.memory_space<vmem>>, vector<1x16xf32>,
      %swap3A_807 = vector.shape_cast %swap3A_806 : vector<1x16xf32> to vector<16xf32>
      %swap3A_808 = vector.shape_cast %add3A_803 : vector<16xf32> to vector<1x16xf32>
      tpu.vector_store %arg13[%swap3A_804, %swap3A_805], %swap3A_808 {strides = array<i32>} : memref<32x1024xf32, #tpu.memory_space<vmem>>, vector<1x16xf32>,
      %get3A_809 = arith.index_cast %scan3A_62 : i32 to index
      %get3A_810 = arith.constant 560 : index
      %get3A_811 = tpu.vector_load %arg13[%get3A_809, %get3A_810] {strides = array<i32>} : memref<32x1024xf32, #tpu.memory_space<vmem>>, vector<1x16xf32>,
      %get3A_812 = vector.shape_cast %get3A_811 : vector<1x16xf32> to vector<16xf32>
      %get3A_813 = arith.index_cast %scan3A_62 : i32 to index
      %get3A_814 = arith.constant 560 : index
      %get3A_815 = tpu.vector_load %arg11[%get3A_813, %get3A_814] {strides = array<i32>} : memref<32x1024xf32, #tpu.memory_space<vmem>>, vector<1x16xf32>,
      %get3A_816 = vector.shape_cast %get3A_815 : vector<1x16xf32> to vector<16xf32>
      %mul3A_817 = arith.mulf %get3A_68, %get3A_816 : vector<16xf32>
      %add3A_818 = arith.addf %get3A_812, %mul3A_817 : vector<16xf32>
      %get3A_819 = arith.index_cast %scan3A_62 : i32 to index
      %get3A_820 = arith.constant 560 : index
      %get3A_821 = tpu.vector_load %arg12[%get3A_819, %get3A_820] {strides = array<i32>} : memref<32x1024xf32, #tpu.memory_space<vmem>>, vector<1x16xf32>,
      %get3A_822 = vector.shape_cast %get3A_821 : vector<1x16xf32> to vector<16xf32>
      %mul3A_823 = arith.mulf %get3A_74, %get3A_822 : vector<16xf32>
      %add3A_824 = arith.addf %add3A_818, %mul3A_823 : vector<16xf32>
      %swap3A_825 = arith.index_cast %scan3A_62 : i32 to index
      %swap3A_826 = arith.constant 560 : index
      %swap3A_827 = tpu.vector_load %arg13[%swap3A_825, %swap3A_826] {strides = array<i32>} : memref<32x1024xf32, #tpu.memory_space<vmem>>, vector<1x16xf32>,
      %swap3A_828 = vector.shape_cast %swap3A_827 : vector<1x16xf32> to vector<16xf32>
      %swap3A_829 = vector.shape_cast %add3A_824 : vector<16xf32> to vector<1x16xf32>
      tpu.vector_store %arg13[%swap3A_825, %swap3A_826], %swap3A_829 {strides = array<i32>} : memref<32x1024xf32, #tpu.memory_space<vmem>>, vector<1x16xf32>,
      %get3A_830 = arith.index_cast %scan3A_62 : i32 to index
      %get3A_831 = arith.constant 576 : index
      %get3A_832 = tpu.vector_load %arg13[%get3A_830, %get3A_831] {strides = array<i32>} : memref<32x1024xf32, #tpu.memory_space<vmem>>, vector<1x16xf32>,
      %get3A_833 = vector.shape_cast %get3A_832 : vector<1x16xf32> to vector<16xf32>
      %get3A_834 = arith.index_cast %scan3A_62 : i32 to index
      %get3A_835 = arith.constant 576 : index
      %get3A_836 = tpu.vector_load %arg11[%get3A_834, %get3A_835] {strides = array<i32>} : memref<32x1024xf32, #tpu.memory_space<vmem>>, vector<1x16xf32>,
      %get3A_837 = vector.shape_cast %get3A_836 : vector<1x16xf32> to vector<16xf32>
      %mul3A_838 = arith.mulf %get3A_68, %get3A_837 : vector<16xf32>
      %add3A_839 = arith.addf %get3A_833, %mul3A_838 : vector<16xf32>
      %get3A_840 = arith.index_cast %scan3A_62 : i32 to index
      %get3A_841 = arith.constant 576 : index
      %get3A_842 = tpu.vector_load %arg12[%get3A_840, %get3A_841] {strides = array<i32>} : memref<32x1024xf32, #tpu.memory_space<vmem>>, vector<1x16xf32>,
      %get3A_843 = vector.shape_cast %get3A_842 : vector<1x16xf32> to vector<16xf32>
      %mul3A_844 = arith.mulf %get3A_74, %get3A_843 : vector<16xf32>
      %add3A_845 = arith.addf %add3A_839, %mul3A_844 : vector<16xf32>
      %swap3A_846 = arith.index_cast %scan3A_62 : i32 to index
      %swap3A_847 = arith.constant 576 : index
      %swap3A_848 = tpu.vector_load %arg13[%swap3A_846, %swap3A_847] {strides = array<i32>} : memref<32x1024xf32, #tpu.memory_space<vmem>>, vector<1x16xf32>,
      %swap3A_849 = vector.shape_cast %swap3A_848 : vector<1x16xf32> to vector<16xf32>
      %swap3A_850 = vector.shape_cast %add3A_845 : vector<16xf32> to vector<1x16xf32>
      tpu.vector_store %arg13[%swap3A_846, %swap3A_847], %swap3A_850 {strides = array<i32>} : memref<32x1024xf32, #tpu.memory_space<vmem>>, vector<1x16xf32>,
      %get3A_851 = arith.index_cast %scan3A_62 : i32 to index
      %get3A_852 = arith.constant 592 : index
      %get3A_853 = tpu.vector_load %arg13[%get3A_851, %get3A_852] {strides = array<i32>} : memref<32x1024xf32, #tpu.memory_space<vmem>>, vector<1x16xf32>,
      %get3A_854 = vector.shape_cast %get3A_853 : vector<1x16xf32> to vector<16xf32>
      %get3A_855 = arith.index_cast %scan3A_62 : i32 to index
      %get3A_856 = arith.constant 592 : index
      %get3A_857 = tpu.vector_load %arg11[%get3A_855, %get3A_856] {strides = array<i32>} : memref<32x1024xf32, #tpu.memory_space<vmem>>, vector<1x16xf32>,
      %get3A_858 = vector.shape_cast %get3A_857 : vector<1x16xf32> to vector<16xf32>
      %mul3A_859 = arith.mulf %get3A_68, %get3A_858 : vector<16xf32>
      %add3A_860 = arith.addf %get3A_854, %mul3A_859 : vector<16xf32>
      %get3A_861 = arith.index_cast %scan3A_62 : i32 to index
      %get3A_862 = arith.constant 592 : index
      %get3A_863 = tpu.vector_load %arg12[%get3A_861, %get3A_862] {strides = array<i32>} : memref<32x1024xf32, #tpu.memory_space<vmem>>, vector<1x16xf32>,
      %get3A_864 = vector.shape_cast %get3A_863 : vector<1x16xf32> to vector<16xf32>
      %mul3A_865 = arith.mulf %get3A_74, %get3A_864 : vector<16xf32>
      %add3A_866 = arith.addf %add3A_860, %mul3A_865 : vector<16xf32>
      %swap3A_867 = arith.index_cast %scan3A_62 : i32 to index
      %swap3A_868 = arith.constant 592 : index
      %swap3A_869 = tpu.vector_load %arg13[%swap3A_867, %swap3A_868] {strides = array<i32>} : memref<32x1024xf32, #tpu.memory_space<vmem>>, vector<1x16xf32>,
      %swap3A_870 = vector.shape_cast %swap3A_869 : vector<1x16xf32> to vector<16xf32>
      %swap3A_871 = vector.shape_cast %add3A_866 : vector<16xf32> to vector<1x16xf32>
      tpu.vector_store %arg13[%swap3A_867, %swap3A_868], %swap3A_871 {strides = array<i32>} : memref<32x1024xf32, #tpu.memory_space<vmem>>, vector<1x16xf32>,
      %get3A_872 = arith.index_cast %scan3A_62 : i32 to index
      %get3A_873 = arith.constant 608 : index
      %get3A_874 = tpu.vector_load %arg13[%get3A_872, %get3A_873] {strides = array<i32>} : memref<32x1024xf32, #tpu.memory_space<vmem>>, vector<1x16xf32>,
      %get3A_875 = vector.shape_cast %get3A_874 : vector<1x16xf32> to vector<16xf32>
      %get3A_876 = arith.index_cast %scan3A_62 : i32 to index
      %get3A_877 = arith.constant 608 : index
      %get3A_878 = tpu.vector_load %arg11[%get3A_876, %get3A_877] {strides = array<i32>} : memref<32x1024xf32, #tpu.memory_space<vmem>>, vector<1x16xf32>,
      %get3A_879 = vector.shape_cast %get3A_878 : vector<1x16xf32> to vector<16xf32>
      %mul3A_880 = arith.mulf %get3A_68, %get3A_879 : vector<16xf32>
      %add3A_881 = arith.addf %get3A_875, %mul3A_880 : vector<16xf32>
      %get3A_882 = arith.index_cast %scan3A_62 : i32 to index
      %get3A_883 = arith.constant 608 : index
      %get3A_884 = tpu.vector_load %arg12[%get3A_882, %get3A_883] {strides = array<i32>} : memref<32x1024xf32, #tpu.memory_space<vmem>>, vector<1x16xf32>,
      %get3A_885 = vector.shape_cast %get3A_884 : vector<1x16xf32> to vector<16xf32>
      %mul3A_886 = arith.mulf %get3A_74, %get3A_885 : vector<16xf32>
      %add3A_887 = arith.addf %add3A_881, %mul3A_886 : vector<16xf32>
      %swap3A_888 = arith.index_cast %scan3A_62 : i32 to index
      %swap3A_889 = arith.constant 608 : index
      %swap3A_890 = tpu.vector_load %arg13[%swap3A_888, %swap3A_889] {strides = array<i32>} : memref<32x1024xf32, #tpu.memory_space<vmem>>, vector<1x16xf32>,
      %swap3A_891 = vector.shape_cast %swap3A_890 : vector<1x16xf32> to vector<16xf32>
      %swap3A_892 = vector.shape_cast %add3A_887 : vector<16xf32> to vector<1x16xf32>
      tpu.vector_store %arg13[%swap3A_888, %swap3A_889], %swap3A_892 {strides = array<i32>} : memref<32x1024xf32, #tpu.memory_space<vmem>>, vector<1x16xf32>,
      %get3A_893 = arith.index_cast %scan3A_62 : i32 to index
      %get3A_894 = arith.constant 624 : index
      %get3A_895 = tpu.vector_load %arg13[%get3A_893, %get3A_894] {strides = array<i32>} : memref<32x1024xf32, #tpu.memory_space<vmem>>, vector<1x16xf32>,
      %get3A_896 = vector.shape_cast %get3A_895 : vector<1x16xf32> to vector<16xf32>
      %get3A_897 = arith.index_cast %scan3A_62 : i32 to index
      %get3A_898 = arith.constant 624 : index
      %get3A_899 = tpu.vector_load %arg11[%get3A_897, %get3A_898] {strides = array<i32>} : memref<32x1024xf32, #tpu.memory_space<vmem>>, vector<1x16xf32>,
      %get3A_900 = vector.shape_cast %get3A_899 : vector<1x16xf32> to vector<16xf32>
      %mul3A_901 = arith.mulf %get3A_68, %get3A_900 : vector<16xf32>
      %add3A_902 = arith.addf %get3A_896, %mul3A_901 : vector<16xf32>
      %get3A_903 = arith.index_cast %scan3A_62 : i32 to index
      %get3A_904 = arith.constant 624 : index
      %get3A_905 = tpu.vector_load %arg12[%get3A_903, %get3A_904] {strides = array<i32>} : memref<32x1024xf32, #tpu.memory_space<vmem>>, vector<1x16xf32>,
      %get3A_906 = vector.shape_cast %get3A_905 : vector<1x16xf32> to vector<16xf32>
      %mul3A_907 = arith.mulf %get3A_74, %get3A_906 : vector<16xf32>
      %add3A_908 = arith.addf %add3A_902, %mul3A_907 : vector<16xf32>
      %swap3A_909 = arith.index_cast %scan3A_62 : i32 to index
      %swap3A_910 = arith.constant 624 : index
      %swap3A_911 = tpu.vector_load %arg13[%swap3A_909, %swap3A_910] {strides = array<i32>} : memref<32x1024xf32, #tpu.memory_space<vmem>>, vector<1x16xf32>,
      %swap3A_912 = vector.shape_cast %swap3A_911 : vector<1x16xf32> to vector<16xf32>
      %swap3A_913 = vector.shape_cast %add3A_908 : vector<16xf32> to vector<1x16xf32>
      tpu.vector_store %arg13[%swap3A_909, %swap3A_910], %swap3A_913 {strides = array<i32>} : memref<32x1024xf32, #tpu.memory_space<vmem>>, vector<1x16xf32>,
      %get3A_914 = arith.index_cast %scan3A_62 : i32 to index
      %get3A_915 = arith.constant 640 : index
      %get3A_916 = tpu.vector_load %arg13[%get3A_914, %get3A_915] {strides = array<i32>} : memref<32x1024xf32, #tpu.memory_space<vmem>>, vector<1x16xf32>,
      %get3A_917 = vector.shape_cast %get3A_916 : vector<1x16xf32> to vector<16xf32>
      %get3A_918 = arith.index_cast %scan3A_62 : i32 to index
      %get3A_919 = arith.constant 640 : index
      %get3A_920 = tpu.vector_load %arg11[%get3A_918, %get3A_919] {strides = array<i32>} : memref<32x1024xf32, #tpu.memory_space<vmem>>, vector<1x16xf32>,
      %get3A_921 = vector.shape_cast %get3A_920 : vector<1x16xf32> to vector<16xf32>
      %mul3A_922 = arith.mulf %get3A_68, %get3A_921 : vector<16xf32>
      %add3A_923 = arith.addf %get3A_917, %mul3A_922 : vector<16xf32>
      %get3A_924 = arith.index_cast %scan3A_62 : i32 to index
      %get3A_925 = arith.constant 640 : index
      %get3A_926 = tpu.vector_load %arg12[%get3A_924, %get3A_925] {strides = array<i32>} : memref<32x1024xf32, #tpu.memory_space<vmem>>, vector<1x16xf32>,
      %get3A_927 = vector.shape_cast %get3A_926 : vector<1x16xf32> to vector<16xf32>
      %mul3A_928 = arith.mulf %get3A_74, %get3A_927 : vector<16xf32>
      %add3A_929 = arith.addf %add3A_923, %mul3A_928 : vector<16xf32>
      %swap3A_930 = arith.index_cast %scan3A_62 : i32 to index
      %swap3A_931 = arith.constant 640 : index
      %swap3A_932 = tpu.vector_load %arg13[%swap3A_930, %swap3A_931] {strides = array<i32>} : memref<32x1024xf32, #tpu.memory_space<vmem>>, vector<1x16xf32>,
      %swap3A_933 = vector.shape_cast %swap3A_932 : vector<1x16xf32> to vector<16xf32>
      %swap3A_934 = vector.shape_cast %add3A_929 : vector<16xf32> to vector<1x16xf32>
      tpu.vector_store %arg13[%swap3A_930, %swap3A_931], %swap3A_934 {strides = array<i32>} : memref<32x1024xf32, #tpu.memory_space<vmem>>, vector<1x16xf32>,
      %get3A_935 = arith.index_cast %scan3A_62 : i32 to index
      %get3A_936 = arith.constant 656 : index
      %get3A_937 = tpu.vector_load %arg13[%get3A_935, %get3A_936] {strides = array<i32>} : memref<32x1024xf32, #tpu.memory_space<vmem>>, vector<1x16xf32>,
      %get3A_938 = vector.shape_cast %get3A_937 : vector<1x16xf32> to vector<16xf32>
      %get3A_939 = arith.index_cast %scan3A_62 : i32 to index
      %get3A_940 = arith.constant 656 : index
      %get3A_941 = tpu.vector_load %arg11[%get3A_939, %get3A_940] {strides = array<i32>} : memref<32x1024xf32, #tpu.memory_space<vmem>>, vector<1x16xf32>,
      %get3A_942 = vector.shape_cast %get3A_941 : vector<1x16xf32> to vector<16xf32>
      %mul3A_943 = arith.mulf %get3A_68, %get3A_942 : vector<16xf32>
      %add3A_944 = arith.addf %get3A_938, %mul3A_943 : vector<16xf32>
      %get3A_945 = arith.index_cast %scan3A_62 : i32 to index
      %get3A_946 = arith.constant 656 : index
      %get3A_947 = tpu.vector_load %arg12[%get3A_945, %get3A_946] {strides = array<i32>} : memref<32x1024xf32, #tpu.memory_space<vmem>>, vector<1x16xf32>,
      %get3A_948 = vector.shape_cast %get3A_947 : vector<1x16xf32> to vector<16xf32>
      %mul3A_949 = arith.mulf %get3A_74, %get3A_948 : vector<16xf32>
      %add3A_950 = arith.addf %add3A_944, %mul3A_949 : vector<16xf32>
      %swap3A_951 = arith.index_cast %scan3A_62 : i32 to index
      %swap3A_952 = arith.constant 656 : index
      %swap3A_953 = tpu.vector_load %arg13[%swap3A_951, %swap3A_952] {strides = array<i32>} : memref<32x1024xf32, #tpu.memory_space<vmem>>, vector<1x16xf32>,
      %swap3A_954 = vector.shape_cast %swap3A_953 : vector<1x16xf32> to vector<16xf32>
      %swap3A_955 = vector.shape_cast %add3A_950 : vector<16xf32> to vector<1x16xf32>
      tpu.vector_store %arg13[%swap3A_951, %swap3A_952], %swap3A_955 {strides = array<i32>} : memref<32x1024xf32, #tpu.memory_space<vmem>>, vector<1x16xf32>,
      %get3A_956 = arith.index_cast %scan3A_62 : i32 to index
      %get3A_957 = arith.constant 672 : index
      %get3A_958 = tpu.vector_load %arg13[%get3A_956, %get3A_957] {strides = array<i32>} : memref<32x1024xf32, #tpu.memory_space<vmem>>, vector<1x16xf32>,
      %get3A_959 = vector.shape_cast %get3A_958 : vector<1x16xf32> to vector<16xf32>
      %get3A_960 = arith.index_cast %scan3A_62 : i32 to index
      %get3A_961 = arith.constant 672 : index
      %get3A_962 = tpu.vector_load %arg11[%get3A_960, %get3A_961] {strides = array<i32>} : memref<32x1024xf32, #tpu.memory_space<vmem>>, vector<1x16xf32>,
      %get3A_963 = vector.shape_cast %get3A_962 : vector<1x16xf32> to vector<16xf32>
      %mul3A_964 = arith.mulf %get3A_68, %get3A_963 : vector<16xf32>
      %add3A_965 = arith.addf %get3A_959, %mul3A_964 : vector<16xf32>
      %get3A_966 = arith.index_cast %scan3A_62 : i32 to index
      %get3A_967 = arith.constant 672 : index
      %get3A_968 = tpu.vector_load %arg12[%get3A_966, %get3A_967] {strides = array<i32>} : memref<32x1024xf32, #tpu.memory_space<vmem>>, vector<1x16xf32>,
      %get3A_969 = vector.shape_cast %get3A_968 : vector<1x16xf32> to vector<16xf32>
      %mul3A_970 = arith.mulf %get3A_74, %get3A_969 : vector<16xf32>
      %add3A_971 = arith.addf %add3A_965, %mul3A_970 : vector<16xf32>
      %swap3A_972 = arith.index_cast %scan3A_62 : i32 to index
      %swap3A_973 = arith.constant 672 : index
      %swap3A_974 = tpu.vector_load %arg13[%swap3A_972, %swap3A_973] {strides = array<i32>} : memref<32x1024xf32, #tpu.memory_space<vmem>>, vector<1x16xf32>,
      %swap3A_975 = vector.shape_cast %swap3A_974 : vector<1x16xf32> to vector<16xf32>
      %swap3A_976 = vector.shape_cast %add3A_971 : vector<16xf32> to vector<1x16xf32>
      tpu.vector_store %arg13[%swap3A_972, %swap3A_973], %swap3A_976 {strides = array<i32>} : memref<32x1024xf32, #tpu.memory_space<vmem>>, vector<1x16xf32>,
      %get3A_977 = arith.index_cast %scan3A_62 : i32 to index
      %get3A_978 = arith.constant 688 : index
      %get3A_979 = tpu.vector_load %arg13[%get3A_977, %get3A_978] {strides = array<i32>} : memref<32x1024xf32, #tpu.memory_space<vmem>>, vector<1x16xf32>,
      %get3A_980 = vector.shape_cast %get3A_979 : vector<1x16xf32> to vector<16xf32>
      %get3A_981 = arith.index_cast %scan3A_62 : i32 to index
      %get3A_982 = arith.constant 688 : index
      %get3A_983 = tpu.vector_load %arg11[%get3A_981, %get3A_982] {strides = array<i32>} : memref<32x1024xf32, #tpu.memory_space<vmem>>, vector<1x16xf32>,
      %get3A_984 = vector.shape_cast %get3A_983 : vector<1x16xf32> to vector<16xf32>
      %mul3A_985 = arith.mulf %get3A_68, %get3A_984 : vector<16xf32>
      %add3A_986 = arith.addf %get3A_980, %mul3A_985 : vector<16xf32>
      %get3A_987 = arith.index_cast %scan3A_62 : i32 to index
      %get3A_988 = arith.constant 688 : index
      %get3A_989 = tpu.vector_load %arg12[%get3A_987, %get3A_988] {strides = array<i32>} : memref<32x1024xf32, #tpu.memory_space<vmem>>, vector<1x16xf32>,
      %get3A_990 = vector.shape_cast %get3A_989 : vector<1x16xf32> to vector<16xf32>
      %mul3A_991 = arith.mulf %get3A_74, %get3A_990 : vector<16xf32>
      %add3A_992 = arith.addf %add3A_986, %mul3A_991 : vector<16xf32>
      %swap3A_993 = arith.index_cast %scan3A_62 : i32 to index
      %swap3A_994 = arith.constant 688 : index
      %swap3A_995 = tpu.vector_load %arg13[%swap3A_993, %swap3A_994] {strides = array<i32>} : memref<32x1024xf32, #tpu.memory_space<vmem>>, vector<1x16xf32>,
      %swap3A_996 = vector.shape_cast %swap3A_995 : vector<1x16xf32> to vector<16xf32>
      %swap3A_997 = vector.shape_cast %add3A_992 : vector<16xf32> to vector<1x16xf32>
      tpu.vector_store %arg13[%swap3A_993, %swap3A_994], %swap3A_997 {strides = array<i32>} : memref<32x1024xf32, #tpu.memory_space<vmem>>, vector<1x16xf32>,
      %get3A_998 = arith.index_cast %scan3A_62 : i32 to index
      %get3A_999 = arith.constant 704 : index
      %get3A_1000 = tpu.vector_load %arg13[%get3A_998, %get3A_999] {strides = array<i32>} : memref<32x1024xf32, #tpu.memory_space<vmem>>, vector<1x16xf32>,
      %get3A_1001 = vector.shape_cast %get3A_1000 : vector<1x16xf32> to vector<16xf32>
      %get3A_1002 = arith.index_cast %scan3A_62 : i32 to index
      %get3A_1003 = arith.constant 704 : index
      %get3A_1004 = tpu.vector_load %arg11[%get3A_1002, %get3A_1003] {strides = array<i32>} : memref<32x1024xf32, #tpu.memory_space<vmem>>, vector<1x16xf32>,
      %get3A_1005 = vector.shape_cast %get3A_1004 : vector<1x16xf32> to vector<16xf32>
      %mul3A_1006 = arith.mulf %get3A_68, %get3A_1005 : vector<16xf32>
      %add3A_1007 = arith.addf %get3A_1001, %mul3A_1006 : vector<16xf32>
      %get3A_1008 = arith.index_cast %scan3A_62 : i32 to index
      %get3A_1009 = arith.constant 704 : index
      %get3A_1010 = tpu.vector_load %arg12[%get3A_1008, %get3A_1009] {strides = array<i32>} : memref<32x1024xf32, #tpu.memory_space<vmem>>, vector<1x16xf32>,
      %get3A_1011 = vector.shape_cast %get3A_1010 : vector<1x16xf32> to vector<16xf32>
      %mul3A_1012 = arith.mulf %get3A_74, %get3A_1011 : vector<16xf32>
      %add3A_1013 = arith.addf %add3A_1007, %mul3A_1012 : vector<16xf32>
      %swap3A_1014 = arith.index_cast %scan3A_62 : i32 to index
      %swap3A_1015 = arith.constant 704 : index
      %swap3A_1016 = tpu.vector_load %arg13[%swap3A_1014, %swap3A_1015] {strides = array<i32>} : memref<32x1024xf32, #tpu.memory_space<vmem>>, vector<1x16xf32>,
      %swap3A_1017 = vector.shape_cast %swap3A_1016 : vector<1x16xf32> to vector<16xf32>
      %swap3A_1018 = vector.shape_cast %add3A_1013 : vector<16xf32> to vector<1x16xf32>
      tpu.vector_store %arg13[%swap3A_1014, %swap3A_1015], %swap3A_1018 {strides = array<i32>} : memref<32x1024xf32, #tpu.memory_space<vmem>>, vector<1x16xf32>,
      %get3A_1019 = arith.index_cast %scan3A_62 : i32 to index
      %get3A_1020 = arith.constant 720 : index
      %get3A_1021 = tpu.vector_load %arg13[%get3A_1019, %get3A_1020] {strides = array<i32>} : memref<32x1024xf32, #tpu.memory_space<vmem>>, vector<1x16xf32>,
      %get3A_1022 = vector.shape_cast %get3A_1021 : vector<1x16xf32> to vector<16xf32>
      %get3A_1023 = arith.index_cast %scan3A_62 : i32 to index
      %get3A_1024 = arith.constant 720 : index
      %get3A_1025 = tpu.vector_load %arg11[%get3A_1023, %get3A_1024] {strides = array<i32>} : memref<32x1024xf32, #tpu.memory_space<vmem>>, vector<1x16xf32>,
      %get3A_1026 = vector.shape_cast %get3A_1025 : vector<1x16xf32> to vector<16xf32>
      %mul3A_1027 = arith.mulf %get3A_68, %get3A_1026 : vector<16xf32>
      %add3A_1028 = arith.addf %get3A_1022, %mul3A_1027 : vector<16xf32>
      %get3A_1029 = arith.index_cast %scan3A_62 : i32 to index
      %get3A_1030 = arith.constant 720 : index
      %get3A_1031 = tpu.vector_load %arg12[%get3A_1029, %get3A_1030] {strides = array<i32>} : memref<32x1024xf32, #tpu.memory_space<vmem>>, vector<1x16xf32>,
      %get3A_1032 = vector.shape_cast %get3A_1031 : vector<1x16xf32> to vector<16xf32>
      %mul3A_1033 = arith.mulf %get3A_74, %get3A_1032 : vector<16xf32>
      %add3A_1034 = arith.addf %add3A_1028, %mul3A_1033 : vector<16xf32>
      %swap3A_1035 = arith.index_cast %scan3A_62 : i32 to index
      %swap3A_1036 = arith.constant 720 : index
      %swap3A_1037 = tpu.vector_load %arg13[%swap3A_1035, %swap3A_1036] {strides = array<i32>} : memref<32x1024xf32, #tpu.memory_space<vmem>>, vector<1x16xf32>,
      %swap3A_1038 = vector.shape_cast %swap3A_1037 : vector<1x16xf32> to vector<16xf32>
      %swap3A_1039 = vector.shape_cast %add3A_1034 : vector<16xf32> to vector<1x16xf32>
      tpu.vector_store %arg13[%swap3A_1035, %swap3A_1036], %swap3A_1039 {strides = array<i32>} : memref<32x1024xf32, #tpu.memory_space<vmem>>, vector<1x16xf32>,
      %get3A_1040 = arith.index_cast %scan3A_62 : i32 to index
      %get3A_1041 = arith.constant 736 : index
      %get3A_1042 = tpu.vector_load %arg13[%get3A_1040, %get3A_1041] {strides = array<i32>} : memref<32x1024xf32, #tpu.memory_space<vmem>>, vector<1x16xf32>,
      %get3A_1043 = vector.shape_cast %get3A_1042 : vector<1x16xf32> to vector<16xf32>
      %get3A_1044 = arith.index_cast %scan3A_62 : i32 to index
      %get3A_1045 = arith.constant 736 : index
      %get3A_1046 = tpu.vector_load %arg11[%get3A_1044, %get3A_1045] {strides = array<i32>} : memref<32x1024xf32, #tpu.memory_space<vmem>>, vector<1x16xf32>,
      %get3A_1047 = vector.shape_cast %get3A_1046 : vector<1x16xf32> to vector<16xf32>
      %mul3A_1048 = arith.mulf %get3A_68, %get3A_1047 : vector<16xf32>
      %add3A_1049 = arith.addf %get3A_1043, %mul3A_1048 : vector<16xf32>
      %get3A_1050 = arith.index_cast %scan3A_62 : i32 to index
      %get3A_1051 = arith.constant 736 : index
      %get3A_1052 = tpu.vector_load %arg12[%get3A_1050, %get3A_1051] {strides = array<i32>} : memref<32x1024xf32, #tpu.memory_space<vmem>>, vector<1x16xf32>,
      %get3A_1053 = vector.shape_cast %get3A_1052 : vector<1x16xf32> to vector<16xf32>
      %mul3A_1054 = arith.mulf %get3A_74, %get3A_1053 : vector<16xf32>
      %add3A_1055 = arith.addf %add3A_1049, %mul3A_1054 : vector<16xf32>
      %swap3A_1056 = arith.index_cast %scan3A_62 : i32 to index
      %swap3A_1057 = arith.constant 736 : index
      %swap3A_1058 = tpu.vector_load %arg13[%swap3A_1056, %swap3A_1057] {strides = array<i32>} : memref<32x1024xf32, #tpu.memory_space<vmem>>, vector<1x16xf32>,
      %swap3A_1059 = vector.shape_cast %swap3A_1058 : vector<1x16xf32> to vector<16xf32>
      %swap3A_1060 = vector.shape_cast %add3A_1055 : vector<16xf32> to vector<1x16xf32>
      tpu.vector_store %arg13[%swap3A_1056, %swap3A_1057], %swap3A_1060 {strides = array<i32>} : memref<32x1024xf32, #tpu.memory_space<vmem>>, vector<1x16xf32>,
      %get3A_1061 = arith.index_cast %scan3A_62 : i32 to index
      %get3A_1062 = arith.constant 752 : index
      %get3A_1063 = tpu.vector_load %arg13[%get3A_1061, %get3A_1062] {strides = array<i32>} : memref<32x1024xf32, #tpu.memory_space<vmem>>, vector<1x16xf32>,
      %get3A_1064 = vector.shape_cast %get3A_1063 : vector<1x16xf32> to vector<16xf32>
      %get3A_1065 = arith.index_cast %scan3A_62 : i32 to index
      %get3A_1066 = arith.constant 752 : index
      %get3A_1067 = tpu.vector_load %arg11[%get3A_1065, %get3A_1066] {strides = array<i32>} : memref<32x1024xf32, #tpu.memory_space<vmem>>, vector<1x16xf32>,
      %get3A_1068 = vector.shape_cast %get3A_1067 : vector<1x16xf32> to vector<16xf32>
      %mul3A_1069 = arith.mulf %get3A_68, %get3A_1068 : vector<16xf32>
      %add3A_1070 = arith.addf %get3A_1064, %mul3A_1069 : vector<16xf32>
      %get3A_1071 = arith.index_cast %scan3A_62 : i32 to index
      %get3A_1072 = arith.constant 752 : index
      %get3A_1073 = tpu.vector_load %arg12[%get3A_1071, %get3A_1072] {strides = array<i32>} : memref<32x1024xf32, #tpu.memory_space<vmem>>, vector<1x16xf32>,
      %get3A_1074 = vector.shape_cast %get3A_1073 : vector<1x16xf32> to vector<16xf32>
      %mul3A_1075 = arith.mulf %get3A_74, %get3A_1074 : vector<16xf32>
      %add3A_1076 = arith.addf %add3A_1070, %mul3A_1075 : vector<16xf32>
      %swap3A_1077 = arith.index_cast %scan3A_62 : i32 to index
      %swap3A_1078 = arith.constant 752 : index
      %swap3A_1079 = tpu.vector_load %arg13[%swap3A_1077, %swap3A_1078] {strides = array<i32>} : memref<32x1024xf32, #tpu.memory_space<vmem>>, vector<1x16xf32>,
      %swap3A_1080 = vector.shape_cast %swap3A_1079 : vector<1x16xf32> to vector<16xf32>
      %swap3A_1081 = vector.shape_cast %add3A_1076 : vector<16xf32> to vector<1x16xf32>
      tpu.vector_store %arg13[%swap3A_1077, %swap3A_1078], %swap3A_1081 {strides = array<i32>} : memref<32x1024xf32, #tpu.memory_space<vmem>>, vector<1x16xf32>,
      %get3A_1082 = arith.index_cast %scan3A_62 : i32 to index
      %get3A_1083 = arith.constant 768 : index
      %get3A_1084 = tpu.vector_load %arg13[%get3A_1082, %get3A_1083] {strides = array<i32>} : memref<32x1024xf32, #tpu.memory_space<vmem>>, vector<1x16xf32>,
      %get3A_1085 = vector.shape_cast %get3A_1084 : vector<1x16xf32> to vector<16xf32>
      %get3A_1086 = arith.index_cast %scan3A_62 : i32 to index
      %get3A_1087 = arith.constant 768 : index
      %get3A_1088 = tpu.vector_load %arg11[%get3A_1086, %get3A_1087] {strides = array<i32>} : memref<32x1024xf32, #tpu.memory_space<vmem>>, vector<1x16xf32>,
      %get3A_1089 = vector.shape_cast %get3A_1088 : vector<1x16xf32> to vector<16xf32>
      %mul3A_1090 = arith.mulf %get3A_68, %get3A_1089 : vector<16xf32>
      %add3A_1091 = arith.addf %get3A_1085, %mul3A_1090 : vector<16xf32>
      %get3A_1092 = arith.index_cast %scan3A_62 : i32 to index
      %get3A_1093 = arith.constant 768 : index
      %get3A_1094 = tpu.vector_load %arg12[%get3A_1092, %get3A_1093] {strides = array<i32>} : memref<32x1024xf32, #tpu.memory_space<vmem>>, vector<1x16xf32>,
      %get3A_1095 = vector.shape_cast %get3A_1094 : vector<1x16xf32> to vector<16xf32>
      %mul3A_1096 = arith.mulf %get3A_74, %get3A_1095 : vector<16xf32>
      %add3A_1097 = arith.addf %add3A_1091, %mul3A_1096 : vector<16xf32>
      %swap3A_1098 = arith.index_cast %scan3A_62 : i32 to index
      %swap3A_1099 = arith.constant 768 : index
      %swap3A_1100 = tpu.vector_load %arg13[%swap3A_1098, %swap3A_1099] {strides = array<i32>} : memref<32x1024xf32, #tpu.memory_space<vmem>>, vector<1x16xf32>,
      %swap3A_1101 = vector.shape_cast %swap3A_1100 : vector<1x16xf32> to vector<16xf32>
      %swap3A_1102 = vector.shape_cast %add3A_1097 : vector<16xf32> to vector<1x16xf32>
      tpu.vector_store %arg13[%swap3A_1098, %swap3A_1099], %swap3A_1102 {strides = array<i32>} : memref<32x1024xf32, #tpu.memory_space<vmem>>, vector<1x16xf32>,
      %get3A_1103 = arith.index_cast %scan3A_62 : i32 to index
      %get3A_1104 = arith.constant 784 : index
      %get3A_1105 = tpu.vector_load %arg13[%get3A_1103, %get3A_1104] {strides = array<i32>} : memref<32x1024xf32, #tpu.memory_space<vmem>>, vector<1x16xf32>,
      %get3A_1106 = vector.shape_cast %get3A_1105 : vector<1x16xf32> to vector<16xf32>
      %get3A_1107 = arith.index_cast %scan3A_62 : i32 to index
      %get3A_1108 = arith.constant 784 : index
      %get3A_1109 = tpu.vector_load %arg11[%get3A_1107, %get3A_1108] {strides = array<i32>} : memref<32x1024xf32, #tpu.memory_space<vmem>>, vector<1x16xf32>,
      %get3A_1110 = vector.shape_cast %get3A_1109 : vector<1x16xf32> to vector<16xf32>
      %mul3A_1111 = arith.mulf %get3A_68, %get3A_1110 : vector<16xf32>
      %add3A_1112 = arith.addf %get3A_1106, %mul3A_1111 : vector<16xf32>
      %get3A_1113 = arith.index_cast %scan3A_62 : i32 to index
      %get3A_1114 = arith.constant 784 : index
      %get3A_1115 = tpu.vector_load %arg12[%get3A_1113, %get3A_1114] {strides = array<i32>} : memref<32x1024xf32, #tpu.memory_space<vmem>>, vector<1x16xf32>,
      %get3A_1116 = vector.shape_cast %get3A_1115 : vector<1x16xf32> to vector<16xf32>
      %mul3A_1117 = arith.mulf %get3A_74, %get3A_1116 : vector<16xf32>
      %add3A_1118 = arith.addf %add3A_1112, %mul3A_1117 : vector<16xf32>
      %swap3A_1119 = arith.index_cast %scan3A_62 : i32 to index
      %swap3A_1120 = arith.constant 784 : index
      %swap3A_1121 = tpu.vector_load %arg13[%swap3A_1119, %swap3A_1120] {strides = array<i32>} : memref<32x1024xf32, #tpu.memory_space<vmem>>, vector<1x16xf32>,
      %swap3A_1122 = vector.shape_cast %swap3A_1121 : vector<1x16xf32> to vector<16xf32>
      %swap3A_1123 = vector.shape_cast %add3A_1118 : vector<16xf32> to vector<1x16xf32>
      tpu.vector_store %arg13[%swap3A_1119, %swap3A_1120], %swap3A_1123 {strides = array<i32>} : memref<32x1024xf32, #tpu.memory_space<vmem>>, vector<1x16xf32>,
      %get3A_1124 = arith.index_cast %scan3A_62 : i32 to index
      %get3A_1125 = arith.constant 800 : index
      %get3A_1126 = tpu.vector_load %arg13[%get3A_1124, %get3A_1125] {strides = array<i32>} : memref<32x1024xf32, #tpu.memory_space<vmem>>, vector<1x16xf32>,
      %get3A_1127 = vector.shape_cast %get3A_1126 : vector<1x16xf32> to vector<16xf32>
      %get3A_1128 = arith.index_cast %scan3A_62 : i32 to index
      %get3A_1129 = arith.constant 800 : index
      %get3A_1130 = tpu.vector_load %arg11[%get3A_1128, %get3A_1129] {strides = array<i32>} : memref<32x1024xf32, #tpu.memory_space<vmem>>, vector<1x16xf32>,
      %get3A_1131 = vector.shape_cast %get3A_1130 : vector<1x16xf32> to vector<16xf32>
      %mul3A_1132 = arith.mulf %get3A_68, %get3A_1131 : vector<16xf32>
      %add3A_1133 = arith.addf %get3A_1127, %mul3A_1132 : vector<16xf32>
      %get3A_1134 = arith.index_cast %scan3A_62 : i32 to index
      %get3A_1135 = arith.constant 800 : index
      %get3A_1136 = tpu.vector_load %arg12[%get3A_1134, %get3A_1135] {strides = array<i32>} : memref<32x1024xf32, #tpu.memory_space<vmem>>, vector<1x16xf32>,
      %get3A_1137 = vector.shape_cast %get3A_1136 : vector<1x16xf32> to vector<16xf32>
      %mul3A_1138 = arith.mulf %get3A_74, %get3A_1137 : vector<16xf32>
      %add3A_1139 = arith.addf %add3A_1133, %mul3A_1138 : vector<16xf32>
      %swap3A_1140 = arith.index_cast %scan3A_62 : i32 to index
      %swap3A_1141 = arith.constant 800 : index
      %swap3A_1142 = tpu.vector_load %arg13[%swap3A_1140, %swap3A_1141] {strides = array<i32>} : memref<32x1024xf32, #tpu.memory_space<vmem>>, vector<1x16xf32>,
      %swap3A_1143 = vector.shape_cast %swap3A_1142 : vector<1x16xf32> to vector<16xf32>
      %swap3A_1144 = vector.shape_cast %add3A_1139 : vector<16xf32> to vector<1x16xf32>
      tpu.vector_store %arg13[%swap3A_1140, %swap3A_1141], %swap3A_1144 {strides = array<i32>} : memref<32x1024xf32, #tpu.memory_space<vmem>>, vector<1x16xf32>,
      %get3A_1145 = arith.index_cast %scan3A_62 : i32 to index
      %get3A_1146 = arith.constant 816 : index
      %get3A_1147 = tpu.vector_load %arg13[%get3A_1145, %get3A_1146] {strides = array<i32>} : memref<32x1024xf32, #tpu.memory_space<vmem>>, vector<1x16xf32>,
      %get3A_1148 = vector.shape_cast %get3A_1147 : vector<1x16xf32> to vector<16xf32>
      %get3A_1149 = arith.index_cast %scan3A_62 : i32 to index
      %get3A_1150 = arith.constant 816 : index
      %get3A_1151 = tpu.vector_load %arg11[%get3A_1149, %get3A_1150] {strides = array<i32>} : memref<32x1024xf32, #tpu.memory_space<vmem>>, vector<1x16xf32>,
      %get3A_1152 = vector.shape_cast %get3A_1151 : vector<1x16xf32> to vector<16xf32>
      %mul3A_1153 = arith.mulf %get3A_68, %get3A_1152 : vector<16xf32>
      %add3A_1154 = arith.addf %get3A_1148, %mul3A_1153 : vector<16xf32>
      %get3A_1155 = arith.index_cast %scan3A_62 : i32 to index
      %get3A_1156 = arith.constant 816 : index
      %get3A_1157 = tpu.vector_load %arg12[%get3A_1155, %get3A_1156] {strides = array<i32>} : memref<32x1024xf32, #tpu.memory_space<vmem>>, vector<1x16xf32>,
      %get3A_1158 = vector.shape_cast %get3A_1157 : vector<1x16xf32> to vector<16xf32>
      %mul3A_1159 = arith.mulf %get3A_74, %get3A_1158 : vector<16xf32>
      %add3A_1160 = arith.addf %add3A_1154, %mul3A_1159 : vector<16xf32>
      %swap3A_1161 = arith.index_cast %scan3A_62 : i32 to index
      %swap3A_1162 = arith.constant 816 : index
      %swap3A_1163 = tpu.vector_load %arg13[%swap3A_1161, %swap3A_1162] {strides = array<i32>} : memref<32x1024xf32, #tpu.memory_space<vmem>>, vector<1x16xf32>,
      %swap3A_1164 = vector.shape_cast %swap3A_1163 : vector<1x16xf32> to vector<16xf32>
      %swap3A_1165 = vector.shape_cast %add3A_1160 : vector<16xf32> to vector<1x16xf32>
      tpu.vector_store %arg13[%swap3A_1161, %swap3A_1162], %swap3A_1165 {strides = array<i32>} : memref<32x1024xf32, #tpu.memory_space<vmem>>, vector<1x16xf32>,
      %get3A_1166 = arith.index_cast %scan3A_62 : i32 to index
      %get3A_1167 = arith.constant 832 : index
      %get3A_1168 = tpu.vector_load %arg13[%get3A_1166, %get3A_1167] {strides = array<i32>} : memref<32x1024xf32, #tpu.memory_space<vmem>>, vector<1x16xf32>,
      %get3A_1169 = vector.shape_cast %get3A_1168 : vector<1x16xf32> to vector<16xf32>
      %get3A_1170 = arith.index_cast %scan3A_62 : i32 to index
      %get3A_1171 = arith.constant 832 : index
      %get3A_1172 = tpu.vector_load %arg11[%get3A_1170, %get3A_1171] {strides = array<i32>} : memref<32x1024xf32, #tpu.memory_space<vmem>>, vector<1x16xf32>,
      %get3A_1173 = vector.shape_cast %get3A_1172 : vector<1x16xf32> to vector<16xf32>
      %mul3A_1174 = arith.mulf %get3A_68, %get3A_1173 : vector<16xf32>
      %add3A_1175 = arith.addf %get3A_1169, %mul3A_1174 : vector<16xf32>
      %get3A_1176 = arith.index_cast %scan3A_62 : i32 to index
      %get3A_1177 = arith.constant 832 : index
      %get3A_1178 = tpu.vector_load %arg12[%get3A_1176, %get3A_1177] {strides = array<i32>} : memref<32x1024xf32, #tpu.memory_space<vmem>>, vector<1x16xf32>,
      %get3A_1179 = vector.shape_cast %get3A_1178 : vector<1x16xf32> to vector<16xf32>
      %mul3A_1180 = arith.mulf %get3A_74, %get3A_1179 : vector<16xf32>
      %add3A_1181 = arith.addf %add3A_1175, %mul3A_1180 : vector<16xf32>
      %swap3A_1182 = arith.index_cast %scan3A_62 : i32 to index
      %swap3A_1183 = arith.constant 832 : index
      %swap3A_1184 = tpu.vector_load %arg13[%swap3A_1182, %swap3A_1183] {strides = array<i32>} : memref<32x1024xf32, #tpu.memory_space<vmem>>, vector<1x16xf32>,
      %swap3A_1185 = vector.shape_cast %swap3A_1184 : vector<1x16xf32> to vector<16xf32>
      %swap3A_1186 = vector.shape_cast %add3A_1181 : vector<16xf32> to vector<1x16xf32>
      tpu.vector_store %arg13[%swap3A_1182, %swap3A_1183], %swap3A_1186 {strides = array<i32>} : memref<32x1024xf32, #tpu.memory_space<vmem>>, vector<1x16xf32>,
      %get3A_1187 = arith.index_cast %scan3A_62 : i32 to index
      %get3A_1188 = arith.constant 848 : index
      %get3A_1189 = tpu.vector_load %arg13[%get3A_1187, %get3A_1188] {strides = array<i32>} : memref<32x1024xf32, #tpu.memory_space<vmem>>, vector<1x16xf32>,
      %get3A_1190 = vector.shape_cast %get3A_1189 : vector<1x16xf32> to vector<16xf32>
      %get3A_1191 = arith.index_cast %scan3A_62 : i32 to index
      %get3A_1192 = arith.constant 848 : index
      %get3A_1193 = tpu.vector_load %arg11[%get3A_1191, %get3A_1192] {strides = array<i32>} : memref<32x1024xf32, #tpu.memory_space<vmem>>, vector<1x16xf32>,
      %get3A_1194 = vector.shape_cast %get3A_1193 : vector<1x16xf32> to vector<16xf32>
      %mul3A_1195 = arith.mulf %get3A_68, %get3A_1194 : vector<16xf32>
      %add3A_1196 = arith.addf %get3A_1190, %mul3A_1195 : vector<16xf32>
      %get3A_1197 = arith.index_cast %scan3A_62 : i32 to index
      %get3A_1198 = arith.constant 848 : index
      %get3A_1199 = tpu.vector_load %arg12[%get3A_1197, %get3A_1198] {strides = array<i32>} : memref<32x1024xf32, #tpu.memory_space<vmem>>, vector<1x16xf32>,
      %get3A_1200 = vector.shape_cast %get3A_1199 : vector<1x16xf32> to vector<16xf32>
      %mul3A_1201 = arith.mulf %get3A_74, %get3A_1200 : vector<16xf32>
      %add3A_1202 = arith.addf %add3A_1196, %mul3A_1201 : vector<16xf32>
      %swap3A_1203 = arith.index_cast %scan3A_62 : i32 to index
      %swap3A_1204 = arith.constant 848 : index
      %swap3A_1205 = tpu.vector_load %arg13[%swap3A_1203, %swap3A_1204] {strides = array<i32>} : memref<32x1024xf32, #tpu.memory_space<vmem>>, vector<1x16xf32>,
      %swap3A_1206 = vector.shape_cast %swap3A_1205 : vector<1x16xf32> to vector<16xf32>
      %swap3A_1207 = vector.shape_cast %add3A_1202 : vector<16xf32> to vector<1x16xf32>
      tpu.vector_store %arg13[%swap3A_1203, %swap3A_1204], %swap3A_1207 {strides = array<i32>} : memref<32x1024xf32, #tpu.memory_space<vmem>>, vector<1x16xf32>,
      %get3A_1208 = arith.index_cast %scan3A_62 : i32 to index
      %get3A_1209 = arith.constant 864 : index
      %get3A_1210 = tpu.vector_load %arg13[%get3A_1208, %get3A_1209] {strides = array<i32>} : memref<32x1024xf32, #tpu.memory_space<vmem>>, vector<1x16xf32>,
      %get3A_1211 = vector.shape_cast %get3A_1210 : vector<1x16xf32> to vector<16xf32>
      %get3A_1212 = arith.index_cast %scan3A_62 : i32 to index
      %get3A_1213 = arith.constant 864 : index
      %get3A_1214 = tpu.vector_load %arg11[%get3A_1212, %get3A_1213] {strides = array<i32>} : memref<32x1024xf32, #tpu.memory_space<vmem>>, vector<1x16xf32>,
      %get3A_1215 = vector.shape_cast %get3A_1214 : vector<1x16xf32> to vector<16xf32>
      %mul3A_1216 = arith.mulf %get3A_68, %get3A_1215 : vector<16xf32>
      %add3A_1217 = arith.addf %get3A_1211, %mul3A_1216 : vector<16xf32>
      %get3A_1218 = arith.index_cast %scan3A_62 : i32 to index
      %get3A_1219 = arith.constant 864 : index
      %get3A_1220 = tpu.vector_load %arg12[%get3A_1218, %get3A_1219] {strides = array<i32>} : memref<32x1024xf32, #tpu.memory_space<vmem>>, vector<1x16xf32>,
      %get3A_1221 = vector.shape_cast %get3A_1220 : vector<1x16xf32> to vector<16xf32>
      %mul3A_1222 = arith.mulf %get3A_74, %get3A_1221 : vector<16xf32>
      %add3A_1223 = arith.addf %add3A_1217, %mul3A_1222 : vector<16xf32>
      %swap3A_1224 = arith.index_cast %scan3A_62 : i32 to index
      %swap3A_1225 = arith.constant 864 : index
      %swap3A_1226 = tpu.vector_load %arg13[%swap3A_1224, %swap3A_1225] {strides = array<i32>} : memref<32x1024xf32, #tpu.memory_space<vmem>>, vector<1x16xf32>,
      %swap3A_1227 = vector.shape_cast %swap3A_1226 : vector<1x16xf32> to vector<16xf32>
      %swap3A_1228 = vector.shape_cast %add3A_1223 : vector<16xf32> to vector<1x16xf32>
      tpu.vector_store %arg13[%swap3A_1224, %swap3A_1225], %swap3A_1228 {strides = array<i32>} : memref<32x1024xf32, #tpu.memory_space<vmem>>, vector<1x16xf32>,
      %get3A_1229 = arith.index_cast %scan3A_62 : i32 to index
      %get3A_1230 = arith.constant 880 : index
      %get3A_1231 = tpu.vector_load %arg13[%get3A_1229, %get3A_1230] {strides = array<i32>} : memref<32x1024xf32, #tpu.memory_space<vmem>>, vector<1x16xf32>,
      %get3A_1232 = vector.shape_cast %get3A_1231 : vector<1x16xf32> to vector<16xf32>
      %get3A_1233 = arith.index_cast %scan3A_62 : i32 to index
      %get3A_1234 = arith.constant 880 : index
      %get3A_1235 = tpu.vector_load %arg11[%get3A_1233, %get3A_1234] {strides = array<i32>} : memref<32x1024xf32, #tpu.memory_space<vmem>>, vector<1x16xf32>,
      %get3A_1236 = vector.shape_cast %get3A_1235 : vector<1x16xf32> to vector<16xf32>
      %mul3A_1237 = arith.mulf %get3A_68, %get3A_1236 : vector<16xf32>
      %add3A_1238 = arith.addf %get3A_1232, %mul3A_1237 : vector<16xf32>
      %get3A_1239 = arith.index_cast %scan3A_62 : i32 to index
      %get3A_1240 = arith.constant 880 : index
      %get3A_1241 = tpu.vector_load %arg12[%get3A_1239, %get3A_1240] {strides = array<i32>} : memref<32x1024xf32, #tpu.memory_space<vmem>>, vector<1x16xf32>,
      %get3A_1242 = vector.shape_cast %get3A_1241 : vector<1x16xf32> to vector<16xf32>
      %mul3A_1243 = arith.mulf %get3A_74, %get3A_1242 : vector<16xf32>
      %add3A_1244 = arith.addf %add3A_1238, %mul3A_1243 : vector<16xf32>
      %swap3A_1245 = arith.index_cast %scan3A_62 : i32 to index
      %swap3A_1246 = arith.constant 880 : index
      %swap3A_1247 = tpu.vector_load %arg13[%swap3A_1245, %swap3A_1246] {strides = array<i32>} : memref<32x1024xf32, #tpu.memory_space<vmem>>, vector<1x16xf32>,
      %swap3A_1248 = vector.shape_cast %swap3A_1247 : vector<1x16xf32> to vector<16xf32>
      %swap3A_1249 = vector.shape_cast %add3A_1244 : vector<16xf32> to vector<1x16xf32>
      tpu.vector_store %arg13[%swap3A_1245, %swap3A_1246], %swap3A_1249 {strides = array<i32>} : memref<32x1024xf32, #tpu.memory_space<vmem>>, vector<1x16xf32>,
      %get3A_1250 = arith.index_cast %scan3A_62 : i32 to index
      %get3A_1251 = arith.constant 896 : index
      %get3A_1252 = tpu.vector_load %arg13[%get3A_1250, %get3A_1251] {strides = array<i32>} : memref<32x1024xf32, #tpu.memory_space<vmem>>, vector<1x16xf32>,
      %get3A_1253 = vector.shape_cast %get3A_1252 : vector<1x16xf32> to vector<16xf32>
      %get3A_1254 = arith.index_cast %scan3A_62 : i32 to index
      %get3A_1255 = arith.constant 896 : index
      %get3A_1256 = tpu.vector_load %arg11[%get3A_1254, %get3A_1255] {strides = array<i32>} : memref<32x1024xf32, #tpu.memory_space<vmem>>, vector<1x16xf32>,
      %get3A_1257 = vector.shape_cast %get3A_1256 : vector<1x16xf32> to vector<16xf32>
      %mul3A_1258 = arith.mulf %get3A_68, %get3A_1257 : vector<16xf32>
      %add3A_1259 = arith.addf %get3A_1253, %mul3A_1258 : vector<16xf32>
      %get3A_1260 = arith.index_cast %scan3A_62 : i32 to index
      %get3A_1261 = arith.constant 896 : index
      %get3A_1262 = tpu.vector_load %arg12[%get3A_1260, %get3A_1261] {strides = array<i32>} : memref<32x1024xf32, #tpu.memory_space<vmem>>, vector<1x16xf32>,
      %get3A_1263 = vector.shape_cast %get3A_1262 : vector<1x16xf32> to vector<16xf32>
      %mul3A_1264 = arith.mulf %get3A_74, %get3A_1263 : vector<16xf32>
      %add3A_1265 = arith.addf %add3A_1259, %mul3A_1264 : vector<16xf32>
      %swap3A_1266 = arith.index_cast %scan3A_62 : i32 to index
      %swap3A_1267 = arith.constant 896 : index
      %swap3A_1268 = tpu.vector_load %arg13[%swap3A_1266, %swap3A_1267] {strides = array<i32>} : memref<32x1024xf32, #tpu.memory_space<vmem>>, vector<1x16xf32>,
      %swap3A_1269 = vector.shape_cast %swap3A_1268 : vector<1x16xf32> to vector<16xf32>
      %swap3A_1270 = vector.shape_cast %add3A_1265 : vector<16xf32> to vector<1x16xf32>
      tpu.vector_store %arg13[%swap3A_1266, %swap3A_1267], %swap3A_1270 {strides = array<i32>} : memref<32x1024xf32, #tpu.memory_space<vmem>>, vector<1x16xf32>,
      %get3A_1271 = arith.index_cast %scan3A_62 : i32 to index
      %get3A_1272 = arith.constant 912 : index
      %get3A_1273 = tpu.vector_load %arg13[%get3A_1271, %get3A_1272] {strides = array<i32>} : memref<32x1024xf32, #tpu.memory_space<vmem>>, vector<1x16xf32>,
      %get3A_1274 = vector.shape_cast %get3A_1273 : vector<1x16xf32> to vector<16xf32>
      %get3A_1275 = arith.index_cast %scan3A_62 : i32 to index
      %get3A_1276 = arith.constant 912 : index
      %get3A_1277 = tpu.vector_load %arg11[%get3A_1275, %get3A_1276] {strides = array<i32>} : memref<32x1024xf32, #tpu.memory_space<vmem>>, vector<1x16xf32>,
      %get3A_1278 = vector.shape_cast %get3A_1277 : vector<1x16xf32> to vector<16xf32>
      %mul3A_1279 = arith.mulf %get3A_68, %get3A_1278 : vector<16xf32>
      %add3A_1280 = arith.addf %get3A_1274, %mul3A_1279 : vector<16xf32>
      %get3A_1281 = arith.index_cast %scan3A_62 : i32 to index
      %get3A_1282 = arith.constant 912 : index
      %get3A_1283 = tpu.vector_load %arg12[%get3A_1281, %get3A_1282] {strides = array<i32>} : memref<32x1024xf32, #tpu.memory_space<vmem>>, vector<1x16xf32>,
      %get3A_1284 = vector.shape_cast %get3A_1283 : vector<1x16xf32> to vector<16xf32>
      %mul3A_1285 = arith.mulf %get3A_74, %get3A_1284 : vector<16xf32>
      %add3A_1286 = arith.addf %add3A_1280, %mul3A_1285 : vector<16xf32>
      %swap3A_1287 = arith.index_cast %scan3A_62 : i32 to index
      %swap3A_1288 = arith.constant 912 : index
      %swap3A_1289 = tpu.vector_load %arg13[%swap3A_1287, %swap3A_1288] {strides = array<i32>} : memref<32x1024xf32, #tpu.memory_space<vmem>>, vector<1x16xf32>,
      %swap3A_1290 = vector.shape_cast %swap3A_1289 : vector<1x16xf32> to vector<16xf32>
      %swap3A_1291 = vector.shape_cast %add3A_1286 : vector<16xf32> to vector<1x16xf32>
      tpu.vector_store %arg13[%swap3A_1287, %swap3A_1288], %swap3A_1291 {strides = array<i32>} : memref<32x1024xf32, #tpu.memory_space<vmem>>, vector<1x16xf32>,
      %get3A_1292 = arith.index_cast %scan3A_62 : i32 to index
      %get3A_1293 = arith.constant 928 : index
      %get3A_1294 = tpu.vector_load %arg13[%get3A_1292, %get3A_1293] {strides = array<i32>} : memref<32x1024xf32, #tpu.memory_space<vmem>>, vector<1x16xf32>,
      %get3A_1295 = vector.shape_cast %get3A_1294 : vector<1x16xf32> to vector<16xf32>
      %get3A_1296 = arith.index_cast %scan3A_62 : i32 to index
      %get3A_1297 = arith.constant 928 : index
      %get3A_1298 = tpu.vector_load %arg11[%get3A_1296, %get3A_1297] {strides = array<i32>} : memref<32x1024xf32, #tpu.memory_space<vmem>>, vector<1x16xf32>,
      %get3A_1299 = vector.shape_cast %get3A_1298 : vector<1x16xf32> to vector<16xf32>
      %mul3A_1300 = arith.mulf %get3A_68, %get3A_1299 : vector<16xf32>
      %add3A_1301 = arith.addf %get3A_1295, %mul3A_1300 : vector<16xf32>
      %get3A_1302 = arith.index_cast %scan3A_62 : i32 to index
      %get3A_1303 = arith.constant 928 : index
      %get3A_1304 = tpu.vector_load %arg12[%get3A_1302, %get3A_1303] {strides = array<i32>} : memref<32x1024xf32, #tpu.memory_space<vmem>>, vector<1x16xf32>,
      %get3A_1305 = vector.shape_cast %get3A_1304 : vector<1x16xf32> to vector<16xf32>
      %mul3A_1306 = arith.mulf %get3A_74, %get3A_1305 : vector<16xf32>
      %add3A_1307 = arith.addf %add3A_1301, %mul3A_1306 : vector<16xf32>
      %swap3A_1308 = arith.index_cast %scan3A_62 : i32 to index
      %swap3A_1309 = arith.constant 928 : index
      %swap3A_1310 = tpu.vector_load %arg13[%swap3A_1308, %swap3A_1309] {strides = array<i32>} : memref<32x1024xf32, #tpu.memory_space<vmem>>, vector<1x16xf32>,
      %swap3A_1311 = vector.shape_cast %swap3A_1310 : vector<1x16xf32> to vector<16xf32>
      %swap3A_1312 = vector.shape_cast %add3A_1307 : vector<16xf32> to vector<1x16xf32>
      tpu.vector_store %arg13[%swap3A_1308, %swap3A_1309], %swap3A_1312 {strides = array<i32>} : memref<32x1024xf32, #tpu.memory_space<vmem>>, vector<1x16xf32>,
      %get3A_1313 = arith.index_cast %scan3A_62 : i32 to index
      %get3A_1314 = arith.constant 944 : index
      %get3A_1315 = tpu.vector_load %arg13[%get3A_1313, %get3A_1314] {strides = array<i32>} : memref<32x1024xf32, #tpu.memory_space<vmem>>, vector<1x16xf32>,
      %get3A_1316 = vector.shape_cast %get3A_1315 : vector<1x16xf32> to vector<16xf32>
      %get3A_1317 = arith.index_cast %scan3A_62 : i32 to index
      %get3A_1318 = arith.constant 944 : index
      %get3A_1319 = tpu.vector_load %arg11[%get3A_1317, %get3A_1318] {strides = array<i32>} : memref<32x1024xf32, #tpu.memory_space<vmem>>, vector<1x16xf32>,
      %get3A_1320 = vector.shape_cast %get3A_1319 : vector<1x16xf32> to vector<16xf32>
      %mul3A_1321 = arith.mulf %get3A_68, %get3A_1320 : vector<16xf32>
      %add3A_1322 = arith.addf %get3A_1316, %mul3A_1321 : vector<16xf32>
      %get3A_1323 = arith.index_cast %scan3A_62 : i32 to index
      %get3A_1324 = arith.constant 944 : index
      %get3A_1325 = tpu.vector_load %arg12[%get3A_1323, %get3A_1324] {strides = array<i32>} : memref<32x1024xf32, #tpu.memory_space<vmem>>, vector<1x16xf32>,
      %get3A_1326 = vector.shape_cast %get3A_1325 : vector<1x16xf32> to vector<16xf32>
      %mul3A_1327 = arith.mulf %get3A_74, %get3A_1326 : vector<16xf32>
      %add3A_1328 = arith.addf %add3A_1322, %mul3A_1327 : vector<16xf32>
      %swap3A_1329 = arith.index_cast %scan3A_62 : i32 to index
      %swap3A_1330 = arith.constant 944 : index
      %swap3A_1331 = tpu.vector_load %arg13[%swap3A_1329, %swap3A_1330] {strides = array<i32>} : memref<32x1024xf32, #tpu.memory_space<vmem>>, vector<1x16xf32>,
      %swap3A_1332 = vector.shape_cast %swap3A_1331 : vector<1x16xf32> to vector<16xf32>
      %swap3A_1333 = vector.shape_cast %add3A_1328 : vector<16xf32> to vector<1x16xf32>
      tpu.vector_store %arg13[%swap3A_1329, %swap3A_1330], %swap3A_1333 {strides = array<i32>} : memref<32x1024xf32, #tpu.memory_space<vmem>>, vector<1x16xf32>,
      %get3A_1334 = arith.index_cast %scan3A_62 : i32 to index
      %get3A_1335 = arith.constant 960 : index
      %get3A_1336 = tpu.vector_load %arg13[%get3A_1334, %get3A_1335] {strides = array<i32>} : memref<32x1024xf32, #tpu.memory_space<vmem>>, vector<1x16xf32>,
      %get3A_1337 = vector.shape_cast %get3A_1336 : vector<1x16xf32> to vector<16xf32>
      %get3A_1338 = arith.index_cast %scan3A_62 : i32 to index
      %get3A_1339 = arith.constant 960 : index
      %get3A_1340 = tpu.vector_load %arg11[%get3A_1338, %get3A_1339] {strides = array<i32>} : memref<32x1024xf32, #tpu.memory_space<vmem>>, vector<1x16xf32>,
      %get3A_1341 = vector.shape_cast %get3A_1340 : vector<1x16xf32> to vector<16xf32>
      %mul3A_1342 = arith.mulf %get3A_68, %get3A_1341 : vector<16xf32>
      %add3A_1343 = arith.addf %get3A_1337, %mul3A_1342 : vector<16xf32>
      %get3A_1344 = arith.index_cast %scan3A_62 : i32 to index
      %get3A_1345 = arith.constant 960 : index
      %get3A_1346 = tpu.vector_load %arg12[%get3A_1344, %get3A_1345] {strides = array<i32>} : memref<32x1024xf32, #tpu.memory_space<vmem>>, vector<1x16xf32>,
      %get3A_1347 = vector.shape_cast %get3A_1346 : vector<1x16xf32> to vector<16xf32>
      %mul3A_1348 = arith.mulf %get3A_74, %get3A_1347 : vector<16xf32>
      %add3A_1349 = arith.addf %add3A_1343, %mul3A_1348 : vector<16xf32>
      %swap3A_1350 = arith.index_cast %scan3A_62 : i32 to index
      %swap3A_1351 = arith.constant 960 : index
      %swap3A_1352 = tpu.vector_load %arg13[%swap3A_1350, %swap3A_1351] {strides = array<i32>} : memref<32x1024xf32, #tpu.memory_space<vmem>>, vector<1x16xf32>,
      %swap3A_1353 = vector.shape_cast %swap3A_1352 : vector<1x16xf32> to vector<16xf32>
      %swap3A_1354 = vector.shape_cast %add3A_1349 : vector<16xf32> to vector<1x16xf32>
      tpu.vector_store %arg13[%swap3A_1350, %swap3A_1351], %swap3A_1354 {strides = array<i32>} : memref<32x1024xf32, #tpu.memory_space<vmem>>, vector<1x16xf32>,
      %get3A_1355 = arith.index_cast %scan3A_62 : i32 to index
      %get3A_1356 = arith.constant 976 : index
      %get3A_1357 = tpu.vector_load %arg13[%get3A_1355, %get3A_1356] {strides = array<i32>} : memref<32x1024xf32, #tpu.memory_space<vmem>>, vector<1x16xf32>,
      %get3A_1358 = vector.shape_cast %get3A_1357 : vector<1x16xf32> to vector<16xf32>
      %get3A_1359 = arith.index_cast %scan3A_62 : i32 to index
      %get3A_1360 = arith.constant 976 : index
      %get3A_1361 = tpu.vector_load %arg11[%get3A_1359, %get3A_1360] {strides = array<i32>} : memref<32x1024xf32, #tpu.memory_space<vmem>>, vector<1x16xf32>,
      %get3A_1362 = vector.shape_cast %get3A_1361 : vector<1x16xf32> to vector<16xf32>
      %mul3A_1363 = arith.mulf %get3A_68, %get3A_1362 : vector<16xf32>
      %add3A_1364 = arith.addf %get3A_1358, %mul3A_1363 : vector<16xf32>
      %get3A_1365 = arith.index_cast %scan3A_62 : i32 to index
      %get3A_1366 = arith.constant 976 : index
      %get3A_1367 = tpu.vector_load %arg12[%get3A_1365, %get3A_1366] {strides = array<i32>} : memref<32x1024xf32, #tpu.memory_space<vmem>>, vector<1x16xf32>,
      %get3A_1368 = vector.shape_cast %get3A_1367 : vector<1x16xf32> to vector<16xf32>
      %mul3A_1369 = arith.mulf %get3A_74, %get3A_1368 : vector<16xf32>
      %add3A_1370 = arith.addf %add3A_1364, %mul3A_1369 : vector<16xf32>
      %swap3A_1371 = arith.index_cast %scan3A_62 : i32 to index
      %swap3A_1372 = arith.constant 976 : index
      %swap3A_1373 = tpu.vector_load %arg13[%swap3A_1371, %swap3A_1372] {strides = array<i32>} : memref<32x1024xf32, #tpu.memory_space<vmem>>, vector<1x16xf32>,
      %swap3A_1374 = vector.shape_cast %swap3A_1373 : vector<1x16xf32> to vector<16xf32>
      %swap3A_1375 = vector.shape_cast %add3A_1370 : vector<16xf32> to vector<1x16xf32>
      tpu.vector_store %arg13[%swap3A_1371, %swap3A_1372], %swap3A_1375 {strides = array<i32>} : memref<32x1024xf32, #tpu.memory_space<vmem>>, vector<1x16xf32>,
      %get3A_1376 = arith.index_cast %scan3A_62 : i32 to index
      %get3A_1377 = arith.constant 992 : index
      %get3A_1378 = tpu.vector_load %arg13[%get3A_1376, %get3A_1377] {strides = array<i32>} : memref<32x1024xf32, #tpu.memory_space<vmem>>, vector<1x16xf32>,
      %get3A_1379 = vector.shape_cast %get3A_1378 : vector<1x16xf32> to vector<16xf32>
      %get3A_1380 = arith.index_cast %scan3A_62 : i32 to index
      %get3A_1381 = arith.constant 992 : index
      %get3A_1382 = tpu.vector_load %arg11[%get3A_1380, %get3A_1381] {strides = array<i32>} : memref<32x1024xf32, #tpu.memory_space<vmem>>, vector<1x16xf32>,
      %get3A_1383 = vector.shape_cast %get3A_1382 : vector<1x16xf32> to vector<16xf32>
      %mul3A_1384 = arith.mulf %get3A_68, %get3A_1383 : vector<16xf32>
      %add3A_1385 = arith.addf %get3A_1379, %mul3A_1384 : vector<16xf32>
      %get3A_1386 = arith.index_cast %scan3A_62 : i32 to index
      %get3A_1387 = arith.constant 992 : index
      %get3A_1388 = tpu.vector_load %arg12[%get3A_1386, %get3A_1387] {strides = array<i32>} : memref<32x1024xf32, #tpu.memory_space<vmem>>, vector<1x16xf32>,
      %get3A_1389 = vector.shape_cast %get3A_1388 : vector<1x16xf32> to vector<16xf32>
      %mul3A_1390 = arith.mulf %get3A_74, %get3A_1389 : vector<16xf32>
      %add3A_1391 = arith.addf %add3A_1385, %mul3A_1390 : vector<16xf32>
      %swap3A_1392 = arith.index_cast %scan3A_62 : i32 to index
      %swap3A_1393 = arith.constant 992 : index
      %swap3A_1394 = tpu.vector_load %arg13[%swap3A_1392, %swap3A_1393] {strides = array<i32>} : memref<32x1024xf32, #tpu.memory_space<vmem>>, vector<1x16xf32>,
      %swap3A_1395 = vector.shape_cast %swap3A_1394 : vector<1x16xf32> to vector<16xf32>
      %swap3A_1396 = vector.shape_cast %add3A_1391 : vector<16xf32> to vector<1x16xf32>
      tpu.vector_store %arg13[%swap3A_1392, %swap3A_1393], %swap3A_1396 {strides = array<i32>} : memref<32x1024xf32, #tpu.memory_space<vmem>>, vector<1x16xf32>,
      %get3A_1397 = arith.index_cast %scan3A_62 : i32 to index
      %get3A_1398 = arith.constant 1008 : index
      %get3A_1399 = tpu.vector_load %arg13[%get3A_1397, %get3A_1398] {strides = array<i32>} : memref<32x1024xf32, #tpu.memory_space<vmem>>, vector<1x16xf32>,
      %get3A_1400 = vector.shape_cast %get3A_1399 : vector<1x16xf32> to vector<16xf32>
      %get3A_1401 = arith.index_cast %scan3A_62 : i32 to index
      %get3A_1402 = arith.constant 1008 : index
      %get3A_1403 = tpu.vector_load %arg11[%get3A_1401, %get3A_1402] {strides = array<i32>} : memref<32x1024xf32, #tpu.memory_space<vmem>>, vector<1x16xf32>,
      %get3A_1404 = vector.shape_cast %get3A_1403 : vector<1x16xf32> to vector<16xf32>
      %mul3A_1405 = arith.mulf %get3A_68, %get3A_1404 : vector<16xf32>
      %add3A_1406 = arith.addf %get3A_1400, %mul3A_1405 : vector<16xf32>
      %get3A_1407 = arith.index_cast %scan3A_62 : i32 to index
      %get3A_1408 = arith.constant 1008 : index
      %get3A_1409 = tpu.vector_load %arg12[%get3A_1407, %get3A_1408] {strides = array<i32>} : memref<32x1024xf32, #tpu.memory_space<vmem>>, vector<1x16xf32>,
      %get3A_1410 = vector.shape_cast %get3A_1409 : vector<1x16xf32> to vector<16xf32>
      %mul3A_1411 = arith.mulf %get3A_74, %get3A_1410 : vector<16xf32>
      %add3A_1412 = arith.addf %add3A_1406, %mul3A_1411 : vector<16xf32>
      %swap3A_1413 = arith.index_cast %scan3A_62 : i32 to index
      %swap3A_1414 = arith.constant 1008 : index
      %swap3A_1415 = tpu.vector_load %arg13[%swap3A_1413, %swap3A_1414] {strides = array<i32>} : memref<32x1024xf32, #tpu.memory_space<vmem>>, vector<1x16xf32>,
      %swap3A_1416 = vector.shape_cast %swap3A_1415 : vector<1x16xf32> to vector<16xf32>
      %swap3A_1417 = vector.shape_cast %add3A_1412 : vector<16xf32> to vector<1x16xf32>
      tpu.vector_store %arg13[%swap3A_1413, %swap3A_1414], %swap3A_1417 {strides = array<i32>} : memref<32x1024xf32, #tpu.memory_space<vmem>>, vector<1x16xf32>,
      %scan3A_1418 = arith.constant 0 : i32
      scf.yield %scan3A_1418 : i32
    }
    %scan3A_59 = arith.constant 32 : i32
    %add3A_60 = arith.constant 32 : i32
    %add3A_61 = arith.addi %mul3A_2, %add3A_60 : i32
    "tpu.region"() ({
      %run_scoped3A = tpu.sem_alloc : memref<!tpu.dma_semaphore, #tpu.memory_space<semaphore_mem>>
      %dma_start3A_62 = arith.constant 0 : i32
      %dma_start3A_63 = tpu.memref_slice %arg8[%add3A_61, %dma_start3A_62] : memref<2048x1024xf32, #tpu.memory_space<hbm>> -> memref<32x1024xf32, #tpu.memory_space<hbm>>
      %dma_start3A_64 = arith.constant 0 : i32
      %dma_start3A_65 = tpu.memref_slice %arg8[%add3A_61, %dma_start3A_64] : memref<2048x1024xf32, #tpu.memory_space<hbm>> -> memref<32x1024xf32, #tpu.memory_space<hbm>>
      tpu.enqueue_dma source(%arg13 : memref<32x1024xf32, #tpu.memory_space<vmem>>) target(%dma_start3A_65 : memref<32x1024xf32, #tpu.memory_space<hbm>>) target_semaphore(%run_scoped3A : memref<!tpu.dma_semaphore, #tpu.memory_space<semaphore_mem>>)
      %dma_wait3A_66 = arith.constant 0 : i32
      %dma_wait3A_67 = tpu.memref_slice %arg8[%add3A_61, %dma_wait3A_66] : memref<2048x1024xf32, #tpu.memory_space<hbm>> -> memref<32x1024xf32, #tpu.memory_space<hbm>>
      %dma_wait3A_68 = arith.constant 0 : i32
      %dma_wait3A_69 = tpu.memref_slice %arg8[%add3A_61, %dma_wait3A_68] : memref<2048x1024xf32, #tpu.memory_space<hbm>> -> memref<32x1024xf32, #tpu.memory_space<hbm>>
      tpu.wait_dma2 semaphore(%run_scoped3A : memref<!tpu.dma_semaphore, #tpu.memory_space<semaphore_mem>>) src(%arg13 : memref<32x1024xf32, #tpu.memory_space<vmem>>) dst(%dma_wait3A_69 : memref<32x1024xf32, #tpu.memory_space<hbm>>)
      tpu.yield
    }) : () -> ()
    return
  }
}

#map = affine_map<(d0, d1) -> (0, 0)>
module attributes {stable_mosaic.version = 14 : i64} {
  func.func @_sc_scatter_body(%arg0: i32, %arg1: i32, %arg2: memref<2048x1024xf32, #tpu.memory_space<hbm>>, %arg3: memref<32x64xi32, #tpu.memory_space<hbm>>, %arg4: memref<32x64xi32, #tpu.memory_space<hbm>>, %arg5: memref<8192x1024xf32, #tpu.memory_space<hbm>>, %arg6: memref<64xi32, #tpu.memory_space<vmem>>, %arg7: memref<64xi32, #tpu.memory_space<vmem>>, %arg8: memref<64x1024xf32, #tpu.memory_space<vmem>>, %arg9: memref<!tpu.dma_semaphore, #tpu.memory_space<semaphore_mem>>, %arg10: memref<!tpu.dma_semaphore, #tpu.memory_space<semaphore_mem>>) attributes {dimension_semantics = [#tpu.dimension_semantics<core_parallel>, #tpu.dimension_semantics<subcore_parallel>], iteration_bounds = array<i64: 2, 16>, scalar_prefetch = 0 : i64, scratch_operands = 5 : i64, tpu.core_type = #tpu.core_type<sc_vector_subcore>, window_params = [{transform_indices = #map}, {transform_indices = #map}, {transform_indices = #map}, {transform_indices = #map}]} {
    %mul3A = arith.constant 2 : i32
    %mul3A_0 = arith.muli %arg1, %mul3A : i32
    %add3A = arith.addi %mul3A_0, %arg0 : i32
    %mul3A_1 = arith.constant 64 : i32
    %mul3A_2 = arith.muli %add3A, %mul3A_1 : i32
    "tpu.region"() ({
      %run_scoped3A = tpu.sem_alloc : memref<!tpu.dma_semaphore, #tpu.memory_space<semaphore_mem>>
      %dma_start3A_13 = arith.constant 0 : i32
      %dma_start3A_14 = tpu.memref_slice %arg3[%add3A, %dma_start3A_13] : memref<32x64xi32, #tpu.memory_space<hbm>> -> memref<1x64xi32, #tpu.memory_space<hbm>>
      %dma_start3A_15 = tpu.memref_squeeze %dma_start3A_14 : memref<1x64xi32, #tpu.memory_space<hbm>> -> memref<64xi32, #tpu.memory_space<hbm>>
      %dma_start3A_16 = arith.constant 0 : i32
      %dma_start3A_17 = tpu.memref_slice %arg3[%add3A, %dma_start3A_16] : memref<32x64xi32, #tpu.memory_space<hbm>> -> memref<1x64xi32, #tpu.memory_space<hbm>>
      %dma_start3A_18 = tpu.memref_squeeze %dma_start3A_17 : memref<1x64xi32, #tpu.memory_space<hbm>> -> memref<64xi32, #tpu.memory_space<hbm>>
      tpu.enqueue_dma source(%dma_start3A_18 : memref<64xi32, #tpu.memory_space<hbm>>) target(%arg6 : memref<64xi32, #tpu.memory_space<vmem>>) target_semaphore(%run_scoped3A : memref<!tpu.dma_semaphore, #tpu.memory_space<semaphore_mem>>)
      %dma_wait3A_19 = arith.constant 0 : i32
      %dma_wait3A_20 = tpu.memref_slice %arg3[%add3A, %dma_wait3A_19] : memref<32x64xi32, #tpu.memory_space<hbm>> -> memref<1x64xi32, #tpu.memory_space<hbm>>
      %dma_wait3A_21 = tpu.memref_squeeze %dma_wait3A_20 : memref<1x64xi32, #tpu.memory_space<hbm>> -> memref<64xi32, #tpu.memory_space<hbm>>
      %dma_wait3A_22 = arith.constant 0 : i32
      %dma_wait3A_23 = tpu.memref_slice %arg3[%add3A, %dma_wait3A_22] : memref<32x64xi32, #tpu.memory_space<hbm>> -> memref<1x64xi32, #tpu.memory_space<hbm>>
      %dma_wait3A_24 = tpu.memref_squeeze %dma_wait3A_23 : memref<1x64xi32, #tpu.memory_space<hbm>> -> memref<64xi32, #tpu.memory_space<hbm>>
      tpu.wait_dma2 semaphore(%run_scoped3A : memref<!tpu.dma_semaphore, #tpu.memory_space<semaphore_mem>>) src(%dma_wait3A_24 : memref<64xi32, #tpu.memory_space<hbm>>) dst(%arg6 : memref<64xi32, #tpu.memory_space<vmem>>)
      tpu.yield
    }) : () -> ()
    "tpu.region"() ({
      %run_scoped3A = tpu.sem_alloc : memref<!tpu.dma_semaphore, #tpu.memory_space<semaphore_mem>>
      %dma_start3A_13 = arith.constant 0 : i32
      %dma_start3A_14 = tpu.memref_slice %arg4[%add3A, %dma_start3A_13] : memref<32x64xi32, #tpu.memory_space<hbm>> -> memref<1x64xi32, #tpu.memory_space<hbm>>
      %dma_start3A_15 = tpu.memref_squeeze %dma_start3A_14 : memref<1x64xi32, #tpu.memory_space<hbm>> -> memref<64xi32, #tpu.memory_space<hbm>>
      %dma_start3A_16 = arith.constant 0 : i32
      %dma_start3A_17 = tpu.memref_slice %arg4[%add3A, %dma_start3A_16] : memref<32x64xi32, #tpu.memory_space<hbm>> -> memref<1x64xi32, #tpu.memory_space<hbm>>
      %dma_start3A_18 = tpu.memref_squeeze %dma_start3A_17 : memref<1x64xi32, #tpu.memory_space<hbm>> -> memref<64xi32, #tpu.memory_space<hbm>>
      tpu.enqueue_dma source(%dma_start3A_18 : memref<64xi32, #tpu.memory_space<hbm>>) target(%arg7 : memref<64xi32, #tpu.memory_space<vmem>>) target_semaphore(%run_scoped3A : memref<!tpu.dma_semaphore, #tpu.memory_space<semaphore_mem>>)
      %dma_wait3A_19 = arith.constant 0 : i32
      %dma_wait3A_20 = tpu.memref_slice %arg4[%add3A, %dma_wait3A_19] : memref<32x64xi32, #tpu.memory_space<hbm>> -> memref<1x64xi32, #tpu.memory_space<hbm>>
      %dma_wait3A_21 = tpu.memref_squeeze %dma_wait3A_20 : memref<1x64xi32, #tpu.memory_space<hbm>> -> memref<64xi32, #tpu.memory_space<hbm>>
      %dma_wait3A_22 = arith.constant 0 : i32
      %dma_wait3A_23 = tpu.memref_slice %arg4[%add3A, %dma_wait3A_22] : memref<32x64xi32, #tpu.memory_space<hbm>> -> memref<1x64xi32, #tpu.memory_space<hbm>>
      %dma_wait3A_24 = tpu.memref_squeeze %dma_wait3A_23 : memref<1x64xi32, #tpu.memory_space<hbm>> -> memref<64xi32, #tpu.memory_space<hbm>>
      tpu.wait_dma2 semaphore(%run_scoped3A : memref<!tpu.dma_semaphore, #tpu.memory_space<semaphore_mem>>) src(%dma_wait3A_24 : memref<64xi32, #tpu.memory_space<hbm>>) dst(%arg7 : memref<64xi32, #tpu.memory_space<vmem>>)
      tpu.yield
    }) : () -> ()
    "tpu.region"() ({
      %run_scoped3A = tpu.sem_alloc : memref<!tpu.dma_semaphore, #tpu.memory_space<semaphore_mem>>
      %dma_start3A_13 = arith.constant 0 : i32
      %dma_start3A_14 = tpu.memref_slice %arg2[%mul3A_2, %dma_start3A_13] : memref<2048x1024xf32, #tpu.memory_space<hbm>> -> memref<64x1024xf32, #tpu.memory_space<hbm>>
      %dma_start3A_15 = arith.constant 0 : i32
      %dma_start3A_16 = tpu.memref_slice %arg2[%mul3A_2, %dma_start3A_15] : memref<2048x1024xf32, #tpu.memory_space<hbm>> -> memref<64x1024xf32, #tpu.memory_space<hbm>>
      tpu.enqueue_dma source(%dma_start3A_16 : memref<64x1024xf32, #tpu.memory_space<hbm>>) target(%arg8 : memref<64x1024xf32, #tpu.memory_space<vmem>>) target_semaphore(%run_scoped3A : memref<!tpu.dma_semaphore, #tpu.memory_space<semaphore_mem>>)
      %dma_wait3A_17 = arith.constant 0 : i32
      %dma_wait3A_18 = tpu.memref_slice %arg2[%mul3A_2, %dma_wait3A_17] : memref<2048x1024xf32, #tpu.memory_space<hbm>> -> memref<64x1024xf32, #tpu.memory_space<hbm>>
      %dma_wait3A_19 = arith.constant 0 : i32
      %dma_wait3A_20 = tpu.memref_slice %arg2[%mul3A_2, %dma_wait3A_19] : memref<2048x1024xf32, #tpu.memory_space<hbm>> -> memref<64x1024xf32, #tpu.memory_space<hbm>>
      tpu.wait_dma2 semaphore(%run_scoped3A : memref<!tpu.dma_semaphore, #tpu.memory_space<semaphore_mem>>) src(%dma_wait3A_20 : memref<64x1024xf32, #tpu.memory_space<hbm>>) dst(%arg8 : memref<64x1024xf32, #tpu.memory_space<vmem>>)
      tpu.yield
    }) : () -> ()
    %dma_start3A = arith.constant 0 : i32
    %dma_start3A_3 = arith.constant 0 : i32
    %dma_start3A_4 = tpu.memref_slice %arg5[%dma_start3A, %dma_start3A_3] : memref<8192x1024xf32, #tpu.memory_space<hbm>> -> memref<8192x1024xf32, #tpu.memory_space<hbm>>
    tpu.enqueue_indirect_dma source(%arg8 : memref<64x1024xf32, #tpu.memory_space<vmem>>) target(%dma_start3A_4 : memref<8192x1024xf32, #tpu.memory_space<hbm>>) offsets(%arg6 : memref<64xi32, #tpu.memory_space<vmem>>) semaphore(%arg9 : memref<!tpu.dma_semaphore, #tpu.memory_space<semaphore_mem>>)
    %dma_start3A_5 = arith.constant 0 : i32
    %dma_start3A_6 = arith.constant 0 : i32
    %dma_start3A_7 = tpu.memref_slice %arg5[%dma_start3A_5, %dma_start3A_6] : memref<8192x1024xf32, #tpu.memory_space<hbm>> -> memref<8192x1024xf32, #tpu.memory_space<hbm>>
    tpu.enqueue_indirect_dma source(%arg8 : memref<64x1024xf32, #tpu.memory_space<vmem>>) target(%dma_start3A_7 : memref<8192x1024xf32, #tpu.memory_space<hbm>>) offsets(%arg7 : memref<64xi32, #tpu.memory_space<vmem>>) semaphore(%arg10 : memref<!tpu.dma_semaphore, #tpu.memory_space<semaphore_mem>>)
    %dma_wait3A = arith.constant 0 : i32
    %dma_wait3A_8 = arith.constant 0 : i32
    %dma_wait3A_9 = tpu.memref_slice %arg5[%dma_wait3A, %dma_wait3A_8] : memref<8192x1024xf32, #tpu.memory_space<hbm>> -> memref<8192x1024xf32, #tpu.memory_space<hbm>>
    tpu.wait_indirect_dma semaphore(%arg9 : memref<!tpu.dma_semaphore, #tpu.memory_space<semaphore_mem>>) src(%arg8 : memref<64x1024xf32, #tpu.memory_space<vmem>>) dst(%dma_wait3A_9 : memref<8192x1024xf32, #tpu.memory_space<hbm>>)
    %dma_wait3A_10 = arith.constant 0 : i32
    %dma_wait3A_11 = arith.constant 0 : i32
    %dma_wait3A_12 = tpu.memref_slice %arg5[%dma_wait3A_10, %dma_wait3A_11] : memref<8192x1024xf32, #tpu.memory_space<hbm>> -> memref<8192x1024xf32, #tpu.memory_space<hbm>>
    tpu.wait_indirect_dma semaphore(%arg10 : memref<!tpu.dma_semaphore, #tpu.memory_space<semaphore_mem>>) src(%arg8 : memref<64x1024xf32, #tpu.memory_space<vmem>>) dst(%dma_wait3A_12 : memref<8192x1024xf32, #tpu.memory_space<hbm>>)
    return
  }
}

module attributes {stable_mosaic.version = 14 : i64} {
  func.func @_gmm_kernel(%arg0: i32, %arg1: memref<16xi32, #tpu.memory_space<smem>>, %arg2: memref<1xi32, #tpu.memory_space<smem>>, %arg3: memref<512x1024xf32, #tpu.memory_space<vmem>>, %arg4: memref<1x768x1024xf32, #tpu.memory_space<vmem>>, %arg5: memref<1x768x1024xf32, #tpu.memory_space<vmem>>, %arg6: memref<1x1024x768xf32, #tpu.memory_space<vmem>>, %arg7: memref<8x128xf32, #tpu.memory_space<vmem>>, %arg8: memref<512x1024xf32, #tpu.memory_space<vmem>>) attributes {dimension_semantics = [#tpu.dimension_semantics<arbitrary>], iteration_bounds = array<i64: 16>, scalar_prefetch = 2 : i64, scratch_operands = 0 : i64, tpu.core_type = #tpu.core_type<tc>, window_params = [{transform_indices = @transform_0, window_bounds = array<i64: 512, 1024>}, {transform_indices = @transform_1, window_bounds = array<i64: 1, 768, 1024>}, {transform_indices = @transform_2, window_bounds = array<i64: 1, 768, 1024>}, {transform_indices = @transform_3, window_bounds = array<i64: 1, 1024, 768>}, {transform_indices = @transform_4, window_bounds = array<i64: 8, 128>}, {transform_indices = @transform_5, window_bounds = array<i64: 512, 1024>}]} {
    %get3A = arith.constant 0 : index
    %get3A_0 = memref.load %arg2[%get3A] : memref<1xi32, #tpu.memory_space<smem>>
    %lt3A = arith.cmpi slt, %arg0, %get3A_0 : i32
    %convert_element_type3A = arith.extui %lt3A : i1 to i32
    %cond3A = arith.constant 0 : i32
    %cond3A_1 = arith.cmpi ne, %convert_element_type3A, %cond3A : i32
    scf.if %cond3A_1 {
      %get3A_2 = arith.constant 0 : index
      %get3A_3 = arith.constant 0 : index
      %get3A_4 = vector.load %arg3[%get3A_2, %get3A_3] : memref<512x1024xf32, #tpu.memory_space<vmem>>, vector<512x1024xf32>
      %get3A_5 = arith.constant 0 : index
      %get3A_6 = arith.constant 0 : index
      %get3A_7 = arith.constant 0 : index
      %get3A_8 = vector.load %arg4[%get3A_5, %get3A_6, %get3A_7] : memref<1x768x1024xf32, #tpu.memory_space<vmem>>, vector<1x768x1024xf32>
      %get3A_9 = vector.shape_cast %get3A_8 : vector<1x768x1024xf32> to vector<768x1024xf32>
      %convert_element_type3A_10 = arith.truncf %get3A_4 : vector<512x1024xf32> to vector<512x1024xbf16>
      %convert_element_type3A_11 = arith.truncf %get3A_9 : vector<768x1024xf32> to vector<768x1024xbf16>
      %dot_general3A = arith.constant dense<0.000000e+00> : vector<512x768xf32>
      %dot_general3A_12 = tpu.matmul %convert_element_type3A_10, %convert_element_type3A_11, %dot_general3A {dimension_numbers = #tpu.dot_dimension_numbers<[1], [1], [0], [0], [0, 0, 1, 0], [], []>, transpose_lhs_hint = false} : vector<512x1024xbf16>, vector<768x1024xbf16>, vector<512x768xf32> -> vector<512x768xf32>
      %get3A_13 = arith.constant 0 : index
      %get3A_14 = arith.constant 0 : index
      %get3A_15 = arith.constant 0 : index
      %get3A_16 = vector.load %arg5[%get3A_13, %get3A_14, %get3A_15] : memref<1x768x1024xf32, #tpu.memory_space<vmem>>, vector<1x768x1024xf32>
      %get3A_17 = vector.shape_cast %get3A_16 : vector<1x768x1024xf32> to vector<768x1024xf32>
      %convert_element_type3A_18 = arith.truncf %get3A_4 : vector<512x1024xf32> to vector<512x1024xbf16>
      %convert_element_type3A_19 = arith.truncf %get3A_17 : vector<768x1024xf32> to vector<768x1024xbf16>
      %dot_general3A_20 = arith.constant dense<0.000000e+00> : vector<512x768xf32>
      %dot_general3A_21 = tpu.matmul %convert_element_type3A_18, %convert_element_type3A_19, %dot_general3A_20 {dimension_numbers = #tpu.dot_dimension_numbers<[1], [1], [0], [0], [0, 0, 1, 0], [], []>, transpose_lhs_hint = false} : vector<512x1024xbf16>, vector<768x1024xbf16>, vector<512x768xf32> -> vector<512x768xf32>
      %logistic3A = arith.negf %dot_general3A_12 : vector<512x768xf32>
      %logistic3A_22 = math.exp %logistic3A : vector<512x768xf32>
      %logistic3A_23 = arith.constant 1.000000e+00 : f32
      %logistic3A_24 = vector.broadcast %logistic3A_23 : f32 to vector<512x768xf32>
      %logistic3A_25 = arith.addf %logistic3A_24, %logistic3A_22 : vector<512x768xf32>
      %logistic3A_26 = arith.divf %logistic3A_24, %logistic3A_25 : vector<512x768xf32>
      %mul3A = arith.mulf %dot_general3A_12, %logistic3A_26 : vector<512x768xf32>
      %mul3A_27 = arith.mulf %mul3A, %dot_general3A_21 : vector<512x768xf32>
      %get3A_28 = arith.constant 0 : index
      %get3A_29 = arith.constant 0 : index
      %get3A_30 = arith.constant 0 : index
      %get3A_31 = vector.load %arg6[%get3A_28, %get3A_29, %get3A_30] : memref<1x1024x768xf32, #tpu.memory_space<vmem>>, vector<1x1024x768xf32>
      %get3A_32 = vector.shape_cast %get3A_31 : vector<1x1024x768xf32> to vector<1024x768xf32>
      %convert_element_type3A_33 = arith.truncf %mul3A_27 : vector<512x768xf32> to vector<512x768xbf16>
      %convert_element_type3A_34 = arith.truncf %get3A_32 : vector<1024x768xf32> to vector<1024x768xbf16>
      %dot_general3A_35 = arith.constant dense<0.000000e+00> : vector<512x1024xf32>
      %dot_general3A_36 = tpu.matmul %convert_element_type3A_33, %convert_element_type3A_34, %dot_general3A_35 {dimension_numbers = #tpu.dot_dimension_numbers<[1], [1], [0], [0], [0, 0, 1, 0], [], []>, transpose_lhs_hint = false} : vector<512x768xbf16>, vector<1024x768xbf16>, vector<512x1024xf32> -> vector<512x1024xf32>
      %get3A_37 = arith.constant 0 : index
      %get3A_38 = arith.constant 0 : index
      %get3A_39 = vector.load %arg7[%get3A_37, %get3A_38] : memref<8x128xf32, #tpu.memory_space<vmem>>, vector<1x1xf32>
      %get3A_40 = vector.extract %get3A_39[0, 0] : f32 from vector<1x1xf32>
      %mul3A_41 = arith.constant 0.000000e+00 : f32
      %mul3A_42 = arith.mulf %mul3A_41, %get3A_40 : f32
      %add3A = vector.broadcast %mul3A_42 : f32 to vector<512x1024xf32>
      %add3A_43 = arith.addf %dot_general3A_36, %add3A : vector<512x1024xf32>
      %swap3A = arith.constant 0 : index
      %swap3A_44 = arith.constant 0 : index
      %swap3A_45 = vector.load %arg8[%swap3A, %swap3A_44] : memref<512x1024xf32, #tpu.memory_space<vmem>>, vector<512x1024xf32>
      tpu.vector_store %arg8[%swap3A, %swap3A_44], %add3A_43 {strides = array<i32>} : memref<512x1024xf32, #tpu.memory_space<vmem>>, vector<512x1024xf32>,
    } else {
    }
    return
  }
  func.func @transform_0(%arg0: i32, %arg1: memref<16xi32, #tpu.memory_space<smem>>, %arg2: memref<1xi32, #tpu.memory_space<smem>>) -> (i32, i32) {
    %c0_i32 = arith.constant 0 : i32
    %c0_i32_0 = arith.constant 0 : i32
    return %arg0, %c0_i32 : i32, i32
  }
  func.func @transform_1(%arg0: i32, %arg1: memref<16xi32, #tpu.memory_space<smem>>, %arg2: memref<1xi32, #tpu.memory_space<smem>>) -> (i32, i32, i32) {
    %get3A = arith.index_cast %arg0 : i32 to index
    %get3A_0 = memref.load %arg1[%get3A] : memref<16xi32, #tpu.memory_space<smem>>
    %c0_i32 = arith.constant 0 : i32
    %c0_i32_1 = arith.constant 0 : i32
    %c0_i32_2 = arith.constant 0 : i32
    return %get3A_0, %c0_i32, %c0_i32_1 : i32, i32, i32
  }
  func.func @transform_2(%arg0: i32, %arg1: memref<16xi32, #tpu.memory_space<smem>>, %arg2: memref<1xi32, #tpu.memory_space<smem>>) -> (i32, i32, i32) {
    %get3A = arith.index_cast %arg0 : i32 to index
    %get3A_0 = memref.load %arg1[%get3A] : memref<16xi32, #tpu.memory_space<smem>>
    %c0_i32 = arith.constant 0 : i32
    %c0_i32_1 = arith.constant 0 : i32
    %c0_i32_2 = arith.constant 0 : i32
    return %get3A_0, %c0_i32, %c0_i32_1 : i32, i32, i32
  }
  func.func @transform_3(%arg0: i32, %arg1: memref<16xi32, #tpu.memory_space<smem>>, %arg2: memref<1xi32, #tpu.memory_space<smem>>) -> (i32, i32, i32) {
    %get3A = arith.index_cast %arg0 : i32 to index
    %get3A_0 = memref.load %arg1[%get3A] : memref<16xi32, #tpu.memory_space<smem>>
    %c0_i32 = arith.constant 0 : i32
    %c0_i32_1 = arith.constant 0 : i32
    %c0_i32_2 = arith.constant 0 : i32
    return %get3A_0, %c0_i32, %c0_i32_1 : i32, i32, i32
  }
  func.func @transform_4(%arg0: i32, %arg1: memref<16xi32, #tpu.memory_space<smem>>, %arg2: memref<1xi32, #tpu.memory_space<smem>>) -> (i32, i32) {
    %c0_i32 = arith.constant 0 : i32
    %c0_i32_0 = arith.constant 0 : i32
    %c0_i32_1 = arith.constant 0 : i32
    return %c0_i32, %c0_i32_0 : i32, i32
  }
  func.func @transform_5(%arg0: i32, %arg1: memref<16xi32, #tpu.memory_space<smem>>, %arg2: memref<1xi32, #tpu.memory_space<smem>>) -> (i32, i32) {
    %c0_i32 = arith.constant 0 : i32
    %c0_i32_0 = arith.constant 0 : i32
    return %arg0, %c0_i32 : i32, i32
  }
}

module attributes {stable_mosaic.version = 14 : i64} {
  func.func @_dispatch_kernel(%arg0: i32, %arg1: memref<2048x1024xf32, #tpu.memory_space<vmem>>, %arg2: memref<8x1024xf32, #tpu.memory_space<vmem>>, %arg3: memref<1x8xf32, #tpu.memory_space<vmem>>, %arg4: memref<2048x2xi32, #tpu.memory_space<vmem>>, %arg5: memref<2048x16xf32, #tpu.memory_space<vmem>>, %arg6: memref<2048x16xf32, #tpu.memory_space<vmem>>, %arg7: memref<1x16xi32, #tpu.memory_space<vmem>>, %arg8: memref<1x1xi32, #tpu.memory_space<vmem>>) attributes {dimension_semantics = [#tpu.dimension_semantics<arbitrary>], iteration_bounds = array<i64: 1>, scalar_prefetch = 0 : i64, scratch_operands = 0 : i64, tpu.core_type = #tpu.core_type<tc>, window_params = [{pipeline_mode = #tpu.pipeline_mode<synchronous>, transform_indices = @transform_0, window_bounds = array<i64: 2048, 1024>}, {pipeline_mode = #tpu.pipeline_mode<synchronous>, transform_indices = @transform_1, window_bounds = array<i64: 8, 1024>}, {pipeline_mode = #tpu.pipeline_mode<synchronous>, transform_indices = @transform_2, window_bounds = array<i64: 1, 8>}, {pipeline_mode = #tpu.pipeline_mode<synchronous>, transform_indices = @transform_3, window_bounds = array<i64: 2048, 2>}, {pipeline_mode = #tpu.pipeline_mode<synchronous>, transform_indices = @transform_4, window_bounds = array<i64: 2048, 16>}, {pipeline_mode = #tpu.pipeline_mode<synchronous>, transform_indices = @transform_5, window_bounds = array<i64: 2048, 16>}, {pipeline_mode = #tpu.pipeline_mode<synchronous>, transform_indices = @transform_6, window_bounds = array<i64: 1, 16>}, {pipeline_mode = #tpu.pipeline_mode<synchronous>, transform_indices = @transform_7, window_bounds = array<i64: 1, 1>}]} {
    %get3A = arith.constant 0 : index
    %get3A_0 = arith.constant 0 : index
    %get3A_1 = vector.load %arg1[%get3A, %get3A_0] : memref<2048x1024xf32, #tpu.memory_space<vmem>>, vector<2048x1024xf32>
    %get3A_2 = arith.constant 0 : index
    %get3A_3 = arith.constant 0 : index
    %get3A_4 = vector.load %arg2[%get3A_2, %get3A_3] : memref<8x1024xf32, #tpu.memory_space<vmem>>, vector<8x1024xf32>
    %dot_general3A = arith.constant dense<0.000000e+00> : vector<2048x8xf32>
    %dot_general3A_5 = tpu.matmul %get3A_1, %get3A_4, %dot_general3A {dimension_numbers = #tpu.dot_dimension_numbers<[1], [1], [0], [0], [0, 0, 1, 0], [], []>, transpose_lhs_hint = false} : vector<2048x1024xf32>, vector<8x1024xf32>, vector<2048x8xf32> -> vector<2048x8xf32>
    %logistic3A = arith.negf %dot_general3A_5 : vector<2048x8xf32>
    %logistic3A_6 = math.exp %logistic3A : vector<2048x8xf32>
    %logistic3A_7 = arith.constant 1.000000e+00 : f32
    %logistic3A_8 = vector.broadcast %logistic3A_7 : f32 to vector<2048x8xf32>
    %logistic3A_9 = arith.addf %logistic3A_8, %logistic3A_6 : vector<2048x8xf32>
    %logistic3A_10 = arith.divf %logistic3A_8, %logistic3A_9 : vector<2048x8xf32>
    %get3A_11 = arith.constant 0 : index
    %get3A_12 = arith.constant 0 : index
    %get3A_13 = vector.load %arg3[%get3A_11, %get3A_12] : memref<1x8xf32, #tpu.memory_space<vmem>>, vector<1x8xf32>
    %add3A = vector.broadcast %get3A_13 : vector<1x8xf32> to vector<2048x8xf32>
    %add3A_14 = arith.addf %logistic3A_10, %add3A : vector<2048x8xf32>
    %iota3A = tpu.iota {dimensions = array<i32: 1>} : vector<2048x8xi32>
    %reduce_max3A = arith.constant dense<0xFF800000> : vector<2048xf32>
    %reduce_max3A_15 = vector.multi_reduction <maximumf>, %add3A_14, %reduce_max3A [1] : vector<2048x8xf32> to vector<2048xf32>
    %broadcast_in_dim3A = vector.shape_cast %reduce_max3A_15 : vector<2048xf32> to vector<2048x1xf32>
    %eq3A = vector.broadcast %broadcast_in_dim3A : vector<2048x1xf32> to vector<2048x8xf32>
    %eq3A_16 = arith.cmpf oeq, %add3A_14, %eq3A : vector<2048x8xf32>
    %jit3A = arith.constant 8 : i32
    %broadcast_in_dim3A_17 = vector.broadcast %jit3A : i32 to vector<2048x8xi32>
    %select_n3A = arith.select %eq3A_16, %iota3A, %broadcast_in_dim3A_17 : vector<2048x8xi1>, vector<2048x8xi32>
    %reduce_min3A = arith.constant dense<2147483647> : vector<2048xi32>
    %reduce_min3A_18 = vector.multi_reduction <minsi>, %select_n3A, %reduce_min3A [1] : vector<2048x8xi32> to vector<2048xi32>
    %broadcast_in_dim3A_19 = vector.shape_cast %reduce_min3A_18 : vector<2048xi32> to vector<2048x1xi32>
    %eq3A_20 = vector.broadcast %broadcast_in_dim3A_19 : vector<2048x1xi32> to vector<2048x8xi32>
    %eq3A_21 = arith.cmpi eq, %iota3A, %eq3A_20 : vector<2048x8xi32>
    %jit3A_22 = arith.constant 0xFF800000 : f32
    %broadcast_in_dim3A_23 = vector.broadcast %jit3A_22 : f32 to vector<2048x8xf32>
    %select_n3A_24 = arith.select %eq3A_21, %broadcast_in_dim3A_23, %add3A_14 : vector<2048x8xi1>, vector<2048x8xf32>
    %reduce_max3A_25 = arith.constant dense<0xFF800000> : vector<2048xf32>
    %reduce_max3A_26 = vector.multi_reduction <maximumf>, %select_n3A_24, %reduce_max3A_25 [1] : vector<2048x8xf32> to vector<2048xf32>
    %broadcast_in_dim3A_27 = vector.shape_cast %reduce_max3A_26 : vector<2048xf32> to vector<2048x1xf32>
    %eq3A_28 = vector.broadcast %broadcast_in_dim3A_27 : vector<2048x1xf32> to vector<2048x8xf32>
    %eq3A_29 = arith.cmpf oeq, %select_n3A_24, %eq3A_28 : vector<2048x8xf32>
    %jit3A_30 = arith.constant 8 : i32
    %broadcast_in_dim3A_31 = vector.broadcast %jit3A_30 : i32 to vector<2048x8xi32>
    %select_n3A_32 = arith.select %eq3A_29, %iota3A, %broadcast_in_dim3A_31 : vector<2048x8xi1>, vector<2048x8xi32>
    %reduce_min3A_33 = arith.constant dense<2147483647> : vector<2048xi32>
    %reduce_min3A_34 = vector.multi_reduction <minsi>, %select_n3A_32, %reduce_min3A_33 [1] : vector<2048x8xi32> to vector<2048xi32>
    %broadcast_in_dim3A_35 = vector.shape_cast %reduce_min3A_34 : vector<2048xi32> to vector<2048x1xi32>
    %eq3A_36 = vector.broadcast %broadcast_in_dim3A_35 : vector<2048x1xi32> to vector<2048x8xi32>
    %eq3A_37 = arith.cmpi eq, %iota3A, %eq3A_36 : vector<2048x8xi32>
    %jit3A_38 = arith.constant 0.000000e+00 : f32
    %broadcast_in_dim3A_39 = vector.broadcast %jit3A_38 : f32 to vector<2048x8xf32>
    %select_n3A_40 = arith.select %eq3A_21, %logistic3A_10, %broadcast_in_dim3A_39 : vector<2048x8xi1>, vector<2048x8xf32>
    %reduce_sum3A = arith.constant dense<0.000000e+00> : vector<2048xf32>
    %reduce_sum3A_41 = vector.multi_reduction <add>, %select_n3A_40, %reduce_sum3A [1] : vector<2048x8xf32> to vector<2048xf32>
    %broadcast_in_dim3A_42 = vector.shape_cast %reduce_sum3A_41 : vector<2048xf32> to vector<2048x1xf32>
    %jit3A_43 = arith.constant 0.000000e+00 : f32
    %broadcast_in_dim3A_44 = vector.broadcast %jit3A_43 : f32 to vector<2048x8xf32>
    %select_n3A_45 = arith.select %eq3A_37, %logistic3A_10, %broadcast_in_dim3A_44 : vector<2048x8xi1>, vector<2048x8xf32>
    %reduce_sum3A_46 = arith.constant dense<0.000000e+00> : vector<2048xf32>
    %reduce_sum3A_47 = vector.multi_reduction <add>, %select_n3A_45, %reduce_sum3A_46 [1] : vector<2048x8xf32> to vector<2048xf32>
    %broadcast_in_dim3A_48 = vector.shape_cast %reduce_sum3A_47 : vector<2048xf32> to vector<2048x1xf32>
    %add3A_49 = arith.addf %broadcast_in_dim3A_42, %broadcast_in_dim3A_48 : vector<2048x1xf32>
    %add3A_50 = arith.constant 9.99999968E-21 : f32
    %add3A_51 = vector.broadcast %add3A_50 : f32 to vector<2048x1xf32>
    %add3A_52 = arith.addf %add3A_49, %add3A_51 : vector<2048x1xf32>
    %div3A = arith.divf %broadcast_in_dim3A_42, %add3A_52 : vector<2048x1xf32>
    %broadcast_in_dim3A_53 = vector.shape_cast %div3A : vector<2048x1xf32> to vector<2048x1xf32>
    %broadcast_in_dim3A_54 = vector.broadcast %broadcast_in_dim3A_53 : vector<2048x1xf32> to vector<2048x16xf32>
    %swap3A = arith.constant 0 : index
    %swap3A_55 = arith.constant 0 : index
    %swap3A_56 = vector.load %arg5[%swap3A, %swap3A_55] : memref<2048x16xf32, #tpu.memory_space<vmem>>, vector<2048x16xf32>
    tpu.vector_store %arg5[%swap3A, %swap3A_55], %broadcast_in_dim3A_54 {strides = array<i32>} : memref<2048x16xf32, #tpu.memory_space<vmem>>, vector<2048x16xf32>,
    %div3A_57 = arith.divf %broadcast_in_dim3A_48, %add3A_52 : vector<2048x1xf32>
    %broadcast_in_dim3A_58 = vector.shape_cast %div3A_57 : vector<2048x1xf32> to vector<2048x1xf32>
    %broadcast_in_dim3A_59 = vector.broadcast %broadcast_in_dim3A_58 : vector<2048x1xf32> to vector<2048x16xf32>
    %swap3A_60 = arith.constant 0 : index
    %swap3A_61 = arith.constant 0 : index
    %swap3A_62 = vector.load %arg6[%swap3A_60, %swap3A_61] : memref<2048x16xf32, #tpu.memory_space<vmem>>, vector<2048x16xf32>
    tpu.vector_store %arg6[%swap3A_60, %swap3A_61], %broadcast_in_dim3A_59 {strides = array<i32>} : memref<2048x16xf32, #tpu.memory_space<vmem>>, vector<2048x16xf32>,
    %or3A = arith.ori %eq3A_21, %eq3A_37 : vector<2048x8xi1>
    %convert_element_type3A = arith.extui %or3A : vector<2048x8xi1> to vector<2048x8xi32>
    %convert_element_type3A_63 = arith.sitofp %convert_element_type3A : vector<2048x8xi32> to vector<2048x8xf32>
    %broadcast_in_dim3A_64 = arith.constant 0.000000e+00 : f32
    %broadcast_in_dim3A_65 = vector.broadcast %broadcast_in_dim3A_64 : f32 to vector<1x8xf32>
    %slice3A = vector.extract_strided_slice %convert_element_type3A_63 {offsets = [0, 0], sizes = [2047, 8], strides = [1, 1]} : vector<2048x8xf32> to vector<2047x8xf32>
    %concatenate3A = tpu.concatenate %broadcast_in_dim3A_65, %slice3A in 0 : vector<1x8xf32>, vector<2047x8xf32> -> vector<2048x8xf32>
    %add3A_66 = arith.addf %convert_element_type3A_63, %concatenate3A : vector<2048x8xf32>
    %broadcast_in_dim3A_67 = arith.constant 0.000000e+00 : f32
    %broadcast_in_dim3A_68 = vector.broadcast %broadcast_in_dim3A_67 : f32 to vector<2x8xf32>
    %slice3A_69 = vector.extract_strided_slice %add3A_66 {offsets = [0, 0], sizes = [2046, 8], strides = [1, 1]} : vector<2048x8xf32> to vector<2046x8xf32>
    %concatenate3A_70 = tpu.concatenate %broadcast_in_dim3A_68, %slice3A_69 in 0 : vector<2x8xf32>, vector<2046x8xf32> -> vector<2048x8xf32>
    %add3A_71 = arith.addf %add3A_66, %concatenate3A_70 : vector<2048x8xf32>
    %broadcast_in_dim3A_72 = arith.constant 0.000000e+00 : f32
    %broadcast_in_dim3A_73 = vector.broadcast %broadcast_in_dim3A_72 : f32 to vector<4x8xf32>
    %slice3A_74 = vector.extract_strided_slice %add3A_71 {offsets = [0, 0], sizes = [2044, 8], strides = [1, 1]} : vector<2048x8xf32> to vector<2044x8xf32>
    %concatenate3A_75 = tpu.concatenate %broadcast_in_dim3A_73, %slice3A_74 in 0 : vector<4x8xf32>, vector<2044x8xf32> -> vector<2048x8xf32>
    %add3A_76 = arith.addf %add3A_71, %concatenate3A_75 : vector<2048x8xf32>
    %broadcast_in_dim3A_77 = arith.constant 0.000000e+00 : f32
    %broadcast_in_dim3A_78 = vector.broadcast %broadcast_in_dim3A_77 : f32 to vector<8x8xf32>
    %slice3A_79 = vector.extract_strided_slice %add3A_76 {offsets = [0, 0], sizes = [2040, 8], strides = [1, 1]} : vector<2048x8xf32> to vector<2040x8xf32>
    %concatenate3A_80 = tpu.concatenate %broadcast_in_dim3A_78, %slice3A_79 in 0 : vector<8x8xf32>, vector<2040x8xf32> -> vector<2048x8xf32>
    %add3A_81 = arith.addf %add3A_76, %concatenate3A_80 : vector<2048x8xf32>
    %broadcast_in_dim3A_82 = arith.constant 0.000000e+00 : f32
    %broadcast_in_dim3A_83 = vector.broadcast %broadcast_in_dim3A_82 : f32 to vector<16x8xf32>
    %slice3A_84 = vector.extract_strided_slice %add3A_81 {offsets = [0, 0], sizes = [2032, 8], strides = [1, 1]} : vector<2048x8xf32> to vector<2032x8xf32>
    %concatenate3A_85 = tpu.concatenate %broadcast_in_dim3A_83, %slice3A_84 in 0 : vector<16x8xf32>, vector<2032x8xf32> -> vector<2048x8xf32>
    %add3A_86 = arith.addf %add3A_81, %concatenate3A_85 : vector<2048x8xf32>
    %broadcast_in_dim3A_87 = arith.constant 0.000000e+00 : f32
    %broadcast_in_dim3A_88 = vector.broadcast %broadcast_in_dim3A_87 : f32 to vector<32x8xf32>
    %slice3A_89 = vector.extract_strided_slice %add3A_86 {offsets = [0, 0], sizes = [2016, 8], strides = [1, 1]} : vector<2048x8xf32> to vector<2016x8xf32>
    %concatenate3A_90 = tpu.concatenate %broadcast_in_dim3A_88, %slice3A_89 in 0 : vector<32x8xf32>, vector<2016x8xf32> -> vector<2048x8xf32>
    %add3A_91 = arith.addf %add3A_86, %concatenate3A_90 : vector<2048x8xf32>
    %broadcast_in_dim3A_92 = arith.constant 0.000000e+00 : f32
    %broadcast_in_dim3A_93 = vector.broadcast %broadcast_in_dim3A_92 : f32 to vector<64x8xf32>
    %slice3A_94 = vector.extract_strided_slice %add3A_91 {offsets = [0, 0], sizes = [1984, 8], strides = [1, 1]} : vector<2048x8xf32> to vector<1984x8xf32>
    %concatenate3A_95 = tpu.concatenate %broadcast_in_dim3A_93, %slice3A_94 in 0 : vector<64x8xf32>, vector<1984x8xf32> -> vector<2048x8xf32>
    %add3A_96 = arith.addf %add3A_91, %concatenate3A_95 : vector<2048x8xf32>
    %broadcast_in_dim3A_97 = arith.constant 0.000000e+00 : f32
    %broadcast_in_dim3A_98 = vector.broadcast %broadcast_in_dim3A_97 : f32 to vector<128x8xf32>
    %slice3A_99 = vector.extract_strided_slice %add3A_96 {offsets = [0, 0], sizes = [1920, 8], strides = [1, 1]} : vector<2048x8xf32> to vector<1920x8xf32>
    %concatenate3A_100 = tpu.concatenate %broadcast_in_dim3A_98, %slice3A_99 in 0 : vector<128x8xf32>, vector<1920x8xf32> -> vector<2048x8xf32>
    %add3A_101 = arith.addf %add3A_96, %concatenate3A_100 : vector<2048x8xf32>
    %broadcast_in_dim3A_102 = arith.constant 0.000000e+00 : f32
    %broadcast_in_dim3A_103 = vector.broadcast %broadcast_in_dim3A_102 : f32 to vector<256x8xf32>
    %slice3A_104 = vector.extract_strided_slice %add3A_101 {offsets = [0, 0], sizes = [1792, 8], strides = [1, 1]} : vector<2048x8xf32> to vector<1792x8xf32>
    %concatenate3A_105 = tpu.concatenate %broadcast_in_dim3A_103, %slice3A_104 in 0 : vector<256x8xf32>, vector<1792x8xf32> -> vector<2048x8xf32>
    %add3A_106 = arith.addf %add3A_101, %concatenate3A_105 : vector<2048x8xf32>
    %broadcast_in_dim3A_107 = arith.constant 0.000000e+00 : f32
    %broadcast_in_dim3A_108 = vector.broadcast %broadcast_in_dim3A_107 : f32 to vector<512x8xf32>
    %slice3A_109 = vector.extract_strided_slice %add3A_106 {offsets = [0, 0], sizes = [1536, 8], strides = [1, 1]} : vector<2048x8xf32> to vector<1536x8xf32>
    %concatenate3A_110 = tpu.concatenate %broadcast_in_dim3A_108, %slice3A_109 in 0 : vector<512x8xf32>, vector<1536x8xf32> -> vector<2048x8xf32>
    %add3A_111 = arith.addf %add3A_106, %concatenate3A_110 : vector<2048x8xf32>
    %broadcast_in_dim3A_112 = arith.constant 0.000000e+00 : f32
    %broadcast_in_dim3A_113 = vector.broadcast %broadcast_in_dim3A_112 : f32 to vector<1024x8xf32>
    %slice3A_114 = vector.extract_strided_slice %add3A_111 {offsets = [0, 0], sizes = [1024, 8], strides = [1, 1]} : vector<2048x8xf32> to vector<1024x8xf32>
    %concatenate3A_115 = tpu.concatenate %broadcast_in_dim3A_113, %slice3A_114 in 0 : vector<1024x8xf32>, vector<1024x8xf32> -> vector<2048x8xf32>
    %add3A_116 = arith.addf %add3A_111, %concatenate3A_115 : vector<2048x8xf32>
    %sub3A = arith.subf %add3A_116, %convert_element_type3A_63 : vector<2048x8xf32>
    %slice3A_117 = vector.extract_strided_slice %add3A_116 {offsets = [2047, 0], sizes = [1, 8], strides = [1, 1]} : vector<2048x8xf32> to vector<1x8xf32>
    %add3A_118 = arith.constant 5.110000e+02 : f32
    %add3A_119 = vector.broadcast %add3A_118 : f32 to vector<1x8xf32>
    %add3A_120 = arith.addf %slice3A_117, %add3A_119 : vector<1x8xf32>
    %div3A_121 = arith.constant 5.120000e+02 : f32
    %div3A_122 = vector.broadcast %div3A_121 : f32 to vector<1x8xf32>
    %div3A_123 = arith.divf %add3A_120, %div3A_122 : vector<1x8xf32>
    %floor3A = math.floor %div3A_123 : vector<1x8xf32>
    %reduce_sum3A_124 = arith.constant dense<0.000000e+00> : vector<1xf32>
    %reduce_sum3A_125 = vector.multi_reduction <add>, %floor3A, %reduce_sum3A_124 [1] : vector<1x8xf32> to vector<1xf32>
    %broadcast_in_dim3A_126 = vector.shape_cast %reduce_sum3A_125 : vector<1xf32> to vector<1x1xf32>
    %convert_element_type3A_127 = arith.fptosi %broadcast_in_dim3A_126 : vector<1x1xf32> to vector<1x1xi32>
    %swap3A_128 = arith.constant 0 : index
    %swap3A_129 = arith.constant 0 : index
    %swap3A_130 = vector.load %arg8[%swap3A_128, %swap3A_129] : memref<1x1xi32, #tpu.memory_space<vmem>>, vector<1x1xi32>
    tpu.vector_store %arg8[%swap3A_128, %swap3A_129], %convert_element_type3A_127 {strides = array<i32>} : memref<1x1xi32, #tpu.memory_space<vmem>>, vector<1x1xi32>,
    %iota3A_131 = tpu.iota {dimensions = array<i32: 0>} : vector<8x8xi32>
    %iota3A_132 = tpu.iota {dimensions = array<i32: 1>} : vector<8x8xi32>
    %lt3A = arith.cmpi slt, %iota3A_131, %iota3A_132 : vector<8x8xi32>
    %convert_element_type3A_133 = arith.extui %lt3A : vector<8x8xi1> to vector<8x8xi32>
    %convert_element_type3A_134 = arith.sitofp %convert_element_type3A_133 : vector<8x8xi32> to vector<8x8xf32>
    %dot_general3A_135 = arith.constant dense<0.000000e+00> : vector<1x8xf32>
    %dot_general3A_136 = tpu.matmul %floor3A, %convert_element_type3A_134, %dot_general3A_135 {dimension_numbers = #tpu.dot_dimension_numbers<[1], [0], [0], [1], [0, 0, 1, 1], [], []>, transpose_lhs_hint = false} : vector<1x8xf32>, vector<8x8xf32>, vector<1x8xf32> -> vector<1x8xf32>
    %mul3A = arith.constant 5.120000e+02 : f32
    %mul3A_137 = vector.broadcast %mul3A : f32 to vector<1x8xf32>
    %mul3A_138 = arith.mulf %dot_general3A_136, %mul3A_137 : vector<1x8xf32>
    %add3A_139 = vector.broadcast %mul3A_138 : vector<1x8xf32> to vector<2048x8xf32>
    %add3A_140 = arith.addf %add3A_139, %sub3A : vector<2048x8xf32>
    %jit3A_141 = arith.constant 0.000000e+00 : f32
    %broadcast_in_dim3A_142 = vector.broadcast %jit3A_141 : f32 to vector<2048x8xf32>
    %select_n3A_143 = arith.select %eq3A_21, %add3A_140, %broadcast_in_dim3A_142 : vector<2048x8xi1>, vector<2048x8xf32>
    %reduce_sum3A_144 = arith.constant dense<0.000000e+00> : vector<2048xf32>
    %reduce_sum3A_145 = vector.multi_reduction <add>, %select_n3A_143, %reduce_sum3A_144 [1] : vector<2048x8xf32> to vector<2048xf32>
    %broadcast_in_dim3A_146 = vector.shape_cast %reduce_sum3A_145 : vector<2048xf32> to vector<2048x1xf32>
    %add3A_147 = vector.broadcast %mul3A_138 : vector<1x8xf32> to vector<2048x8xf32>
    %add3A_148 = arith.addf %add3A_147, %sub3A : vector<2048x8xf32>
    %jit3A_149 = arith.constant 0.000000e+00 : f32
    %broadcast_in_dim3A_150 = vector.broadcast %jit3A_149 : f32 to vector<2048x8xf32>
    %select_n3A_151 = arith.select %eq3A_37, %add3A_148, %broadcast_in_dim3A_150 : vector<2048x8xi1>, vector<2048x8xf32>
    %reduce_sum3A_152 = arith.constant dense<0.000000e+00> : vector<2048xf32>
    %reduce_sum3A_153 = vector.multi_reduction <add>, %select_n3A_151, %reduce_sum3A_152 [1] : vector<2048x8xf32> to vector<2048xf32>
    %broadcast_in_dim3A_154 = vector.shape_cast %reduce_sum3A_153 : vector<2048xf32> to vector<2048x1xf32>
    %concatenate3A_155 = tpu.concatenate %broadcast_in_dim3A_146, %broadcast_in_dim3A_154 in 1 : vector<2048x1xf32>, vector<2048x1xf32> -> vector<2048x2xf32>
    %convert_element_type3A_156 = arith.fptosi %concatenate3A_155 : vector<2048x2xf32> to vector<2048x2xi32>
    %swap3A_157 = arith.constant 0 : index
    %swap3A_158 = arith.constant 0 : index
    %swap3A_159 = vector.load %arg4[%swap3A_157, %swap3A_158] : memref<2048x2xi32, #tpu.memory_space<vmem>>, vector<2048x2xi32>
    tpu.vector_store %arg4[%swap3A_157, %swap3A_158], %convert_element_type3A_156 {strides = array<i32>} : memref<2048x2xi32, #tpu.memory_space<vmem>>, vector<2048x2xi32>,
    %broadcast_in_dim3A_160 = arith.constant 1.000000e+00 : f32
    %broadcast_in_dim3A_161 = vector.broadcast %broadcast_in_dim3A_160 : f32 to vector<2048x1xf32>
    %dot_general3A_162 = arith.constant dense<0.000000e+00> : vector<8x1xf32>
    %dot_general3A_163 = tpu.matmul %convert_element_type3A_63, %broadcast_in_dim3A_161, %dot_general3A_162 {dimension_numbers = #tpu.dot_dimension_numbers<[0], [0], [1], [1], [0, 1, 1, 1], [], []>, transpose_lhs_hint = false} : vector<2048x8xf32>, vector<2048x1xf32>, vector<8x1xf32> -> vector<8x1xf32>
    %add3A_164 = arith.constant 5.110000e+02 : f32
    %add3A_165 = vector.broadcast %add3A_164 : f32 to vector<8x1xf32>
    %add3A_166 = arith.addf %dot_general3A_163, %add3A_165 : vector<8x1xf32>
    %div3A_167 = arith.constant 5.120000e+02 : f32
    %div3A_168 = vector.broadcast %div3A_167 : f32 to vector<8x1xf32>
    %div3A_169 = arith.divf %add3A_166, %div3A_168 : vector<8x1xf32>
    %floor3A_170 = math.floor %div3A_169 : vector<8x1xf32>
    %lt3A_171 = arith.cmpi slt, %iota3A_132, %iota3A_131 : vector<8x8xi32>
    %convert_element_type3A_172 = arith.extui %lt3A_171 : vector<8x8xi1> to vector<8x8xi32>
    %convert_element_type3A_173 = arith.sitofp %convert_element_type3A_172 : vector<8x8xi32> to vector<8x8xf32>
    %dot_general3A_174 = arith.constant dense<0.000000e+00> : vector<8x1xf32>
    %dot_general3A_175 = tpu.matmul %convert_element_type3A_173, %floor3A_170, %dot_general3A_174 {dimension_numbers = #tpu.dot_dimension_numbers<[1], [0], [0], [1], [0, 0, 1, 1], [], []>, transpose_lhs_hint = false} : vector<8x8xf32>, vector<8x1xf32>, vector<8x1xf32> -> vector<8x1xf32>
    %iota3A_176 = tpu.iota {dimensions = array<i32: 1>} : vector<8x16xi32>
    %convert_element_type3A_177 = arith.fptosi %dot_general3A_175 : vector<8x1xf32> to vector<8x1xi32>
    %le3A = vector.broadcast %convert_element_type3A_177 : vector<8x1xi32> to vector<8x16xi32>
    %le3A_178 = arith.cmpi sle, %le3A, %iota3A_176 : vector<8x16xi32>
    %convert_element_type3A_179 = arith.extui %le3A_178 : vector<8x16xi1> to vector<8x16xi32>
    %reduce_sum3A_180 = arith.constant dense<0> : vector<16xi32>
    %reduce_sum3A_181 = vector.multi_reduction <add>, %convert_element_type3A_179, %reduce_sum3A_180 [0] : vector<8x16xi32> to vector<16xi32>
    %broadcast_in_dim3A_182 = vector.shape_cast %reduce_sum3A_181 : vector<16xi32> to vector<1x16xi32>
    %sub3A_183 = arith.constant 1 : i32
    %sub3A_184 = vector.broadcast %sub3A_183 : i32 to vector<1x16xi32>
    %sub3A_185 = arith.subi %broadcast_in_dim3A_182, %sub3A_184 : vector<1x16xi32>
    %swap3A_186 = arith.constant 0 : index
    %swap3A_187 = arith.constant 0 : index
    %swap3A_188 = vector.load %arg7[%swap3A_186, %swap3A_187] : memref<1x16xi32, #tpu.memory_space<vmem>>, vector<1x16xi32>
    tpu.vector_store %arg7[%swap3A_186, %swap3A_187], %sub3A_185 {strides = array<i32>} : memref<1x16xi32, #tpu.memory_space<vmem>>, vector<1x16xi32>,
    return
  }
  func.func @transform_0(%arg0: i32) -> (i32, i32) {
    %c0_i32 = arith.constant 0 : i32
    %c0_i32_0 = arith.constant 0 : i32
    %c0_i32_1 = arith.constant 0 : i32
    return %c0_i32, %c0_i32_0 : i32, i32
  }
  func.func @transform_1(%arg0: i32) -> (i32, i32) {
    %c0_i32 = arith.constant 0 : i32
    %c0_i32_0 = arith.constant 0 : i32
    %c0_i32_1 = arith.constant 0 : i32
    return %c0_i32, %c0_i32_0 : i32, i32
  }
  func.func @transform_2(%arg0: i32) -> (i32, i32) {
    %c0_i32 = arith.constant 0 : i32
    %c0_i32_0 = arith.constant 0 : i32
    %c0_i32_1 = arith.constant 0 : i32
    return %c0_i32, %c0_i32_0 : i32, i32
  }
  func.func @transform_3(%arg0: i32) -> (i32, i32) {
    %c0_i32 = arith.constant 0 : i32
    %c0_i32_0 = arith.constant 0 : i32
    %c0_i32_1 = arith.constant 0 : i32
    return %c0_i32, %c0_i32_0 : i32, i32
  }
  func.func @transform_4(%arg0: i32) -> (i32, i32) {
    %c0_i32 = arith.constant 0 : i32
    %c0_i32_0 = arith.constant 0 : i32
    %c0_i32_1 = arith.constant 0 : i32
    return %c0_i32, %c0_i32_0 : i32, i32
  }
  func.func @transform_5(%arg0: i32) -> (i32, i32) {
    %c0_i32 = arith.constant 0 : i32
    %c0_i32_0 = arith.constant 0 : i32
    %c0_i32_1 = arith.constant 0 : i32
    return %c0_i32, %c0_i32_0 : i32, i32
  }
  func.func @transform_6(%arg0: i32) -> (i32, i32) {
    %c0_i32 = arith.constant 0 : i32
    %c0_i32_0 = arith.constant 0 : i32
    %c0_i32_1 = arith.constant 0 : i32
    return %c0_i32, %c0_i32_0 : i32, i32
  }
  func.func @transform_7(%arg0: i32) -> (i32, i32) {
    %c0_i32 = arith.constant 0 : i32
    %c0_i32_0 = arith.constant 0 : i32
    %c0_i32_1 = arith.constant 0 : i32
    return %c0_i32, %c0_i32_0 : i32, i32
  }
}

module attributes {stable_mosaic.version = 14 : i64} {
  func.func @_shared_kernel(%arg0: i32, %arg1: memref<512x1024xf32, #tpu.memory_space<vmem>>, %arg2: memref<1536x1024xf32, #tpu.memory_space<vmem>>, %arg3: memref<1536x1024xf32, #tpu.memory_space<vmem>>, %arg4: memref<1024x1536xf32, #tpu.memory_space<vmem>>, %arg5: memref<512x1024xf32, #tpu.memory_space<vmem>>) attributes {dimension_semantics = [#tpu.dimension_semantics<parallel>], iteration_bounds = array<i64: 4>, scalar_prefetch = 0 : i64, scratch_operands = 0 : i64, tpu.core_type = #tpu.core_type<tc>, window_params = [{transform_indices = @transform_0, window_bounds = array<i64: 512, 1024>}, {pipeline_mode = #tpu.pipeline_mode<synchronous>, transform_indices = @transform_1, window_bounds = array<i64: 1536, 1024>}, {pipeline_mode = #tpu.pipeline_mode<synchronous>, transform_indices = @transform_2, window_bounds = array<i64: 1536, 1024>}, {pipeline_mode = #tpu.pipeline_mode<synchronous>, transform_indices = @transform_3, window_bounds = array<i64: 1024, 1536>}, {transform_indices = @transform_4, window_bounds = array<i64: 512, 1024>}]} {
    %get3A = arith.constant 0 : index
    %get3A_0 = arith.constant 0 : index
    %get3A_1 = vector.load %arg1[%get3A, %get3A_0] : memref<512x1024xf32, #tpu.memory_space<vmem>>, vector<512x1024xf32>
    %get3A_2 = arith.constant 0 : index
    %get3A_3 = arith.constant 0 : index
    %get3A_4 = vector.load %arg2[%get3A_2, %get3A_3] : memref<1536x1024xf32, #tpu.memory_space<vmem>>, vector<1536x1024xf32>
    %convert_element_type3A = arith.truncf %get3A_1 : vector<512x1024xf32> to vector<512x1024xbf16>
    %convert_element_type3A_5 = arith.truncf %get3A_4 : vector<1536x1024xf32> to vector<1536x1024xbf16>
    %dot_general3A = arith.constant dense<0.000000e+00> : vector<512x1536xf32>
    %dot_general3A_6 = tpu.matmul %convert_element_type3A, %convert_element_type3A_5, %dot_general3A {dimension_numbers = #tpu.dot_dimension_numbers<[1], [1], [0], [0], [0, 0, 1, 0], [], []>, transpose_lhs_hint = false} : vector<512x1024xbf16>, vector<1536x1024xbf16>, vector<512x1536xf32> -> vector<512x1536xf32>
    %get3A_7 = arith.constant 0 : index
    %get3A_8 = arith.constant 0 : index
    %get3A_9 = vector.load %arg3[%get3A_7, %get3A_8] : memref<1536x1024xf32, #tpu.memory_space<vmem>>, vector<1536x1024xf32>
    %convert_element_type3A_10 = arith.truncf %get3A_1 : vector<512x1024xf32> to vector<512x1024xbf16>
    %convert_element_type3A_11 = arith.truncf %get3A_9 : vector<1536x1024xf32> to vector<1536x1024xbf16>
    %dot_general3A_12 = arith.constant dense<0.000000e+00> : vector<512x1536xf32>
    %dot_general3A_13 = tpu.matmul %convert_element_type3A_10, %convert_element_type3A_11, %dot_general3A_12 {dimension_numbers = #tpu.dot_dimension_numbers<[1], [1], [0], [0], [0, 0, 1, 0], [], []>, transpose_lhs_hint = false} : vector<512x1024xbf16>, vector<1536x1024xbf16>, vector<512x1536xf32> -> vector<512x1536xf32>
    %logistic3A = arith.negf %dot_general3A_6 : vector<512x1536xf32>
    %logistic3A_14 = math.exp %logistic3A : vector<512x1536xf32>
    %logistic3A_15 = arith.constant 1.000000e+00 : f32
    %logistic3A_16 = vector.broadcast %logistic3A_15 : f32 to vector<512x1536xf32>
    %logistic3A_17 = arith.addf %logistic3A_16, %logistic3A_14 : vector<512x1536xf32>
    %logistic3A_18 = arith.divf %logistic3A_16, %logistic3A_17 : vector<512x1536xf32>
    %mul3A = arith.mulf %dot_general3A_6, %logistic3A_18 : vector<512x1536xf32>
    %mul3A_19 = arith.mulf %mul3A, %dot_general3A_13 : vector<512x1536xf32>
    %get3A_20 = arith.constant 0 : index
    %get3A_21 = arith.constant 0 : index
    %get3A_22 = vector.load %arg4[%get3A_20, %get3A_21] : memref<1024x1536xf32, #tpu.memory_space<vmem>>, vector<1024x1536xf32>
    %convert_element_type3A_23 = arith.truncf %mul3A_19 : vector<512x1536xf32> to vector<512x1536xbf16>
    %convert_element_type3A_24 = arith.truncf %get3A_22 : vector<1024x1536xf32> to vector<1024x1536xbf16>
    %dot_general3A_25 = arith.constant dense<0.000000e+00> : vector<512x1024xf32>
    %dot_general3A_26 = tpu.matmul %convert_element_type3A_23, %convert_element_type3A_24, %dot_general3A_25 {dimension_numbers = #tpu.dot_dimension_numbers<[1], [1], [0], [0], [0, 0, 1, 0], [], []>, transpose_lhs_hint = false} : vector<512x1536xbf16>, vector<1024x1536xbf16>, vector<512x1024xf32> -> vector<512x1024xf32>
    %swap3A = arith.constant 0 : index
    %swap3A_27 = arith.constant 0 : index
    %swap3A_28 = vector.load %arg5[%swap3A, %swap3A_27] : memref<512x1024xf32, #tpu.memory_space<vmem>>, vector<512x1024xf32>
    tpu.vector_store %arg5[%swap3A, %swap3A_27], %dot_general3A_26 {strides = array<i32>} : memref<512x1024xf32, #tpu.memory_space<vmem>>, vector<512x1024xf32>,
    return
  }
  func.func @transform_0(%arg0: i32) -> (i32, i32) {
    %c0_i32 = arith.constant 0 : i32
    %c0_i32_0 = arith.constant 0 : i32
    return %arg0, %c0_i32 : i32, i32
  }
  func.func @transform_1(%arg0: i32) -> (i32, i32) {
    %c0_i32 = arith.constant 0 : i32
    %c0_i32_0 = arith.constant 0 : i32
    %c0_i32_1 = arith.constant 0 : i32
    return %c0_i32, %c0_i32_0 : i32, i32
  }
  func.func @transform_2(%arg0: i32) -> (i32, i32) {
    %c0_i32 = arith.constant 0 : i32
    %c0_i32_0 = arith.constant 0 : i32
    %c0_i32_1 = arith.constant 0 : i32
    return %c0_i32, %c0_i32_0 : i32, i32
  }
  func.func @transform_3(%arg0: i32) -> (i32, i32) {
    %c0_i32 = arith.constant 0 : i32
    %c0_i32_0 = arith.constant 0 : i32
    %c0_i32_1 = arith.constant 0 : i32
    return %c0_i32, %c0_i32_0 : i32, i32
  }
  func.func @transform_4(%arg0: i32) -> (i32, i32) {
    %c0_i32 = arith.constant 0 : i32
    %c0_i32_0 = arith.constant 0 : i32
    return %arg0, %c0_i32 : i32, i32
  }
}

</mosaic_0001>

<sc_bundles>
// kernel: kernel.10.cloned.1.call-start
scs
__scs_entry_jumppad:
0x0: {  	(pc) =	sbr.rel $0x88, $3  }
0x1: {  	(tag) =	ssettag $0x0;
	lr =	simm.s32 $0x1  }
0x2: {  	[smem:$0x3F98] =	sst lr;
	_ =	strace $0xD0000000  }
0x3: {  	_ = 	snop  }
0x4: {  	_ = 	snop  }
0x5: {  	_ = 	snop  }
0x6: {  	_ = 	snop  }
0x7: {  	_ = 	snop  }
__scs_overlays_trampoline_lowered:
0x8: {  	[smem:$0x3FA7] =	sst s0  }
0x9: {  	[smem:$0x3FA8] =	sst s1  }
0xa: {  	[smem:$0x3FA9] =	sst s2  }
0xb: {  	[smem:$0x3FAA] =	sst s3  }
0xc: {  	[smem:$0x3FAB] =	sst s4  }
0xd: {  	[smem:$0x3FAC] =	sst s5  }
0xe: {  	[smem:$0x3FAD] =	sst s6  }
0xf: {  	[smem:$0x3FAE] =	sst s7  }
0x10: {  	[smem:$0x3FAF] =	sst s8  }
0x11: {  	[smem:$0x3FB0] =	sst s9;
	s0 =	simm.s32 @!p0 $0x0  }
0x12: {  	s1 =	sld [smem:$0x3F96];
	s0 =	simm.s32 @p0 $0x1  }
0x13: {  	[smem:$0x3FB1] =	sst s0;
	s0 =	simm.s32 @!p1 $0x0  }
0x14: {  	s2 =	sld [smem:$0x3F95];
	s0 =	simm.s32 @p1 $0x1  }
0x15: {  	[smem:$0x3FB2] =	sst s0;
	s0 =	simm.s32 @!p2 $0x0  }
0x16: {  	s3 =	sld [smem:$0x3FDB];
	s0 =	simm.s32 @p2 $0x1  }
0x17: {  	s4 =	simm.s32 $0x1BF5;
	[smem:$0x3FB4] =	sst s0  }
0x18: {  	s0 =	sld [smem:$0x3F97];
	_ =	swait.ge [sflag:s4], $0x0  }
0x19: {  	s7 =	sld [smem:$0x3F98]  }
0x1a: {  	s8 =	sadd.s32 $0xFFFFE003, lr  }
0x1b: {  	s9 =	sadd.s32 $0xFFFFFEF7, lr;
	s5 =	simm.s32 $0xFFFFFFFF;
	p2 =	slt.u32 s8, $0xFFFFF086  }
0x1c: {  	p1 =	slt.u32 s9, $0xF7A;
	s5 =	simm.s32 @!p2 $0x0  }
0x1d: {  	s5 =	simm.s32 @p1 $0x1;
	p0 =	seq.s32 s7, s2  }
0x1e: {  	s7 =	smul.u32 @!p0 $0xF7A, s2;
	p2 =	seq.s32 @!p0 s5, $0x0  }
0x1f: {  	s9 =	smul.u32 $0xF7A, s1;
	s8 =	simm.s32 @!p0 $0x1BF5;
	p2 =	por !p2, p0  }
0x20: {  	[sflag:s8] =	ssyncset.s32 @!p0 $0xFFFFF086;
	s6 =	sadd.s32 @!p0 s3, s7;
	s7 =	simm.s32 @!p0 $0x108  }
0x21: {  	s3 =	sadd.s32 s3, s9;
	s6 =	sadd.s32 @!p0 $0x88, s6;
	s7 =	simm.s32 @p2 $0x1082  }
0x22: {  	[simem:s7], [sflag:s8] =	dma.local @!p0 [hbm:s6], $0xF7A  }
0x23: {  	s9 =	sor.u32 $0xD0000000, s2;
	s6 =	simm.s32 $0x108;
	_ =	swait.ge @!p0 [sflag:s8], $0x0  }
0x24: {  	s3 =	sadd.s32 $0x88, s3;
	s6 =	simm.s32 @!p1 $0x1082;
	[sflag:s4] =	ssyncset.s32 $0xFFFFF086  }
0x25: {  	[simem:s6], [sflag:s4] =	dma.local [hbm:s3], $0xF7A  }
0x26: {  	[smem:$0x3F98] =	sst s1;
	(tag) =	ssettag s2;
	_ =	strace s9  }
0x27: {  	s1 =	sld [smem:$0x3FA8]  }
0x28: {  	s2 =	sld [smem:$0x3FA9]  }
0x29: {  	s4 =	sld [smem:$0x3FAB]  }
0x2a: {  	p0 =	seq.s32 s5, $0x0;
	s5 =	sld [smem:$0x3FAC]  }
0x2b: {  	s6 =	sld [smem:$0x3FAD]  }
0x2c: {  	s7 =	sld [smem:$0x3FAE]  }
0x2d: {  	s3 =	simm.s32 $0x108;
	s8 =	sld [smem:$0x3FAF]  }
0x2e: {  	s3 =	simm.s32 @!p0 $0x1082;
	s9 =	sld [smem:$0x3FB0]  }
0x2f: {  	lr =	sadd.s32 s0, s3;
	s0 =	sld [smem:$0x3FA7]  }
0x30: {  	s3 =	sld [smem:$0x3FAA]  }
0x31: {  	[smem:$0x3FB3] =	sst s10  }
0x32: {  	s10 =	sld [smem:$0x3FB1];
	_ =	sdelay $0x3  }
0x33: {  	p0 =	seq.s32 s10, $0x1;
	s10 =	sld [smem:$0x3FB3];
	_ =	sdelay $0x3  }
0x34: {  	[smem:$0x3FB3] =	sst s10  }
0x35: {  	s10 =	sld [smem:$0x3FB2];
	_ =	sdelay $0x3  }
0x36: {  	p1 =	seq.s32 s10, $0x1;
	s10 =	sld [smem:$0x3FB3];
	_ =	sdelay $0x3  }
0x37: {  	[smem:$0x3FB3] =	sst s10  }
0x38: {  	s10 =	sld [smem:$0x3FB4]  }
0x39: {  	_ = 	snop;
	(pc) =	sbr.ind lr, $3  }
0x3a: {  	_ = 	snop  }
0x3b: {  	_ = 	snop  }
0x3c: {  	p2 =	seq.s32 s10, $0x1;
	s10 =	sld [smem:$0x3FB3]  }
0x3d: {  	_ =	shalt  }
0x3e: {  	_ =	shalt  }
0x3f: {  	_ =	shalt  }
0x40: {  	_ =	shalt  }
0x41: {  	_ =	shalt  }
0x42: {  	_ =	shalt  }
0x43: {  	_ =	shalt  }
0x44: {  	_ =	shalt  }
0x45: {  	_ =	shalt  }
0x46: {  	_ =	shalt  }
0x47: {  	_ =	shalt  }
0x48: {  	_ =	shalt  }
0x49: {  	_ =	shalt  }
0x4a: {  	_ =	shalt  }
0x4b: {  	_ =	shalt  }
0x4c: {  	_ =	shalt  }
0x4d: {  	_ =	shalt  }
0x4e: {  	_ =	shalt  }
0x4f: {  	_ =	shalt  }
0x50: {  	_ =	shalt  }
0x51: {  	_ =	shalt  }
0x52: {  	_ =	shalt  }
0x53: {  	_ =	shalt  }
0x54: {  	_ =	shalt  }
0x55: {  	_ =	shalt  }
0x56: {  	_ =	shalt  }
0x57: {  	_ =	shalt  }
0x58: {  	_ =	shalt  }
0x59: {  	_ =	shalt  }
0x5a: {  	_ =	shalt  }
0x5b: {  	_ =	shalt  }
0x5c: {  	_ =	shalt  }
0x5d: {  	_ =	shalt  }
0x5e: {  	_ =	shalt  }
0x5f: {  	_ =	shalt  }
0x60: {  	_ =	shalt  }
0x61: {  	_ =	shalt  }
0x62: {  	_ =	shalt  }
0x63: {  	_ =	shalt  }
0x64: {  	_ =	shalt  }
0x65: {  	_ =	shalt  }
0x66: {  	_ =	shalt  }
0x67: {  	_ =	shalt  }
0x68: {  	_ =	shalt  }
0x69: {  	_ =	shalt  }
0x6a: {  	_ =	shalt  }
0x6b: {  	_ =	shalt  }
0x6c: {  	_ =	shalt  }
0x6d: {  	_ =	shalt  }
0x6e: {  	_ =	shalt  }
0x6f: {  	_ =	shalt  }
0x70: {  	_ =	shalt  }
0x71: {  	_ =	shalt  }
0x72: {  	_ =	shalt  }
0x73: {  	_ =	shalt  }
0x74: {  	_ =	shalt  }
0x75: {  	_ =	shalt  }
0x76: {  	_ =	shalt  }
0x77: {  	_ =	shalt  }
0x78: {  	_ =	shalt  }
0x79: {  	_ =	shalt  }
0x7a: {  	_ =	shalt  }
0x7b: {  	_ =	shalt  }
0x7c: {  	_ =	shalt  }
0x7d: {  	_ =	shalt  }
0x7e: {  	_ =	shalt  }
0x7f: {  	_ =	shalt  }
0x80: {  	_ =	shalt  }
0x81: {  	_ =	shalt  }
0x82: {  	_ =	shalt  }
0x83: {  	_ =	shalt  }
0x84: {  	_ =	shalt  }
0x85: {  	_ =	shalt  }
0x86: {  	_ =	shalt  }
0x87: {  	_ =	shalt  }
.Lfunc_end0:
.L_simem_size_0:
called_computation.1_lowered:
.L_overlay_start_0:
0x88: {  	s2 =	sld [smem:$0x3FD9]  }
0x89: {  	s3 =	sld [smem:$0x3FFE];
	_ =	sdelay $0x1  }
0x8a: {  	s1 =	srdreg.scid  }
0x8b: {  	s0 =	sand.u32 $0x1, s1  }
0x8c: {  	s17 =	sshll.u32 s0, $0xA;
	s2 =	sadd.s32 s3, s2  }
0x8d: {  	s2 =	sadd.s32 s2, s17  }
0x8e: {  	[smem:$0x3FBF] =	sst s2  }
0x8f: {  	_ = 	snop  }
0x90: {  	s2 =	sld [smem:$0x3FD0];
	(tm) =	ssettm $0x1  }
0x91: {  	s18 =	sld [smem:$0x3FFB];
	_ =	sdelay $0x3  }
0x92: {  	_ =	strace s18  }
0x93: {  	s3 =	sld [smem:$0x3FFC];
	_ =	sdelay $0x3  }
0x94: {  	_ =	strace s3  }
0x95: {  	s3 =	sld [smem:$0x3FFD];
	_ =	sdelay $0x3  }
0x96: {  	_ =	strace s3  }
0x97: {  	_ =	strace $0x8FFFFFFF  }
0x98: {  	s19 =	sld [smem:$0x3FDB];
	_ =	sdelay $0x1  }
0x99: {  	s4 =	simm.s32 $_scs_section_size  }
0x9a: {  	s5 =	simm.s32 $_size__tile_overlayer_lowered;
	s6 =	simm.s32 $_tile_overlayer_lowered  }
0x9b: {  	s22 =	simm.s32 $0x1BFF;
	s21 =	sshll.u32 s6, $0x1;
	s3 =	sadd.s32 s4, s19  }
0x9c: {  	s7 =	simm.s32 $0x0;
	s20 =	sshll.u32 s5, $0x1;
	s5 =	sadd.s32 s21, s3  }
0x9d: {  	[timem:s7], [sflag:s22] =	dma.local [hbm:s5], s20  }
0x9e: {  	_ =	swait.ge [sflag:s22], s20  }
0x9f: {  	s4 =	ssub.s32 $0x0, s20;
	[sflag:s22] =	ssyncset.done $0x0  }
0xa0: {  	[sflag:s22] =	ssyncadd.s32 s4;
	_ =	sdelay $0x1  }
0xa1: {  	s23 =	simm.s32 $0x1B8B  }
0xa2: {  	_ =	swait.ge [sflag:s23], $0x1  }
0xa3: {  	[sflag:s23] =	ssyncset.done $0x0  }
0xa4: {  	s25 =	simm.s32 $0x1B8E;
	s24 =	sld [smem:$0x3FFE];
	[sflag:s23] =	ssyncadd.s32 $0xFFFFFFFF  }
0xa5: {  	s26 =	simm.s32 $execute0_lowered;
	[smem:$0x3FD2] =	sst s25  }
0xa6: {  	s5 =	sshll.u32 s26, $0x1;
	_ =	strace $0x80000049;
	[dreg:$0x1] =	wrdreg $0xFFFFFFFF  }
0xa7: {  	s28 =	simm.s32 $_size_execute0_lowered;
	s3 =	sadd.s32 s3, s5;
	[dreg:$0x0] =	wrdreg $0x0  }
0xa8: {  	s5 =	sshll.u32 s28, $0x1;
	[dreg:$0x2] =	wrdreg s3  }
0xa9: {  	[dreg:$0x3] =	wrdreg s5  }
0xaa: {  	[dreg:$0x4] =	wrdreg $0xC0  }
0xab: {  	_ =	task [dreg:s7], $0x5FFFF  }
0xac: {  	[dreg:$0x1] =	wrdreg $0xFFFFFFFF  }
0xad: {  	[dreg:$0x0] =	wrdreg $0x60  }
0xae: {  	[dreg:$0x2] =	wrdreg s24  }
0xaf: {  	[dreg:$0x3] =	wrdreg s2  }
0xb0: {  	[dreg:$0x4] =	wrdreg $0x9  }
0xb1: {  	_ =	task.clear_ibuf [dreg:s7], $0x5FFFF;
	_ =	strace $0x90000049  }
0xb2: {  	s29 =	simm.s32 $0x9;
	_ =	strace $0x8000004B  }
0xb3: {  	_ =	swait.ge [sflag:s29], $0x1  }
0xb4: {  	[sflag:s29] =	ssyncadd.s32 $0xFFFFFFFF  }
0xb5: {  	_ =	strace $0x9000004B  }
0xb6: {  	_ =	sfence  }
0xb7: {  	s30 =	sld [smem:$0x0];
	_ =	sdelay $0x2  }
0xb8: {  	s31 =	sshll.u32 s1, $0xD;
	s1 =	sshrl.u32 s1, $0x2  }
0xb9: {  	s3 =	sand.u32 $0x4000, s31;
	s1 =	sadd.s32 s1, s30  }
0xba: {  	s0 =	sor.u32 s3, s0;
	s1 =	sshll.u32 s1, $0x11  }
0xbb: {  	s0 =	sor.u32 s1, s0  }
0xbc: {  	s0 =	sadd.s32 $0x8F2B, s0  }
0xbd: {  	[sflag:s0] =	ssyncadd.remote.s32 $0x1  }
0xbe: {  	_ =	sfence.sel $0xFFFF  }
0xbf: {  	[dreg:$0x0] =	wrdreg $0xFFFFFFFF;
	(pc) =	sbr.abs _section_cstart, $3  }
0xc0: {  	[dreg:$0x1] =	wrdreg $0xFFFFFFFF  }
0xc1: {  	_ =	task.clear_ibuf [dreg:s7], $0x2FFFF;
	_ =	strace $0x9FFFFFFF  }
0xc2: {  	(tm) =	ssettm $0x7FFFFFFF  }
0xc3: {  	_ =	shalt  }
tec
execute0_lowered:
.L_overlay_start_1:
0x0: {  	(tag) =	ssettag $0x1  }
0x1: {  	s0 =	rddreg [dreg:$0x0]  }
0x2: {  	s1 =	rddreg [dreg:$0x1];
	s2 =	simm.s32 $0x0;
	s3 =	srdreg.scid  }
0x3: {  	s5 =	stileid.u32;
	s16 =	simm.s32 $0x3;
	s20 =	simm.s32 $0x9100  }
0x4: {  	s28 =	simm.s32 $0xE900;
	s29 =	simm.s32 $0xF100;
	s30 =	simm.s32 $0xF900  }
0x5: {  	s31 =	simm.s32 $0x10100;
	s11 =	simm.s32 $0x1;
	[smem:$0x7FF] =	sst s2  }
0x6: {  	s4 =	sand.u32 $0x1, s3;
	s5 =	sshll.u32 s5, $0x1;
	s3 =	sadd.s32 $0x152A00, s0  }
0x7: {  	s6 =	sadd.s32 $0x112A00, s0;
	s10 =	sadd.s32 $0x152D00, s0;
	s5 =	sor.u32 s4, s5  }
0x8: {  	_ =	strace $0x8000004A;
	s4 =	ssub.s32 $0x2, s4;
	s7 =	sshll.u32 s5, $0x4  }
0x9: {  	s8 =	sshll.u32 s5, $0xA;
	s9 =	sshrl.u32 s4, $0x1;
	s5 =	sshll.u32 s5, $0xD  }
0xa: {  	s7 =	sadd.s32 s7, s0;
	s8 =	sadd.s32 s8, s0;
	s23 =	sadd.s32 s6, s5  }
0xb: {  	s24 =	sor.u32 $0x1000, s5;
	s5 =	sadd.s32 s1, s5;
	[dreg:$0x7] =	wrdreg s23  }
0xc: {  	s4 =	ssub.s32 s4, s9;
	s21 =	sadd.s32 $0x12800, s7;
	[dreg:$0x8] =	wrdreg s5  }
0xd: {  	s9 =	sadd.s32 $0x152C00, s0;
	s7 =	sadd.s32 $0x12600, s7;
	[dreg:$0x3] =	wrdreg s21  }
0xe: {  	s22 =	sadd.s32 $0x2600, s8;
	s8 =	sadd.s32 $0xA600, s8;
	[dreg:$0x4] =	wrdreg s7  }
0xf: {  	s25 =	sadd.s32 s6, s24;
	s26 =	smax.u32 s4, $0x1;
	[dreg:$0x5] =	wrdreg s22  }
0x10: {  	s4 =	simm.s32 $0xA900;
	s23 =	simm.s32 $0xB100;
	[dreg:$0x6] =	wrdreg s8  }
0x11: {  	v0 =	vlaneseq.u32;
	s5 =	simm.s32 $0xB900;
	s6 =	simm.s32 $0xC900;
	[dreg:$0x9] =	wrdreg s25  }
0x12: {  	v1 =	vand.u32 $0x7, v0;
	v63 =	vshrl.u32 v0, $0x3;
	s7 =	sadd.s32 $0x152B00, s0;
	s0 =	sadd.s32 s1, s24;
	[dreg:$0xb] =	wrdreg s26  }
0x13: {  	v0 =	vor.u32 $0x8, v0;
	[tilespmem:$0x1FFD0] =	vst v1;
	v1 =	vmul.u32 $0x8, v63;
	s21 =	simm.s32 $0x9900;
	s22 =	simm.s32 $0xA100;
	s24 =	simm.s32 $0xC100  }
0x14: {  	[tilespmem:$0x1FFF0] =	vst v0;
	s25 =	simm.s32 $0xD100;
	s26 =	simm.s32 $0xD900;
	s8 =	simm.s32 $0xE100  }
0x15: {  	vm0 =	vmmov $0xffff;
	[tilespmem:$0x1FFE0] =	vst v1;
	s1 =	simm.s32 $0x0;
	[dreg:$0xa] =	wrdreg s0;
	s0 =	simm.s32 $0x2  }
.LBB2_1:
0x16: {  	s12 =	rddreg [dreg:$0x3]  }
0x17: {  	[tilespmem:s2], [sflag:$0x3] =	stream.linear.gather [hbm4b:s12+s2], $0x80, $0x38;
	[tilespmem:$0x1C100] =	vst v63  }
0x18: {  	_ =	swait.ge [sflag:s16], $0x80  }
0x19: {  	[sflag:s16] =	ssyncset.done $0x0  }
0x1a: {  	s13 =	simm.s32 $0x80;
	s18 =	rddreg [dreg:$0x4];
	[sflag:s16] =	ssyncadd.s32 $0xFFFFFF80  }
0x1b: {  	[tilespmem:s13], [sflag:$0x3] =	stream.linear.gather [hbm4b:s18+s2], $0x80, $0x38;
	[tilespmem:$0x1C100] =	vst v63  }
0x1c: {  	_ =	swait.ge [sflag:s16], $0x80  }
0x1d: {  	[sflag:s16] =	ssyncset.done $0x0  }
0x1e: {  	s12 =	simm.s32 $0x18100;
	s19 =	rddreg [dreg:$0x5];
	[sflag:s16] =	ssyncadd.s32 $0xFFFFFF80  }
0x1f: {  	[tilespmem:s12], [sflag:$0x3] =	stream.linear.gather [hbm4b:s19+s2], $0x2000, $0x38;
	[tilespmem:$0x1C100] =	vst v63  }
0x20: {  	_ =	swait.ge [sflag:s16], $0x2000  }
0x21: {  	[sflag:s16] =	ssyncset.done $0x0  }
0x22: {  	s17 =	simm.s32 $0x1A100;
	s14 =	rddreg [dreg:$0x6];
	[sflag:s16] =	ssyncadd.s32 $0xFFFFE000  }
0x23: {  	[tilespmem:s17], [sflag:$0x3] =	stream.linear.gather [hbm4b:s14+s2], $0x2000, $0x38;
	[tilespmem:$0x1C100] =	vst v63  }
0x24: {  	_ =	swait.ge [sflag:s16], $0x2000  }
0x25: {  	[sflag:s16] =	ssyncset.done $0x0  }
0x26: {  	[sflag:s16] =	ssyncadd.s32 $0xFFFFE000  }
0x27: {  	v0 =	vld [tilespmem:$0x0];
	_ =	sdelay $0x2  }
0x28: {  	v2 =	vld [tilespmem:$0x1FFD0];
	_ =	sdelay $0x1  }
0x29: {  	v3 =	vld [tilespmem:$0x1FFE0];
	v1 =	vshll.u32 v0, $0x3  }
0x2a: {  	v0 =	vand.u32 $0x7, v0;
	v1 =	vand.u32 $0xFFFFFFC0, v1  }
0x2b: {  	v0 =	vor.u32 v0, v1  }
0x2c: {  	v1 =	vperm.xlane v0, v2;
	_ =	sdelay $0x1  }
0x2d: {  	v1 =	vadd.s32 v3, v1  }
0x2e: {  	v4 =	vld [tilespmem:$0x1FFF0];
	_ =	sdelay $0x2  }
0x2f: {  	s15 =	simm.s32 $0x100  }
0x30: {  	[tilespmem:s15], [sflag:$0x1] =	stream.indirect_vreg.gather [hbm4b:s3+s2], $0x80, v1, vm0, $0xb8;
	[tilespmem:$0x1C100] =	vst v63  }
0x31: {  	s18 =	simm.s32 $0x900;
	v0 =	vperm.xlane v0, v4  }
0x32: {  	[tilespmem:s18], [sflag:$0x1] =	stream.indirect_vreg.gather [hbm4b:s7+s2], $0x80, v1, vm0, $0xb8;
	[tilespmem:$0x1C100] =	vst v63  }
0x33: {  	s19 =	simm.s32 $0x1100;
	v0 =	vadd.s32 v3, v0  }
0x34: {  	[tilespmem:s19], [sflag:$0x1] =	stream.indirect_vreg.gather [hbm4b:s9+s2], $0x80, v1, vm0, $0xb8;
	[tilespmem:$0x1C100] =	vst v63  }
0x35: {  	s14 =	simm.s32 $0x1900  }
0x36: {  	[tilespmem:s14], [sflag:$0x1] =	stream.indirect_vreg.gather [hbm4b:s10+s2], $0x80, v1, vm0, $0xb8;
	[tilespmem:$0x1C100] =	vst v63  }
0x37: {  	s15 =	simm.s32 $0x2100  }
0x38: {  	[tilespmem:s15], [sflag:$0x1] =	stream.indirect_vreg.gather [hbm4b:s3+s2], $0x80, v0, vm0, $0xb8;
	[tilespmem:$0x1C100] =	vst v63  }
0x39: {  	s18 =	simm.s32 $0x2900  }
0x3a: {  	[tilespmem:s18], [sflag:$0x1] =	stream.indirect_vreg.gather [hbm4b:s7+s2], $0x80, v0, vm0, $0xb8;
	[tilespmem:$0x1C100] =	vst v63  }
0x3b: {  	s19 =	simm.s32 $0x3100  }
0x3c: {  	[tilespmem:s19], [sflag:$0x1] =	stream.indirect_vreg.gather [hbm4b:s9+s2], $0x80, v0, vm0, $0xb8;
	[tilespmem:$0x1C100] =	vst v63  }
0x3d: {  	s14 =	simm.s32 $0x3900  }
0x3e: {  	[tilespmem:s14], [sflag:$0x1] =	stream.indirect_vreg.gather [hbm4b:s10+s2], $0x80, v0, vm0, $0xb8;
	[tilespmem:$0x1C100] =	vst v63  }
0x3f: {  	v0 =	vld [tilespmem:$0x10];
	_ =	sdelay $0x4  }
0x40: {  	v61 =	vshll.u32 v0, $0x3  }
0x41: {  	v0 =	vand.u32 $0x7, v0;
	v1 =	vand.u32 $0xFFFFFFC0, v61  }
0x42: {  	v0 =	vor.u32 v0, v1  }
0x43: {  	v1 =	vperm.xlane v0, v2;
	_ =	sdelay $0x1  }
0x44: {  	v1 =	vadd.s32 v3, v1;
	_ =	sdelay $0x3  }
0x45: {  	s15 =	simm.s32 $0x4100  }
0x46: {  	[tilespmem:s15], [sflag:$0x1] =	stream.indirect_vreg.gather [hbm4b:s3+s2], $0x80, v1, vm0, $0xb8;
	[tilespmem:$0x1C100] =	vst v63  }
0x47: {  	s18 =	simm.s32 $0x4900;
	v0 =	vperm.xlane v0, v4  }
0x48: {  	[tilespmem:s18], [sflag:$0x1] =	stream.indirect_vreg.gather [hbm4b:s7+s2], $0x80, v1, vm0, $0xb8;
	[tilespmem:$0x1C100] =	vst v63  }
0x49: {  	s19 =	simm.s32 $0x5100;
	v0 =	vadd.s32 v3, v0  }
0x4a: {  	[tilespmem:s19], [sflag:$0x1] =	stream.indirect_vreg.gather [hbm4b:s9+s2], $0x80, v1, vm0, $0xb8;
	[tilespmem:$0x1C100] =	vst v63  }
0x4b: {  	s14 =	simm.s32 $0x5900  }
0x4c: {  	[tilespmem:s14], [sflag:$0x1] =	stream.indirect_vreg.gather [hbm4b:s10+s2], $0x80, v1, vm0, $0xb8;
	[tilespmem:$0x1C100] =	vst v63  }
0x4d: {  	s15 =	simm.s32 $0x6100  }
0x4e: {  	[tilespmem:s15], [sflag:$0x1] =	stream.indirect_vreg.gather [hbm4b:s3+s2], $0x80, v0, vm0, $0xb8;
	[tilespmem:$0x1C100] =	vst v63  }
0x4f: {  	s18 =	simm.s32 $0x6900  }
0x50: {  	[tilespmem:s18], [sflag:$0x1] =	stream.indirect_vreg.gather [hbm4b:s7+s2], $0x80, v0, vm0, $0xb8;
	[tilespmem:$0x1C100] =	vst v63  }
0x51: {  	s19 =	simm.s32 $0x7100  }
0x52: {  	[tilespmem:s19], [sflag:$0x1] =	stream.indirect_vreg.gather [hbm4b:s9+s2], $0x80, v0, vm0, $0xb8;
	[tilespmem:$0x1C100] =	vst v63  }
0x53: {  	s14 =	simm.s32 $0x7900  }
0x54: {  	[tilespmem:s14], [sflag:$0x1] =	stream.indirect_vreg.gather [hbm4b:s10+s2], $0x80, v0, vm0, $0xb8;
	[tilespmem:$0x1C100] =	vst v63  }
0x55: {  	v0 =	vld [tilespmem:$0x80];
	_ =	sdelay $0x4  }
0x56: {  	v62 =	vshll.u32 v0, $0x3  }
0x57: {  	v0 =	vand.u32 $0x7, v0;
	v1 =	vand.u32 $0xFFFFFFC0, v62  }
0x58: {  	v0 =	vor.u32 v0, v1  }
0x59: {  	v1 =	vperm.xlane v0, v2;
	_ =	sdelay $0x1  }
0x5a: {  	v1 =	vadd.s32 v3, v1;
	_ =	sdelay $0x3  }
0x5b: {  	s15 =	simm.s32 $0x8100  }
0x5c: {  	[tilespmem:s15], [sflag:$0x2] =	stream.indirect_vreg.gather [hbm4b:s3+s2], $0x80, v1, vm0, $0xb8;
	[tilespmem:$0x1C100] =	vst v63  }
0x5d: {  	s18 =	simm.s32 $0x8900;
	v0 =	vperm.xlane v0, v4  }
0x5e: {  	[tilespmem:s18], [sflag:$0x2] =	stream.indirect_vreg.gather [hbm4b:s7+s2], $0x80, v1, vm0, $0xb8;
	[tilespmem:$0x1C100] =	vst v63  }
0x5f: {  	v0 =	vadd.s32 v3, v0  }
0x60: {  	[tilespmem:s20], [sflag:$0x2] =	stream.indirect_vreg.gather [hbm4b:s9+s2], $0x80, v1, vm0, $0xb8;
	[tilespmem:$0x1C100] =	vst v63  }
0x61: {  	_ = 	snop  }
0x62: {  	[tilespmem:s21], [sflag:$0x2] =	stream.indirect_vreg.gather [hbm4b:s10+s2], $0x80, v1, vm0, $0xb8;
	[tilespmem:$0x1C100] =	vst v63  }
0x63: {  	_ = 	snop  }
0x64: {  	[tilespmem:s22], [sflag:$0x2] =	stream.indirect_vreg.gather [hbm4b:s3+s2], $0x80, v0, vm0, $0xb8;
	[tilespmem:$0x1C100] =	vst v63  }
0x65: {  	_ = 	snop  }
0x66: {  	[tilespmem:s4], [sflag:$0x2] =	stream.indirect_vreg.gather [hbm4b:s7+s2], $0x80, v0, vm0, $0xb8;
	[tilespmem:$0x1C100] =	vst v63  }
0x67: {  	_ = 	snop  }
0x68: {  	[tilespmem:s23], [sflag:$0x2] =	stream.indirect_vreg.gather [hbm4b:s9+s2], $0x80, v0, vm0, $0xb8;
	[tilespmem:$0x1C100] =	vst v63  }
0x69: {  	_ = 	snop  }
0x6a: {  	[tilespmem:s5], [sflag:$0x2] =	stream.indirect_vreg.gather [hbm4b:s10+s2], $0x80, v0, vm0, $0xb8;
	[tilespmem:$0x1C100] =	vst v63  }
0x6b: {  	v0 =	vld [tilespmem:$0x90];
	_ =	sdelay $0x4  }
0x6c: {  	v63 =	vshll.u32 v0, $0x3  }
0x6d: {  	v0 =	vand.u32 $0x7, v0;
	v1 =	vand.u32 $0xFFFFFFC0, v63  }
0x6e: {  	v0 =	vor.u32 v0, v1  }
0x6f: {  	v1 =	vperm.xlane v0, v2;
	_ =	sdelay $0x1  }
0x70: {  	v1 =	vadd.s32 v3, v1;
	_ =	sdelay $0x4  }
0x71: {  	[tilespmem:s24], [sflag:$0x2] =	stream.indirect_vreg.gather [hbm4b:s3+s2], $0x80, v1, vm0, $0xb8;
	[tilespmem:$0x1C100] =	vst v63  }
0x72: {  	v0 =	vperm.xlane v0, v4  }
0x73: {  	[tilespmem:s6], [sflag:$0x2] =	stream.indirect_vreg.gather [hbm4b:s7+s2], $0x80, v1, vm0, $0xb8;
	[tilespmem:$0x1C100] =	vst v63  }
0x74: {  	v0 =	vadd.s32 v3, v0  }
0x75: {  	[tilespmem:s25], [sflag:$0x2] =	stream.indirect_vreg.gather [hbm4b:s9+s2], $0x80, v1, vm0, $0xb8;
	[tilespmem:$0x1C100] =	vst v63  }
0x76: {  	_ = 	snop  }
0x77: {  	[tilespmem:s26], [sflag:$0x2] =	stream.indirect_vreg.gather [hbm4b:s10+s2], $0x80, v1, vm0, $0xb8;
	[tilespmem:$0x1C100] =	vst v63  }
0x78: {  	_ = 	snop  }
0x79: {  	[tilespmem:s8], [sflag:$0x2] =	stream.indirect_vreg.gather [hbm4b:s3+s2], $0x80, v0, vm0, $0xb8;
	[tilespmem:$0x1C100] =	vst v63  }
0x7a: {  	_ = 	snop  }
0x7b: {  	[tilespmem:s28], [sflag:$0x2] =	stream.indirect_vreg.gather [hbm4b:s7+s2], $0x80, v0, vm0, $0xb8;
	[tilespmem:$0x1C100] =	vst v63  }
0x7c: {  	_ = 	snop  }
0x7d: {  	[tilespmem:s29], [sflag:$0x2] =	stream.indirect_vreg.gather [hbm4b:s9+s2], $0x80, v0, vm0, $0xb8;
	[tilespmem:$0x1C100] =	vst v63  }
0x7e: {  	_ = 	snop  }
0x7f: {  	[tilespmem:s30], [sflag:$0x2] =	stream.indirect_vreg.gather [hbm4b:s10+s2], $0x80, v0, vm0, $0xb8;
	[tilespmem:$0x1C100] =	vst v63  }
0x80: {  	s19 =	rddreg [dreg:$0x7]  }
0x81: {  	[tilespmem:s31], [sflag:$0x3] =	stream.linear.gather [hbm4b:s19+s2], $0x8000, $0x38;
	[tilespmem:$0x1C100] =	vst v63  }
0x82: {  	_ =	swait.ge [sflag:s16], $0x8000  }
0x83: {  	[sflag:s16] =	ssyncset.done $0x0  }
0x84: {  	[sflag:s16] =	ssyncadd.s32 $0xFFFF8000  }
0x85: {  	_ =	swait.ge [sflag:s11], $0x8000  }
0x86: {  	[sflag:s11] =	ssyncset.done $0x0  }
0x87: {  	[sflag:s11] =	ssyncadd.s32 $0xFFFF8000  }
0x88: {  	_ =	swait.ge [sflag:s0], $0x8000  }
0x89: {  	s13 =	simm.s32 $0x0;
	[sflag:s0] =	ssyncset.done $0x0  }
0x8a: {  	s14 =	simm.s32 $0x0;
	s18 =	simm.s32 $0x0;
	[sflag:s0] =	ssyncadd.s32 $0xFFFF8000  }
.LBB2_2:
0x8b: {  	v3 =	vld [tilespmem:s12+$0x0];
	s15 =	sand.u32 $0x6000, s18;
	s19 =	sand.u32 $0x380, s14  }
0x8c: {  	v4 =	vld [tilespmem:s17+$0x0];
	s19 =	sor.u32 s19, s15  }
0x8d: {  	v20 =	vld [tilespmem:s19+$0x10100]  }
0x8e: {  	v27 =	vld [tilespmem:s19+$0x100]  }
0x8f: {  	v28 =	vld [tilespmem:s19+$0x8100]  }
0x90: {  	v29 =	vld [tilespmem:s19+$0x10110]  }
0x91: {  	v30 =	vld [tilespmem:s19+$0x110]  }
0x92: {  	v34 =	vld [tilespmem:s19+$0x8110]  }
0x93: {  	v40 =	vld [tilespmem:s19+$0x10120]  }
0x94: {  	v41 =	vld [tilespmem:s19+$0x120]  }
0x95: {  	v44 =	vld [tilespmem:s19+$0x8120]  }
0x96: {  	v49 =	vld [tilespmem:s19+$0x10130]  }
0x97: {  	v59 =	vld [tilespmem:s19+$0x130]  }
0x98: {  	v10 =	vld [tilespmem:s19+$0x8130]  }
0x99: {  	v5 =	vld [tilespmem:s19+$0x10140]  }
0x9a: {  	v0 =	vld [tilespmem:s19+$0x140]  }
0x9b: {  	v11 =	vld [tilespmem:s19+$0x8140]  }
0x9c: {  	v7 =	vld [tilespmem:s19+$0x10150]  }
0x9d: {  	v1 =	vld [tilespmem:s19+$0x150]  }
0x9e: {  	v6 =	vld [tilespmem:s19+$0x8150]  }
0x9f: {  	v18 =	vld [tilespmem:s19+$0x10160]  }
0xa0: {  	v9 =	vld [tilespmem:s19+$0x160]  }
0xa1: {  	v19 =	vld [tilespmem:s19+$0x8160]  }
0xa2: {  	v13 =	vld [tilespmem:s19+$0x10170]  }
0xa3: {  	v2 =	vld [tilespmem:s19+$0x170]  }
0xa4: {  	v21 =	vld [tilespmem:s19+$0x8170]  }
0xa5: {  	v15 =	vld [tilespmem:s19+$0x10500]  }
0xa6: {  	v63 =	vld [tilespmem:s19+$0x8960]  }
0xa7: {  	v8 =	vld [tilespmem:s19+$0x500]  }
0xa8: {  	v14 =	vld [tilespmem:s19+$0x8500]  }
0xa9: {  	v32 =	vld [tilespmem:s19+$0x10510]  }
0xaa: {  	v17 =	vld [tilespmem:s19+$0x510]  }
0xab: {  	[tilespmem:$0x1FDB0] =	vst v63;
	v63 =	vld [tilespmem:s19+$0x10970]  }
0xac: {  	v33 =	vld [tilespmem:s19+$0x8510]  }
0xad: {  	v23 =	vld [tilespmem:s19+$0x10520]  }
0xae: {  	v12 =	vld [tilespmem:s19+$0x520]  }
0xaf: {  	v35 =	vld [tilespmem:s19+$0x8520]  }
0xb0: {  	[tilespmem:$0x1FDA0] =	vst v63;
	v63 =	vld [tilespmem:s19+$0x970]  }
0xb1: {  	v25 =	vld [tilespmem:s19+$0x10530]  }
0xb2: {  	v16 =	vld [tilespmem:s19+$0x530]  }
0xb3: {  	v24 =	vld [tilespmem:s19+$0x8530]  }
0xb4: {  	v43 =	vld [tilespmem:s19+$0x10540]  }
0xb5: {  	[tilespmem:$0x1FD60] =	vst v63;
	v63 =	vld [tilespmem:s19+$0x8970]  }
0xb6: {  	v31 =	vld [tilespmem:s19+$0x540]  }
0xb7: {  	v45 =	vld [tilespmem:s19+$0x8540]  }
0xb8: {  	v52 =	vld [tilespmem:s19+$0x10550]  }
0xb9: {  	v22 =	vld [tilespmem:s19+$0x550]  }
0xba: {  	[tilespmem:$0x1FDC0] =	vst v63;
	v63 =	vld [tilespmem:s19+$0x10D00]  }
0xbb: {  	v58 =	vld [tilespmem:s19+$0x8550]  }
0xbc: {  	v38 =	vld [tilespmem:s19+$0x10560]  }
0xbd: {  	v26 =	vld [tilespmem:s19+$0x560]  }
0xbe: {  	v39 =	vld [tilespmem:s19+$0x8560]  }
0xbf: {  	[tilespmem:$0x1FE00] =	vst v63;
	v63 =	vld [tilespmem:s19+$0xD00]  }
0xc0: {  	v56 =	vld [tilespmem:s19+$0x10570]  }
0xc1: {  	v42 =	vld [tilespmem:s19+$0x570]  }
0xc2: {  	v60 =	vld [tilespmem:s19+$0x8570]  }
0xc3: {  	v46 =	vld [tilespmem:s19+$0x10900]  }
0xc4: {  	[tilespmem:$0x1FDD0] =	vst v63;
	v63 =	vld [tilespmem:s19+$0x8D00]  }
0xc5: {  	v36 =	vld [tilespmem:s19+$0x900]  }
0xc6: {  	v53 =	vld [tilespmem:s19+$0x8900]  }
0xc7: {  	v50 =	vld [tilespmem:s19+$0x10910]  }
0xc8: {  	v37 =	vld [tilespmem:s19+$0x910]  }
0xc9: {  	[tilespmem:$0x1FE20] =	vst v63;
	v63 =	vld [tilespmem:s19+$0x10D10]  }
0xca: {  	v47 =	vld [tilespmem:s19+$0x8910]  }
0xcb: {  	v48 =	vld [tilespmem:s19+$0x10920]  }
0xcc: {  	v54 =	vld [tilespmem:s19+$0x920]  }
0xcd: {  	v62 =	vld [tilespmem:s19+$0x8920]  }
0xce: {  	[tilespmem:$0x1FE10] =	vst v63;
	v63 =	vld [tilespmem:s19+$0xD10]  }
0xcf: {  	v55 =	vld [tilespmem:s19+$0x10930]  }
0xd0: {  	v51 =	vld [tilespmem:s19+$0x8930]  }
0xd1: {  	v57 =	vld [tilespmem:s19+$0x10940]  }
0xd2: {  	v61 =	vld [tilespmem:s19+$0x10950]  }
0xd3: {  	[tilespmem:$0x1FDE0] =	vst v63;
	v63 =	vld [tilespmem:s19+$0x8D10]  }
0xd4: {  	[tilespmem:$0x1FD20] =	vst v48;
	v48 =	vld [tilespmem:s19+$0x930]  }
0xd5: {  	[tilespmem:$0x1FD40] =	vst v51;
	v51 =	vld [tilespmem:s19+$0x940]  }
0xd6: {  	[tilespmem:$0x1FD30] =	vst v62;
	v62 =	vld [tilespmem:s19+$0x8940];
	v27 =	vmul.f32 v27, v3;
	v30 =	vmul.f32 v30, v3  }
0xd7: {  	[tilespmem:$0x1FD70] =	vst v61;
	v61 =	vld [tilespmem:s19+$0x950];
	v41 =	vmul.f32 v41, v3;
	v2 =	vmul.f32 v2, v3  }
0xd8: {  	v20 =	vadd.f32 v27, v20;
	v27 =	vadd.f32 v30, v29;
	v30 =	vmul.f32 v34, v4;
	[tilespmem:$0x1FE40] =	vst v63;
	v63 =	vld [tilespmem:s19+$0x10D20]  }
0xd9: {  	v34 =	vmul.f32 v44, v4;
	v44 =	vmul.f32 v59, v3;
	v59 =	vld [tilespmem:s19+$0x11120]  }
0xda: {  	v1 =	vmul.f32 v1, v3;
	v29 =	vadd.f32 v41, v40;
	v41 =	vmul.f32 v10, v4;
	v10 =	vld [tilespmem:s19+$0x11130]  }
0xdb: {  	v2 =	vadd.f32 v2, v13;
	v13 =	vld [tilespmem:s19+$0x9140]  }
0xdc: {  	v28 =	vmul.f32 v28, v4;
	v1 =	vadd.f32 v1, v7;
	v7 =	vld [tilespmem:s19+$0x1510]  }
0xdd: {  	[tilespmem:$0x1FE30] =	vst v63;
	v63 =	vld [tilespmem:s19+$0xD20]  }
0xde: {  	v20 =	vadd.f32 v28, v20;
	v28 =	vld [tilespmem:s19+$0x1120]  }
0xdf: {  	v40 =	vadd.f32 v44, v49;
	v44 =	vld [tilespmem:s19+$0x9120]  }
0xe0: {  	v27 =	vadd.f32 v30, v27;
	v30 =	vadd.f32 v34, v29;
	v29 =	vld [tilespmem:s19+$0x9130]  }
0xe1: {  	v6 =	vmul.f32 v6, v4;
	[tilespmem:$0x1FD50] =	vst v61;
	v61 =	vld [tilespmem:s19+$0x8950]  }
0xe2: {  	v0 =	vmul.f32 v0, v3;
	v49 =	vmul.f32 v11, v4;
	[tilespmem:$0x1FDF0] =	vst v63;
	v63 =	vld [tilespmem:s19+$0x8D20]  }
0xe3: {  	v1 =	vadd.f32 v6, v1;
	v34 =	vmul.f32 v8, v3;
	v11 =	vadd.f32 v41, v40;
	v40 =	vld [tilespmem:s19+$0x1130]  }
0xe4: {  	v0 =	vadd.f32 v0, v5;
	v41 =	vmul.f32 v19, v4;
	v19 =	vmul.f32 v12, v3;
	v12 =	vld [tilespmem:s19+$0x11150]  }
0xe5: {  	[tilespmem:s19+$0x10150] =	vst v1;
	v1 =	vld [tilespmem:s19+$0x11520]  }
0xe6: {  	[tilespmem:$0x1FFA0] =	vst v59;
	v59 =	vmul.f32 v9, v3;
	v9 =	vadd.f32 v49, v0;
	v0 =	vadd.f32 v34, v15;
	v34 =	vld [tilespmem:s19+$0x1140]  }
0xe7: {  	v49 =	vmul.f32 v21, v4;
	[tilespmem:$0x1FE50] =	vst v63;
	v63 =	vld [tilespmem:s19+$0x10D30]  }
0xe8: {  	[tilespmem:$0x1FFB0] =	vst v44;
	v44 =	vld [tilespmem:s19+$0x11140]  }
0xe9: {  	v15 =	vadd.f32 v49, v2;
	v49 =	vld [tilespmem:s19+$0x1150]  }
0xea: {  	v5 =	vadd.f32 v59, v18;
	[tilespmem:s19+$0x10140] =	vst v9;
	v9 =	vld [tilespmem:s19+$0x1520]  }
0xeb: {  	v59 =	vmul.f32 v14, v4;
	v18 =	vmul.f32 v17, v3;
	[tilespmem:$0x1FD90] =	vst v61;
	v61 =	vld [tilespmem:s19+$0x10960]  }
0xec: {  	v21 =	vmul.f32 v16, v3;
	v6 =	vadd.f32 v41, v5;
	[tilespmem:$0x1FE90] =	vst v63;
	v63 =	vld [tilespmem:s19+$0xD30]  }
0xed: {  	v8 =	vadd.f32 v59, v0;
	v2 =	vadd.f32 v18, v32;
	v59 =	vmul.f32 v35, v4;
	v41 =	vld [tilespmem:s19+$0x9150]  }
0xee: {  	v32 =	vadd.f32 v19, v23;
	v23 =	vmul.f32 v31, v3;
	v31 =	vmul.f32 v45, v4;
	v45 =	vld [tilespmem:s19+$0x9170]  }
0xef: {  	v35 =	vmul.f32 v42, v3;
	v42 =	vmul.f32 v60, v4;
	v60 =	vld [tilespmem:s19+$0x9500]  }
0xf0: {  	v5 =	vld [tilespmem:s19+$0x11510]  }
0xf1: {  	v0 =	vadd.f32 v21, v25;
	v21 =	vmul.f32 v24, v4;
	v24 =	vmul.f32 v22, v3;
	[tilespmem:$0x1FE60] =	vst v63;
	v63 =	vld [tilespmem:s19+$0x8D30]  }
0xf2: {  	v14 =	vadd.f32 v59, v32;
	v59 =	vld [tilespmem:s19+$0x1160]  }
0xf3: {  	v25 =	vmul.f32 v26, v3;
	v26 =	vadd.f32 v24, v52;
	v52 =	vld [tilespmem:s19+$0x9160]  }
0xf4: {  	v32 =	vmul.f32 v58, v4;
	v58 =	vld [tilespmem:s19+$0x1170]  }
0xf5: {  	[tilespmem:s19+$0x10160] =	vst v6;
	v6 =	vld [tilespmem:s19+$0x9520]  }
0xf6: {  	[tilespmem:$0x1FEB0] =	vst v63;
	v63 =	vld [tilespmem:s19+$0x10D40]  }
0xf7: {  	v36 =	vmul.f32 v36, v3;
	[tilespmem:s19+$0x10500] =	vst v8;
	v8 =	vld [tilespmem:s19+$0x11530]  }
0xf8: {  	v16 =	vadd.f32 v21, v0;
	v0 =	vadd.f32 v25, v38;
	v38 =	vmul.f32 v37, v3;
	[tilespmem:$0x1FD80] =	vst v61;
	v61 =	vld [tilespmem:s19+$0x960]  }
0xf9: {  	[tilespmem:$0x1FFC0] =	vst v44;
	v44 =	vmul.f32 v33, v4;
	v18 =	vadd.f32 v32, v26;
	v32 =	vld [tilespmem:$0x1FD20]  }
0xfa: {  	v33 =	vmul.f32 v39, v4;
	v39 =	vadd.f32 v36, v46;
	v46 =	vadd.f32 v38, v50;
	v38 =	vld [tilespmem:$0x1FD40]  }
0xfb: {  	[tilespmem:$0x1FEA0] =	vst v63;
	v63 =	vld [tilespmem:s19+$0xD40]  }
0xfc: {  	v17 =	vadd.f32 v44, v2;
	v44 =	vld [tilespmem:s19+$0x11160]  }
0xfd: {  	[tilespmem:s19+$0x10110] =	vst v27;
	v27 =	vmul.f32 v48, v3;
	v2 =	vadd.f32 v23, v43;
	v43 =	vld [tilespmem:s19+$0x11170]  }
0xfe: {  	v19 =	vadd.f32 v33, v0;
	v0 =	vld [tilespmem:s19+$0x1500]  }
0xff: {  	v7 =	vmul.f32 v7, v3;
	v33 =	vadd.f32 v27, v55;
	v55 =	vld [tilespmem:$0x1FD80]  }
0x100: {  	v9 =	vmul.f32 v9, v3;
	[tilespmem:$0x1FE70] =	vst v63;
	v63 =	vld [tilespmem:s19+$0x8D40]  }
0x101: {  	v50 =	vmul.f32 v53, v4;
	v53 =	vmul.f32 v47, v4;
	v5 =	vadd.f32 v7, v5;
	v7 =	vld [tilespmem:s19+$0x11930]  }
0x102: {  	v1 =	vadd.f32 v9, v1;
	v9 =	vld [tilespmem:s19+$0x11940]  }
0x103: {  	[tilespmem:s19+$0x10100] =	vst v20;
	v20 =	vadd.f32 v53, v46;
	v46 =	vld [tilespmem:$0x1FD50]  }
0x104: {  	v22 =	vadd.f32 v50, v39;
	v50 =	vld [tilespmem:$0x1FD60]  }
0x105: {  	[tilespmem:$0x1FED0] =	vst v63;
	v63 =	vld [tilespmem:s19+$0x10D50]  }
0x106: {  	v53 =	vld [tilespmem:$0x1FD70]  }
0x107: {  	v21 =	vadd.f32 v31, v2;
	v2 =	vadd.f32 v35, v56;
	v56 =	vld [tilespmem:s19+$0x11500]  }
0x108: {  	v35 =	vld [tilespmem:$0x1FD30]  }
0x109: {  	v24 =	vadd.f32 v42, v2;
	v2 =	vld [tilespmem:s19+$0x9510]  }
0x10a: {  	v31 =	vmul.f32 v51, v3;
	[tilespmem:$0x1FEC0] =	vst v63;
	v63 =	vld [tilespmem:s19+$0xD50]  }
0x10b: {  	v26 =	vmul.f32 v54, v3;
	v48 =	vmul.f32 v61, v3;
	v61 =	vld [tilespmem:$0x1FD90]  }
0x10c: {  	v37 =	vadd.f32 v31, v57;
	v39 =	vmul.f32 v38, v4;
	v31 =	vld [tilespmem:s19+$0x9530]  }
0x10d: {  	[tilespmem:s19+$0x10130] =	vst v11;
	v11 =	vadd.f32 v26, v32;
	v32 =	vld [tilespmem:s19+$0x11540]  }
0x10e: {  	v42 =	vmul.f32 v62, v4;
	v23 =	vadd.f32 v39, v33;
	v33 =	vld [tilespmem:$0x1FDA0]  }
0x10f: {  	[tilespmem:$0x1FE80] =	vst v63;
	v63 =	vld [tilespmem:s19+$0x8D50]  }
0x110: {  	v0 =	vmul.f32 v0, v3;
	v25 =	vadd.f32 v42, v37;
	v37 =	vld [tilespmem:$0x1FDC0]  }
0x111: {  	v47 =	vmul.f32 v46, v3;
	v36 =	vmul.f32 v35, v4;
	v35 =	vld [tilespmem:$0x1FDB0]  }
0x112: {  	v0 =	vadd.f32 v0, v56;
	v56 =	vld [tilespmem:s19+$0x9960]  }
0x113: {  	v54 =	vadd.f32 v47, v53;
	v47 =	vld [tilespmem:$0x1FE00]  }
0x114: {  	[tilespmem:$0x1FEE0] =	vst v63;
	v63 =	vld [tilespmem:s19+$0x10D60]  }
0x115: {  	v39 =	vld [tilespmem:$0x1FDD0]  }
0x116: {  	v57 =	vadd.f32 v48, v55;
	v48 =	vld [tilespmem:$0x1FE10]  }
0x117: {  	v42 =	vld [tilespmem:$0x1FDE0]  }
0x118: {  	v46 =	vld [tilespmem:$0x1FDF0]  }
0x119: {  	v51 =	vmul.f32 v50, v3;
	[tilespmem:$0x1FF20] =	vst v63;
	v63 =	vld [tilespmem:s19+$0xD60]  }
0x11a: {  	[tilespmem:s19+$0x10120] =	vst v30;
	v53 =	vld [tilespmem:$0x1FE40]  }
0x11b: {  	[tilespmem:s19+$0x10170] =	vst v15;
	v62 =	vmul.f32 v61, v4;
	v27 =	vadd.f32 v51, v33;
	v51 =	vld [tilespmem:$0x1FE30]  }
0x11c: {  	[tilespmem:s19+$0x10520] =	vst v14;
	v11 =	vadd.f32 v36, v11;
	v38 =	vmul.f32 v37, v4;
	v33 =	vld [tilespmem:s19+$0x1530]  }
0x11d: {  	[tilespmem:s19+$0x10510] =	vst v17;
	v15 =	vadd.f32 v62, v54;
	v37 =	vld [tilespmem:s19+$0x9540];
	v36 =	vmul.f32 v35, v4;
	v17 =	vmul.f32 v39, v3  }
0x11e: {  	v26 =	vadd.f32 v38, v27;
	v30 =	vmul.f32 v42, v3;
	v27 =	vmul.f32 v46, v3;
	[tilespmem:$0x1FEF0] =	vst v63;
	v63 =	vld [tilespmem:s19+$0x8D60]  }
0x11f: {  	[tilespmem:s19+$0x10530] =	vst v16;
	v14 =	vadd.f32 v36, v57;
	v16 =	vadd.f32 v17, v47;
	v54 =	vld [tilespmem:$0x1FE50]  }
0x120: {  	[tilespmem:s19+$0x10540] =	vst v21;
	v36 =	vld [tilespmem:s19+$0x1540];
	v17 =	vadd.f32 v30, v48;
	v21 =	vadd.f32 v27, v51;
	v27 =	vmul.f32 v53, v4  }
0x121: {  	v50 =	vld [tilespmem:$0x1FE20]  }
0x122: {  	v17 =	vadd.f32 v27, v17;
	v27 =	vld [tilespmem:s19+$0x11550]  }
0x123: {  	[tilespmem:$0x1FF30] =	vst v63;
	v63 =	vld [tilespmem:s19+$0x10D70]  }
0x124: {  	v35 =	vmul.f32 v54, v4;
	v57 =	vld [tilespmem:$0x1FE70]  }
0x125: {  	v62 =	vld [tilespmem:$0x1FE90]  }
0x126: {  	[tilespmem:s19+$0x10560] =	vst v19;
	v19 =	vadd.f32 v35, v21;
	v35 =	vld [tilespmem:$0x1FEA0]  }
0x127: {  	v30 =	vmul.f32 v50, v4;
	v55 =	vld [tilespmem:$0x1FE60]  }
0x128: {  	[tilespmem:$0x1FF40] =	vst v63;
	v63 =	vld [tilespmem:s19+$0xD70]  }
0x129: {  	v16 =	vadd.f32 v30, v16;
	v38 =	vld [tilespmem:$0x1FEB0];
	v30 =	vmul.f32 v57, v3  }
0x12a: {  	v42 =	vld [tilespmem:$0x1FED0]  }
0x12b: {  	[tilespmem:s19+$0x10570] =	vst v24;
	v24 =	vadd.f32 v30, v35;
	v35 =	vld [tilespmem:s19+$0x1550]  }
0x12c: {  	v61 =	vld [tilespmem:$0x1FE80]  }
0x12d: {  	[tilespmem:$0x1FF00] =	vst v63;
	v63 =	vld [tilespmem:s19+$0x8D70]  }
0x12e: {  	v39 =	vld [tilespmem:$0x1FEC0]  }
0x12f: {  	[tilespmem:s19+$0x10900] =	vst v22;
	v22 =	vmul.f32 v42, v4;
	v46 =	vld [tilespmem:$0x1FEE0]  }
0x130: {  	v42 =	vld [tilespmem:s19+$0x11560]  }
0x131: {  	[tilespmem:s19+$0x10920] =	vst v11;
	v11 =	vadd.f32 v22, v24;
	v24 =	vld [tilespmem:s19+$0x1560];
	v21 =	vmul.f32 v61, v3  }
0x132: {  	[tilespmem:$0x1FF50] =	vst v63;
	v63 =	vld [tilespmem:s19+$0x11100]  }
0x133: {  	v21 =	vadd.f32 v21, v39;
	v39 =	vld [tilespmem:s19+$0x9550]  }
0x134: {  	v30 =	vmul.f32 v38, v4;
	v38 =	vmul.f32 v46, v4;
	v51 =	vld [tilespmem:$0x1FF20]  }
0x135: {  	v47 =	vld [tilespmem:$0x1FEF0]  }
0x136: {  	v21 =	vadd.f32 v38, v21;
	v38 =	vld [tilespmem:s19+$0x9560]  }
0x137: {  	[tilespmem:$0x1FF60] =	vst v63;
	v63 =	vld [tilespmem:s19+$0x1100]  }
0x138: {  	v53 =	vld [tilespmem:$0x1FF30]  }
0x139: {  	[tilespmem:s19+$0x10550] =	vst v18;
	v48 =	vld [tilespmem:$0x1FF00]  }
0x13a: {  	[tilespmem:s19+$0x10910] =	vst v20;
	v18 =	vmul.f32 v55, v3;
	v20 =	vmul.f32 v47, v3;
	v47 =	vld [tilespmem:s19+$0x11570]  }
0x13b: {  	v54 =	vld [tilespmem:$0x1FF40]  }
0x13c: {  	v18 =	vadd.f32 v18, v62;
	[tilespmem:$0x1FF10] =	vst v63;
	v63 =	vld [tilespmem:s19+$0x9100]  }
0x13d: {  	[tilespmem:s19+$0x10970] =	vst v26;
	v26 =	vld [tilespmem:s19+$0x9910]  }
0x13e: {  	v18 =	vadd.f32 v30, v18;
	v30 =	vmul.f32 v48, v3;
	v55 =	vld [tilespmem:$0x1FF50]  }
0x13f: {  	v48 =	vmul.f32 v28, v3;
	v28 =	vld [tilespmem:s19+$0x1570]  }
0x140: {  	v30 =	vadd.f32 v30, v54;
	v54 =	vld [tilespmem:$0x1FFA0]  }
0x141: {  	[tilespmem:$0x1FF70] =	vst v63;
	v63 =	vld [tilespmem:s19+$0x11110]  }
0x142: {  	v57 =	vld [tilespmem:$0x1FF60]  }
0x143: {  	[tilespmem:s19+$0x10940] =	vst v25;
	v25 =	vmul.f32 v55, v4;
	v55 =	vld [tilespmem:$0x1FFB0]  }
0x144: {  	[tilespmem:s19+$0x10930] =	vst v23;
	v50 =	vld [tilespmem:$0x1FF10]  }
0x145: {  	[tilespmem:s19+$0x10960] =	vst v14;
	v14 =	vadd.f32 v25, v30;
	v30 =	vld [tilespmem:s19+$0x9570]  }
0x146: {  	v20 =	vadd.f32 v20, v51;
	v23 =	vmul.f32 v53, v4;
	[tilespmem:$0x1FF90] =	vst v63;
	v63 =	vld [tilespmem:s19+$0x1110]  }
0x147: {  	v13 =	vmul.f32 v13, v4;
	v6 =	vmul.f32 v6, v4;
	[tilespmem:s19+$0x10950] =	vst v15;
	v61 =	vld [tilespmem:$0x1FF70]  }
0x148: {  	v2 =	vmul.f32 v2, v4;
	v15 =	vadd.f32 v23, v20;
	[tilespmem:s19+$0x10D00] =	vst v16;
	v23 =	vadd.f32 v48, v54;
	v48 =	vld [tilespmem:$0x1FFC0]  }
0x149: {  	v54 =	vld [tilespmem:s19+$0x1920];
	[tilespmem:s19+$0x10D10] =	vst v17;
	v22 =	vmul.f32 v50, v3;
	v50 =	vmul.f32 v40, v3  }
0x14a: {  	v1 =	vadd.f32 v6, v1;
	v25 =	vmul.f32 v37, v4;
	v37 =	vld [tilespmem:s19+$0x11950];
	v16 =	vmul.f32 v55, v4;
	[tilespmem:s19+$0x10D20] =	vst v19  }
0x14b: {  	v22 =	vadd.f32 v22, v57;
	v10 =	vadd.f32 v50, v10;
	v57 =	vmul.f32 v29, v4;
	[tilespmem:$0x1FF80] =	vst v63;
	v63 =	vld [tilespmem:s19+$0x9110]  }
0x14c: {  	v16 =	vadd.f32 v16, v23;
	v50 =	vmul.f32 v41, v4;
	v46 =	vmul.f32 v61, v4;
	[tilespmem:s19+$0x10D30] =	vst v18;
	v62 =	vld [tilespmem:$0x1FF80]  }
0x14d: {  	v23 =	vld [tilespmem:s19+$0x11910];
	v41 =	vmul.f32 v39, v4;
	v10 =	vadd.f32 v57, v10;
	v57 =	vmul.f32 v45, v4;
	[tilespmem:s19+$0x10D40] =	vst v11  }
0x14e: {  	v45 =	vmul.f32 v30, v4;
	v51 =	vld [tilespmem:$0x1FF90];
	v22 =	vadd.f32 v46, v22;
	v46 =	vmul.f32 v59, v3;
	[tilespmem:s19+$0x10D50] =	vst v21  }
0x14f: {  	v2 =	vadd.f32 v2, v5;
	v40 =	vld [tilespmem:s19+$0x11900];
	v59 =	vmul.f32 v33, v3;
	v33 =	vmul.f32 v24, v3;
	[tilespmem:s19+$0x10D60] =	vst v15  }
0x150: {  	v29 =	vld [tilespmem:s19+$0x1900];
	v19 =	vadd.f32 v46, v44;
	[tilespmem:s19+$0x10D70] =	vst v14;
	v53 =	vmul.f32 v63, v4;
	v63 =	vmul.f32 v49, v3  }
0x151: {  	v24 =	vld [tilespmem:s19+$0x9970];
	[tilespmem:s19+$0x11100] =	vst v22;
	v8 =	vadd.f32 v59, v8;
	v20 =	vmul.f32 v62, v3;
	v62 =	vmul.f32 v34, v3  }
0x152: {  	[tilespmem:s19+$0x11120] =	vst v16;
	v44 =	vmul.f32 v38, v4;
	v49 =	vld [tilespmem:s19+$0x1910];
	v12 =	vadd.f32 v63, v12;
	v63 =	vmul.f32 v31, v4  }
0x153: {  	[tilespmem:s19+$0x11130] =	vst v10;
	v46 =	vld [tilespmem:s19+$0x9950];
	v20 =	vadd.f32 v20, v51;
	v18 =	vadd.f32 v62, v48;
	v51 =	vmul.f32 v52, v4  }
0x154: {  	v21 =	vld [tilespmem:s19+$0x11920];
	[tilespmem:s19+$0x11510] =	vst v2;
	v52 =	vmul.f32 v58, v3;
	v11 =	vadd.f32 v50, v12;
	v8 =	vadd.f32 v63, v8  }
0x155: {  	[tilespmem:s19+$0x11520] =	vst v1;
	v34 =	vld [tilespmem:s19+$0x9900];
	v58 =	vmul.f32 v60, v4;
	v61 =	vadd.f32 v53, v20;
	v13 =	vadd.f32 v13, v18  }
0x156: {  	v60 =	vld [tilespmem:s19+$0x1930];
	v48 =	vmul.f32 v29, v3;
	v53 =	vadd.f32 v51, v19;
	v55 =	vadd.f32 v52, v43;
	[tilespmem:s19+$0x11150] =	vst v11  }
0x157: {  	v19 =	vld [tilespmem:s19+$0x9920];
	v0 =	vadd.f32 v58, v0;
	v49 =	vmul.f32 v49, v3;
	v52 =	vmul.f32 v54, v3;
	[tilespmem:s19+$0x11530] =	vst v8  }
0x158: {  	v62 =	vld [tilespmem:s19+$0x9930];
	v58 =	vmul.f32 v26, v4;
	v11 =	vadd.f32 v33, v42;
	v33 =	vmul.f32 v46, v4;
	[tilespmem:s19+$0x11110] =	vst v61  }
0x159: {  	v43 =	vld [tilespmem:s19+$0x1950];
	v14 =	vadd.f32 v57, v55;
	v61 =	vmul.f32 v36, v3;
	[tilespmem:s19+$0x11140] =	vst v13;
	v36 =	vmul.f32 v28, v3  }
0x15a: {  	v31 =	vld [tilespmem:s19+$0x1940];
	[tilespmem:s19+$0x11500] =	vst v0;
	v54 =	vadd.f32 v49, v23;
	v57 =	vmul.f32 v34, v4;
	v0 =	vadd.f32 v44, v11  }
0x15b: {  	v59 =	vld [tilespmem:s19+$0x1970];
	[tilespmem:s19+$0x11160] =	vst v53;
	v55 =	vmul.f32 v60, v3;
	v5 =	vadd.f32 v61, v32;
	v32 =	vmul.f32 v35, v3  }
0x15c: {  	v53 =	vld [tilespmem:s19+$0x1960];
	[tilespmem:s19+$0x11170] =	vst v14;
	v10 =	vadd.f32 v36, v47;
	v60 =	vmul.f32 v19, v4;
	v19 =	vadd.f32 v58, v54  }
0x15d: {  	v35 =	vld [tilespmem:s19+$0x9940];
	v61 =	vmul.f32 v62, v4;
	v7 =	vadd.f32 v55, v7;
	[tilespmem:s19+$0x11560] =	vst v0;
	v5 =	vadd.f32 v25, v5  }
0x15e: {  	v50 =	vld [tilespmem:s19+$0x11960];
	v28 =	vmul.f32 v43, v3;
	v6 =	vadd.f32 v32, v27;
	v51 =	vadd.f32 v45, v10;
	[tilespmem:s19+$0x11910] =	vst v19  }
0x15f: {  	v23 =	vmul.f32 v31, v3;
	v62 =	vld [tilespmem:s19+$0x11970];
	v10 =	vadd.f32 v52, v21;
	v27 =	vadd.f32 v61, v7;
	[tilespmem:s19+$0x11540] =	vst v5  }
0x160: {  	v34 =	vmul.f32 v59, v3;
	v32 =	vadd.f32 v28, v37;
	v47 =	vadd.f32 v41, v6;
	[tilespmem:s19+$0x11570] =	vst v51  }
0x161: {  	v31 =	vmul.f32 v53, v3;
	v6 =	vadd.f32 v48, v40;
	v26 =	vadd.f32 v60, v10;
	[tilespmem:s19+$0x11930] =	vst v27  }
0x162: {  	v29 =	vadd.f32 v23, v9;
	v30 =	vmul.f32 v35, v4;
	v37 =	vadd.f32 v33, v32;
	[tilespmem:s19+$0x11550] =	vst v47  }
0x163: {  	v36 =	vmul.f32 v56, v4;
	v35 =	vadd.f32 v31, v50;
	v63 =	vadd.f32 v57, v6;
	[tilespmem:s19+$0x11920] =	vst v26  }
0x164: {  	v39 =	vmul.f32 v24, v4;
	v38 =	vadd.f32 v34, v62;
	v0 =	vadd.f32 v30, v29;
	[tilespmem:s19+$0x11950] =	vst v37  }
0x165: {  	s15 =	sand.u32 $0x7, s13;
	v40 =	vadd.f32 v36, v35;
	[tilespmem:s19+$0x11900] =	vst v63  }
0x166: {  	s15 =	sshll.u32 s15, $0x7;
	v41 =	vadd.f32 v39, v38;
	[tilespmem:s19+$0x11940] =	vst v0  }
0x167: {  	s15 =	sadd.s32 s15, s18;
	[tilespmem:s19+$0x11960] =	vst v40  }
0x168: {  	[tilespmem:s19+$0x11970] =	vst v41;
	s19 =	sor.u32 $0x1C00, s15  }
0x169: {  	v0 =	vld [tilespmem:s19+$0x100]  }
0x16a: {  	v1 =	vld [tilespmem:s19+$0x10100]  }
0x16b: {  	v2 =	vld [tilespmem:s19+$0x8100];
	_ =	sdelay $0x2  }
0x16c: {  	v0 =	vmul.f32 v0, v3;
	_ =	sdelay $0x1  }
0x16d: {  	v42 =	vmul.f32 v2, v4;
	v0 =	vadd.f32 v0, v1;
	_ =	sdelay $0x1  }
0x16e: {  	v0 =	vadd.f32 v42, v0;
	_ =	sdelay $0x1  }
0x16f: {  	[tilespmem:s19+$0x10100] =	vst v0;
	s19 =	sor.u32 $0x1C10, s15  }
0x170: {  	v0 =	vld [tilespmem:s19+$0x100]  }
0x171: {  	v43 =	vld [tilespmem:s19+$0x10100]  }
0x172: {  	v44 =	vld [tilespmem:s19+$0x8100];
	_ =	sdelay $0x2  }
0x173: {  	v0 =	vmul.f32 v0, v3;
	_ =	sdelay $0x1  }
0x174: {  	v45 =	vmul.f32 v44, v4;
	v0 =	vadd.f32 v0, v43;
	_ =	sdelay $0x1  }
0x175: {  	v0 =	vadd.f32 v45, v0;
	_ =	sdelay $0x1  }
0x176: {  	[tilespmem:s19+$0x10100] =	vst v0;
	s19 =	sor.u32 $0x1C20, s15  }
0x177: {  	v0 =	vld [tilespmem:s19+$0x100]  }
0x178: {  	v46 =	vld [tilespmem:s19+$0x10100]  }
0x179: {  	v47 =	vld [tilespmem:s19+$0x8100];
	_ =	sdelay $0x2  }
0x17a: {  	v0 =	vmul.f32 v0, v3;
	_ =	sdelay $0x1  }
0x17b: {  	v48 =	vmul.f32 v47, v4;
	v0 =	vadd.f32 v0, v46;
	_ =	sdelay $0x1  }
0x17c: {  	v0 =	vadd.f32 v48, v0;
	_ =	sdelay $0x1  }
0x17d: {  	[tilespmem:s19+$0x10100] =	vst v0;
	s19 =	sor.u32 $0x1C30, s15  }
0x17e: {  	v0 =	vld [tilespmem:s19+$0x100]  }
0x17f: {  	v49 =	vld [tilespmem:s19+$0x10100]  }
0x180: {  	v50 =	vld [tilespmem:s19+$0x8100];
	_ =	sdelay $0x2  }
0x181: {  	v0 =	vmul.f32 v0, v3;
	_ =	sdelay $0x1  }
0x182: {  	v51 =	vmul.f32 v50, v4;
	v0 =	vadd.f32 v0, v49;
	_ =	sdelay $0x1  }
0x183: {  	v0 =	vadd.f32 v51, v0;
	_ =	sdelay $0x1  }
0x184: {  	[tilespmem:s19+$0x10100] =	vst v0;
	s19 =	sor.u32 $0x1C40, s15  }
0x185: {  	v0 =	vld [tilespmem:s19+$0x100]  }
0x186: {  	v52 =	vld [tilespmem:s19+$0x10100]  }
0x187: {  	v53 =	vld [tilespmem:s19+$0x8100];
	_ =	sdelay $0x2  }
0x188: {  	v0 =	vmul.f32 v0, v3;
	_ =	sdelay $0x1  }
0x189: {  	v54 =	vmul.f32 v53, v4;
	v0 =	vadd.f32 v0, v52;
	_ =	sdelay $0x1  }
0x18a: {  	v0 =	vadd.f32 v54, v0;
	_ =	sdelay $0x1  }
0x18b: {  	[tilespmem:s19+$0x10100] =	vst v0;
	s19 =	sor.u32 $0x1C50, s15  }
0x18c: {  	v0 =	vld [tilespmem:s19+$0x100]  }
0x18d: {  	v55 =	vld [tilespmem:s19+$0x10100]  }
0x18e: {  	v56 =	vld [tilespmem:s19+$0x8100];
	_ =	sdelay $0x2  }
0x18f: {  	v0 =	vmul.f32 v0, v3;
	_ =	sdelay $0x1  }
0x190: {  	v57 =	vmul.f32 v56, v4;
	v0 =	vadd.f32 v0, v55;
	_ =	sdelay $0x1  }
0x191: {  	v0 =	vadd.f32 v57, v0;
	_ =	sdelay $0x1  }
0x192: {  	[tilespmem:s19+$0x10100] =	vst v0;
	s19 =	sor.u32 $0x1C60, s15  }
0x193: {  	v0 =	vld [tilespmem:s19+$0x100]  }
0x194: {  	v58 =	vld [tilespmem:s19+$0x10100]  }
0x195: {  	v59 =	vld [tilespmem:s19+$0x8100];
	_ =	sdelay $0x2  }
0x196: {  	v0 =	vmul.f32 v0, v3;
	_ =	sdelay $0x1  }
0x197: {  	v60 =	vmul.f32 v59, v4;
	v0 =	vadd.f32 v0, v58;
	_ =	sdelay $0x1  }
0x198: {  	v0 =	vadd.f32 v60, v0;
	_ =	sdelay $0x1  }
0x199: {  	s15 =	sor.u32 $0x1C70, s15;
	[tilespmem:s19+$0x10100] =	vst v0  }
0x19a: {  	v0 =	vld [tilespmem:s15+$0x100]  }
0x19b: {  	v61 =	vld [tilespmem:s15+$0x10100]  }
0x19c: {  	v62 =	vld [tilespmem:s15+$0x8100];
	_ =	sdelay $0x2  }
0x19d: {  	v0 =	vmul.f32 v0, v3  }
0x19e: {  	p0 =	sne.s32 s14, $0xF80  }
.Ltmp0:
0x19f: {  	v63 =	vmul.f32 v62, v4;
	v0 =	vadd.f32 v0, v61;
	(pc) =	sbr.rel @p0 .LBB2_2-.Ltmp0, $4  }
0x1a0: {  	_ = 	snop  }
0x1a1: {  	v0 =	vadd.f32 v63, v0  }
0x1a2: {  	s12 =	sadd.s32 $0x80, s12;
	s17 =	sadd.s32 $0x80, s17  }
0x1a3: {  	s14 =	sadd.s32 $0x80, s14;
	s13 =	sadd.s32 $0x1, s13;
	s18 =	sadd.s32 $0x400, s18;
	[tilespmem:s15+$0x10100] =	vst v0  }
0x1a4: {  	s12 =	simm.s32 $0x0;
	s13 =	rddreg [dreg:$0x8]  }
0x1a5: {  	[hbm4b:s13+s12] =	stream.linear.scatter [tilespmem:s31], [sflag:$0x3], $0x8000, $0x38;
	[tilespmem:$0x1C100] =	vst v63  }
0x1a6: {  	_ =	swait.ge [sflag:s16], $0x8000  }
0x1a7: {  	[sflag:s16] =	ssyncset.done $0x0  }
0x1a8: {  	[sflag:s16] =	ssyncadd.s32 $0xFFFF8000  }
0x1a9: {  	v0 =	vld [tilespmem:$0x20];
	_ =	sdelay $0x2  }
0x1aa: {  	v2 =	vld [tilespmem:$0x1FFD0];
	_ =	sdelay $0x1  }
0x1ab: {  	v3 =	vld [tilespmem:$0x1FFE0];
	v1 =	vshll.u32 v0, $0x3  }
0x1ac: {  	v0 =	vand.u32 $0x7, v0;
	v1 =	vand.u32 $0xFFFFFFC0, v1  }
0x1ad: {  	v0 =	vor.u32 v0, v1  }
0x1ae: {  	v1 =	vperm.xlane v0, v2;
	_ =	sdelay $0x1  }
0x1af: {  	v1 =	vadd.s32 v3, v1  }
0x1b0: {  	v4 =	vld [tilespmem:$0x1FFF0];
	_ =	sdelay $0x2  }
0x1b1: {  	s15 =	simm.s32 $0x100  }
0x1b2: {  	[tilespmem:s15], [sflag:$0x1] =	stream.indirect_vreg.gather [hbm4b:s3+s12], $0x80, v1, vm0, $0xb8;
	[tilespmem:$0x1C100] =	vst v63  }
0x1b3: {  	s17 =	simm.s32 $0x900;
	v0 =	vperm.xlane v0, v4  }
0x1b4: {  	[tilespmem:s17], [sflag:$0x1] =	stream.indirect_vreg.gather [hbm4b:s7+s12], $0x80, v1, vm0, $0xb8;
	[tilespmem:$0x1C100] =	vst v63  }
0x1b5: {  	s18 =	simm.s32 $0x1100;
	v0 =	vadd.s32 v3, v0  }
0x1b6: {  	[tilespmem:s18], [sflag:$0x1] =	stream.indirect_vreg.gather [hbm4b:s9+s12], $0x80, v1, vm0, $0xb8;
	[tilespmem:$0x1C100] =	vst v63  }
0x1b7: {  	s19 =	simm.s32 $0x1900  }
0x1b8: {  	[tilespmem:s19], [sflag:$0x1] =	stream.indirect_vreg.gather [hbm4b:s10+s12], $0x80, v1, vm0, $0xb8;
	[tilespmem:$0x1C100] =	vst v63  }
0x1b9: {  	s14 =	simm.s32 $0x2100  }
0x1ba: {  	[tilespmem:s14], [sflag:$0x1] =	stream.indirect_vreg.gather [hbm4b:s3+s12], $0x80, v0, vm0, $0xb8;
	[tilespmem:$0x1C100] =	vst v63  }
0x1bb: {  	s15 =	simm.s32 $0x2900  }
0x1bc: {  	[tilespmem:s15], [sflag:$0x1] =	stream.indirect_vreg.gather [hbm4b:s7+s12], $0x80, v0, vm0, $0xb8;
	[tilespmem:$0x1C100] =	vst v63  }
0x1bd: {  	s17 =	simm.s32 $0x3100  }
0x1be: {  	[tilespmem:s17], [sflag:$0x1] =	stream.indirect_vreg.gather [hbm4b:s9+s12], $0x80, v0, vm0, $0xb8;
	[tilespmem:$0x1C100] =	vst v63  }
0x1bf: {  	s18 =	simm.s32 $0x3900  }
0x1c0: {  	[tilespmem:s18], [sflag:$0x1] =	stream.indirect_vreg.gather [hbm4b:s10+s12], $0x80, v0, vm0, $0xb8;
	[tilespmem:$0x1C100] =	vst v63  }
0x1c1: {  	v0 =	vld [tilespmem:$0x30];
	_ =	sdelay $0x4  }
0x1c2: {  	v61 =	vshll.u32 v0, $0x3  }
0x1c3: {  	v0 =	vand.u32 $0x7, v0;
	v1 =	vand.u32 $0xFFFFFFC0, v61  }
0x1c4: {  	v0 =	vor.u32 v0, v1  }
0x1c5: {  	v1 =	vperm.xlane v0, v2;
	_ =	sdelay $0x1  }
0x1c6: {  	v1 =	vadd.s32 v3, v1;
	_ =	sdelay $0x3  }
0x1c7: {  	s19 =	simm.s32 $0x4100  }
0x1c8: {  	[tilespmem:s19], [sflag:$0x1] =	stream.indirect_vreg.gather [hbm4b:s3+s12], $0x80, v1, vm0, $0xb8;
	[tilespmem:$0x1C100] =	vst v63  }
0x1c9: {  	s14 =	simm.s32 $0x4900;
	v0 =	vperm.xlane v0, v4  }
0x1ca: {  	[tilespmem:s14], [sflag:$0x1] =	stream.indirect_vreg.gather [hbm4b:s7+s12], $0x80, v1, vm0, $0xb8;
	[tilespmem:$0x1C100] =	vst v63  }
0x1cb: {  	s15 =	simm.s32 $0x5100;
	v0 =	vadd.s32 v3, v0  }
0x1cc: {  	[tilespmem:s15], [sflag:$0x1] =	stream.indirect_vreg.gather [hbm4b:s9+s12], $0x80, v1, vm0, $0xb8;
	[tilespmem:$0x1C100] =	vst v63  }
0x1cd: {  	s17 =	simm.s32 $0x5900  }
0x1ce: {  	[tilespmem:s17], [sflag:$0x1] =	stream.indirect_vreg.gather [hbm4b:s10+s12], $0x80, v1, vm0, $0xb8;
	[tilespmem:$0x1C100] =	vst v63  }
0x1cf: {  	s18 =	simm.s32 $0x6100  }
0x1d0: {  	[tilespmem:s18], [sflag:$0x1] =	stream.indirect_vreg.gather [hbm4b:s3+s12], $0x80, v0, vm0, $0xb8;
	[tilespmem:$0x1C100] =	vst v63  }
0x1d1: {  	s19 =	simm.s32 $0x6900  }
0x1d2: {  	[tilespmem:s19], [sflag:$0x1] =	stream.indirect_vreg.gather [hbm4b:s7+s12], $0x80, v0, vm0, $0xb8;
	[tilespmem:$0x1C100] =	vst v63  }
0x1d3: {  	s14 =	simm.s32 $0x7100  }
0x1d4: {  	[tilespmem:s14], [sflag:$0x1] =	stream.indirect_vreg.gather [hbm4b:s9+s12], $0x80, v0, vm0, $0xb8;
	[tilespmem:$0x1C100] =	vst v63  }
0x1d5: {  	s15 =	simm.s32 $0x7900  }
0x1d6: {  	[tilespmem:s15], [sflag:$0x1] =	stream.indirect_vreg.gather [hbm4b:s10+s12], $0x80, v0, vm0, $0xb8;
	[tilespmem:$0x1C100] =	vst v63  }
0x1d7: {  	v0 =	vld [tilespmem:$0xA0];
	_ =	sdelay $0x4  }
0x1d8: {  	v62 =	vshll.u32 v0, $0x3  }
0x1d9: {  	v0 =	vand.u32 $0x7, v0;
	v1 =	vand.u32 $0xFFFFFFC0, v62  }
0x1da: {  	v0 =	vor.u32 v0, v1  }
0x1db: {  	v1 =	vperm.xlane v0, v2;
	_ =	sdelay $0x1  }
0x1dc: {  	v1 =	vadd.s32 v3, v1;
	_ =	sdelay $0x3  }
0x1dd: {  	s17 =	simm.s32 $0x8100  }
0x1de: {  	[tilespmem:s17], [sflag:$0x2] =	stream.indirect_vreg.gather [hbm4b:s3+s12], $0x80, v1, vm0, $0xb8;
	[tilespmem:$0x1C100] =	vst v63  }
0x1df: {  	s18 =	simm.s32 $0x8900;
	v0 =	vperm.xlane v0, v4  }
0x1e0: {  	[tilespmem:s18], [sflag:$0x2] =	stream.indirect_vreg.gather [hbm4b:s7+s12], $0x80, v1, vm0, $0xb8;
	[tilespmem:$0x1C100] =	vst v63  }
0x1e1: {  	v0 =	vadd.s32 v3, v0  }
0x1e2: {  	[tilespmem:s20], [sflag:$0x2] =	stream.indirect_vreg.gather [hbm4b:s9+s12], $0x80, v1, vm0, $0xb8;
	[tilespmem:$0x1C100] =	vst v63  }
0x1e3: {  	_ = 	snop  }
0x1e4: {  	[tilespmem:s21], [sflag:$0x2] =	stream.indirect_vreg.gather [hbm4b:s10+s12], $0x80, v1, vm0, $0xb8;
	[tilespmem:$0x1C100] =	vst v63  }
0x1e5: {  	_ = 	snop  }
0x1e6: {  	[tilespmem:s22], [sflag:$0x2] =	stream.indirect_vreg.gather [hbm4b:s3+s12], $0x80, v0, vm0, $0xb8;
	[tilespmem:$0x1C100] =	vst v63  }
0x1e7: {  	_ = 	snop  }
0x1e8: {  	[tilespmem:s4], [sflag:$0x2] =	stream.indirect_vreg.gather [hbm4b:s7+s12], $0x80, v0, vm0, $0xb8;
	[tilespmem:$0x1C100] =	vst v63  }
0x1e9: {  	_ = 	snop  }
0x1ea: {  	[tilespmem:s23], [sflag:$0x2] =	stream.indirect_vreg.gather [hbm4b:s9+s12], $0x80, v0, vm0, $0xb8;
	[tilespmem:$0x1C100] =	vst v63  }
0x1eb: {  	_ = 	snop  }
0x1ec: {  	[tilespmem:s5], [sflag:$0x2] =	stream.indirect_vreg.gather [hbm4b:s10+s12], $0x80, v0, vm0, $0xb8;
	[tilespmem:$0x1C100] =	vst v63  }
0x1ed: {  	v0 =	vld [tilespmem:$0xB0];
	_ =	sdelay $0x4  }
0x1ee: {  	v63 =	vshll.u32 v0, $0x3  }
0x1ef: {  	v0 =	vand.u32 $0x7, v0;
	v1 =	vand.u32 $0xFFFFFFC0, v63  }
0x1f0: {  	v0 =	vor.u32 v0, v1  }
0x1f1: {  	v1 =	vperm.xlane v0, v2;
	_ =	sdelay $0x1  }
0x1f2: {  	v1 =	vadd.s32 v3, v1;
	_ =	sdelay $0x4  }
0x1f3: {  	[tilespmem:s24], [sflag:$0x2] =	stream.indirect_vreg.gather [hbm4b:s3+s12], $0x80, v1, vm0, $0xb8;
	[tilespmem:$0x1C100] =	vst v63  }
0x1f4: {  	v0 =	vperm.xlane v0, v4  }
0x1f5: {  	[tilespmem:s6], [sflag:$0x2] =	stream.indirect_vreg.gather [hbm4b:s7+s12], $0x80, v1, vm0, $0xb8;
	[tilespmem:$0x1C100] =	vst v63  }
0x1f6: {  	v0 =	vadd.s32 v3, v0  }
0x1f7: {  	[tilespmem:s25], [sflag:$0x2] =	stream.indirect_vreg.gather [hbm4b:s9+s12], $0x80, v1, vm0, $0xb8;
	[tilespmem:$0x1C100] =	vst v63  }
0x1f8: {  	_ = 	snop  }
0x1f9: {  	[tilespmem:s26], [sflag:$0x2] =	stream.indirect_vreg.gather [hbm4b:s10+s12], $0x80, v1, vm0, $0xb8;
	[tilespmem:$0x1C100] =	vst v63  }
0x1fa: {  	_ = 	snop  }
0x1fb: {  	[tilespmem:s8], [sflag:$0x2] =	stream.indirect_vreg.gather [hbm4b:s3+s12], $0x80, v0, vm0, $0xb8;
	[tilespmem:$0x1C100] =	vst v63  }
0x1fc: {  	_ = 	snop  }
0x1fd: {  	[tilespmem:s28], [sflag:$0x2] =	stream.indirect_vreg.gather [hbm4b:s7+s12], $0x80, v0, vm0, $0xb8;
	[tilespmem:$0x1C100] =	vst v63  }
0x1fe: {  	_ = 	snop  }
0x1ff: {  	[tilespmem:s29], [sflag:$0x2] =	stream.indirect_vreg.gather [hbm4b:s9+s12], $0x80, v0, vm0, $0xb8;
	[tilespmem:$0x1C100] =	vst v63  }
0x200: {  	_ = 	snop  }
0x201: {  	[tilespmem:s30], [sflag:$0x2] =	stream.indirect_vreg.gather [hbm4b:s10+s12], $0x80, v0, vm0, $0xb8;
	[tilespmem:$0x1C100] =	vst v63  }
0x202: {  	s19 =	rddreg [dreg:$0x9]  }
0x203: {  	[tilespmem:s31], [sflag:$0x3] =	stream.linear.gather [hbm4b:s19+s12], $0x8000, $0x38;
	[tilespmem:$0x1C100] =	vst v63  }
0x204: {  	_ =	swait.ge [sflag:s16], $0x8000  }
0x205: {  	[sflag:s16] =	ssyncset.done $0x0  }
0x206: {  	[sflag:s16] =	ssyncadd.s32 $0xFFFF8000  }
0x207: {  	_ =	swait.ge [sflag:s11], $0x8000  }
0x208: {  	[sflag:s11] =	ssyncset.done $0x0  }
0x209: {  	[sflag:s11] =	ssyncadd.s32 $0xFFFF8000  }
0x20a: {  	_ =	swait.ge [sflag:s0], $0x8000  }
0x20b: {  	s13 =	simm.s32 $0x1B100;
	s14 =	simm.s32 $0x0;
	[sflag:s0] =	ssyncset.done $0x0  }
0x20c: {  	s17 =	simm.s32 $0x19100;
	s18 =	simm.s32 $0x0;
	[sflag:s0] =	ssyncadd.s32 $0xFFFF8000  }
.LBB2_4:
0x20d: {  	v3 =	vld [tilespmem:s17+$0x0];
	s15 =	sand.u32 $0x6000, s18;
	s19 =	sand.u32 $0x380, s14  }
0x20e: {  	v4 =	vld [tilespmem:s13+$0x0];
	s19 =	sor.u32 s19, s15  }
0x20f: {  	v20 =	vld [tilespmem:s19+$0x10100]  }
0x210: {  	v27 =	vld [tilespmem:s19+$0x100]  }
0x211: {  	v28 =	vld [tilespmem:s19+$0x8100]  }
0x212: {  	v29 =	vld [tilespmem:s19+$0x10110]  }
0x213: {  	v30 =	vld [tilespmem:s19+$0x110]  }
0x214: {  	v34 =	vld [tilespmem:s19+$0x8110]  }
0x215: {  	v40 =	vld [tilespmem:s19+$0x10120]  }
0x216: {  	v41 =	vld [tilespmem:s19+$0x120]  }
0x217: {  	v44 =	vld [tilespmem:s19+$0x8120]  }
0x218: {  	v49 =	vld [tilespmem:s19+$0x10130]  }
0x219: {  	v59 =	vld [tilespmem:s19+$0x130]  }
0x21a: {  	v10 =	vld [tilespmem:s19+$0x8130]  }
0x21b: {  	v5 =	vld [tilespmem:s19+$0x10140]  }
0x21c: {  	v0 =	vld [tilespmem:s19+$0x140]  }
0x21d: {  	v11 =	vld [tilespmem:s19+$0x8140]  }
0x21e: {  	v7 =	vld [tilespmem:s19+$0x10150]  }
0x21f: {  	v1 =	vld [tilespmem:s19+$0x150]  }
0x220: {  	v6 =	vld [tilespmem:s19+$0x8150]  }
0x221: {  	v18 =	vld [tilespmem:s19+$0x10160]  }
0x222: {  	v9 =	vld [tilespmem:s19+$0x160]  }
0x223: {  	v19 =	vld [tilespmem:s19+$0x8160]  }
0x224: {  	v13 =	vld [tilespmem:s19+$0x10170]  }
0x225: {  	v2 =	vld [tilespmem:s19+$0x170]  }
0x226: {  	v21 =	vld [tilespmem:s19+$0x8170]  }
0x227: {  	v15 =	vld [tilespmem:s19+$0x10500]  }
0x228: {  	v63 =	vld [tilespmem:s19+$0x8960]  }
0x229: {  	v8 =	vld [tilespmem:s19+$0x500]  }
0x22a: {  	v14 =	vld [tilespmem:s19+$0x8500]  }
0x22b: {  	v32 =	vld [tilespmem:s19+$0x10510]  }
0x22c: {  	v17 =	vld [tilespmem:s19+$0x510]  }
0x22d: {  	[tilespmem:$0x1FB00] =	vst v63;
	v63 =	vld [tilespmem:s19+$0x10970]  }
0x22e: {  	v33 =	vld [tilespmem:s19+$0x8510]  }
0x22f: {  	v23 =	vld [tilespmem:s19+$0x10520]  }
0x230: {  	v12 =	vld [tilespmem:s19+$0x520]  }
0x231: {  	v35 =	vld [tilespmem:s19+$0x8520]  }
0x232: {  	[tilespmem:$0x1FAF0] =	vst v63;
	v63 =	vld [tilespmem:s19+$0x970]  }
0x233: {  	v25 =	vld [tilespmem:s19+$0x10530]  }
0x234: {  	v16 =	vld [tilespmem:s19+$0x530]  }
0x235: {  	v24 =	vld [tilespmem:s19+$0x8530]  }
0x236: {  	v43 =	vld [tilespmem:s19+$0x10540]  }
0x237: {  	[tilespmem:$0x1FAB0] =	vst v63;
	v63 =	vld [tilespmem:s19+$0x8970]  }
0x238: {  	v31 =	vld [tilespmem:s19+$0x540]  }
0x239: {  	v45 =	vld [tilespmem:s19+$0x8540]  }
0x23a: {  	v52 =	vld [tilespmem:s19+$0x10550]  }
0x23b: {  	v22 =	vld [tilespmem:s19+$0x550]  }
0x23c: {  	[tilespmem:$0x1FB10] =	vst v63;
	v63 =	vld [tilespmem:s19+$0x10D00]  }
0x23d: {  	v58 =	vld [tilespmem:s19+$0x8550]  }
0x23e: {  	v38 =	vld [tilespmem:s19+$0x10560]  }
0x23f: {  	v26 =	vld [tilespmem:s19+$0x560]  }
0x240: {  	v39 =	vld [tilespmem:s19+$0x8560]  }
0x241: {  	[tilespmem:$0x1FB50] =	vst v63;
	v63 =	vld [tilespmem:s19+$0xD00]  }
0x242: {  	v56 =	vld [tilespmem:s19+$0x10570]  }
0x243: {  	v42 =	vld [tilespmem:s19+$0x570]  }
0x244: {  	v60 =	vld [tilespmem:s19+$0x8570]  }
0x245: {  	v46 =	vld [tilespmem:s19+$0x10900]  }
0x246: {  	[tilespmem:$0x1FB20] =	vst v63;
	v63 =	vld [tilespmem:s19+$0x8D00]  }
0x247: {  	v36 =	vld [tilespmem:s19+$0x900]  }
0x248: {  	v53 =	vld [tilespmem:s19+$0x8900]  }
0x249: {  	v50 =	vld [tilespmem:s19+$0x10910]  }
0x24a: {  	v37 =	vld [tilespmem:s19+$0x910]  }
0x24b: {  	[tilespmem:$0x1FB70] =	vst v63;
	v63 =	vld [tilespmem:s19+$0x10D10]  }
0x24c: {  	v47 =	vld [tilespmem:s19+$0x8910]  }
0x24d: {  	v48 =	vld [tilespmem:s19+$0x10920]  }
0x24e: {  	v54 =	vld [tilespmem:s19+$0x920]  }
0x24f: {  	v62 =	vld [tilespmem:s19+$0x8920]  }
0x250: {  	[tilespmem:$0x1FB60] =	vst v63;
	v63 =	vld [tilespmem:s19+$0xD10]  }
0x251: {  	v55 =	vld [tilespmem:s19+$0x10930]  }
0x252: {  	v51 =	vld [tilespmem:s19+$0x8930]  }
0x253: {  	v57 =	vld [tilespmem:s19+$0x10940]  }
0x254: {  	v61 =	vld [tilespmem:s19+$0x10950]  }
0x255: {  	[tilespmem:$0x1FB30] =	vst v63;
	v63 =	vld [tilespmem:s19+$0x8D10]  }
0x256: {  	[tilespmem:$0x1FA70] =	vst v48;
	v48 =	vld [tilespmem:s19+$0x930]  }
0x257: {  	[tilespmem:$0x1FA90] =	vst v51;
	v51 =	vld [tilespmem:s19+$0x940]  }
0x258: {  	[tilespmem:$0x1FA80] =	vst v62;
	v62 =	vld [tilespmem:s19+$0x8940];
	v27 =	vmul.f32 v27, v3;
	v30 =	vmul.f32 v30, v3  }
0x259: {  	[tilespmem:$0x1FAC0] =	vst v61;
	v61 =	vld [tilespmem:s19+$0x950];
	v41 =	vmul.f32 v41, v3;
	v2 =	vmul.f32 v2, v3  }
0x25a: {  	v20 =	vadd.f32 v27, v20;
	v27 =	vadd.f32 v30, v29;
	v30 =	vmul.f32 v34, v4;
	[tilespmem:$0x1FB90] =	vst v63;
	v63 =	vld [tilespmem:s19+$0x10D20]  }
0x25b: {  	v34 =	vmul.f32 v44, v4;
	v44 =	vmul.f32 v59, v3;
	v59 =	vld [tilespmem:s19+$0x11120]  }
0x25c: {  	v1 =	vmul.f32 v1, v3;
	v29 =	vadd.f32 v41, v40;
	v41 =	vmul.f32 v10, v4;
	v10 =	vld [tilespmem:s19+$0x11130]  }
0x25d: {  	v2 =	vadd.f32 v2, v13;
	v13 =	vld [tilespmem:s19+$0x9140]  }
0x25e: {  	v28 =	vmul.f32 v28, v4;
	v1 =	vadd.f32 v1, v7;
	v7 =	vld [tilespmem:s19+$0x1510]  }
0x25f: {  	[tilespmem:$0x1FB80] =	vst v63;
	v63 =	vld [tilespmem:s19+$0xD20]  }
0x260: {  	v20 =	vadd.f32 v28, v20;
	v28 =	vld [tilespmem:s19+$0x1120]  }
0x261: {  	v40 =	vadd.f32 v44, v49;
	v44 =	vld [tilespmem:s19+$0x9120]  }
0x262: {  	v27 =	vadd.f32 v30, v27;
	v30 =	vadd.f32 v34, v29;
	v29 =	vld [tilespmem:s19+$0x9130]  }
0x263: {  	v6 =	vmul.f32 v6, v4;
	[tilespmem:$0x1FAA0] =	vst v61;
	v61 =	vld [tilespmem:s19+$0x8950]  }
0x264: {  	v0 =	vmul.f32 v0, v3;
	v49 =	vmul.f32 v11, v4;
	[tilespmem:$0x1FB40] =	vst v63;
	v63 =	vld [tilespmem:s19+$0x8D20]  }
0x265: {  	v1 =	vadd.f32 v6, v1;
	v34 =	vmul.f32 v8, v3;
	v11 =	vadd.f32 v41, v40;
	v40 =	vld [tilespmem:s19+$0x1130]  }
0x266: {  	v0 =	vadd.f32 v0, v5;
	v41 =	vmul.f32 v19, v4;
	v19 =	vmul.f32 v12, v3;
	v12 =	vld [tilespmem:s19+$0x11150]  }
0x267: {  	[tilespmem:s19+$0x10150] =	vst v1;
	v1 =	vld [tilespmem:s19+$0x11520]  }
0x268: {  	[tilespmem:$0x1FCF0] =	vst v59;
	v59 =	vmul.f32 v9, v3;
	v9 =	vadd.f32 v49, v0;
	v0 =	vadd.f32 v34, v15;
	v34 =	vld [tilespmem:s19+$0x1140]  }
0x269: {  	v49 =	vmul.f32 v21, v4;
	[tilespmem:$0x1FBA0] =	vst v63;
	v63 =	vld [tilespmem:s19+$0x10D30]  }
0x26a: {  	[tilespmem:$0x1FD00] =	vst v44;
	v44 =	vld [tilespmem:s19+$0x11140]  }
0x26b: {  	v15 =	vadd.f32 v49, v2;
	v49 =	vld [tilespmem:s19+$0x1150]  }
0x26c: {  	v5 =	vadd.f32 v59, v18;
	[tilespmem:s19+$0x10140] =	vst v9;
	v9 =	vld [tilespmem:s19+$0x1520]  }
0x26d: {  	v59 =	vmul.f32 v14, v4;
	v18 =	vmul.f32 v17, v3;
	[tilespmem:$0x1FAE0] =	vst v61;
	v61 =	vld [tilespmem:s19+$0x10960]  }
0x26e: {  	v21 =	vmul.f32 v16, v3;
	v6 =	vadd.f32 v41, v5;
	[tilespmem:$0x1FBE0] =	vst v63;
	v63 =	vld [tilespmem:s19+$0xD30]  }
0x26f: {  	v8 =	vadd.f32 v59, v0;
	v2 =	vadd.f32 v18, v32;
	v59 =	vmul.f32 v35, v4;
	v41 =	vld [tilespmem:s19+$0x9150]  }
0x270: {  	v32 =	vadd.f32 v19, v23;
	v23 =	vmul.f32 v31, v3;
	v31 =	vmul.f32 v45, v4;
	v45 =	vld [tilespmem:s19+$0x9170]  }
0x271: {  	v35 =	vmul.f32 v42, v3;
	v42 =	vmul.f32 v60, v4;
	v60 =	vld [tilespmem:s19+$0x9500]  }
0x272: {  	v5 =	vld [tilespmem:s19+$0x11510]  }
0x273: {  	v0 =	vadd.f32 v21, v25;
	v21 =	vmul.f32 v24, v4;
	v24 =	vmul.f32 v22, v3;
	[tilespmem:$0x1FBB0] =	vst v63;
	v63 =	vld [tilespmem:s19+$0x8D30]  }
0x274: {  	v14 =	vadd.f32 v59, v32;
	v59 =	vld [tilespmem:s19+$0x1160]  }
0x275: {  	v25 =	vmul.f32 v26, v3;
	v26 =	vadd.f32 v24, v52;
	v52 =	vld [tilespmem:s19+$0x9160]  }
0x276: {  	v32 =	vmul.f32 v58, v4;
	v58 =	vld [tilespmem:s19+$0x1170]  }
0x277: {  	[tilespmem:s19+$0x10160] =	vst v6;
	v6 =	vld [tilespmem:s19+$0x9520]  }
0x278: {  	[tilespmem:$0x1FC00] =	vst v63;
	v63 =	vld [tilespmem:s19+$0x10D40]  }
0x279: {  	v36 =	vmul.f32 v36, v3;
	[tilespmem:s19+$0x10500] =	vst v8;
	v8 =	vld [tilespmem:s19+$0x11530]  }
0x27a: {  	v16 =	vadd.f32 v21, v0;
	v0 =	vadd.f32 v25, v38;
	v38 =	vmul.f32 v37, v3;
	[tilespmem:$0x1FAD0] =	vst v61;
	v61 =	vld [tilespmem:s19+$0x960]  }
0x27b: {  	[tilespmem:$0x1FD10] =	vst v44;
	v44 =	vmul.f32 v33, v4;
	v18 =	vadd.f32 v32, v26;
	v32 =	vld [tilespmem:$0x1FA70]  }
0x27c: {  	v33 =	vmul.f32 v39, v4;
	v39 =	vadd.f32 v36, v46;
	v46 =	vadd.f32 v38, v50;
	v38 =	vld [tilespmem:$0x1FA90]  }
0x27d: {  	[tilespmem:$0x1FBF0] =	vst v63;
	v63 =	vld [tilespmem:s19+$0xD40]  }
0x27e: {  	v17 =	vadd.f32 v44, v2;
	v44 =	vld [tilespmem:s19+$0x11160]  }
0x27f: {  	[tilespmem:s19+$0x10110] =	vst v27;
	v27 =	vmul.f32 v48, v3;
	v2 =	vadd.f32 v23, v43;
	v43 =	vld [tilespmem:s19+$0x11170]  }
0x280: {  	v19 =	vadd.f32 v33, v0;
	v0 =	vld [tilespmem:s19+$0x1500]  }
0x281: {  	v7 =	vmul.f32 v7, v3;
	v33 =	vadd.f32 v27, v55;
	v55 =	vld [tilespmem:$0x1FAD0]  }
0x282: {  	v9 =	vmul.f32 v9, v3;
	[tilespmem:$0x1FBC0] =	vst v63;
	v63 =	vld [tilespmem:s19+$0x8D40]  }
0x283: {  	v50 =	vmul.f32 v53, v4;
	v53 =	vmul.f32 v47, v4;
	v5 =	vadd.f32 v7, v5;
	v7 =	vld [tilespmem:s19+$0x11930]  }
0x284: {  	v1 =	vadd.f32 v9, v1;
	v9 =	vld [tilespmem:s19+$0x11940]  }
0x285: {  	[tilespmem:s19+$0x10100] =	vst v20;
	v20 =	vadd.f32 v53, v46;
	v46 =	vld [tilespmem:$0x1FAA0]  }
0x286: {  	v22 =	vadd.f32 v50, v39;
	v50 =	vld [tilespmem:$0x1FAB0]  }
0x287: {  	[tilespmem:$0x1FC20] =	vst v63;
	v63 =	vld [tilespmem:s19+$0x10D50]  }
0x288: {  	v53 =	vld [tilespmem:$0x1FAC0]  }
0x289: {  	v21 =	vadd.f32 v31, v2;
	v2 =	vadd.f32 v35, v56;
	v56 =	vld [tilespmem:s19+$0x11500]  }
0x28a: {  	v35 =	vld [tilespmem:$0x1FA80]  }
0x28b: {  	v24 =	vadd.f32 v42, v2;
	v2 =	vld [tilespmem:s19+$0x9510]  }
0x28c: {  	v31 =	vmul.f32 v51, v3;
	[tilespmem:$0x1FC10] =	vst v63;
	v63 =	vld [tilespmem:s19+$0xD50]  }
0x28d: {  	v26 =	vmul.f32 v54, v3;
	v48 =	vmul.f32 v61, v3;
	v61 =	vld [tilespmem:$0x1FAE0]  }
0x28e: {  	v37 =	vadd.f32 v31, v57;
	v39 =	vmul.f32 v38, v4;
	v31 =	vld [tilespmem:s19+$0x9530]  }
0x28f: {  	[tilespmem:s19+$0x10130] =	vst v11;
	v11 =	vadd.f32 v26, v32;
	v32 =	vld [tilespmem:s19+$0x11540]  }
0x290: {  	v42 =	vmul.f32 v62, v4;
	v23 =	vadd.f32 v39, v33;
	v33 =	vld [tilespmem:$0x1FAF0]  }
0x291: {  	[tilespmem:$0x1FBD0] =	vst v63;
	v63 =	vld [tilespmem:s19+$0x8D50]  }
0x292: {  	v0 =	vmul.f32 v0, v3;
	v25 =	vadd.f32 v42, v37;
	v37 =	vld [tilespmem:$0x1FB10]  }
0x293: {  	v47 =	vmul.f32 v46, v3;
	v36 =	vmul.f32 v35, v4;
	v35 =	vld [tilespmem:$0x1FB00]  }
0x294: {  	v0 =	vadd.f32 v0, v56;
	v56 =	vld [tilespmem:s19+$0x9960]  }
0x295: {  	v54 =	vadd.f32 v47, v53;
	v47 =	vld [tilespmem:$0x1FB50]  }
0x296: {  	[tilespmem:$0x1FC30] =	vst v63;
	v63 =	vld [tilespmem:s19+$0x10D60]  }
0x297: {  	v39 =	vld [tilespmem:$0x1FB20]  }
0x298: {  	v57 =	vadd.f32 v48, v55;
	v48 =	vld [tilespmem:$0x1FB60]  }
0x299: {  	v42 =	vld [tilespmem:$0x1FB30]  }
0x29a: {  	v46 =	vld [tilespmem:$0x1FB40]  }
0x29b: {  	v51 =	vmul.f32 v50, v3;
	[tilespmem:$0x1FC70] =	vst v63;
	v63 =	vld [tilespmem:s19+$0xD60]  }
0x29c: {  	[tilespmem:s19+$0x10120] =	vst v30;
	v53 =	vld [tilespmem:$0x1FB90]  }
0x29d: {  	[tilespmem:s19+$0x10170] =	vst v15;
	v62 =	vmul.f32 v61, v4;
	v27 =	vadd.f32 v51, v33;
	v51 =	vld [tilespmem:$0x1FB80]  }
0x29e: {  	[tilespmem:s19+$0x10520] =	vst v14;
	v11 =	vadd.f32 v36, v11;
	v38 =	vmul.f32 v37, v4;
	v33 =	vld [tilespmem:s19+$0x1530]  }
0x29f: {  	[tilespmem:s19+$0x10510] =	vst v17;
	v15 =	vadd.f32 v62, v54;
	v37 =	vld [tilespmem:s19+$0x9540];
	v36 =	vmul.f32 v35, v4;
	v17 =	vmul.f32 v39, v3  }
0x2a0: {  	v26 =	vadd.f32 v38, v27;
	v30 =	vmul.f32 v42, v3;
	v27 =	vmul.f32 v46, v3;
	[tilespmem:$0x1FC40] =	vst v63;
	v63 =	vld [tilespmem:s19+$0x8D60]  }
0x2a1: {  	[tilespmem:s19+$0x10530] =	vst v16;
	v14 =	vadd.f32 v36, v57;
	v16 =	vadd.f32 v17, v47;
	v54 =	vld [tilespmem:$0x1FBA0]  }
0x2a2: {  	[tilespmem:s19+$0x10540] =	vst v21;
	v36 =	vld [tilespmem:s19+$0x1540];
	v17 =	vadd.f32 v30, v48;
	v21 =	vadd.f32 v27, v51;
	v27 =	vmul.f32 v53, v4  }
0x2a3: {  	v50 =	vld [tilespmem:$0x1FB70]  }
0x2a4: {  	v17 =	vadd.f32 v27, v17;
	v27 =	vld [tilespmem:s19+$0x11550]  }
0x2a5: {  	[tilespmem:$0x1FC80] =	vst v63;
	v63 =	vld [tilespmem:s19+$0x10D70]  }
0x2a6: {  	v35 =	vmul.f32 v54, v4;
	v57 =	vld [tilespmem:$0x1FBC0]  }
0x2a7: {  	v62 =	vld [tilespmem:$0x1FBE0]  }
0x2a8: {  	[tilespmem:s19+$0x10560] =	vst v19;
	v19 =	vadd.f32 v35, v21;
	v35 =	vld [tilespmem:$0x1FBF0]  }
0x2a9: {  	v30 =	vmul.f32 v50, v4;
	v55 =	vld [tilespmem:$0x1FBB0]  }
0x2aa: {  	[tilespmem:$0x1FC90] =	vst v63;
	v63 =	vld [tilespmem:s19+$0xD70]  }
0x2ab: {  	v16 =	vadd.f32 v30, v16;
	v38 =	vld [tilespmem:$0x1FC00];
	v30 =	vmul.f32 v57, v3  }
0x2ac: {  	v42 =	vld [tilespmem:$0x1FC20]  }
0x2ad: {  	[tilespmem:s19+$0x10570] =	vst v24;
	v24 =	vadd.f32 v30, v35;
	v35 =	vld [tilespmem:s19+$0x1550]  }
0x2ae: {  	v61 =	vld [tilespmem:$0x1FBD0]  }
0x2af: {  	[tilespmem:$0x1FC50] =	vst v63;
	v63 =	vld [tilespmem:s19+$0x8D70]  }
0x2b0: {  	v39 =	vld [tilespmem:$0x1FC10]  }
0x2b1: {  	[tilespmem:s19+$0x10900] =	vst v22;
	v22 =	vmul.f32 v42, v4;
	v46 =	vld [tilespmem:$0x1FC30]  }
0x2b2: {  	v42 =	vld [tilespmem:s19+$0x11560]  }
0x2b3: {  	[tilespmem:s19+$0x10920] =	vst v11;
	v11 =	vadd.f32 v22, v24;
	v24 =	vld [tilespmem:s19+$0x1560];
	v21 =	vmul.f32 v61, v3  }
0x2b4: {  	[tilespmem:$0x1FCA0] =	vst v63;
	v63 =	vld [tilespmem:s19+$0x11100]  }
0x2b5: {  	v21 =	vadd.f32 v21, v39;
	v39 =	vld [tilespmem:s19+$0x9550]  }
0x2b6: {  	v30 =	vmul.f32 v38, v4;
	v38 =	vmul.f32 v46, v4;
	v51 =	vld [tilespmem:$0x1FC70]  }
0x2b7: {  	v47 =	vld [tilespmem:$0x1FC40]  }
0x2b8: {  	v21 =	vadd.f32 v38, v21;
	v38 =	vld [tilespmem:s19+$0x9560]  }
0x2b9: {  	[tilespmem:$0x1FCB0] =	vst v63;
	v63 =	vld [tilespmem:s19+$0x1100]  }
0x2ba: {  	v53 =	vld [tilespmem:$0x1FC80]  }
0x2bb: {  	[tilespmem:s19+$0x10550] =	vst v18;
	v48 =	vld [tilespmem:$0x1FC50]  }
0x2bc: {  	[tilespmem:s19+$0x10910] =	vst v20;
	v18 =	vmul.f32 v55, v3;
	v20 =	vmul.f32 v47, v3;
	v47 =	vld [tilespmem:s19+$0x11570]  }
0x2bd: {  	v54 =	vld [tilespmem:$0x1FC90]  }
0x2be: {  	v18 =	vadd.f32 v18, v62;
	[tilespmem:$0x1FC60] =	vst v63;
	v63 =	vld [tilespmem:s19+$0x9100]  }
0x2bf: {  	[tilespmem:s19+$0x10970] =	vst v26;
	v26 =	vld [tilespmem:s19+$0x9910]  }
0x2c0: {  	v18 =	vadd.f32 v30, v18;
	v30 =	vmul.f32 v48, v3;
	v55 =	vld [tilespmem:$0x1FCA0]  }
0x2c1: {  	v48 =	vmul.f32 v28, v3;
	v28 =	vld [tilespmem:s19+$0x1570]  }
0x2c2: {  	v30 =	vadd.f32 v30, v54;
	v54 =	vld [tilespmem:$0x1FCF0]  }
0x2c3: {  	[tilespmem:$0x1FCC0] =	vst v63;
	v63 =	vld [tilespmem:s19+$0x11110]  }
0x2c4: {  	v57 =	vld [tilespmem:$0x1FCB0]  }
0x2c5: {  	[tilespmem:s19+$0x10940] =	vst v25;
	v25 =	vmul.f32 v55, v4;
	v55 =	vld [tilespmem:$0x1FD00]  }
0x2c6: {  	[tilespmem:s19+$0x10930] =	vst v23;
	v50 =	vld [tilespmem:$0x1FC60]  }
0x2c7: {  	[tilespmem:s19+$0x10960] =	vst v14;
	v14 =	vadd.f32 v25, v30;
	v30 =	vld [tilespmem:s19+$0x9570]  }
0x2c8: {  	v20 =	vadd.f32 v20, v51;
	v23 =	vmul.f32 v53, v4;
	[tilespmem:$0x1FCE0] =	vst v63;
	v63 =	vld [tilespmem:s19+$0x1110]  }
0x2c9: {  	v13 =	vmul.f32 v13, v4;
	v6 =	vmul.f32 v6, v4;
	[tilespmem:s19+$0x10950] =	vst v15;
	v61 =	vld [tilespmem:$0x1FCC0]  }
0x2ca: {  	v2 =	vmul.f32 v2, v4;
	v15 =	vadd.f32 v23, v20;
	[tilespmem:s19+$0x10D00] =	vst v16;
	v23 =	vadd.f32 v48, v54;
	v48 =	vld [tilespmem:$0x1FD10]  }
0x2cb: {  	v54 =	vld [tilespmem:s19+$0x1920];
	[tilespmem:s19+$0x10D10] =	vst v17;
	v22 =	vmul.f32 v50, v3;
	v50 =	vmul.f32 v40, v3  }
0x2cc: {  	v1 =	vadd.f32 v6, v1;
	v25 =	vmul.f32 v37, v4;
	v37 =	vld [tilespmem:s19+$0x11950];
	v16 =	vmul.f32 v55, v4;
	[tilespmem:s19+$0x10D20] =	vst v19  }
0x2cd: {  	v22 =	vadd.f32 v22, v57;
	v10 =	vadd.f32 v50, v10;
	v57 =	vmul.f32 v29, v4;
	[tilespmem:$0x1FCD0] =	vst v63;
	v63 =	vld [tilespmem:s19+$0x9110]  }
0x2ce: {  	v16 =	vadd.f32 v16, v23;
	v50 =	vmul.f32 v41, v4;
	v46 =	vmul.f32 v61, v4;
	[tilespmem:s19+$0x10D30] =	vst v18;
	v62 =	vld [tilespmem:$0x1FCD0]  }
0x2cf: {  	v23 =	vld [tilespmem:s19+$0x11910];
	v41 =	vmul.f32 v39, v4;
	v10 =	vadd.f32 v57, v10;
	v57 =	vmul.f32 v45, v4;
	[tilespmem:s19+$0x10D40] =	vst v11  }
0x2d0: {  	v45 =	vmul.f32 v30, v4;
	v51 =	vld [tilespmem:$0x1FCE0];
	v22 =	vadd.f32 v46, v22;
	v46 =	vmul.f32 v59, v3;
	[tilespmem:s19+$0x10D50] =	vst v21  }
0x2d1: {  	v2 =	vadd.f32 v2, v5;
	v40 =	vld [tilespmem:s19+$0x11900];
	v59 =	vmul.f32 v33, v3;
	v33 =	vmul.f32 v24, v3;
	[tilespmem:s19+$0x10D60] =	vst v15  }
0x2d2: {  	v29 =	vld [tilespmem:s19+$0x1900];
	v19 =	vadd.f32 v46, v44;
	[tilespmem:s19+$0x10D70] =	vst v14;
	v53 =	vmul.f32 v63, v4;
	v63 =	vmul.f32 v49, v3  }
0x2d3: {  	v24 =	vld [tilespmem:s19+$0x9970];
	[tilespmem:s19+$0x11100] =	vst v22;
	v8 =	vadd.f32 v59, v8;
	v20 =	vmul.f32 v62, v3;
	v62 =	vmul.f32 v34, v3  }
0x2d4: {  	[tilespmem:s19+$0x11120] =	vst v16;
	v44 =	vmul.f32 v38, v4;
	v49 =	vld [tilespmem:s19+$0x1910];
	v12 =	vadd.f32 v63, v12;
	v63 =	vmul.f32 v31, v4  }
0x2d5: {  	[tilespmem:s19+$0x11130] =	vst v10;
	v46 =	vld [tilespmem:s19+$0x9950];
	v20 =	vadd.f32 v20, v51;
	v18 =	vadd.f32 v62, v48;
	v51 =	vmul.f32 v52, v4  }
0x2d6: {  	v21 =	vld [tilespmem:s19+$0x11920];
	[tilespmem:s19+$0x11510] =	vst v2;
	v52 =	vmul.f32 v58, v3;
	v11 =	vadd.f32 v50, v12;
	v8 =	vadd.f32 v63, v8  }
0x2d7: {  	[tilespmem:s19+$0x11520] =	vst v1;
	v34 =	vld [tilespmem:s19+$0x9900];
	v58 =	vmul.f32 v60, v4;
	v61 =	vadd.f32 v53, v20;
	v13 =	vadd.f32 v13, v18  }
0x2d8: {  	v60 =	vld [tilespmem:s19+$0x1930];
	v48 =	vmul.f32 v29, v3;
	v53 =	vadd.f32 v51, v19;
	v55 =	vadd.f32 v52, v43;
	[tilespmem:s19+$0x11150] =	vst v11  }
0x2d9: {  	v19 =	vld [tilespmem:s19+$0x9920];
	v0 =	vadd.f32 v58, v0;
	v49 =	vmul.f32 v49, v3;
	v52 =	vmul.f32 v54, v3;
	[tilespmem:s19+$0x11530] =	vst v8  }
0x2da: {  	v62 =	vld [tilespmem:s19+$0x9930];
	v58 =	vmul.f32 v26, v4;
	v11 =	vadd.f32 v33, v42;
	v33 =	vmul.f32 v46, v4;
	[tilespmem:s19+$0x11110] =	vst v61  }
0x2db: {  	v43 =	vld [tilespmem:s19+$0x1950];
	v14 =	vadd.f32 v57, v55;
	v61 =	vmul.f32 v36, v3;
	[tilespmem:s19+$0x11140] =	vst v13;
	v36 =	vmul.f32 v28, v3  }
0x2dc: {  	v31 =	vld [tilespmem:s19+$0x1940];
	[tilespmem:s19+$0x11500] =	vst v0;
	v54 =	vadd.f32 v49, v23;
	v57 =	vmul.f32 v34, v4;
	v0 =	vadd.f32 v44, v11  }
0x2dd: {  	v59 =	vld [tilespmem:s19+$0x1970];
	[tilespmem:s19+$0x11160] =	vst v53;
	v55 =	vmul.f32 v60, v3;
	v5 =	vadd.f32 v61, v32;
	v32 =	vmul.f32 v35, v3  }
0x2de: {  	v53 =	vld [tilespmem:s19+$0x1960];
	[tilespmem:s19+$0x11170] =	vst v14;
	v10 =	vadd.f32 v36, v47;
	v60 =	vmul.f32 v19, v4;
	v19 =	vadd.f32 v58, v54  }
0x2df: {  	v35 =	vld [tilespmem:s19+$0x9940];
	v61 =	vmul.f32 v62, v4;
	v7 =	vadd.f32 v55, v7;
	[tilespmem:s19+$0x11560] =	vst v0;
	v5 =	vadd.f32 v25, v5  }
0x2e0: {  	v50 =	vld [tilespmem:s19+$0x11960];
	v28 =	vmul.f32 v43, v3;
	v6 =	vadd.f32 v32, v27;
	v51 =	vadd.f32 v45, v10;
	[tilespmem:s19+$0x11910] =	vst v19  }
0x2e1: {  	v23 =	vmul.f32 v31, v3;
	v62 =	vld [tilespmem:s19+$0x11970];
	v10 =	vadd.f32 v52, v21;
	v27 =	vadd.f32 v61, v7;
	[tilespmem:s19+$0x11540] =	vst v5  }
0x2e2: {  	v34 =	vmul.f32 v59, v3;
	v32 =	vadd.f32 v28, v37;
	v47 =	vadd.f32 v41, v6;
	[tilespmem:s19+$0x11570] =	vst v51  }
0x2e3: {  	v31 =	vmul.f32 v53, v3;
	v6 =	vadd.f32 v48, v40;
	v26 =	vadd.f32 v60, v10;
	[tilespmem:s19+$0x11930] =	vst v27  }
0x2e4: {  	v29 =	vadd.f32 v23, v9;
	v30 =	vmul.f32 v35, v4;
	v37 =	vadd.f32 v33, v32;
	[tilespmem:s19+$0x11550] =	vst v47  }
0x2e5: {  	v36 =	vmul.f32 v56, v4;
	v35 =	vadd.f32 v31, v50;
	v63 =	vadd.f32 v57, v6;
	[tilespmem:s19+$0x11920] =	vst v26  }
0x2e6: {  	v39 =	vmul.f32 v24, v4;
	v38 =	vadd.f32 v34, v62;
	v0 =	vadd.f32 v30, v29;
	[tilespmem:s19+$0x11950] =	vst v37  }
0x2e7: {  	s15 =	sand.u32 $0x7, s12;
	v40 =	vadd.f32 v36, v35;
	[tilespmem:s19+$0x11900] =	vst v63  }
0x2e8: {  	s15 =	sshll.u32 s15, $0x7;
	v41 =	vadd.f32 v39, v38;
	[tilespmem:s19+$0x11940] =	vst v0  }
0x2e9: {  	s15 =	sadd.s32 s15, s18;
	[tilespmem:s19+$0x11960] =	vst v40  }
0x2ea: {  	[tilespmem:s19+$0x11970] =	vst v41;
	s19 =	sor.u32 $0x1C00, s15  }
0x2eb: {  	v0 =	vld [tilespmem:s19+$0x100]  }
0x2ec: {  	v1 =	vld [tilespmem:s19+$0x10100]  }
0x2ed: {  	v2 =	vld [tilespmem:s19+$0x8100];
	_ =	sdelay $0x2  }
0x2ee: {  	v0 =	vmul.f32 v0, v3;
	_ =	sdelay $0x1  }
0x2ef: {  	v42 =	vmul.f32 v2, v4;
	v0 =	vadd.f32 v0, v1;
	_ =	sdelay $0x1  }
0x2f0: {  	v0 =	vadd.f32 v42, v0;
	_ =	sdelay $0x1  }
0x2f1: {  	[tilespmem:s19+$0x10100] =	vst v0;
	s19 =	sor.u32 $0x1C10, s15  }
0x2f2: {  	v0 =	vld [tilespmem:s19+$0x100]  }
0x2f3: {  	v43 =	vld [tilespmem:s19+$0x10100]  }
0x2f4: {  	v44 =	vld [tilespmem:s19+$0x8100];
	_ =	sdelay $0x2  }
0x2f5: {  	v0 =	vmul.f32 v0, v3;
	_ =	sdelay $0x1  }
0x2f6: {  	v45 =	vmul.f32 v44, v4;
	v0 =	vadd.f32 v0, v43;
	_ =	sdelay $0x1  }
0x2f7: {  	v0 =	vadd.f32 v45, v0;
	_ =	sdelay $0x1  }
0x2f8: {  	[tilespmem:s19+$0x10100] =	vst v0;
	s19 =	sor.u32 $0x1C20, s15  }
0x2f9: {  	v0 =	vld [tilespmem:s19+$0x100]  }
0x2fa: {  	v46 =	vld [tilespmem:s19+$0x10100]  }
0x2fb: {  	v47 =	vld [tilespmem:s19+$0x8100];
	_ =	sdelay $0x2  }
0x2fc: {  	v0 =	vmul.f32 v0, v3;
	_ =	sdelay $0x1  }
0x2fd: {  	v48 =	vmul.f32 v47, v4;
	v0 =	vadd.f32 v0, v46;
	_ =	sdelay $0x1  }
0x2fe: {  	v0 =	vadd.f32 v48, v0;
	_ =	sdelay $0x1  }
0x2ff: {  	[tilespmem:s19+$0x10100] =	vst v0;
	s19 =	sor.u32 $0x1C30, s15  }
0x300: {  	v0 =	vld [tilespmem:s19+$0x100]  }
0x301: {  	v49 =	vld [tilespmem:s19+$0x10100]  }
0x302: {  	v50 =	vld [tilespmem:s19+$0x8100];
	_ =	sdelay $0x2  }
0x303: {  	v0 =	vmul.f32 v0, v3;
	_ =	sdelay $0x1  }
0x304: {  	v51 =	vmul.f32 v50, v4;
	v0 =	vadd.f32 v0, v49;
	_ =	sdelay $0x1  }
0x305: {  	v0 =	vadd.f32 v51, v0;
	_ =	sdelay $0x1  }
0x306: {  	[tilespmem:s19+$0x10100] =	vst v0;
	s19 =	sor.u32 $0x1C40, s15  }
0x307: {  	v0 =	vld [tilespmem:s19+$0x100]  }
0x308: {  	v52 =	vld [tilespmem:s19+$0x10100]  }
0x309: {  	v53 =	vld [tilespmem:s19+$0x8100];
	_ =	sdelay $0x2  }
0x30a: {  	v0 =	vmul.f32 v0, v3;
	_ =	sdelay $0x1  }
0x30b: {  	v54 =	vmul.f32 v53, v4;
	v0 =	vadd.f32 v0, v52;
	_ =	sdelay $0x1  }
0x30c: {  	v0 =	vadd.f32 v54, v0;
	_ =	sdelay $0x1  }
0x30d: {  	[tilespmem:s19+$0x10100] =	vst v0;
	s19 =	sor.u32 $0x1C50, s15  }
0x30e: {  	v0 =	vld [tilespmem:s19+$0x100]  }
0x30f: {  	v55 =	vld [tilespmem:s19+$0x10100]  }
0x310: {  	v56 =	vld [tilespmem:s19+$0x8100];
	_ =	sdelay $0x2  }
0x311: {  	v0 =	vmul.f32 v0, v3;
	_ =	sdelay $0x1  }
0x312: {  	v57 =	vmul.f32 v56, v4;
	v0 =	vadd.f32 v0, v55;
	_ =	sdelay $0x1  }
0x313: {  	v0 =	vadd.f32 v57, v0;
	_ =	sdelay $0x1  }
0x314: {  	[tilespmem:s19+$0x10100] =	vst v0;
	s19 =	sor.u32 $0x1C60, s15  }
0x315: {  	v0 =	vld [tilespmem:s19+$0x100]  }
0x316: {  	v58 =	vld [tilespmem:s19+$0x10100]  }
0x317: {  	v59 =	vld [tilespmem:s19+$0x8100];
	_ =	sdelay $0x2  }
0x318: {  	v0 =	vmul.f32 v0, v3;
	_ =	sdelay $0x1  }
0x319: {  	v60 =	vmul.f32 v59, v4;
	v0 =	vadd.f32 v0, v58;
	_ =	sdelay $0x1  }
0x31a: {  	v0 =	vadd.f32 v60, v0;
	_ =	sdelay $0x1  }
0x31b: {  	s15 =	sor.u32 $0x1C70, s15;
	[tilespmem:s19+$0x10100] =	vst v0  }
0x31c: {  	v0 =	vld [tilespmem:s15+$0x100]  }
0x31d: {  	v61 =	vld [tilespmem:s15+$0x10100]  }
0x31e: {  	v62 =	vld [tilespmem:s15+$0x8100];
	_ =	sdelay $0x2  }
0x31f: {  	v0 =	vmul.f32 v0, v3  }
0x320: {  	p0 =	sne.s32 s14, $0xF80  }
.Ltmp1:
0x321: {  	v63 =	vmul.f32 v62, v4;
	v0 =	vadd.f32 v0, v61;
	(pc) =	sbr.rel @p0 .LBB2_4-.Ltmp1, $4  }
0x322: {  	_ = 	snop  }
0x323: {  	v0 =	vadd.f32 v63, v0  }
0x324: {  	s17 =	sadd.s32 $0x80, s17;
	s13 =	sadd.s32 $0x80, s13  }
0x325: {  	s14 =	sadd.s32 $0x80, s14;
	s12 =	sadd.s32 $0x1, s12;
	s18 =	sadd.s32 $0x400, s18;
	[tilespmem:s15+$0x10100] =	vst v0  }
0x326: {  	s12 =	rddreg [dreg:$0xa]  }
0x327: {  	[hbm4b:s12+s2] =	stream.linear.scatter [tilespmem:s31], [sflag:$0x3], $0x8000, $0x38;
	[tilespmem:$0x1C100] =	vst v63  }
0x328: {  	_ =	swait.ge [sflag:s16], $0x8000  }
0x329: {  	s1 =	sadd.s32 $0x1, s1;
	s19 =	rddreg [dreg:$0xb]  }
0x32a: {  	p0 =	sne.s32 s1, s19  }
.Ltmp2:
0x32b: {  	_ = 	snop;
	(pc) =	sbr.rel @p0 .LBB2_1-.Ltmp2, $3  }
0x32c: {  	_ =	sdelay $0x1  }
0x32d: {  	[sflag:s16] =	ssyncset.done $0x0  }
0x32e: {  	[sflag:s16] =	ssyncadd.s32 $0xFFFF8000  }
0x32f: {  	_ =	sfence.sel $0x180000  }
0x330: {  	[bflag:$0x0] =	sbarrier.arrive $0xFFFF  }
0x331: {  	_ =	strace $0x9000004A  }
0x332: {  	s0 =	stileid.u32;
	[bflag:$0x2] =	sbarrier.arrive $0xFFFF  }
0x333: {  	p0 =	sne.s32 s0, $0x0;
	s0 =	rddreg [dreg:$0x2]  }
0x334: {  	s0 =	sadd.s32 @!p0 $0x100000, s0  }
0x335: {  	[sflag:s0] =	ssyncadd.tile.s32 @!p0 $0x1;
	_ =	shalt  }
.Lfunc_end2:
_tile_overlayer_lowered:
.L_overlay_start_2:
0x336: {  	(tag) =	ssettag $0x2  }
0x337: {  	s0 =	rddreg [dreg:$0x0];
	s2 =	stileid.u32  }
0x338: {  	s1 =	rddreg [dreg:$0x1];
	p0 =	sne.s32 s2, $0x0  }
0x339: {  	s3 =	rddreg [dreg:$0x2];
	[bflag:$0x3] =	sbarrier.arrive $0xFFFF;
	s2 =	simm.s32 @!p0 $0x1C03  }
0x33a: {  	[timem:s3], [sflag:s2] =	dma.local @!p0 [hbm:s0], s1  }
0x33b: {  	s0 =	simm.s32 @!p0 $0x3  }
0x33c: {  	_ =	swait.ge @!p0 [sflag:s0], s1  }
0x33d: {  	s1 =	ssub.s32 @!p0 $0x0, s1;
	[sflag:s0] =	ssyncset.done @!p0 $0x0  }
0x33e: {  	[sflag:s0] =	ssyncadd.s32 @!p0 s1  }
0x33f: {  	[bflag:$0x3] =	sbarrier.arrive $0xFFFF  }
0x340: {  	_ =	shalt  }

// kernel: kernel.7.cloned.1.call-start
scs
__scs_entry_jumppad:
0x0: {  	(pc) =	sbr.rel $0x88, $3  }
0x1: {  	(tag) =	ssettag $0x0;
	lr =	simm.s32 $0x1  }
0x2: {  	[smem:$0x3F98] =	sst lr;
	_ =	strace $0xD0000000  }
0x3: {  	_ = 	snop  }
0x4: {  	_ = 	snop  }
0x5: {  	_ = 	snop  }
0x6: {  	_ = 	snop  }
0x7: {  	_ = 	snop  }
__scs_overlays_trampoline_lowered:
0x8: {  	[smem:$0x3FA7] =	sst s0  }
0x9: {  	[smem:$0x3FA8] =	sst s1  }
0xa: {  	[smem:$0x3FA9] =	sst s2  }
0xb: {  	[smem:$0x3FAA] =	sst s3  }
0xc: {  	[smem:$0x3FAB] =	sst s4  }
0xd: {  	[smem:$0x3FAC] =	sst s5  }
0xe: {  	[smem:$0x3FAD] =	sst s6  }
0xf: {  	[smem:$0x3FAE] =	sst s7  }
0x10: {  	[smem:$0x3FAF] =	sst s8  }
0x11: {  	[smem:$0x3FB0] =	sst s9;
	s0 =	simm.s32 @!p0 $0x0  }
0x12: {  	s1 =	sld [smem:$0x3F96];
	s0 =	simm.s32 @p0 $0x1  }
0x13: {  	[smem:$0x3FB1] =	sst s0;
	s0 =	simm.s32 @!p1 $0x0  }
0x14: {  	s2 =	sld [smem:$0x3F95];
	s0 =	simm.s32 @p1 $0x1  }
0x15: {  	[smem:$0x3FB2] =	sst s0;
	s0 =	simm.s32 @!p2 $0x0  }
0x16: {  	s3 =	sld [smem:$0x3FDB];
	s0 =	simm.s32 @p2 $0x1  }
0x17: {  	s4 =	simm.s32 $0x1BF5;
	[smem:$0x3FB4] =	sst s0  }
0x18: {  	s0 =	sld [smem:$0x3F97];
	_ =	swait.ge [sflag:s4], $0x0  }
0x19: {  	s7 =	sld [smem:$0x3F98]  }
0x1a: {  	s8 =	sadd.s32 $0xFFFFE003, lr  }
0x1b: {  	s9 =	sadd.s32 $0xFFFFFEF7, lr;
	s5 =	simm.s32 $0xFFFFFFFF;
	p2 =	slt.u32 s8, $0xFFFFF086  }
0x1c: {  	p1 =	slt.u32 s9, $0xF7A;
	s5 =	simm.s32 @!p2 $0x0  }
0x1d: {  	s5 =	simm.s32 @p1 $0x1;
	p0 =	seq.s32 s7, s2  }
0x1e: {  	s7 =	smul.u32 @!p0 $0xF7A, s2;
	p2 =	seq.s32 @!p0 s5, $0x0  }
0x1f: {  	s9 =	smul.u32 $0xF7A, s1;
	s8 =	simm.s32 @!p0 $0x1BF5;
	p2 =	por !p2, p0  }
0x20: {  	[sflag:s8] =	ssyncset.s32 @!p0 $0xFFFFF086;
	s6 =	sadd.s32 @!p0 s3, s7;
	s7 =	simm.s32 @!p0 $0x108  }
0x21: {  	s3 =	sadd.s32 s3, s9;
	s6 =	sadd.s32 @!p0 $0x88, s6;
	s7 =	simm.s32 @p2 $0x1082  }
0x22: {  	[simem:s7], [sflag:s8] =	dma.local @!p0 [hbm:s6], $0xF7A  }
0x23: {  	s9 =	sor.u32 $0xD0000000, s2;
	s6 =	simm.s32 $0x108;
	_ =	swait.ge @!p0 [sflag:s8], $0x0  }
0x24: {  	s3 =	sadd.s32 $0x88, s3;
	s6 =	simm.s32 @!p1 $0x1082;
	[sflag:s4] =	ssyncset.s32 $0xFFFFF086  }
0x25: {  	[simem:s6], [sflag:s4] =	dma.local [hbm:s3], $0xF7A  }
0x26: {  	[smem:$0x3F98] =	sst s1;
	(tag) =	ssettag s2;
	_ =	strace s9  }
0x27: {  	s1 =	sld [smem:$0x3FA8]  }
0x28: {  	s2 =	sld [smem:$0x3FA9]  }
0x29: {  	s4 =	sld [smem:$0x3FAB]  }
0x2a: {  	p0 =	seq.s32 s5, $0x0;
	s5 =	sld [smem:$0x3FAC]  }
0x2b: {  	s6 =	sld [smem:$0x3FAD]  }
0x2c: {  	s7 =	sld [smem:$0x3FAE]  }
0x2d: {  	s3 =	simm.s32 $0x108;
	s8 =	sld [smem:$0x3FAF]  }
0x2e: {  	s3 =	simm.s32 @!p0 $0x1082;
	s9 =	sld [smem:$0x3FB0]  }
0x2f: {  	lr =	sadd.s32 s0, s3;
	s0 =	sld [smem:$0x3FA7]  }
0x30: {  	s3 =	sld [smem:$0x3FAA]  }
0x31: {  	[smem:$0x3FB3] =	sst s10  }
0x32: {  	s10 =	sld [smem:$0x3FB1];
	_ =	sdelay $0x3  }
0x33: {  	p0 =	seq.s32 s10, $0x1;
	s10 =	sld [smem:$0x3FB3];
	_ =	sdelay $0x3  }
0x34: {  	[smem:$0x3FB3] =	sst s10  }
0x35: {  	s10 =	sld [smem:$0x3FB2];
	_ =	sdelay $0x3  }
0x36: {  	p1 =	seq.s32 s10, $0x1;
	s10 =	sld [smem:$0x3FB3];
	_ =	sdelay $0x3  }
0x37: {  	[smem:$0x3FB3] =	sst s10  }
0x38: {  	s10 =	sld [smem:$0x3FB4]  }
0x39: {  	_ = 	snop;
	(pc) =	sbr.ind lr, $3  }
0x3a: {  	_ = 	snop  }
0x3b: {  	_ = 	snop  }
0x3c: {  	p2 =	seq.s32 s10, $0x1;
	s10 =	sld [smem:$0x3FB3]  }
0x3d: {  	_ =	shalt  }
0x3e: {  	_ =	shalt  }
0x3f: {  	_ =	shalt  }
0x40: {  	_ =	shalt  }
0x41: {  	_ =	shalt  }
0x42: {  	_ =	shalt  }
0x43: {  	_ =	shalt  }
0x44: {  	_ =	shalt  }
0x45: {  	_ =	shalt  }
0x46: {  	_ =	shalt  }
0x47: {  	_ =	shalt  }
0x48: {  	_ =	shalt  }
0x49: {  	_ =	shalt  }
0x4a: {  	_ =	shalt  }
0x4b: {  	_ =	shalt  }
0x4c: {  	_ =	shalt  }
0x4d: {  	_ =	shalt  }
0x4e: {  	_ =	shalt  }
0x4f: {  	_ =	shalt  }
0x50: {  	_ =	shalt  }
0x51: {  	_ =	shalt  }
0x52: {  	_ =	shalt  }
0x53: {  	_ =	shalt  }
0x54: {  	_ =	shalt  }
0x55: {  	_ =	shalt  }
0x56: {  	_ =	shalt  }
0x57: {  	_ =	shalt  }
0x58: {  	_ =	shalt  }
0x59: {  	_ =	shalt  }
0x5a: {  	_ =	shalt  }
0x5b: {  	_ =	shalt  }
0x5c: {  	_ =	shalt  }
0x5d: {  	_ =	shalt  }
0x5e: {  	_ =	shalt  }
0x5f: {  	_ =	shalt  }
0x60: {  	_ =	shalt  }
0x61: {  	_ =	shalt  }
0x62: {  	_ =	shalt  }
0x63: {  	_ =	shalt  }
0x64: {  	_ =	shalt  }
0x65: {  	_ =	shalt  }
0x66: {  	_ =	shalt  }
0x67: {  	_ =	shalt  }
0x68: {  	_ =	shalt  }
0x69: {  	_ =	shalt  }
0x6a: {  	_ =	shalt  }
0x6b: {  	_ =	shalt  }
0x6c: {  	_ =	shalt  }
0x6d: {  	_ =	shalt  }
0x6e: {  	_ =	shalt  }
0x6f: {  	_ =	shalt  }
0x70: {  	_ =	shalt  }
0x71: {  	_ =	shalt  }
0x72: {  	_ =	shalt  }
0x73: {  	_ =	shalt  }
0x74: {  	_ =	shalt  }
0x75: {  	_ =	shalt  }
0x76: {  	_ =	shalt  }
0x77: {  	_ =	shalt  }
0x78: {  	_ =	shalt  }
0x79: {  	_ =	shalt  }
0x7a: {  	_ =	shalt  }
0x7b: {  	_ =	shalt  }
0x7c: {  	_ =	shalt  }
0x7d: {  	_ =	shalt  }
0x7e: {  	_ =	shalt  }
0x7f: {  	_ =	shalt  }
0x80: {  	_ =	shalt  }
0x81: {  	_ =	shalt  }
0x82: {  	_ =	shalt  }
0x83: {  	_ =	shalt  }
0x84: {  	_ =	shalt  }
0x85: {  	_ =	shalt  }
0x86: {  	_ =	shalt  }
0x87: {  	_ =	shalt  }
.Lfunc_end0:
.L_simem_size_0:
called_computation_lowered:
.L_overlay_start_0:
0x88: {  	s2 =	sld [smem:$0x3FD9]  }
0x89: {  	s3 =	sld [smem:$0x3FFE];
	_ =	sdelay $0x1  }
0x8a: {  	s1 =	srdreg.scid  }
0x8b: {  	s0 =	sand.u32 $0x1, s1  }
0x8c: {  	s17 =	sshll.u32 s0, $0xA;
	s2 =	sadd.s32 s3, s2  }
0x8d: {  	s2 =	sadd.s32 s2, s17  }
0x8e: {  	[smem:$0x3FBF] =	sst s2  }
0x8f: {  	_ = 	snop  }
0x90: {  	s2 =	sld [smem:$0x3FC9];
	(tm) =	ssettm $0x1  }
0x91: {  	s18 =	sld [smem:$0x3FFB];
	_ =	sdelay $0x3  }
0x92: {  	_ =	strace s18  }
0x93: {  	s3 =	sld [smem:$0x3FFC];
	_ =	sdelay $0x3  }
0x94: {  	_ =	strace s3  }
0x95: {  	s3 =	sld [smem:$0x3FFD];
	_ =	sdelay $0x3  }
0x96: {  	_ =	strace s3  }
0x97: {  	_ =	strace $0x8FFFFFFF  }
0x98: {  	s19 =	sld [smem:$0x3FDB];
	_ =	sdelay $0x1  }
0x99: {  	s4 =	simm.s32 $_scs_section_size  }
0x9a: {  	s5 =	simm.s32 $_size__tile_overlayer_lowered;
	s6 =	simm.s32 $_tile_overlayer_lowered  }
0x9b: {  	s22 =	simm.s32 $0x1BFF;
	s21 =	sshll.u32 s6, $0x1;
	s3 =	sadd.s32 s4, s19  }
0x9c: {  	s7 =	simm.s32 $0x0;
	s20 =	sshll.u32 s5, $0x1;
	s5 =	sadd.s32 s21, s3  }
0x9d: {  	[timem:s7], [sflag:s22] =	dma.local [hbm:s5], s20  }
0x9e: {  	_ =	swait.ge [sflag:s22], s20  }
0x9f: {  	s4 =	ssub.s32 $0x0, s20;
	[sflag:s22] =	ssyncset.done $0x0  }
0xa0: {  	[sflag:s22] =	ssyncadd.s32 s4;
	_ =	sdelay $0x1  }
0xa1: {  	s23 =	simm.s32 $0x1B8B  }
0xa2: {  	_ =	swait.ge [sflag:s23], $0x1  }
0xa3: {  	[sflag:s23] =	ssyncset.done $0x0  }
0xa4: {  	s25 =	simm.s32 $0x1B8E;
	s24 =	sld [smem:$0x3FFE];
	[sflag:s23] =	ssyncadd.s32 $0xFFFFFFFF  }
0xa5: {  	s26 =	simm.s32 $execute0_lowered;
	[smem:$0x3FD2] =	sst s25  }
0xa6: {  	s5 =	sshll.u32 s26, $0x1;
	_ =	strace $0x80000046;
	[dreg:$0x1] =	wrdreg $0xFFFFFFFF  }
0xa7: {  	s28 =	simm.s32 $_size_execute0_lowered;
	s3 =	sadd.s32 s3, s5;
	[dreg:$0x0] =	wrdreg $0x0  }
0xa8: {  	s5 =	sshll.u32 s28, $0x1;
	[dreg:$0x2] =	wrdreg s3  }
0xa9: {  	[dreg:$0x3] =	wrdreg s5  }
0xaa: {  	[dreg:$0x4] =	wrdreg $0xC0  }
0xab: {  	_ =	task [dreg:s7], $0x5FFFF  }
0xac: {  	[dreg:$0x1] =	wrdreg $0xFFFFFFFF  }
0xad: {  	[dreg:$0x0] =	wrdreg $0x60  }
0xae: {  	[dreg:$0x2] =	wrdreg s2  }
0xaf: {  	[dreg:$0x3] =	wrdreg s24  }
0xb0: {  	[dreg:$0x4] =	wrdreg $0x9  }
0xb1: {  	_ =	task.clear_ibuf [dreg:s7], $0x5FFFF;
	_ =	strace $0x90000046  }
0xb2: {  	s29 =	simm.s32 $0x9;
	_ =	strace $0x80000048  }
0xb3: {  	_ =	swait.ge [sflag:s29], $0x1  }
0xb4: {  	[sflag:s29] =	ssyncadd.s32 $0xFFFFFFFF  }
0xb5: {  	_ =	strace $0x90000048  }
0xb6: {  	_ =	sfence  }
0xb7: {  	s30 =	sld [smem:$0x0];
	_ =	sdelay $0x2  }
0xb8: {  	s31 =	sshll.u32 s1, $0xD;
	s1 =	sshrl.u32 s1, $0x2  }
0xb9: {  	s3 =	sand.u32 $0x4000, s31;
	s1 =	sadd.s32 s1, s30  }
0xba: {  	s0 =	sor.u32 s3, s0;
	s1 =	sshll.u32 s1, $0x11  }
0xbb: {  	s0 =	sor.u32 s1, s0  }
0xbc: {  	s0 =	sadd.s32 $0x8F2B, s0  }
0xbd: {  	[sflag:s0] =	ssyncadd.remote.s32 $0x1  }
0xbe: {  	_ =	sfence.sel $0xFFFF  }
0xbf: {  	[dreg:$0x0] =	wrdreg $0xFFFFFFFF;
	(pc) =	sbr.abs _section_cstart, $3  }
0xc0: {  	[dreg:$0x1] =	wrdreg $0xFFFFFFFF  }
0xc1: {  	_ =	task.clear_ibuf [dreg:s7], $0x2FFFF;
	_ =	strace $0x9FFFFFFF  }
0xc2: {  	(tm) =	ssettm $0x7FFFFFFF  }
0xc3: {  	_ =	shalt  }
tec
execute0_lowered:
.L_overlay_start_1:
0x0: {  	(tag) =	ssettag $0x1  }
0x1: {  	s0 =	rddreg [dreg:$0x0];
	s1 =	srdreg.scid  }
0x2: {  	s2 =	stileid.u32;
	s6 =	rddreg [dreg:$0x1];
	s26 =	simm.s32 $0x80  }
0x3: {  	s18 =	simm.s32 $0x100;
	s22 =	simm.s32 $0x1900;
	s23 =	simm.s32 $0x2100  }
0x4: {  	s24 =	simm.s32 $0x2900;
	s25 =	simm.s32 $0x3100;
	s28 =	simm.s32 $0x4100  }
0x5: {  	s29 =	simm.s32 $0x4900;
	s30 =	simm.s32 $0x5100;
	s31 =	simm.s32 $0x5900  }
0x6: {  	s10 =	simm.s32 $0x7100;
	s11 =	simm.s32 $0x7900;
	s12 =	simm.s32 $0x8100  }
0x7: {  	s13 =	simm.s32 $0x8900;
	s14 =	simm.s32 $0x9100;
	s15 =	simm.s32 $0x9900  }
0x8: {  	s16 =	simm.s32 $0xA100;
	s17 =	simm.s32 $0xA900;
	s9 =	simm.s32 $0xB100  }
0x9: {  	s1 =	sand.u32 $0x1, s1;
	s3 =	sshll.u32 s2, $0x1;
	s2 =	simm.s32 $0x0  }
0xa: {  	s19 =	simm.s32 $0xB900;
	s4 =	sor.u32 s1, s3;
	[smem:$0x7FF] =	sst s2  }
0xb: {  	s1 =	ssub.s32 $0x2, s1;
	s3 =	sshll.u32 s4, $0x4;
	_ =	strace $0x80000047  }
0xc: {  	s7 =	sshrl.u32 s1, $0x1;
	s4 =	sshll.u32 s4, $0xD;
	[dreg:$0x6] =	wrdreg s26  }
0xd: {  	s26 =	simm.s32 $0x3900;
	s5 =	sadd.s32 s3, s6;
	s0 =	sadd.s32 s0, s4  }
0xe: {  	s3 =	sadd.s32 $0x12A00, s6;
	s8 =	sadd.s32 $0x12800, s5;
	[dreg:$0x5] =	wrdreg s0  }
0xf: {  	v2 =	vlaneseq.u32;
	s1 =	ssub.s32 s1, s7;
	s5 =	sadd.s32 $0x12600, s5;
	[dreg:$0x3] =	wrdreg s8  }
0x10: {  	vm0 =	vmmov $0xffff;
	v1 =	vshrl.u32 v2, $0x3;
	s4 =	sadd.s32 $0x12B00, s6;
	s7 =	smax.u32 s1, $0x1;
	[dreg:$0x4] =	wrdreg s5  }
0x11: {  	v0 =	vand.u32 $0x7, v2;
	v2 =	vor.u32 $0x8, v2;
	v1 =	vmul.u32 $0x8, v1;
	s5 =	sadd.s32 $0x12C00, s6;
	s6 =	sadd.s32 $0x12D00, s6;
	s8 =	simm.s32 $0x3  }
.LBB2_1:
0x12: {  	s20 =	rddreg [dreg:$0x3]  }
0x13: {  	[tilespmem:s2], [sflag:$0x3] =	stream.linear.gather [hbm4b:s20+s2], $0x80, $0x38;
	[tilespmem:$0x10100] =	vst v63  }
0x14: {  	_ =	swait.ge [sflag:s8], $0x80  }
0x15: {  	s0 =	rddreg [dreg:$0x4];
	[sflag:s8] =	ssyncset.done $0x0  }
0x16: {  	s21 =	rddreg [dreg:$0x6];
	[sflag:s8] =	ssyncadd.s32 $0xFFFFFF80  }
0x17: {  	[tilespmem:s21], [sflag:$0x3] =	stream.linear.gather [hbm4b:s0+s2], $0x80, $0x38;
	[tilespmem:$0x10100] =	vst v63  }
0x18: {  	_ =	swait.ge [sflag:s8], $0x80  }
0x19: {  	[sflag:s8] =	ssyncset.done $0x0  }
0x1a: {  	s1 =	rddreg [dreg:$0x5];
	[sflag:s8] =	ssyncadd.s32 $0xFFFFFF80  }
0x1b: {  	[tilespmem:s18], [sflag:$0x3] =	stream.linear.gather [hbm4b:s1+s2], $0x10000, $0x38;
	[tilespmem:$0x10100] =	vst v63  }
0x1c: {  	_ =	swait.ge [sflag:s8], $0x10000  }
0x1d: {  	[sflag:s8] =	ssyncset.done $0x0  }
0x1e: {  	[sflag:s8] =	ssyncadd.s32 $0xFFFF0000  }
0x1f: {  	v3 =	vld [tilespmem:$0x0];
	_ =	sdelay $0x4  }
0x20: {  	v4 =	vshll.u32 v3, $0x3  }
0x21: {  	v3 =	vand.u32 $0x7, v3;
	v4 =	vand.u32 $0xFFFFFFC0, v4  }
0x22: {  	v3 =	vor.u32 v3, v4  }
0x23: {  	v4 =	vperm.xlane v3, v0;
	_ =	sdelay $0x1  }
0x24: {  	v4 =	vadd.s32 v1, v4;
	_ =	sdelay $0x4  }
0x25: {  	[hbm4b:s3+s2] =	stream.indirect_vreg.scatter [tilespmem:s18], [sflag:$0x1], $0x80, v4, vm0, $0xb8;
	[tilespmem:$0x10100] =	vst v63  }
0x26: {  	s20 =	simm.s32 $0x900;
	v3 =	vperm.xlane v3, v2  }
0x27: {  	[hbm4b:s4+s2] =	stream.indirect_vreg.scatter [tilespmem:s20], [sflag:$0x1], $0x80, v4, vm0, $0xb8;
	[tilespmem:$0x10100] =	vst v63  }
0x28: {  	s21 =	simm.s32 $0x1100;
	v3 =	vadd.s32 v1, v3  }
0x29: {  	[hbm4b:s5+s2] =	stream.indirect_vreg.scatter [tilespmem:s21], [sflag:$0x1], $0x80, v4, vm0, $0xb8;
	[tilespmem:$0x10100] =	vst v63  }
0x2a: {  	_ = 	snop  }
0x2b: {  	[hbm4b:s6+s2] =	stream.indirect_vreg.scatter [tilespmem:s22], [sflag:$0x1], $0x80, v4, vm0, $0xb8;
	[tilespmem:$0x10100] =	vst v63  }
0x2c: {  	_ = 	snop  }
0x2d: {  	[hbm4b:s3+s2] =	stream.indirect_vreg.scatter [tilespmem:s23], [sflag:$0x1], $0x80, v3, vm0, $0xb8;
	[tilespmem:$0x10100] =	vst v63  }
0x2e: {  	_ = 	snop  }
0x2f: {  	[hbm4b:s4+s2] =	stream.indirect_vreg.scatter [tilespmem:s24], [sflag:$0x1], $0x80, v3, vm0, $0xb8;
	[tilespmem:$0x10100] =	vst v63  }
0x30: {  	_ = 	snop  }
0x31: {  	[hbm4b:s5+s2] =	stream.indirect_vreg.scatter [tilespmem:s25], [sflag:$0x1], $0x80, v3, vm0, $0xb8;
	[tilespmem:$0x10100] =	vst v63  }
0x32: {  	_ = 	snop  }
0x33: {  	[hbm4b:s6+s2] =	stream.indirect_vreg.scatter [tilespmem:s26], [sflag:$0x1], $0x80, v3, vm0, $0xb8;
	[tilespmem:$0x10100] =	vst v63  }
0x34: {  	v3 =	vld [tilespmem:$0x10];
	_ =	sdelay $0x4  }
0x35: {  	v57 =	vshll.u32 v3, $0x3  }
0x36: {  	v3 =	vand.u32 $0x7, v3;
	v4 =	vand.u32 $0xFFFFFFC0, v57  }
0x37: {  	v3 =	vor.u32 v3, v4  }
0x38: {  	v4 =	vperm.xlane v3, v0;
	_ =	sdelay $0x1  }
0x39: {  	v4 =	vadd.s32 v1, v4;
	_ =	sdelay $0x4  }
0x3a: {  	[hbm4b:s3+s2] =	stream.indirect_vreg.scatter [tilespmem:s28], [sflag:$0x1], $0x80, v4, vm0, $0xb8;
	[tilespmem:$0x10100] =	vst v63  }
0x3b: {  	v3 =	vperm.xlane v3, v2  }
0x3c: {  	[hbm4b:s4+s2] =	stream.indirect_vreg.scatter [tilespmem:s29], [sflag:$0x1], $0x80, v4, vm0, $0xb8;
	[tilespmem:$0x10100] =	vst v63  }
0x3d: {  	v3 =	vadd.s32 v1, v3  }
0x3e: {  	[hbm4b:s5+s2] =	stream.indirect_vreg.scatter [tilespmem:s30], [sflag:$0x1], $0x80, v4, vm0, $0xb8;
	[tilespmem:$0x10100] =	vst v63  }
0x3f: {  	_ = 	snop  }
0x40: {  	[hbm4b:s6+s2] =	stream.indirect_vreg.scatter [tilespmem:s31], [sflag:$0x1], $0x80, v4, vm0, $0xb8;
	[tilespmem:$0x10100] =	vst v63  }
0x41: {  	s1 =	simm.s32 $0x6100  }
0x42: {  	[hbm4b:s3+s2] =	stream.indirect_vreg.scatter [tilespmem:s1], [sflag:$0x1], $0x80, v3, vm0, $0xb8;
	[tilespmem:$0x10100] =	vst v63  }
0x43: {  	s0 =	simm.s32 $0x6900  }
0x44: {  	[hbm4b:s4+s2] =	stream.indirect_vreg.scatter [tilespmem:s0], [sflag:$0x1], $0x80, v3, vm0, $0xb8;
	[tilespmem:$0x10100] =	vst v63  }
0x45: {  	_ = 	snop  }
0x46: {  	[hbm4b:s5+s2] =	stream.indirect_vreg.scatter [tilespmem:s10], [sflag:$0x1], $0x80, v3, vm0, $0xb8;
	[tilespmem:$0x10100] =	vst v63  }
0x47: {  	_ = 	snop  }
0x48: {  	[hbm4b:s6+s2] =	stream.indirect_vreg.scatter [tilespmem:s11], [sflag:$0x1], $0x80, v3, vm0, $0xb8;
	[tilespmem:$0x10100] =	vst v63  }
0x49: {  	v3 =	vld [tilespmem:$0x20];
	_ =	sdelay $0x4  }
0x4a: {  	v58 =	vshll.u32 v3, $0x3  }
0x4b: {  	v3 =	vand.u32 $0x7, v3;
	v4 =	vand.u32 $0xFFFFFFC0, v58  }
0x4c: {  	v3 =	vor.u32 v3, v4  }
0x4d: {  	v4 =	vperm.xlane v3, v0;
	_ =	sdelay $0x1  }
0x4e: {  	v4 =	vadd.s32 v1, v4;
	_ =	sdelay $0x4  }
0x4f: {  	[hbm4b:s3+s2] =	stream.indirect_vreg.scatter [tilespmem:s12], [sflag:$0x1], $0x80, v4, vm0, $0xb8;
	[tilespmem:$0x10100] =	vst v63  }
0x50: {  	v3 =	vperm.xlane v3, v2  }
0x51: {  	[hbm4b:s4+s2] =	stream.indirect_vreg.scatter [tilespmem:s13], [sflag:$0x1], $0x80, v4, vm0, $0xb8;
	[tilespmem:$0x10100] =	vst v63  }
0x52: {  	v3 =	vadd.s32 v1, v3  }
0x53: {  	[hbm4b:s5+s2] =	stream.indirect_vreg.scatter [tilespmem:s14], [sflag:$0x1], $0x80, v4, vm0, $0xb8;
	[tilespmem:$0x10100] =	vst v63  }
0x54: {  	_ = 	snop  }
0x55: {  	[hbm4b:s6+s2] =	stream.indirect_vreg.scatter [tilespmem:s15], [sflag:$0x1], $0x80, v4, vm0, $0xb8;
	[tilespmem:$0x10100] =	vst v63  }
0x56: {  	_ = 	snop  }
0x57: {  	[hbm4b:s3+s2] =	stream.indirect_vreg.scatter [tilespmem:s16], [sflag:$0x1], $0x80, v3, vm0, $0xb8;
	[tilespmem:$0x10100] =	vst v63  }
0x58: {  	_ = 	snop  }
0x59: {  	[hbm4b:s4+s2] =	stream.indirect_vreg.scatter [tilespmem:s17], [sflag:$0x1], $0x80, v3, vm0, $0xb8;
	[tilespmem:$0x10100] =	vst v63  }
0x5a: {  	_ = 	snop  }
0x5b: {  	[hbm4b:s5+s2] =	stream.indirect_vreg.scatter [tilespmem:s9], [sflag:$0x1], $0x80, v3, vm0, $0xb8;
	[tilespmem:$0x10100] =	vst v63  }
0x5c: {  	_ = 	snop  }
0x5d: {  	[hbm4b:s6+s2] =	stream.indirect_vreg.scatter [tilespmem:s19], [sflag:$0x1], $0x80, v3, vm0, $0xb8;
	[tilespmem:$0x10100] =	vst v63  }
0x5e: {  	v3 =	vld [tilespmem:$0x30];
	_ =	sdelay $0x4  }
0x5f: {  	v59 =	vshll.u32 v3, $0x3  }
0x60: {  	v3 =	vand.u32 $0x7, v3;
	v4 =	vand.u32 $0xFFFFFFC0, v59  }
0x61: {  	v3 =	vor.u32 v3, v4  }
0x62: {  	v4 =	vperm.xlane v3, v0;
	_ =	sdelay $0x1  }
0x63: {  	v4 =	vadd.s32 v1, v4;
	_ =	sdelay $0x3  }
0x64: {  	s0 =	simm.s32 $0xC100  }
0x65: {  	[hbm4b:s3+s2] =	stream.indirect_vreg.scatter [tilespmem:s0], [sflag:$0x1], $0x80, v4, vm0, $0xb8;
	[tilespmem:$0x10100] =	vst v63  }
0x66: {  	v3 =	vperm.xlane v3, v2;
	s0 =	simm.s32 $0xC900  }
0x67: {  	[hbm4b:s4+s2] =	stream.indirect_vreg.scatter [tilespmem:s0], [sflag:$0x1], $0x80, v4, vm0, $0xb8;
	[tilespmem:$0x10100] =	vst v63  }
0x68: {  	v3 =	vadd.s32 v1, v3;
	s0 =	simm.s32 $0xD100  }
0x69: {  	[hbm4b:s5+s2] =	stream.indirect_vreg.scatter [tilespmem:s0], [sflag:$0x1], $0x80, v4, vm0, $0xb8;
	[tilespmem:$0x10100] =	vst v63  }
0x6a: {  	s0 =	simm.s32 $0xD900  }
0x6b: {  	[hbm4b:s6+s2] =	stream.indirect_vreg.scatter [tilespmem:s0], [sflag:$0x1], $0x80, v4, vm0, $0xb8;
	[tilespmem:$0x10100] =	vst v63  }
0x6c: {  	s0 =	simm.s32 $0xE100  }
0x6d: {  	[hbm4b:s3+s2] =	stream.indirect_vreg.scatter [tilespmem:s0], [sflag:$0x1], $0x80, v3, vm0, $0xb8;
	[tilespmem:$0x10100] =	vst v63  }
0x6e: {  	s0 =	simm.s32 $0xE900  }
0x6f: {  	[hbm4b:s4+s2] =	stream.indirect_vreg.scatter [tilespmem:s0], [sflag:$0x1], $0x80, v3, vm0, $0xb8;
	[tilespmem:$0x10100] =	vst v63  }
0x70: {  	s0 =	simm.s32 $0xF100  }
0x71: {  	[hbm4b:s5+s2] =	stream.indirect_vreg.scatter [tilespmem:s0], [sflag:$0x1], $0x80, v3, vm0, $0xb8;
	[tilespmem:$0x10100] =	vst v63  }
0x72: {  	s0 =	simm.s32 $0xF900  }
0x73: {  	[hbm4b:s6+s2] =	stream.indirect_vreg.scatter [tilespmem:s0], [sflag:$0x1], $0x80, v3, vm0, $0xb8;
	[tilespmem:$0x10100] =	vst v63  }
0x74: {  	v3 =	vld [tilespmem:$0x80];
	_ =	sdelay $0x4  }
0x75: {  	v60 =	vshll.u32 v3, $0x3  }
0x76: {  	v3 =	vand.u32 $0x7, v3;
	v4 =	vand.u32 $0xFFFFFFC0, v60  }
0x77: {  	v3 =	vor.u32 v3, v4  }
0x78: {  	v4 =	vperm.xlane v3, v0;
	_ =	sdelay $0x1  }
0x79: {  	v4 =	vadd.s32 v1, v4;
	_ =	sdelay $0x4  }
0x7a: {  	[hbm4b:s3+s2] =	stream.indirect_vreg.scatter [tilespmem:s18], [sflag:$0x2], $0x80, v4, vm0, $0xb8;
	[tilespmem:$0x10100] =	vst v63  }
0x7b: {  	v3 =	vperm.xlane v3, v2  }
0x7c: {  	[hbm4b:s4+s2] =	stream.indirect_vreg.scatter [tilespmem:s20], [sflag:$0x2], $0x80, v4, vm0, $0xb8;
	[tilespmem:$0x10100] =	vst v63  }
0x7d: {  	v3 =	vadd.s32 v1, v3  }
0x7e: {  	[hbm4b:s5+s2] =	stream.indirect_vreg.scatter [tilespmem:s21], [sflag:$0x2], $0x80, v4, vm0, $0xb8;
	[tilespmem:$0x10100] =	vst v63  }
0x7f: {  	_ = 	snop  }
0x80: {  	[hbm4b:s6+s2] =	stream.indirect_vreg.scatter [tilespmem:s22], [sflag:$0x2], $0x80, v4, vm0, $0xb8;
	[tilespmem:$0x10100] =	vst v63  }
0x81: {  	_ = 	snop  }
0x82: {  	[hbm4b:s3+s2] =	stream.indirect_vreg.scatter [tilespmem:s23], [sflag:$0x2], $0x80, v3, vm0, $0xb8;
	[tilespmem:$0x10100] =	vst v63  }
0x83: {  	_ = 	snop  }
0x84: {  	[hbm4b:s4+s2] =	stream.indirect_vreg.scatter [tilespmem:s24], [sflag:$0x2], $0x80, v3, vm0, $0xb8;
	[tilespmem:$0x10100] =	vst v63  }
0x85: {  	_ = 	snop  }
0x86: {  	[hbm4b:s5+s2] =	stream.indirect_vreg.scatter [tilespmem:s25], [sflag:$0x2], $0x80, v3, vm0, $0xb8;
	[tilespmem:$0x10100] =	vst v63  }
0x87: {  	_ = 	snop  }
0x88: {  	[hbm4b:s6+s2] =	stream.indirect_vreg.scatter [tilespmem:s26], [sflag:$0x2], $0x80, v3, vm0, $0xb8;
	[tilespmem:$0x10100] =	vst v63  }
0x89: {  	v3 =	vld [tilespmem:$0x90];
	_ =	sdelay $0x4  }
0x8a: {  	v61 =	vshll.u32 v3, $0x3  }
0x8b: {  	v3 =	vand.u32 $0x7, v3;
	v4 =	vand.u32 $0xFFFFFFC0, v61  }
0x8c: {  	v3 =	vor.u32 v3, v4  }
0x8d: {  	v4 =	vperm.xlane v3, v0;
	_ =	sdelay $0x1  }
0x8e: {  	v4 =	vadd.s32 v1, v4;
	_ =	sdelay $0x4  }
0x8f: {  	[hbm4b:s3+s2] =	stream.indirect_vreg.scatter [tilespmem:s28], [sflag:$0x2], $0x80, v4, vm0, $0xb8;
	[tilespmem:$0x10100] =	vst v63  }
0x90: {  	v3 =	vperm.xlane v3, v2  }
0x91: {  	[hbm4b:s4+s2] =	stream.indirect_vreg.scatter [tilespmem:s29], [sflag:$0x2], $0x80, v4, vm0, $0xb8;
	[tilespmem:$0x10100] =	vst v63  }
0x92: {  	v3 =	vadd.s32 v1, v3  }
0x93: {  	[hbm4b:s5+s2] =	stream.indirect_vreg.scatter [tilespmem:s30], [sflag:$0x2], $0x80, v4, vm0, $0xb8;
	[tilespmem:$0x10100] =	vst v63  }
0x94: {  	_ = 	snop  }
0x95: {  	[hbm4b:s6+s2] =	stream.indirect_vreg.scatter [tilespmem:s31], [sflag:$0x2], $0x80, v4, vm0, $0xb8;
	[tilespmem:$0x10100] =	vst v63  }
0x96: {  	_ = 	snop  }
0x97: {  	[hbm4b:s3+s2] =	stream.indirect_vreg.scatter [tilespmem:s1], [sflag:$0x2], $0x80, v3, vm0, $0xb8;
	[tilespmem:$0x10100] =	vst v63  }
0x98: {  	s20 =	simm.s32 $0x6900  }
0x99: {  	[hbm4b:s4+s2] =	stream.indirect_vreg.scatter [tilespmem:s20], [sflag:$0x2], $0x80, v3, vm0, $0xb8;
	[tilespmem:$0x10100] =	vst v63  }
0x9a: {  	_ = 	snop  }
0x9b: {  	[hbm4b:s5+s2] =	stream.indirect_vreg.scatter [tilespmem:s10], [sflag:$0x2], $0x80, v3, vm0, $0xb8;
	[tilespmem:$0x10100] =	vst v63  }
0x9c: {  	_ = 	snop  }
0x9d: {  	[hbm4b:s6+s2] =	stream.indirect_vreg.scatter [tilespmem:s11], [sflag:$0x2], $0x80, v3, vm0, $0xb8;
	[tilespmem:$0x10100] =	vst v63  }
0x9e: {  	v3 =	vld [tilespmem:$0xA0];
	_ =	sdelay $0x4  }
0x9f: {  	v62 =	vshll.u32 v3, $0x3  }
0xa0: {  	v3 =	vand.u32 $0x7, v3;
	v4 =	vand.u32 $0xFFFFFFC0, v62  }
0xa1: {  	v3 =	vor.u32 v3, v4  }
0xa2: {  	v4 =	vperm.xlane v3, v0;
	_ =	sdelay $0x1  }
0xa3: {  	v4 =	vadd.s32 v1, v4;
	_ =	sdelay $0x4  }
0xa4: {  	[hbm4b:s3+s2] =	stream.indirect_vreg.scatter [tilespmem:s12], [sflag:$0x2], $0x80, v4, vm0, $0xb8;
	[tilespmem:$0x10100] =	vst v63  }
0xa5: {  	v3 =	vperm.xlane v3, v2  }
0xa6: {  	[hbm4b:s4+s2] =	stream.indirect_vreg.scatter [tilespmem:s13], [sflag:$0x2], $0x80, v4, vm0, $0xb8;
	[tilespmem:$0x10100] =	vst v63  }
0xa7: {  	v3 =	vadd.s32 v1, v3  }
0xa8: {  	[hbm4b:s5+s2] =	stream.indirect_vreg.scatter [tilespmem:s14], [sflag:$0x2], $0x80, v4, vm0, $0xb8;
	[tilespmem:$0x10100] =	vst v63  }
0xa9: {  	_ = 	snop  }
0xaa: {  	[hbm4b:s6+s2] =	stream.indirect_vreg.scatter [tilespmem:s15], [sflag:$0x2], $0x80, v4, vm0, $0xb8;
	[tilespmem:$0x10100] =	vst v63  }
0xab: {  	_ = 	snop  }
0xac: {  	[hbm4b:s3+s2] =	stream.indirect_vreg.scatter [tilespmem:s16], [sflag:$0x2], $0x80, v3, vm0, $0xb8;
	[tilespmem:$0x10100] =	vst v63  }
0xad: {  	_ = 	snop  }
0xae: {  	[hbm4b:s4+s2] =	stream.indirect_vreg.scatter [tilespmem:s17], [sflag:$0x2], $0x80, v3, vm0, $0xb8;
	[tilespmem:$0x10100] =	vst v63  }
0xaf: {  	_ = 	snop  }
0xb0: {  	[hbm4b:s5+s2] =	stream.indirect_vreg.scatter [tilespmem:s9], [sflag:$0x2], $0x80, v3, vm0, $0xb8;
	[tilespmem:$0x10100] =	vst v63  }
0xb1: {  	_ = 	snop  }
0xb2: {  	[hbm4b:s6+s2] =	stream.indirect_vreg.scatter [tilespmem:s19], [sflag:$0x2], $0x80, v3, vm0, $0xb8;
	[tilespmem:$0x10100] =	vst v63  }
0xb3: {  	v3 =	vld [tilespmem:$0xB0];
	_ =	sdelay $0x4  }
0xb4: {  	v63 =	vshll.u32 v3, $0x3  }
0xb5: {  	v3 =	vand.u32 $0x7, v3;
	v4 =	vand.u32 $0xFFFFFFC0, v63  }
0xb6: {  	v3 =	vor.u32 v3, v4  }
0xb7: {  	v4 =	vperm.xlane v3, v0;
	_ =	sdelay $0x1  }
0xb8: {  	v4 =	vadd.s32 v1, v4;
	_ =	sdelay $0x3  }
0xb9: {  	s21 =	simm.s32 $0xC100  }
0xba: {  	[hbm4b:s3+s2] =	stream.indirect_vreg.scatter [tilespmem:s21], [sflag:$0x2], $0x80, v4, vm0, $0xb8;
	[tilespmem:$0x10100] =	vst v63  }
0xbb: {  	s20 =	simm.s32 $0xC900;
	v3 =	vperm.xlane v3, v2  }
0xbc: {  	[hbm4b:s4+s2] =	stream.indirect_vreg.scatter [tilespmem:s20], [sflag:$0x2], $0x80, v4, vm0, $0xb8;
	[tilespmem:$0x10100] =	vst v63  }
0xbd: {  	v3 =	vadd.s32 v1, v3;
	s21 =	simm.s32 $0xD100  }
0xbe: {  	[hbm4b:s5+s2] =	stream.indirect_vreg.scatter [tilespmem:s21], [sflag:$0x2], $0x80, v4, vm0, $0xb8;
	[tilespmem:$0x10100] =	vst v63  }
0xbf: {  	s20 =	simm.s32 $0xD900  }
0xc0: {  	[hbm4b:s6+s2] =	stream.indirect_vreg.scatter [tilespmem:s20], [sflag:$0x2], $0x80, v4, vm0, $0xb8;
	[tilespmem:$0x10100] =	vst v63  }
0xc1: {  	s21 =	simm.s32 $0xE100  }
0xc2: {  	[hbm4b:s3+s2] =	stream.indirect_vreg.scatter [tilespmem:s21], [sflag:$0x2], $0x80, v3, vm0, $0xb8;
	[tilespmem:$0x10100] =	vst v63  }
0xc3: {  	s20 =	simm.s32 $0xE900  }
0xc4: {  	[hbm4b:s4+s2] =	stream.indirect_vreg.scatter [tilespmem:s20], [sflag:$0x2], $0x80, v3, vm0, $0xb8;
	[tilespmem:$0x10100] =	vst v63  }
0xc5: {  	s21 =	simm.s32 $0xF100  }
0xc6: {  	[hbm4b:s5+s2] =	stream.indirect_vreg.scatter [tilespmem:s21], [sflag:$0x2], $0x80, v3, vm0, $0xb8;
	[tilespmem:$0x10100] =	vst v63  }
0xc7: {  	s20 =	simm.s32 $0x1  }
0xc8: {  	[hbm4b:s6+s2] =	stream.indirect_vreg.scatter [tilespmem:s0], [sflag:$0x2], $0x80, v3, vm0, $0xb8;
	[tilespmem:$0x10100] =	vst v63  }
0xc9: {  	p0 =	sne.s32 s7, $0x1;
	_ =	swait.ge [sflag:s20], $0x10000  }
.Ltmp0:
0xca: {  	[sflag:s20] =	ssyncset.done $0x0;
	(pc) =	sbr.rel @p0 .LBB2_1-.Ltmp0, $4  }
0xcb: {  	s21 =	simm.s32 $0x2;
	[sflag:s20] =	ssyncadd.s32 $0xFFFF0000  }
0xcc: {  	_ =	swait.ge [sflag:s21], $0x10000  }
0xcd: {  	[sflag:s21] =	ssyncset.done $0x0  }
0xce: {  	s7 =	sadd.s32 $0xFFFFFFFF, s7;
	[sflag:s21] =	ssyncadd.s32 $0xFFFF0000  }
0xcf: {  	_ =	sfence.sel $0x180000  }
0xd0: {  	[bflag:$0x0] =	sbarrier.arrive $0xFFFF  }
0xd1: {  	_ =	strace $0x90000047  }
0xd2: {  	s0 =	stileid.u32;
	[bflag:$0x2] =	sbarrier.arrive $0xFFFF  }
0xd3: {  	p0 =	sne.s32 s0, $0x0;
	s0 =	rddreg [dreg:$0x2]  }
0xd4: {  	s0 =	sadd.s32 @!p0 $0x100000, s0  }
0xd5: {  	[sflag:s0] =	ssyncadd.tile.s32 @!p0 $0x1;
	_ =	shalt  }
.Lfunc_end2:
_tile_overlayer_lowered:
.L_overlay_start_2:
0xd6: {  	(tag) =	ssettag $0x2  }
0xd7: {  	s0 =	rddreg [dreg:$0x0];
	s2 =	stileid.u32  }
0xd8: {  	s1 =	rddreg [dreg:$0x1];
	p0 =	sne.s32 s2, $0x0  }
0xd9: {  	s3 =	rddreg [dreg:$0x2];
	[bflag:$0x3] =	sbarrier.arrive $0xFFFF;
	s2 =	simm.s32 @!p0 $0x1C03  }
0xda: {  	[timem:s3], [sflag:s2] =	dma.local @!p0 [hbm:s0], s1  }
0xdb: {  	s0 =	simm.s32 @!p0 $0x3  }
0xdc: {  	_ =	swait.ge @!p0 [sflag:s0], s1  }
0xdd: {  	s1 =	ssub.s32 @!p0 $0x0, s1;
	[sflag:s0] =	ssyncset.done @!p0 $0x0  }
0xde: {  	[sflag:s0] =	ssyncadd.s32 @!p0 s1  }
0xdf: {  	[bflag:$0x3] =	sbarrier.arrive $0xFFFF  }
0xe0: {  	_ =	shalt  }

</sc_bundles>
